<compile_context>
chip_gen: v7x
topology: tpu7x:2x2x1
jax: 0.10.2.dev20260603
libtpu: 0.0.44.dev20260713+nightly
codegen_flags: <defaults>
</compile_context>

<pallas_src>
import functools

import jax
import jax.numpy as jnp
from jax import lax
from jax.experimental import pallas as pl
from jax.experimental.pallas import tpu as pltpu
from jax.experimental.pallas import tpu_sc as plsc

RES = 16
B = 64
N = 100000
F = RES ** 3
C = 40

NC = 2
NS = 16
NQ = 4

NPACK = 49920
NREM = N - 2 * NPACK
NT = NPACK // 128
CW = 26
CHC = CW * 128
NCHUNK = NT // CW
NV = CHC // 16

_mesh = plsc.VectorSubcoreMesh(
    core_axis_name="c", subcore_axis_name="s", num_cores=NC, num_subcores=NS
)


def _idx_body(x_ref, o_ref, o2_ref):
    xb = x_ref[...]
    mn = jnp.min(xb, axis=2, keepdims=True)
    mx = jnp.max(xb, axis=2, keepdims=True)
    rng = mx - mn
    rng = jnp.where(rng <= 0.0, jnp.ones_like(rng), rng)
    scl = float(RES) / rng
    t = jnp.minimum((xb - mn) * scl, 15.0).astype(jnp.int32)
    flat = (t[0] << 8) | (t[1] << 4) | t[2]
    o_ref[...] = (flat[:, :NPACK] << 16) | flat[:, NPACK:2 * NPACK]
    o2_ref[...] = jnp.concatenate(
        [flat[:, 2 * NPACK:], jnp.zeros((8, 256 - NREM), jnp.int32)], axis=1
    )


def _flat_indices(xt):
    return pl.pallas_call(
        _idx_body,
        grid=(B // 8,),
        in_specs=[pl.BlockSpec((3, 8, N), lambda g: (0, g, 0))],
        out_specs=[
            pl.BlockSpec((8, NPACK), lambda g: (g, 0)),
            pl.BlockSpec((8, 256), lambda g: (g, 0)),
        ],
        out_shape=[
            jax.ShapeDtypeStruct((B, NPACK), jnp.int32),
            jax.ShapeDtypeStruct((B, 256), jnp.int32),
        ],
    )(xt)


@functools.partial(
    pl.kernel,
    out_type=jax.ShapeDtypeStruct((NQ, B, F), jnp.float32),
    mesh=_mesh,
    scratch_types=[
        pltpu.VMEM((2, 8, CHC), jnp.int32),
        pltpu.VMEM((8 * F,), jnp.float32),
        pltpu.VMEM((8, F), jnp.float32),
        pltpu.VMEM((8, 256), jnp.int32),
        pltpu.SemaphoreType.DMA,
        pltpu.SemaphoreType.DMA,
    ],
    compiler_params=pltpu.CompilerParams(needs_layout_passes=False),
)
def _hist_sc(idx_ref, rem_ref, out_ref, bufs, hist1, hist2, rembuf,
             semA, semB):
    cid = lax.axis_index("c")
    sid = lax.axis_index("s")
    wid = cid * NS + sid
    g = wid // NQ
    q = wid % NQ
    nq = jnp.where(q == 3, 3, 4)
    row = pl.multiple_of(g * 8, 8)

    ones = jnp.ones((16,), jnp.float32)
    zeros = jnp.zeros((16,), jnp.float32)
    mask16 = jnp.full((16,), 0xFFFF, jnp.int32)

    @pl.loop(0, 8 * F // 128, unroll=8)
    def _zero(j):
        for u in range(8):
            hist1[pl.ds(j * 128 + u * 16, 16)] = zeros

    def start_fetch(c, slot, sem):
        col = pl.multiple_of(c * CHC, 128)
        pltpu.async_copy(
            idx_ref.at[pl.ds(row, 8), pl.ds(col, CHC)], bufs.at[slot], sem
        )

    def wait_fetch(slot, sem):
        pltpu.make_async_copy(
            idx_ref.at[pl.ds(0, 8), pl.ds(0, CHC)], bufs.at[slot], sem
        ).wait()

    def process(slot):
        @pl.loop(0, 8)
        def _leg(r):
            hrow = hist1.at[pl.ds(r * F, F)]

            def quad(j4, cc, hrow=hrow, r=r):
                base = j4 * 64
                ws = [bufs[slot, r, pl.ds(base + 16 * i, 16)]
                      for i in range(4)]
                flats = []
                for w in ws:
                    flats.append(w >> 16)
                    flats.append(w & mask16)
                for f_ in flats:
                    plsc.addupdate_scatter(hrow, [f_], ones)
                return cc

            lax.fori_loop(0, NV // 4, quad, 0, unroll=2)

    start_fetch(q, 0, semA)

    def step(k, carry):
        start_fetch(q + NQ * (2 * k + 1), 1, semB)
        wait_fetch(0, semA)
        process(0)

        @pl.when(2 * k + 2 < nq)
        def _():
            start_fetch(q + NQ * (2 * k + 2), 0, semA)

        wait_fetch(1, semB)
        process(1)
        return carry

    lax.fori_loop(0, nq // 2, step, 0)

    @pl.when(nq % 2 == 1)
    def _():
        wait_fetch(0, semA)
        process(0)

    @pl.when(q == 3)
    def _():
        pltpu.sync_copy(rem_ref.at[pl.ds(row, 8), :], rembuf)

        @pl.loop(0, 8)
        def _leg(r):
            hrow = hist1.at[pl.ds(r * F, F)]

            @pl.loop(0, NREM // 16)
            def _v(v, hrow=hrow, r=r):
                flat = rembuf[r, pl.ds(v * 16, 16)]
                plsc.addupdate_scatter(hrow, [flat], ones)

    for r in range(8):
        @pl.loop(0, F // 128, unroll=4)
        def _conv(jj, r=r):
            for u in range(8):
                s = jj * 128 + u * 16
                hist2[r, pl.ds(s, 16)] = hist1[pl.ds(r * F + s, 16)]

    pltpu.sync_copy(hist2, out_ref.at[q, pl.ds(row, 8), :])


def _mm_body(p_ref, w_ref, b_ref, o_ref):
    c = (p_ref[0] + p_ref[1] + p_ref[2] + p_ref[3]) * (1.0 / float(N))
    o_ref[...] = (
        lax.dot_general(
            c, w_ref[...], (((1,), (1,)), ((), ())),
            preferred_element_type=jnp.float32,
            precision=lax.Precision.HIGHEST,
        )
        + b_ref[...]
    )


def kernel(x, W, b):
    xt = jnp.transpose(x, (2, 0, 1))
    packed, rem = _flat_indices(xt)
    partials = _hist_sc(packed, rem)
    logits = pl.pallas_call(
        _mm_body,
        out_shape=jax.ShapeDtypeStruct((B, C), jnp.float32),
    )(partials, W, b.reshape(1, C))
    return logits

# --- scband reference (transcript-rebuilt; emitter-appended) ---
"""Pipeline reference for scband-baseline-65807488909790 (READ-ONLY COPY).

The authoritative reference and input builder live on the scoring server;
editing this copy changes nothing except your own understanding.
"""

import jax, jax.numpy as jnp
import numpy as np

RES = 16
CLASSES = 40


def setup_inputs(seed: int = 0) -> dict:
    key = jax.random.key(seed)
    k1, k2, k3 = jax.random.split(key, 3)
    x = jax.random.normal(k1, (64, 100000, 3), dtype=jnp.float32)
    feat = RES ** 3
    W = jax.random.normal(k2, (CLASSES, feat), dtype=jnp.float32) * (1.0 / np.sqrt(feat))
    b = jax.random.normal(k3, (CLASSES,), dtype=jnp.float32) * 0.01
    return {"x": x, "W": W, "b": b}


def _hist_one(pts):
    # pts: (N, 3). Faithful to torch.histogramdd(bins=[res]*3, range=per-dim (min, max), density=False)
    N = pts.shape[0]
    mins = pts.min(axis=0)
    maxs = pts.max(axis=0)
    rng = maxs - mins
    rng = jnp.where(rng <= 0, jnp.ones_like(rng), rng)
    idx = jnp.floor((pts - mins) / rng * RES).astype(jnp.int32)
    # histogramdd puts values equal to the right edge into the last bin
    idx = jnp.clip(idx, 0, RES - 1)
    flat = idx[:, 0] * (RES * RES) + idx[:, 1] * RES + idx[:, 2]
    h = jnp.zeros((RES ** 3,), dtype=jnp.float32).at[flat].add(1.0)
    return h / float(N)


def reference(x, W, b):
    # count_points: per-batch 3D histogram normalized by N -> (B, RES**3)
    counts = jax.vmap(_hist_one)(x)
    # mode == 'count': feed counts directly to the linear classifier
    logits = counts @ W.T + b
    return logits

if __name__ == "__main__":
    import jax
    _d = setup_inputs()
    print(jax.jit(kernel)(*tuple(_d.values())))

</pallas_src>

<mosaic_0001>
#map = affine_map<(d0, d1) -> (0, 0)>
#map1 = affine_map<(d0, d1) -> (0, 0, 0)>
module attributes {stable_mosaic.version = 14 : i64} {
  func.func @_hist_sc(%arg0: i32, %arg1: i32, %arg2: memref<64x49920xi32, #tpu.memory_space<hbm>>, %arg3: memref<64x256xi32, #tpu.memory_space<hbm>>, %arg4: memref<4x64x4096xf32, #tpu.memory_space<hbm>>, %arg5: memref<2x8x3328xi32, #tpu.memory_space<vmem>>, %arg6: memref<32768xf32, #tpu.memory_space<vmem>>, %arg7: memref<8x4096xf32, #tpu.memory_space<vmem>>, %arg8: memref<8x256xi32, #tpu.memory_space<vmem>>, %arg9: memref<!tpu.dma_semaphore, #tpu.memory_space<semaphore_mem>>, %arg10: memref<!tpu.dma_semaphore, #tpu.memory_space<semaphore_mem>>) attributes {dimension_semantics = [#tpu.dimension_semantics<core_parallel>, #tpu.dimension_semantics<subcore_parallel>], iteration_bounds = array<i64: 2, 16>, scalar_prefetch = 0 : i64, scratch_operands = 6 : i64, tpu.core_type = #tpu.core_type<sc_vector_subcore>, window_params = [{transform_indices = #map}, {transform_indices = #map}, {transform_indices = #map1}]} {
    %mul3A = arith.constant 16 : i32
    %mul3A_0 = arith.muli %arg0, %mul3A : i32
    %add3A = arith.addi %mul3A_0, %arg1 : i32
    %jit3A = arith.constant 4 : i32
    %div3A = arith.divsi %add3A, %jit3A : i32
    %sign3A = arith.constant 0 : i32
    %sign3A_1 = arith.cmpi sgt, %add3A, %sign3A : i32
    %sign3A_2 = arith.extui %sign3A_1 : i1 to i32
    %sign3A_3 = arith.constant 0 : i32
    %sign3A_4 = arith.cmpi slt, %add3A, %sign3A_3 : i32
    %sign3A_5 = arith.extui %sign3A_4 : i1 to i32
    %sign3A_6 = arith.subi %sign3A_2, %sign3A_5 : i32
    %sign3A_7 = arith.constant 0 : i32
    %sign3A_8 = arith.cmpi sgt, %jit3A, %sign3A_7 : i32
    %sign3A_9 = arith.extui %sign3A_8 : i1 to i32
    %sign3A_10 = arith.constant 0 : i32
    %sign3A_11 = arith.cmpi slt, %jit3A, %sign3A_10 : i32
    %sign3A_12 = arith.extui %sign3A_11 : i1 to i32
    %sign3A_13 = arith.subi %sign3A_9, %sign3A_12 : i32
    %ne3A = arith.cmpi ne, %sign3A_6, %sign3A_13 : i32
    %rem3A = arith.remsi %add3A, %jit3A : i32
    %ne3A_14 = arith.constant 0 : i32
    %ne3A_15 = arith.cmpi ne, %rem3A, %ne3A_14 : i32
    %and3A = arith.andi %ne3A, %ne3A_15 : i1
    %sub3A = arith.constant 1 : i32
    %sub3A_16 = arith.subi %div3A, %sub3A : i32
    %select_n3A = arith.select %and3A, %sub3A_16, %div3A : i32
    %jit3A_17 = arith.constant 4 : i32
    %eq3A = arith.constant 0 : i32
    %eq3A_18 = arith.cmpi eq, %jit3A_17, %eq3A : i32
    %jit3A_19 = arith.constant 1 : i32
    %select_n3A_20 = arith.select %eq3A_18, %jit3A_19, %jit3A_17 : i32
    %rem3A_21 = arith.remsi %add3A, %select_n3A_20 : i32
    %ne3A_22 = arith.constant 0 : i32
    %ne3A_23 = arith.cmpi ne, %rem3A_21, %ne3A_22 : i32
    %lt3A = arith.constant 0 : i32
    %lt3A_24 = arith.cmpi slt, %rem3A_21, %lt3A : i32
    %lt3A_25 = arith.constant 0 : i32
    %lt3A_26 = arith.cmpi slt, %select_n3A_20, %lt3A_25 : i32
    %ne3A_27 = arith.xori %lt3A_24, %lt3A_26 : i1
    %and3A_28 = arith.andi %ne3A_27, %ne3A_23 : i1
    %add3A_29 = arith.addi %rem3A_21, %select_n3A_20 : i32
    %select_n3A_30 = arith.select %and3A_28, %add3A_29, %rem3A_21 : i32
    %eq3A_31 = arith.constant 3 : i32
    %eq3A_32 = arith.cmpi eq, %select_n3A_30, %eq3A_31 : i32
    %jit3A_33 = arith.constant 3 : i32
    %jit3A_34 = arith.constant 4 : i32
    %select_n3A_35 = arith.select %eq3A_32, %jit3A_33, %jit3A_34 : i32
    %mul3A_36 = arith.constant 8 : i32
    %mul3A_37 = arith.muli %select_n3A, %mul3A_36 : i32
    %multiple_of3A = tpu.assume_multiple %mul3A_37, 8 : i32
    %broadcast_in_dim3A = arith.constant 1.000000e+00 : f32
    %broadcast_in_dim3A_38 = vector.broadcast %broadcast_in_dim3A : f32 to vector<16xf32>
    %broadcast_in_dim3A_39 = arith.constant 0.000000e+00 : f32
    %broadcast_in_dim3A_40 = vector.broadcast %broadcast_in_dim3A_39 : f32 to vector<16xf32>
    %broadcast_in_dim3A_41 = arith.constant 65535 : i32
    %broadcast_in_dim3A_42 = vector.broadcast %broadcast_in_dim3A_41 : i32 to vector<16xi32>
    %scan3A = arith.constant 0 : i32
    %scan3A_43 = arith.constant 256 : i32
    %scan3A_44 = arith.addi %scan3A, %scan3A_43 : i32
    %scan3A_45 = arith.constant 8 : i32
    scf.for %scan3A_157 = %scan3A to %scan3A_44 step %scan3A_45  : i32 {
      %mul3A_158 = arith.constant 1 : i32
      %mul3A_159 = arith.muli %scan3A_157, %mul3A_158 : i32
      %add3A_160 = arith.constant 0 : i32
      %add3A_161 = arith.addi %add3A_160, %mul3A_159 : i32
      %mul3A_162 = arith.constant 128 : i32
      %mul3A_163 = arith.muli %add3A_161, %mul3A_162 : i32
      %add3A_164 = arith.constant 0 : i32
      %add3A_165 = arith.addi %mul3A_163, %add3A_164 : i32
      %swap3A = arith.index_cast %add3A_165 : i32 to index
      %swap3A_166 = tpu.vector_load %arg6[%swap3A] {strides = array<i32>} : memref<32768xf32, #tpu.memory_space<vmem>>, vector<16xf32>,
      tpu.vector_store %arg6[%swap3A], %broadcast_in_dim3A_40 {strides = array<i32>} : memref<32768xf32, #tpu.memory_space<vmem>>, vector<16xf32>,
      %mul3A_167 = arith.constant 128 : i32
      %mul3A_168 = arith.muli %add3A_161, %mul3A_167 : i32
      %add3A_169 = arith.constant 16 : i32
      %add3A_170 = arith.addi %mul3A_168, %add3A_169 : i32
      %swap3A_171 = arith.index_cast %add3A_170 : i32 to index
      %swap3A_172 = tpu.vector_load %arg6[%swap3A_171] {strides = array<i32>} : memref<32768xf32, #tpu.memory_space<vmem>>, vector<16xf32>,
      tpu.vector_store %arg6[%swap3A_171], %broadcast_in_dim3A_40 {strides = array<i32>} : memref<32768xf32, #tpu.memory_space<vmem>>, vector<16xf32>,
      %mul3A_173 = arith.constant 128 : i32
      %mul3A_174 = arith.muli %add3A_161, %mul3A_173 : i32
      %add3A_175 = arith.constant 32 : i32
      %add3A_176 = arith.addi %mul3A_174, %add3A_175 : i32
      %swap3A_177 = arith.index_cast %add3A_176 : i32 to index
      %swap3A_178 = tpu.vector_load %arg6[%swap3A_177] {strides = array<i32>} : memref<32768xf32, #tpu.memory_space<vmem>>, vector<16xf32>,
      tpu.vector_store %arg6[%swap3A_177], %broadcast_in_dim3A_40 {strides = array<i32>} : memref<32768xf32, #tpu.memory_space<vmem>>, vector<16xf32>,
      %mul3A_179 = arith.constant 128 : i32
      %mul3A_180 = arith.muli %add3A_161, %mul3A_179 : i32
      %add3A_181 = arith.constant 48 : i32
      %add3A_182 = arith.addi %mul3A_180, %add3A_181 : i32
      %swap3A_183 = arith.index_cast %add3A_182 : i32 to index
      %swap3A_184 = tpu.vector_load %arg6[%swap3A_183] {strides = array<i32>} : memref<32768xf32, #tpu.memory_space<vmem>>, vector<16xf32>,
      tpu.vector_store %arg6[%swap3A_183], %broadcast_in_dim3A_40 {strides = array<i32>} : memref<32768xf32, #tpu.memory_space<vmem>>, vector<16xf32>,
      %mul3A_185 = arith.constant 128 : i32
      %mul3A_186 = arith.muli %add3A_161, %mul3A_185 : i32
      %add3A_187 = arith.constant 64 : i32
      %add3A_188 = arith.addi %mul3A_186, %add3A_187 : i32
      %swap3A_189 = arith.index_cast %add3A_188 : i32 to index
      %swap3A_190 = tpu.vector_load %arg6[%swap3A_189] {strides = array<i32>} : memref<32768xf32, #tpu.memory_space<vmem>>, vector<16xf32>,
      tpu.vector_store %arg6[%swap3A_189], %broadcast_in_dim3A_40 {strides = array<i32>} : memref<32768xf32, #tpu.memory_space<vmem>>, vector<16xf32>,
      %mul3A_191 = arith.constant 128 : i32
      %mul3A_192 = arith.muli %add3A_161, %mul3A_191 : i32
      %add3A_193 = arith.constant 80 : i32
      %add3A_194 = arith.addi %mul3A_192, %add3A_193 : i32
      %swap3A_195 = arith.index_cast %add3A_194 : i32 to index
      %swap3A_196 = tpu.vector_load %arg6[%swap3A_195] {strides = array<i32>} : memref<32768xf32, #tpu.memory_space<vmem>>, vector<16xf32>,
      tpu.vector_store %arg6[%swap3A_195], %broadcast_in_dim3A_40 {strides = array<i32>} : memref<32768xf32, #tpu.memory_space<vmem>>, vector<16xf32>,
      %mul3A_197 = arith.constant 128 : i32
      %mul3A_198 = arith.muli %add3A_161, %mul3A_197 : i32
      %add3A_199 = arith.constant 96 : i32
      %add3A_200 = arith.addi %mul3A_198, %add3A_199 : i32
      %swap3A_201 = arith.index_cast %add3A_200 : i32 to index
      %swap3A_202 = tpu.vector_load %arg6[%swap3A_201] {strides = array<i32>} : memref<32768xf32, #tpu.memory_space<vmem>>, vector<16xf32>,
      tpu.vector_store %arg6[%swap3A_201], %broadcast_in_dim3A_40 {strides = array<i32>} : memref<32768xf32, #tpu.memory_space<vmem>>, vector<16xf32>,
      %mul3A_203 = arith.constant 128 : i32
      %mul3A_204 = arith.muli %add3A_161, %mul3A_203 : i32
      %add3A_205 = arith.constant 112 : i32
      %add3A_206 = arith.addi %mul3A_204, %add3A_205 : i32
      %swap3A_207 = arith.index_cast %add3A_206 : i32 to index
      %swap3A_208 = tpu.vector_load %arg6[%swap3A_207] {strides = array<i32>} : memref<32768xf32, #tpu.memory_space<vmem>>, vector<16xf32>,
      tpu.vector_store %arg6[%swap3A_207], %broadcast_in_dim3A_40 {strides = array<i32>} : memref<32768xf32, #tpu.memory_space<vmem>>, vector<16xf32>,
      %scan3A_209 = arith.constant 1 : i32
      %scan3A_210 = arith.addi %scan3A_157, %scan3A_209 : i32
      %mul3A_211 = arith.constant 1 : i32
      %mul3A_212 = arith.muli %scan3A_210, %mul3A_211 : i32
      %add3A_213 = arith.constant 0 : i32
      %add3A_214 = arith.addi %add3A_213, %mul3A_212 : i32
      %mul3A_215 = arith.constant 128 : i32
      %mul3A_216 = arith.muli %add3A_214, %mul3A_215 : i32
      %add3A_217 = arith.constant 0 : i32
      %add3A_218 = arith.addi %mul3A_216, %add3A_217 : i32
      %swap3A_219 = arith.index_cast %add3A_218 : i32 to index
      %swap3A_220 = tpu.vector_load %arg6[%swap3A_219] {strides = array<i32>} : memref<32768xf32, #tpu.memory_space<vmem>>, vector<16xf32>,
      tpu.vector_store %arg6[%swap3A_219], %broadcast_in_dim3A_40 {strides = array<i32>} : memref<32768xf32, #tpu.memory_space<vmem>>, vector<16xf32>,
      %mul3A_221 = arith.constant 128 : i32
      %mul3A_222 = arith.muli %add3A_214, %mul3A_221 : i32
      %add3A_223 = arith.constant 16 : i32
      %add3A_224 = arith.addi %mul3A_222, %add3A_223 : i32
      %swap3A_225 = arith.index_cast %add3A_224 : i32 to index
      %swap3A_226 = tpu.vector_load %arg6[%swap3A_225] {strides = array<i32>} : memref<32768xf32, #tpu.memory_space<vmem>>, vector<16xf32>,
      tpu.vector_store %arg6[%swap3A_225], %broadcast_in_dim3A_40 {strides = array<i32>} : memref<32768xf32, #tpu.memory_space<vmem>>, vector<16xf32>,
      %mul3A_227 = arith.constant 128 : i32
      %mul3A_228 = arith.muli %add3A_214, %mul3A_227 : i32
      %add3A_229 = arith.constant 32 : i32
      %add3A_230 = arith.addi %mul3A_228, %add3A_229 : i32
      %swap3A_231 = arith.index_cast %add3A_230 : i32 to index
      %swap3A_232 = tpu.vector_load %arg6[%swap3A_231] {strides = array<i32>} : memref<32768xf32, #tpu.memory_space<vmem>>, vector<16xf32>,
      tpu.vector_store %arg6[%swap3A_231], %broadcast_in_dim3A_40 {strides = array<i32>} : memref<32768xf32, #tpu.memory_space<vmem>>, vector<16xf32>,
      %mul3A_233 = arith.constant 128 : i32
      %mul3A_234 = arith.muli %add3A_214, %mul3A_233 : i32
      %add3A_235 = arith.constant 48 : i32
      %add3A_236 = arith.addi %mul3A_234, %add3A_235 : i32
      %swap3A_237 = arith.index_cast %add3A_236 : i32 to index
      %swap3A_238 = tpu.vector_load %arg6[%swap3A_237] {strides = array<i32>} : memref<32768xf32, #tpu.memory_space<vmem>>, vector<16xf32>,
      tpu.vector_store %arg6[%swap3A_237], %broadcast_in_dim3A_40 {strides = array<i32>} : memref<32768xf32, #tpu.memory_space<vmem>>, vector<16xf32>,
      %mul3A_239 = arith.constant 128 : i32
      %mul3A_240 = arith.muli %add3A_214, %mul3A_239 : i32
      %add3A_241 = arith.constant 64 : i32
      %add3A_242 = arith.addi %mul3A_240, %add3A_241 : i32
      %swap3A_243 = arith.index_cast %add3A_242 : i32 to index
      %swap3A_244 = tpu.vector_load %arg6[%swap3A_243] {strides = array<i32>} : memref<32768xf32, #tpu.memory_space<vmem>>, vector<16xf32>,
      tpu.vector_store %arg6[%swap3A_243], %broadcast_in_dim3A_40 {strides = array<i32>} : memref<32768xf32, #tpu.memory_space<vmem>>, vector<16xf32>,
      %mul3A_245 = arith.constant 128 : i32
      %mul3A_246 = arith.muli %add3A_214, %mul3A_245 : i32
      %add3A_247 = arith.constant 80 : i32
      %add3A_248 = arith.addi %mul3A_246, %add3A_247 : i32
      %swap3A_249 = arith.index_cast %add3A_248 : i32 to index
      %swap3A_250 = tpu.vector_load %arg6[%swap3A_249] {strides = array<i32>} : memref<32768xf32, #tpu.memory_space<vmem>>, vector<16xf32>,
      tpu.vector_store %arg6[%swap3A_249], %broadcast_in_dim3A_40 {strides = array<i32>} : memref<32768xf32, #tpu.memory_space<vmem>>, vector<16xf32>,
      %mul3A_251 = arith.constant 128 : i32
      %mul3A_252 = arith.muli %add3A_214, %mul3A_251 : i32
      %add3A_253 = arith.constant 96 : i32
      %add3A_254 = arith.addi %mul3A_252, %add3A_253 : i32
      %swap3A_255 = arith.index_cast %add3A_254 : i32 to index
      %swap3A_256 = tpu.vector_load %arg6[%swap3A_255] {strides = array<i32>} : memref<32768xf32, #tpu.memory_space<vmem>>, vector<16xf32>,
      tpu.vector_store %arg6[%swap3A_255], %broadcast_in_dim3A_40 {strides = array<i32>} : memref<32768xf32, #tpu.memory_space<vmem>>, vector<16xf32>,
      %mul3A_257 = arith.constant 128 : i32
      %mul3A_258 = arith.muli %add3A_214, %mul3A_257 : i32
      %add3A_259 = arith.constant 112 : i32
      %add3A_260 = arith.addi %mul3A_258, %add3A_259 : i32
      %swap3A_261 = arith.index_cast %add3A_260 : i32 to index
      %swap3A_262 = tpu.vector_load %arg6[%swap3A_261] {strides = array<i32>} : memref<32768xf32, #tpu.memory_space<vmem>>, vector<16xf32>,
      tpu.vector_store %arg6[%swap3A_261], %broadcast_in_dim3A_40 {strides = array<i32>} : memref<32768xf32, #tpu.memory_space<vmem>>, vector<16xf32>,
      %scan3A_263 = arith.constant 2 : i32
      %scan3A_264 = arith.addi %scan3A_157, %scan3A_263 : i32
      %mul3A_265 = arith.constant 1 : i32
      %mul3A_266 = arith.muli %scan3A_264, %mul3A_265 : i32
      %add3A_267 = arith.constant 0 : i32
      %add3A_268 = arith.addi %add3A_267, %mul3A_266 : i32
      %mul3A_269 = arith.constant 128 : i32
      %mul3A_270 = arith.muli %add3A_268, %mul3A_269 : i32
      %add3A_271 = arith.constant 0 : i32
      %add3A_272 = arith.addi %mul3A_270, %add3A_271 : i32
      %swap3A_273 = arith.index_cast %add3A_272 : i32 to index
      %swap3A_274 = tpu.vector_load %arg6[%swap3A_273] {strides = array<i32>} : memref<32768xf32, #tpu.memory_space<vmem>>, vector<16xf32>,
      tpu.vector_store %arg6[%swap3A_273], %broadcast_in_dim3A_40 {strides = array<i32>} : memref<32768xf32, #tpu.memory_space<vmem>>, vector<16xf32>,
      %mul3A_275 = arith.constant 128 : i32
      %mul3A_276 = arith.muli %add3A_268, %mul3A_275 : i32
      %add3A_277 = arith.constant 16 : i32
      %add3A_278 = arith.addi %mul3A_276, %add3A_277 : i32
      %swap3A_279 = arith.index_cast %add3A_278 : i32 to index
      %swap3A_280 = tpu.vector_load %arg6[%swap3A_279] {strides = array<i32>} : memref<32768xf32, #tpu.memory_space<vmem>>, vector<16xf32>,
      tpu.vector_store %arg6[%swap3A_279], %broadcast_in_dim3A_40 {strides = array<i32>} : memref<32768xf32, #tpu.memory_space<vmem>>, vector<16xf32>,
      %mul3A_281 = arith.constant 128 : i32
      %mul3A_282 = arith.muli %add3A_268, %mul3A_281 : i32
      %add3A_283 = arith.constant 32 : i32
      %add3A_284 = arith.addi %mul3A_282, %add3A_283 : i32
      %swap3A_285 = arith.index_cast %add3A_284 : i32 to index
      %swap3A_286 = tpu.vector_load %arg6[%swap3A_285] {strides = array<i32>} : memref<32768xf32, #tpu.memory_space<vmem>>, vector<16xf32>,
      tpu.vector_store %arg6[%swap3A_285], %broadcast_in_dim3A_40 {strides = array<i32>} : memref<32768xf32, #tpu.memory_space<vmem>>, vector<16xf32>,
      %mul3A_287 = arith.constant 128 : i32
      %mul3A_288 = arith.muli %add3A_268, %mul3A_287 : i32
      %add3A_289 = arith.constant 48 : i32
      %add3A_290 = arith.addi %mul3A_288, %add3A_289 : i32
      %swap3A_291 = arith.index_cast %add3A_290 : i32 to index
      %swap3A_292 = tpu.vector_load %arg6[%swap3A_291] {strides = array<i32>} : memref<32768xf32, #tpu.memory_space<vmem>>, vector<16xf32>,
      tpu.vector_store %arg6[%swap3A_291], %broadcast_in_dim3A_40 {strides = array<i32>} : memref<32768xf32, #tpu.memory_space<vmem>>, vector<16xf32>,
      %mul3A_293 = arith.constant 128 : i32
      %mul3A_294 = arith.muli %add3A_268, %mul3A_293 : i32
      %add3A_295 = arith.constant 64 : i32
      %add3A_296 = arith.addi %mul3A_294, %add3A_295 : i32
      %swap3A_297 = arith.index_cast %add3A_296 : i32 to index
      %swap3A_298 = tpu.vector_load %arg6[%swap3A_297] {strides = array<i32>} : memref<32768xf32, #tpu.memory_space<vmem>>, vector<16xf32>,
      tpu.vector_store %arg6[%swap3A_297], %broadcast_in_dim3A_40 {strides = array<i32>} : memref<32768xf32, #tpu.memory_space<vmem>>, vector<16xf32>,
      %mul3A_299 = arith.constant 128 : i32
      %mul3A_300 = arith.muli %add3A_268, %mul3A_299 : i32
      %add3A_301 = arith.constant 80 : i32
      %add3A_302 = arith.addi %mul3A_300, %add3A_301 : i32
      %swap3A_303 = arith.index_cast %add3A_302 : i32 to index
      %swap3A_304 = tpu.vector_load %arg6[%swap3A_303] {strides = array<i32>} : memref<32768xf32, #tpu.memory_space<vmem>>, vector<16xf32>,
      tpu.vector_store %arg6[%swap3A_303], %broadcast_in_dim3A_40 {strides = array<i32>} : memref<32768xf32, #tpu.memory_space<vmem>>, vector<16xf32>,
      %mul3A_305 = arith.constant 128 : i32
      %mul3A_306 = arith.muli %add3A_268, %mul3A_305 : i32
      %add3A_307 = arith.constant 96 : i32
      %add3A_308 = arith.addi %mul3A_306, %add3A_307 : i32
      %swap3A_309 = arith.index_cast %add3A_308 : i32 to index
      %swap3A_310 = tpu.vector_load %arg6[%swap3A_309] {strides = array<i32>} : memref<32768xf32, #tpu.memory_space<vmem>>, vector<16xf32>,
      tpu.vector_store %arg6[%swap3A_309], %broadcast_in_dim3A_40 {strides = array<i32>} : memref<32768xf32, #tpu.memory_space<vmem>>, vector<16xf32>,
      %mul3A_311 = arith.constant 128 : i32
      %mul3A_312 = arith.muli %add3A_268, %mul3A_311 : i32
      %add3A_313 = arith.constant 112 : i32
      %add3A_314 = arith.addi %mul3A_312, %add3A_313 : i32
      %swap3A_315 = arith.index_cast %add3A_314 : i32 to index
      %swap3A_316 = tpu.vector_load %arg6[%swap3A_315] {strides = array<i32>} : memref<32768xf32, #tpu.memory_space<vmem>>, vector<16xf32>,
      tpu.vector_store %arg6[%swap3A_315], %broadcast_in_dim3A_40 {strides = array<i32>} : memref<32768xf32, #tpu.memory_space<vmem>>, vector<16xf32>,
      %scan3A_317 = arith.constant 3 : i32
      %scan3A_318 = arith.addi %scan3A_157, %scan3A_317 : i32
      %mul3A_319 = arith.constant 1 : i32
      %mul3A_320 = arith.muli %scan3A_318, %mul3A_319 : i32
      %add3A_321 = arith.constant 0 : i32
      %add3A_322 = arith.addi %add3A_321, %mul3A_320 : i32
      %mul3A_323 = arith.constant 128 : i32
      %mul3A_324 = arith.muli %add3A_322, %mul3A_323 : i32
      %add3A_325 = arith.constant 0 : i32
      %add3A_326 = arith.addi %mul3A_324, %add3A_325 : i32
      %swap3A_327 = arith.index_cast %add3A_326 : i32 to index
      %swap3A_328 = tpu.vector_load %arg6[%swap3A_327] {strides = array<i32>} : memref<32768xf32, #tpu.memory_space<vmem>>, vector<16xf32>,
      tpu.vector_store %arg6[%swap3A_327], %broadcast_in_dim3A_40 {strides = array<i32>} : memref<32768xf32, #tpu.memory_space<vmem>>, vector<16xf32>,
      %mul3A_329 = arith.constant 128 : i32
      %mul3A_330 = arith.muli %add3A_322, %mul3A_329 : i32
      %add3A_331 = arith.constant 16 : i32
      %add3A_332 = arith.addi %mul3A_330, %add3A_331 : i32
      %swap3A_333 = arith.index_cast %add3A_332 : i32 to index
      %swap3A_334 = tpu.vector_load %arg6[%swap3A_333] {strides = array<i32>} : memref<32768xf32, #tpu.memory_space<vmem>>, vector<16xf32>,
      tpu.vector_store %arg6[%swap3A_333], %broadcast_in_dim3A_40 {strides = array<i32>} : memref<32768xf32, #tpu.memory_space<vmem>>, vector<16xf32>,
      %mul3A_335 = arith.constant 128 : i32
      %mul3A_336 = arith.muli %add3A_322, %mul3A_335 : i32
      %add3A_337 = arith.constant 32 : i32
      %add3A_338 = arith.addi %mul3A_336, %add3A_337 : i32
      %swap3A_339 = arith.index_cast %add3A_338 : i32 to index
      %swap3A_340 = tpu.vector_load %arg6[%swap3A_339] {strides = array<i32>} : memref<32768xf32, #tpu.memory_space<vmem>>, vector<16xf32>,
      tpu.vector_store %arg6[%swap3A_339], %broadcast_in_dim3A_40 {strides = array<i32>} : memref<32768xf32, #tpu.memory_space<vmem>>, vector<16xf32>,
      %mul3A_341 = arith.constant 128 : i32
      %mul3A_342 = arith.muli %add3A_322, %mul3A_341 : i32
      %add3A_343 = arith.constant 48 : i32
      %add3A_344 = arith.addi %mul3A_342, %add3A_343 : i32
      %swap3A_345 = arith.index_cast %add3A_344 : i32 to index
      %swap3A_346 = tpu.vector_load %arg6[%swap3A_345] {strides = array<i32>} : memref<32768xf32, #tpu.memory_space<vmem>>, vector<16xf32>,
      tpu.vector_store %arg6[%swap3A_345], %broadcast_in_dim3A_40 {strides = array<i32>} : memref<32768xf32, #tpu.memory_space<vmem>>, vector<16xf32>,
      %mul3A_347 = arith.constant 128 : i32
      %mul3A_348 = arith.muli %add3A_322, %mul3A_347 : i32
      %add3A_349 = arith.constant 64 : i32
      %add3A_350 = arith.addi %mul3A_348, %add3A_349 : i32
      %swap3A_351 = arith.index_cast %add3A_350 : i32 to index
      %swap3A_352 = tpu.vector_load %arg6[%swap3A_351] {strides = array<i32>} : memref<32768xf32, #tpu.memory_space<vmem>>, vector<16xf32>,
      tpu.vector_store %arg6[%swap3A_351], %broadcast_in_dim3A_40 {strides = array<i32>} : memref<32768xf32, #tpu.memory_space<vmem>>, vector<16xf32>,
      %mul3A_353 = arith.constant 128 : i32
      %mul3A_354 = arith.muli %add3A_322, %mul3A_353 : i32
      %add3A_355 = arith.constant 80 : i32
      %add3A_356 = arith.addi %mul3A_354, %add3A_355 : i32
      %swap3A_357 = arith.index_cast %add3A_356 : i32 to index
      %swap3A_358 = tpu.vector_load %arg6[%swap3A_357] {strides = array<i32>} : memref<32768xf32, #tpu.memory_space<vmem>>, vector<16xf32>,
      tpu.vector_store %arg6[%swap3A_357], %broadcast_in_dim3A_40 {strides = array<i32>} : memref<32768xf32, #tpu.memory_space<vmem>>, vector<16xf32>,
      %mul3A_359 = arith.constant 128 : i32
      %mul3A_360 = arith.muli %add3A_322, %mul3A_359 : i32
      %add3A_361 = arith.constant 96 : i32
      %add3A_362 = arith.addi %mul3A_360, %add3A_361 : i32
      %swap3A_363 = arith.index_cast %add3A_362 : i32 to index
      %swap3A_364 = tpu.vector_load %arg6[%swap3A_363] {strides = array<i32>} : memref<32768xf32, #tpu.memory_space<vmem>>, vector<16xf32>,
      tpu.vector_store %arg6[%swap3A_363], %broadcast_in_dim3A_40 {strides = array<i32>} : memref<32768xf32, #tpu.memory_space<vmem>>, vector<16xf32>,
      %mul3A_365 = arith.constant 128 : i32
      %mul3A_366 = arith.muli %add3A_322, %mul3A_365 : i32
      %add3A_367 = arith.constant 112 : i32
      %add3A_368 = arith.addi %mul3A_366, %add3A_367 : i32
      %swap3A_369 = arith.index_cast %add3A_368 : i32 to index
      %swap3A_370 = tpu.vector_load %arg6[%swap3A_369] {strides = array<i32>} : memref<32768xf32, #tpu.memory_space<vmem>>, vector<16xf32>,
      tpu.vector_store %arg6[%swap3A_369], %broadcast_in_dim3A_40 {strides = array<i32>} : memref<32768xf32, #tpu.memory_space<vmem>>, vector<16xf32>,
      %scan3A_371 = arith.constant 4 : i32
      %scan3A_372 = arith.addi %scan3A_157, %scan3A_371 : i32
      %mul3A_373 = arith.constant 1 : i32
      %mul3A_374 = arith.muli %scan3A_372, %mul3A_373 : i32
      %add3A_375 = arith.constant 0 : i32
      %add3A_376 = arith.addi %add3A_375, %mul3A_374 : i32
      %mul3A_377 = arith.constant 128 : i32
      %mul3A_378 = arith.muli %add3A_376, %mul3A_377 : i32
      %add3A_379 = arith.constant 0 : i32
      %add3A_380 = arith.addi %mul3A_378, %add3A_379 : i32
      %swap3A_381 = arith.index_cast %add3A_380 : i32 to index
      %swap3A_382 = tpu.vector_load %arg6[%swap3A_381] {strides = array<i32>} : memref<32768xf32, #tpu.memory_space<vmem>>, vector<16xf32>,
      tpu.vector_store %arg6[%swap3A_381], %broadcast_in_dim3A_40 {strides = array<i32>} : memref<32768xf32, #tpu.memory_space<vmem>>, vector<16xf32>,
      %mul3A_383 = arith.constant 128 : i32
      %mul3A_384 = arith.muli %add3A_376, %mul3A_383 : i32
      %add3A_385 = arith.constant 16 : i32
      %add3A_386 = arith.addi %mul3A_384, %add3A_385 : i32
      %swap3A_387 = arith.index_cast %add3A_386 : i32 to index
      %swap3A_388 = tpu.vector_load %arg6[%swap3A_387] {strides = array<i32>} : memref<32768xf32, #tpu.memory_space<vmem>>, vector<16xf32>,
      tpu.vector_store %arg6[%swap3A_387], %broadcast_in_dim3A_40 {strides = array<i32>} : memref<32768xf32, #tpu.memory_space<vmem>>, vector<16xf32>,
      %mul3A_389 = arith.constant 128 : i32
      %mul3A_390 = arith.muli %add3A_376, %mul3A_389 : i32
      %add3A_391 = arith.constant 32 : i32
      %add3A_392 = arith.addi %mul3A_390, %add3A_391 : i32
      %swap3A_393 = arith.index_cast %add3A_392 : i32 to index
      %swap3A_394 = tpu.vector_load %arg6[%swap3A_393] {strides = array<i32>} : memref<32768xf32, #tpu.memory_space<vmem>>, vector<16xf32>,
      tpu.vector_store %arg6[%swap3A_393], %broadcast_in_dim3A_40 {strides = array<i32>} : memref<32768xf32, #tpu.memory_space<vmem>>, vector<16xf32>,
      %mul3A_395 = arith.constant 128 : i32
      %mul3A_396 = arith.muli %add3A_376, %mul3A_395 : i32
      %add3A_397 = arith.constant 48 : i32
      %add3A_398 = arith.addi %mul3A_396, %add3A_397 : i32
      %swap3A_399 = arith.index_cast %add3A_398 : i32 to index
      %swap3A_400 = tpu.vector_load %arg6[%swap3A_399] {strides = array<i32>} : memref<32768xf32, #tpu.memory_space<vmem>>, vector<16xf32>,
      tpu.vector_store %arg6[%swap3A_399], %broadcast_in_dim3A_40 {strides = array<i32>} : memref<32768xf32, #tpu.memory_space<vmem>>, vector<16xf32>,
      %mul3A_401 = arith.constant 128 : i32
      %mul3A_402 = arith.muli %add3A_376, %mul3A_401 : i32
      %add3A_403 = arith.constant 64 : i32
      %add3A_404 = arith.addi %mul3A_402, %add3A_403 : i32
      %swap3A_405 = arith.index_cast %add3A_404 : i32 to index
      %swap3A_406 = tpu.vector_load %arg6[%swap3A_405] {strides = array<i32>} : memref<32768xf32, #tpu.memory_space<vmem>>, vector<16xf32>,
      tpu.vector_store %arg6[%swap3A_405], %broadcast_in_dim3A_40 {strides = array<i32>} : memref<32768xf32, #tpu.memory_space<vmem>>, vector<16xf32>,
      %mul3A_407 = arith.constant 128 : i32
      %mul3A_408 = arith.muli %add3A_376, %mul3A_407 : i32
      %add3A_409 = arith.constant 80 : i32
      %add3A_410 = arith.addi %mul3A_408, %add3A_409 : i32
      %swap3A_411 = arith.index_cast %add3A_410 : i32 to index
      %swap3A_412 = tpu.vector_load %arg6[%swap3A_411] {strides = array<i32>} : memref<32768xf32, #tpu.memory_space<vmem>>, vector<16xf32>,
      tpu.vector_store %arg6[%swap3A_411], %broadcast_in_dim3A_40 {strides = array<i32>} : memref<32768xf32, #tpu.memory_space<vmem>>, vector<16xf32>,
      %mul3A_413 = arith.constant 128 : i32
      %mul3A_414 = arith.muli %add3A_376, %mul3A_413 : i32
      %add3A_415 = arith.constant 96 : i32
      %add3A_416 = arith.addi %mul3A_414, %add3A_415 : i32
      %swap3A_417 = arith.index_cast %add3A_416 : i32 to index
      %swap3A_418 = tpu.vector_load %arg6[%swap3A_417] {strides = array<i32>} : memref<32768xf32, #tpu.memory_space<vmem>>, vector<16xf32>,
      tpu.vector_store %arg6[%swap3A_417], %broadcast_in_dim3A_40 {strides = array<i32>} : memref<32768xf32, #tpu.memory_space<vmem>>, vector<16xf32>,
      %mul3A_419 = arith.constant 128 : i32
      %mul3A_420 = arith.muli %add3A_376, %mul3A_419 : i32
      %add3A_421 = arith.constant 112 : i32
      %add3A_422 = arith.addi %mul3A_420, %add3A_421 : i32
      %swap3A_423 = arith.index_cast %add3A_422 : i32 to index
      %swap3A_424 = tpu.vector_load %arg6[%swap3A_423] {strides = array<i32>} : memref<32768xf32, #tpu.memory_space<vmem>>, vector<16xf32>,
      tpu.vector_store %arg6[%swap3A_423], %broadcast_in_dim3A_40 {strides = array<i32>} : memref<32768xf32, #tpu.memory_space<vmem>>, vector<16xf32>,
      %scan3A_425 = arith.constant 5 : i32
      %scan3A_426 = arith.addi %scan3A_157, %scan3A_425 : i32
      %mul3A_427 = arith.constant 1 : i32
      %mul3A_428 = arith.muli %scan3A_426, %mul3A_427 : i32
      %add3A_429 = arith.constant 0 : i32
      %add3A_430 = arith.addi %add3A_429, %mul3A_428 : i32
      %mul3A_431 = arith.constant 128 : i32
      %mul3A_432 = arith.muli %add3A_430, %mul3A_431 : i32
      %add3A_433 = arith.constant 0 : i32
      %add3A_434 = arith.addi %mul3A_432, %add3A_433 : i32
      %swap3A_435 = arith.index_cast %add3A_434 : i32 to index
      %swap3A_436 = tpu.vector_load %arg6[%swap3A_435] {strides = array<i32>} : memref<32768xf32, #tpu.memory_space<vmem>>, vector<16xf32>,
      tpu.vector_store %arg6[%swap3A_435], %broadcast_in_dim3A_40 {strides = array<i32>} : memref<32768xf32, #tpu.memory_space<vmem>>, vector<16xf32>,
      %mul3A_437 = arith.constant 128 : i32
      %mul3A_438 = arith.muli %add3A_430, %mul3A_437 : i32
      %add3A_439 = arith.constant 16 : i32
      %add3A_440 = arith.addi %mul3A_438, %add3A_439 : i32
      %swap3A_441 = arith.index_cast %add3A_440 : i32 to index
      %swap3A_442 = tpu.vector_load %arg6[%swap3A_441] {strides = array<i32>} : memref<32768xf32, #tpu.memory_space<vmem>>, vector<16xf32>,
      tpu.vector_store %arg6[%swap3A_441], %broadcast_in_dim3A_40 {strides = array<i32>} : memref<32768xf32, #tpu.memory_space<vmem>>, vector<16xf32>,
      %mul3A_443 = arith.constant 128 : i32
      %mul3A_444 = arith.muli %add3A_430, %mul3A_443 : i32
      %add3A_445 = arith.constant 32 : i32
      %add3A_446 = arith.addi %mul3A_444, %add3A_445 : i32
      %swap3A_447 = arith.index_cast %add3A_446 : i32 to index
      %swap3A_448 = tpu.vector_load %arg6[%swap3A_447] {strides = array<i32>} : memref<32768xf32, #tpu.memory_space<vmem>>, vector<16xf32>,
      tpu.vector_store %arg6[%swap3A_447], %broadcast_in_dim3A_40 {strides = array<i32>} : memref<32768xf32, #tpu.memory_space<vmem>>, vector<16xf32>,
      %mul3A_449 = arith.constant 128 : i32
      %mul3A_450 = arith.muli %add3A_430, %mul3A_449 : i32
      %add3A_451 = arith.constant 48 : i32
      %add3A_452 = arith.addi %mul3A_450, %add3A_451 : i32
      %swap3A_453 = arith.index_cast %add3A_452 : i32 to index
      %swap3A_454 = tpu.vector_load %arg6[%swap3A_453] {strides = array<i32>} : memref<32768xf32, #tpu.memory_space<vmem>>, vector<16xf32>,
      tpu.vector_store %arg6[%swap3A_453], %broadcast_in_dim3A_40 {strides = array<i32>} : memref<32768xf32, #tpu.memory_space<vmem>>, vector<16xf32>,
      %mul3A_455 = arith.constant 128 : i32
      %mul3A_456 = arith.muli %add3A_430, %mul3A_455 : i32
      %add3A_457 = arith.constant 64 : i32
      %add3A_458 = arith.addi %mul3A_456, %add3A_457 : i32
      %swap3A_459 = arith.index_cast %add3A_458 : i32 to index
      %swap3A_460 = tpu.vector_load %arg6[%swap3A_459] {strides = array<i32>} : memref<32768xf32, #tpu.memory_space<vmem>>, vector<16xf32>,
      tpu.vector_store %arg6[%swap3A_459], %broadcast_in_dim3A_40 {strides = array<i32>} : memref<32768xf32, #tpu.memory_space<vmem>>, vector<16xf32>,
      %mul3A_461 = arith.constant 128 : i32
      %mul3A_462 = arith.muli %add3A_430, %mul3A_461 : i32
      %add3A_463 = arith.constant 80 : i32
      %add3A_464 = arith.addi %mul3A_462, %add3A_463 : i32
      %swap3A_465 = arith.index_cast %add3A_464 : i32 to index
      %swap3A_466 = tpu.vector_load %arg6[%swap3A_465] {strides = array<i32>} : memref<32768xf32, #tpu.memory_space<vmem>>, vector<16xf32>,
      tpu.vector_store %arg6[%swap3A_465], %broadcast_in_dim3A_40 {strides = array<i32>} : memref<32768xf32, #tpu.memory_space<vmem>>, vector<16xf32>,
      %mul3A_467 = arith.constant 128 : i32
      %mul3A_468 = arith.muli %add3A_430, %mul3A_467 : i32
      %add3A_469 = arith.constant 96 : i32
      %add3A_470 = arith.addi %mul3A_468, %add3A_469 : i32
      %swap3A_471 = arith.index_cast %add3A_470 : i32 to index
      %swap3A_472 = tpu.vector_load %arg6[%swap3A_471] {strides = array<i32>} : memref<32768xf32, #tpu.memory_space<vmem>>, vector<16xf32>,
      tpu.vector_store %arg6[%swap3A_471], %broadcast_in_dim3A_40 {strides = array<i32>} : memref<32768xf32, #tpu.memory_space<vmem>>, vector<16xf32>,
      %mul3A_473 = arith.constant 128 : i32
      %mul3A_474 = arith.muli %add3A_430, %mul3A_473 : i32
      %add3A_475 = arith.constant 112 : i32
      %add3A_476 = arith.addi %mul3A_474, %add3A_475 : i32
      %swap3A_477 = arith.index_cast %add3A_476 : i32 to index
      %swap3A_478 = tpu.vector_load %arg6[%swap3A_477] {strides = array<i32>} : memref<32768xf32, #tpu.memory_space<vmem>>, vector<16xf32>,
      tpu.vector_store %arg6[%swap3A_477], %broadcast_in_dim3A_40 {strides = array<i32>} : memref<32768xf32, #tpu.memory_space<vmem>>, vector<16xf32>,
      %scan3A_479 = arith.constant 6 : i32
      %scan3A_480 = arith.addi %scan3A_157, %scan3A_479 : i32
      %mul3A_481 = arith.constant 1 : i32
      %mul3A_482 = arith.muli %scan3A_480, %mul3A_481 : i32
      %add3A_483 = arith.constant 0 : i32
      %add3A_484 = arith.addi %add3A_483, %mul3A_482 : i32
      %mul3A_485 = arith.constant 128 : i32
      %mul3A_486 = arith.muli %add3A_484, %mul3A_485 : i32
      %add3A_487 = arith.constant 0 : i32
      %add3A_488 = arith.addi %mul3A_486, %add3A_487 : i32
      %swap3A_489 = arith.index_cast %add3A_488 : i32 to index
      %swap3A_490 = tpu.vector_load %arg6[%swap3A_489] {strides = array<i32>} : memref<32768xf32, #tpu.memory_space<vmem>>, vector<16xf32>,
      tpu.vector_store %arg6[%swap3A_489], %broadcast_in_dim3A_40 {strides = array<i32>} : memref<32768xf32, #tpu.memory_space<vmem>>, vector<16xf32>,
      %mul3A_491 = arith.constant 128 : i32
      %mul3A_492 = arith.muli %add3A_484, %mul3A_491 : i32
      %add3A_493 = arith.constant 16 : i32
      %add3A_494 = arith.addi %mul3A_492, %add3A_493 : i32
      %swap3A_495 = arith.index_cast %add3A_494 : i32 to index
      %swap3A_496 = tpu.vector_load %arg6[%swap3A_495] {strides = array<i32>} : memref<32768xf32, #tpu.memory_space<vmem>>, vector<16xf32>,
      tpu.vector_store %arg6[%swap3A_495], %broadcast_in_dim3A_40 {strides = array<i32>} : memref<32768xf32, #tpu.memory_space<vmem>>, vector<16xf32>,
      %mul3A_497 = arith.constant 128 : i32
      %mul3A_498 = arith.muli %add3A_484, %mul3A_497 : i32
      %add3A_499 = arith.constant 32 : i32
      %add3A_500 = arith.addi %mul3A_498, %add3A_499 : i32
      %swap3A_501 = arith.index_cast %add3A_500 : i32 to index
      %swap3A_502 = tpu.vector_load %arg6[%swap3A_501] {strides = array<i32>} : memref<32768xf32, #tpu.memory_space<vmem>>, vector<16xf32>,
      tpu.vector_store %arg6[%swap3A_501], %broadcast_in_dim3A_40 {strides = array<i32>} : memref<32768xf32, #tpu.memory_space<vmem>>, vector<16xf32>,
      %mul3A_503 = arith.constant 128 : i32
      %mul3A_504 = arith.muli %add3A_484, %mul3A_503 : i32
      %add3A_505 = arith.constant 48 : i32
      %add3A_506 = arith.addi %mul3A_504, %add3A_505 : i32
      %swap3A_507 = arith.index_cast %add3A_506 : i32 to index
      %swap3A_508 = tpu.vector_load %arg6[%swap3A_507] {strides = array<i32>} : memref<32768xf32, #tpu.memory_space<vmem>>, vector<16xf32>,
      tpu.vector_store %arg6[%swap3A_507], %broadcast_in_dim3A_40 {strides = array<i32>} : memref<32768xf32, #tpu.memory_space<vmem>>, vector<16xf32>,
      %mul3A_509 = arith.constant 128 : i32
      %mul3A_510 = arith.muli %add3A_484, %mul3A_509 : i32
      %add3A_511 = arith.constant 64 : i32
      %add3A_512 = arith.addi %mul3A_510, %add3A_511 : i32
      %swap3A_513 = arith.index_cast %add3A_512 : i32 to index
      %swap3A_514 = tpu.vector_load %arg6[%swap3A_513] {strides = array<i32>} : memref<32768xf32, #tpu.memory_space<vmem>>, vector<16xf32>,
      tpu.vector_store %arg6[%swap3A_513], %broadcast_in_dim3A_40 {strides = array<i32>} : memref<32768xf32, #tpu.memory_space<vmem>>, vector<16xf32>,
      %mul3A_515 = arith.constant 128 : i32
      %mul3A_516 = arith.muli %add3A_484, %mul3A_515 : i32
      %add3A_517 = arith.constant 80 : i32
      %add3A_518 = arith.addi %mul3A_516, %add3A_517 : i32
      %swap3A_519 = arith.index_cast %add3A_518 : i32 to index
      %swap3A_520 = tpu.vector_load %arg6[%swap3A_519] {strides = array<i32>} : memref<32768xf32, #tpu.memory_space<vmem>>, vector<16xf32>,
      tpu.vector_store %arg6[%swap3A_519], %broadcast_in_dim3A_40 {strides = array<i32>} : memref<32768xf32, #tpu.memory_space<vmem>>, vector<16xf32>,
      %mul3A_521 = arith.constant 128 : i32
      %mul3A_522 = arith.muli %add3A_484, %mul3A_521 : i32
      %add3A_523 = arith.constant 96 : i32
      %add3A_524 = arith.addi %mul3A_522, %add3A_523 : i32
      %swap3A_525 = arith.index_cast %add3A_524 : i32 to index
      %swap3A_526 = tpu.vector_load %arg6[%swap3A_525] {strides = array<i32>} : memref<32768xf32, #tpu.memory_space<vmem>>, vector<16xf32>,
      tpu.vector_store %arg6[%swap3A_525], %broadcast_in_dim3A_40 {strides = array<i32>} : memref<32768xf32, #tpu.memory_space<vmem>>, vector<16xf32>,
      %mul3A_527 = arith.constant 128 : i32
      %mul3A_528 = arith.muli %add3A_484, %mul3A_527 : i32
      %add3A_529 = arith.constant 112 : i32
      %add3A_530 = arith.addi %mul3A_528, %add3A_529 : i32
      %swap3A_531 = arith.index_cast %add3A_530 : i32 to index
      %swap3A_532 = tpu.vector_load %arg6[%swap3A_531] {strides = array<i32>} : memref<32768xf32, #tpu.memory_space<vmem>>, vector<16xf32>,
      tpu.vector_store %arg6[%swap3A_531], %broadcast_in_dim3A_40 {strides = array<i32>} : memref<32768xf32, #tpu.memory_space<vmem>>, vector<16xf32>,
      %scan3A_533 = arith.constant 7 : i32
      %scan3A_534 = arith.addi %scan3A_157, %scan3A_533 : i32
      %mul3A_535 = arith.constant 1 : i32
      %mul3A_536 = arith.muli %scan3A_534, %mul3A_535 : i32
      %add3A_537 = arith.constant 0 : i32
      %add3A_538 = arith.addi %add3A_537, %mul3A_536 : i32
      %mul3A_539 = arith.constant 128 : i32
      %mul3A_540 = arith.muli %add3A_538, %mul3A_539 : i32
      %add3A_541 = arith.constant 0 : i32
      %add3A_542 = arith.addi %mul3A_540, %add3A_541 : i32
      %swap3A_543 = arith.index_cast %add3A_542 : i32 to index
      %swap3A_544 = tpu.vector_load %arg6[%swap3A_543] {strides = array<i32>} : memref<32768xf32, #tpu.memory_space<vmem>>, vector<16xf32>,
      tpu.vector_store %arg6[%swap3A_543], %broadcast_in_dim3A_40 {strides = array<i32>} : memref<32768xf32, #tpu.memory_space<vmem>>, vector<16xf32>,
      %mul3A_545 = arith.constant 128 : i32
      %mul3A_546 = arith.muli %add3A_538, %mul3A_545 : i32
      %add3A_547 = arith.constant 16 : i32
      %add3A_548 = arith.addi %mul3A_546, %add3A_547 : i32
      %swap3A_549 = arith.index_cast %add3A_548 : i32 to index
      %swap3A_550 = tpu.vector_load %arg6[%swap3A_549] {strides = array<i32>} : memref<32768xf32, #tpu.memory_space<vmem>>, vector<16xf32>,
      tpu.vector_store %arg6[%swap3A_549], %broadcast_in_dim3A_40 {strides = array<i32>} : memref<32768xf32, #tpu.memory_space<vmem>>, vector<16xf32>,
      %mul3A_551 = arith.constant 128 : i32
      %mul3A_552 = arith.muli %add3A_538, %mul3A_551 : i32
      %add3A_553 = arith.constant 32 : i32
      %add3A_554 = arith.addi %mul3A_552, %add3A_553 : i32
      %swap3A_555 = arith.index_cast %add3A_554 : i32 to index
      %swap3A_556 = tpu.vector_load %arg6[%swap3A_555] {strides = array<i32>} : memref<32768xf32, #tpu.memory_space<vmem>>, vector<16xf32>,
      tpu.vector_store %arg6[%swap3A_555], %broadcast_in_dim3A_40 {strides = array<i32>} : memref<32768xf32, #tpu.memory_space<vmem>>, vector<16xf32>,
      %mul3A_557 = arith.constant 128 : i32
      %mul3A_558 = arith.muli %add3A_538, %mul3A_557 : i32
      %add3A_559 = arith.constant 48 : i32
      %add3A_560 = arith.addi %mul3A_558, %add3A_559 : i32
      %swap3A_561 = arith.index_cast %add3A_560 : i32 to index
      %swap3A_562 = tpu.vector_load %arg6[%swap3A_561] {strides = array<i32>} : memref<32768xf32, #tpu.memory_space<vmem>>, vector<16xf32>,
      tpu.vector_store %arg6[%swap3A_561], %broadcast_in_dim3A_40 {strides = array<i32>} : memref<32768xf32, #tpu.memory_space<vmem>>, vector<16xf32>,
      %mul3A_563 = arith.constant 128 : i32
      %mul3A_564 = arith.muli %add3A_538, %mul3A_563 : i32
      %add3A_565 = arith.constant 64 : i32
      %add3A_566 = arith.addi %mul3A_564, %add3A_565 : i32
      %swap3A_567 = arith.index_cast %add3A_566 : i32 to index
      %swap3A_568 = tpu.vector_load %arg6[%swap3A_567] {strides = array<i32>} : memref<32768xf32, #tpu.memory_space<vmem>>, vector<16xf32>,
      tpu.vector_store %arg6[%swap3A_567], %broadcast_in_dim3A_40 {strides = array<i32>} : memref<32768xf32, #tpu.memory_space<vmem>>, vector<16xf32>,
      %mul3A_569 = arith.constant 128 : i32
      %mul3A_570 = arith.muli %add3A_538, %mul3A_569 : i32
      %add3A_571 = arith.constant 80 : i32
      %add3A_572 = arith.addi %mul3A_570, %add3A_571 : i32
      %swap3A_573 = arith.index_cast %add3A_572 : i32 to index
      %swap3A_574 = tpu.vector_load %arg6[%swap3A_573] {strides = array<i32>} : memref<32768xf32, #tpu.memory_space<vmem>>, vector<16xf32>,
      tpu.vector_store %arg6[%swap3A_573], %broadcast_in_dim3A_40 {strides = array<i32>} : memref<32768xf32, #tpu.memory_space<vmem>>, vector<16xf32>,
      %mul3A_575 = arith.constant 128 : i32
      %mul3A_576 = arith.muli %add3A_538, %mul3A_575 : i32
      %add3A_577 = arith.constant 96 : i32
      %add3A_578 = arith.addi %mul3A_576, %add3A_577 : i32
      %swap3A_579 = arith.index_cast %add3A_578 : i32 to index
      %swap3A_580 = tpu.vector_load %arg6[%swap3A_579] {strides = array<i32>} : memref<32768xf32, #tpu.memory_space<vmem>>, vector<16xf32>,
      tpu.vector_store %arg6[%swap3A_579], %broadcast_in_dim3A_40 {strides = array<i32>} : memref<32768xf32, #tpu.memory_space<vmem>>, vector<16xf32>,
      %mul3A_581 = arith.constant 128 : i32
      %mul3A_582 = arith.muli %add3A_538, %mul3A_581 : i32
      %add3A_583 = arith.constant 112 : i32
      %add3A_584 = arith.addi %mul3A_582, %add3A_583 : i32
      %swap3A_585 = arith.index_cast %add3A_584 : i32 to index
      %swap3A_586 = tpu.vector_load %arg6[%swap3A_585] {strides = array<i32>} : memref<32768xf32, #tpu.memory_space<vmem>>, vector<16xf32>,
      tpu.vector_store %arg6[%swap3A_585], %broadcast_in_dim3A_40 {strides = array<i32>} : memref<32768xf32, #tpu.memory_space<vmem>>, vector<16xf32>,
    }
    %scan3A_46 = arith.constant 256 : i32
    %mul3A_47 = arith.constant 3328 : i32
    %mul3A_48 = arith.muli %select_n3A_30, %mul3A_47 : i32
    %multiple_of3A_49 = tpu.assume_multiple %mul3A_48, 128 : i32
    %dma_start3A = arith.constant 0 : i32
    %dma_start3A_50 = arith.constant 0 : i32
    %dma_start3A_51 = arith.constant 0 : i32
    %dma_start3A_52 = tpu.memref_slice %arg5[%dma_start3A, %dma_start3A_50, %dma_start3A_51] : memref<2x8x3328xi32, #tpu.memory_space<vmem>> -> memref<1x8x3328xi32, #tpu.memory_space<vmem>>
    %dma_start3A_53 = tpu.memref_squeeze %dma_start3A_52 : memref<1x8x3328xi32, #tpu.memory_space<vmem>> -> memref<8x3328xi32, #tpu.memory_space<vmem>>
    %dma_start3A_54 = tpu.memref_slice %arg2[%multiple_of3A, %multiple_of3A_49] : memref<64x49920xi32, #tpu.memory_space<hbm>> -> memref<8x3328xi32, #tpu.memory_space<hbm>>
    %dma_start3A_55 = arith.constant 0 : i32
    %dma_start3A_56 = arith.constant 0 : i32
    %dma_start3A_57 = tpu.memref_slice %arg5[%dma_start3A, %dma_start3A_55, %dma_start3A_56] : memref<2x8x3328xi32, #tpu.memory_space<vmem>> -> memref<1x8x3328xi32, #tpu.memory_space<vmem>>
    %dma_start3A_58 = tpu.memref_squeeze %dma_start3A_57 : memref<1x8x3328xi32, #tpu.memory_space<vmem>> -> memref<8x3328xi32, #tpu.memory_space<vmem>>
    %dma_start3A_59 = tpu.memref_slice %arg2[%multiple_of3A, %multiple_of3A_49] : memref<64x49920xi32, #tpu.memory_space<hbm>> -> memref<8x3328xi32, #tpu.memory_space<hbm>>
    tpu.enqueue_dma source(%dma_start3A_59 : memref<8x3328xi32, #tpu.memory_space<hbm>>) target(%dma_start3A_58 : memref<8x3328xi32, #tpu.memory_space<vmem>>) target_semaphore(%arg9 : memref<!tpu.dma_semaphore, #tpu.memory_space<semaphore_mem>>)
    %jit3A_60 = arith.constant 2 : i32
    %div3A_61 = arith.divsi %select_n3A_35, %jit3A_60 : i32
    %sign3A_62 = arith.constant 0 : i32
    %sign3A_63 = arith.cmpi sgt, %select_n3A_35, %sign3A_62 : i32
    %sign3A_64 = arith.extui %sign3A_63 : i1 to i32
    %sign3A_65 = arith.constant 0 : i32
    %sign3A_66 = arith.cmpi slt, %select_n3A_35, %sign3A_65 : i32
    %sign3A_67 = arith.extui %sign3A_66 : i1 to i32
    %sign3A_68 = arith.subi %sign3A_64, %sign3A_67 : i32
    %sign3A_69 = arith.constant 0 : i32
    %sign3A_70 = arith.cmpi sgt, %jit3A_60, %sign3A_69 : i32
    %sign3A_71 = arith.extui %sign3A_70 : i1 to i32
    %sign3A_72 = arith.constant 0 : i32
    %sign3A_73 = arith.cmpi slt, %jit3A_60, %sign3A_72 : i32
    %sign3A_74 = arith.extui %sign3A_73 : i1 to i32
    %sign3A_75 = arith.subi %sign3A_71, %sign3A_74 : i32
    %ne3A_76 = arith.cmpi ne, %sign3A_68, %sign3A_75 : i32
    %rem3A_77 = arith.remsi %select_n3A_35, %jit3A_60 : i32
    %ne3A_78 = arith.constant 0 : i32
    %ne3A_79 = arith.cmpi ne, %rem3A_77, %ne3A_78 : i32
    %and3A_80 = arith.andi %ne3A_76, %ne3A_79 : i1
    %sub3A_81 = arith.constant 1 : i32
    %sub3A_82 = arith.subi %div3A_61, %sub3A_81 : i32
    %select_n3A_83 = arith.select %and3A_80, %sub3A_82, %div3A_61 : i32
    %while3A = arith.constant 0 : i32
    %while3A_84 = arith.constant 0 : i32
    %while3A_85 = arith.subi %select_n3A_83, %while3A_84 : i32
    %while3A_86 = arith.addi %while3A_84, %while3A_85 : i32
    %while3A_87 = arith.constant 1 : i32
    %while3A_88 = arith.divsi %while3A_85, %while3A_87 : i32
    %while3A_89 = arith.muli %while3A_88, %while3A_87 : i32
    %while3A_90 = arith.addi %while3A_84, %while3A_89 : i32
    %while3A_91 = arith.constant 1 : i32
    scf.for %while3A_157 = %while3A_84 to %while3A_90 step %while3A_91  : i32 {
      %mul3A_158 = arith.constant 2 : i32
      %mul3A_159 = arith.muli %mul3A_158, %while3A_157 : i32
      %add3A_160 = arith.constant 1 : i32
      %add3A_161 = arith.addi %mul3A_159, %add3A_160 : i32
      %mul3A_162 = arith.constant 4 : i32
      %mul3A_163 = arith.muli %mul3A_162, %add3A_161 : i32
      %add3A_164 = arith.addi %select_n3A_30, %mul3A_163 : i32
      %mul3A_165 = arith.constant 3328 : i32
      %mul3A_166 = arith.muli %add3A_164, %mul3A_165 : i32
      %multiple_of3A_167 = tpu.assume_multiple %mul3A_166, 128 : i32
      %dma_start3A_168 = arith.constant 1 : i32
      %dma_start3A_169 = arith.constant 0 : i32
      %dma_start3A_170 = arith.constant 0 : i32
      %dma_start3A_171 = tpu.memref_slice %arg5[%dma_start3A_168, %dma_start3A_169, %dma_start3A_170] : memref<2x8x3328xi32, #tpu.memory_space<vmem>> -> memref<1x8x3328xi32, #tpu.memory_space<vmem>>
      %dma_start3A_172 = tpu.memref_squeeze %dma_start3A_171 : memref<1x8x3328xi32, #tpu.memory_space<vmem>> -> memref<8x3328xi32, #tpu.memory_space<vmem>>
      %dma_start3A_173 = tpu.memref_slice %arg2[%multiple_of3A, %multiple_of3A_167] : memref<64x49920xi32, #tpu.memory_space<hbm>> -> memref<8x3328xi32, #tpu.memory_space<hbm>>
      %dma_start3A_174 = arith.constant 0 : i32
      %dma_start3A_175 = arith.constant 0 : i32
      %dma_start3A_176 = tpu.memref_slice %arg5[%dma_start3A_168, %dma_start3A_174, %dma_start3A_175] : memref<2x8x3328xi32, #tpu.memory_space<vmem>> -> memref<1x8x3328xi32, #tpu.memory_space<vmem>>
      %dma_start3A_177 = tpu.memref_squeeze %dma_start3A_176 : memref<1x8x3328xi32, #tpu.memory_space<vmem>> -> memref<8x3328xi32, #tpu.memory_space<vmem>>
      %dma_start3A_178 = tpu.memref_slice %arg2[%multiple_of3A, %multiple_of3A_167] : memref<64x49920xi32, #tpu.memory_space<hbm>> -> memref<8x3328xi32, #tpu.memory_space<hbm>>
      tpu.enqueue_dma source(%dma_start3A_178 : memref<8x3328xi32, #tpu.memory_space<hbm>>) target(%dma_start3A_177 : memref<8x3328xi32, #tpu.memory_space<vmem>>) target_semaphore(%arg10 : memref<!tpu.dma_semaphore, #tpu.memory_space<semaphore_mem>>)
      %dma_wait3A = arith.constant 0 : i32
      %dma_wait3A_179 = arith.constant 0 : i32
      %dma_wait3A_180 = arith.constant 0 : i32
      %dma_wait3A_181 = tpu.memref_slice %arg5[%dma_wait3A, %dma_wait3A_179, %dma_wait3A_180] : memref<2x8x3328xi32, #tpu.memory_space<vmem>> -> memref<1x8x3328xi32, #tpu.memory_space<vmem>>
      %dma_wait3A_182 = tpu.memref_squeeze %dma_wait3A_181 : memref<1x8x3328xi32, #tpu.memory_space<vmem>> -> memref<8x3328xi32, #tpu.memory_space<vmem>>
      %dma_wait3A_183 = arith.constant 0 : i32
      %dma_wait3A_184 = arith.constant 0 : i32
      %dma_wait3A_185 = tpu.memref_slice %arg2[%dma_wait3A_183, %dma_wait3A_184] : memref<64x49920xi32, #tpu.memory_space<hbm>> -> memref<8x3328xi32, #tpu.memory_space<hbm>>
      %dma_wait3A_186 = arith.constant 0 : i32
      %dma_wait3A_187 = arith.constant 0 : i32
      %dma_wait3A_188 = tpu.memref_slice %arg5[%dma_wait3A, %dma_wait3A_186, %dma_wait3A_187] : memref<2x8x3328xi32, #tpu.memory_space<vmem>> -> memref<1x8x3328xi32, #tpu.memory_space<vmem>>
      %dma_wait3A_189 = tpu.memref_squeeze %dma_wait3A_188 : memref<1x8x3328xi32, #tpu.memory_space<vmem>> -> memref<8x3328xi32, #tpu.memory_space<vmem>>
      %dma_wait3A_190 = arith.constant 0 : i32
      %dma_wait3A_191 = arith.constant 0 : i32
      %dma_wait3A_192 = tpu.memref_slice %arg2[%dma_wait3A_190, %dma_wait3A_191] : memref<64x49920xi32, #tpu.memory_space<hbm>> -> memref<8x3328xi32, #tpu.memory_space<hbm>>
      tpu.wait_dma2 semaphore(%arg9 : memref<!tpu.dma_semaphore, #tpu.memory_space<semaphore_mem>>) src(%dma_wait3A_192 : memref<8x3328xi32, #tpu.memory_space<hbm>>) dst(%dma_wait3A_189 : memref<8x3328xi32, #tpu.memory_space<vmem>>)
      %scan3A_193 = arith.constant 0 : i32
      %scan3A_194 = arith.constant 8 : i32
      %scan3A_195 = arith.addi %scan3A_193, %scan3A_194 : i32
      %scan3A_196 = arith.constant 1 : i32
      scf.for %scan3A_226 = %scan3A_193 to %scan3A_195 step %scan3A_196  : i32 {
        %mul3A_227 = arith.constant 1 : i32
        %mul3A_228 = arith.muli %scan3A_226, %mul3A_227 : i32
        %add3A_229 = arith.constant 0 : i32
        %add3A_230 = arith.addi %add3A_229, %mul3A_228 : i32
        %mul3A_231 = arith.constant 4096 : i32
        %mul3A_232 = arith.muli %add3A_230, %mul3A_231 : i32
        %scan3A_233 = arith.constant 0 : i32
        %scan3A_234 = arith.constant 0 : i32
        %scan3A_235 = arith.constant 52 : i32
        %scan3A_236 = arith.addi %scan3A_234, %scan3A_235 : i32
        %scan3A_237 = arith.constant 2 : i32
        scf.for %scan3A_239 = %scan3A_234 to %scan3A_236 step %scan3A_237  : i32 {
          %mul3A_240 = arith.constant 64 : i32
          %mul3A_241 = arith.muli %scan3A_239, %mul3A_240 : i32
          %add3A_242 = arith.constant 0 : i32
          %add3A_243 = arith.addi %mul3A_241, %add3A_242 : i32
          %get3A = arith.constant 0 : i32
          %get3A_244 = arith.index_cast %get3A : i32 to index
          %get3A_245 = arith.index_cast %add3A_230 : i32 to index
          %get3A_246 = arith.index_cast %add3A_243 : i32 to index
          %get3A_247 = tpu.vector_load %arg5[%get3A_244, %get3A_245, %get3A_246] {strides = array<i32>} : memref<2x8x3328xi32, #tpu.memory_space<vmem>>, vector<16xi32>,
          %add3A_248 = arith.constant 16 : i32
          %add3A_249 = arith.addi %mul3A_241, %add3A_248 : i32
          %get3A_250 = arith.constant 0 : i32
          %get3A_251 = arith.index_cast %get3A_250 : i32 to index
          %get3A_252 = arith.index_cast %add3A_230 : i32 to index
          %get3A_253 = arith.index_cast %add3A_249 : i32 to index
          %get3A_254 = tpu.vector_load %arg5[%get3A_251, %get3A_252, %get3A_253] {strides = array<i32>} : memref<2x8x3328xi32, #tpu.memory_space<vmem>>, vector<16xi32>,
          %add3A_255 = arith.constant 32 : i32
          %add3A_256 = arith.addi %mul3A_241, %add3A_255 : i32
          %get3A_257 = arith.constant 0 : i32
          %get3A_258 = arith.index_cast %get3A_257 : i32 to index
          %get3A_259 = arith.index_cast %add3A_230 : i32 to index
          %get3A_260 = arith.index_cast %add3A_256 : i32 to index
          %get3A_261 = tpu.vector_load %arg5[%get3A_258, %get3A_259, %get3A_260] {strides = array<i32>} : memref<2x8x3328xi32, #tpu.memory_space<vmem>>, vector<16xi32>,
          %add3A_262 = arith.constant 48 : i32
          %add3A_263 = arith.addi %mul3A_241, %add3A_262 : i32
          %get3A_264 = arith.constant 0 : i32
          %get3A_265 = arith.index_cast %get3A_264 : i32 to index
          %get3A_266 = arith.index_cast %add3A_230 : i32 to index
          %get3A_267 = arith.index_cast %add3A_263 : i32 to index
          %get3A_268 = tpu.vector_load %arg5[%get3A_265, %get3A_266, %get3A_267] {strides = array<i32>} : memref<2x8x3328xi32, #tpu.memory_space<vmem>>, vector<16xi32>,
          %shift_right_arithmetic3A = arith.constant 16 : i32
          %shift_right_arithmetic3A_269 = vector.broadcast %shift_right_arithmetic3A : i32 to vector<16xi32>
          %shift_right_arithmetic3A_270 = arith.shrsi %get3A_247, %shift_right_arithmetic3A_269 : vector<16xi32>
          %and3A_271 = arith.andi %get3A_247, %broadcast_in_dim3A_42 : vector<16xi32>
          %shift_right_arithmetic3A_272 = arith.constant 16 : i32
          %shift_right_arithmetic3A_273 = vector.broadcast %shift_right_arithmetic3A_272 : i32 to vector<16xi32>
          %shift_right_arithmetic3A_274 = arith.shrsi %get3A_254, %shift_right_arithmetic3A_273 : vector<16xi32>
          %and3A_275 = arith.andi %get3A_254, %broadcast_in_dim3A_42 : vector<16xi32>
          %shift_right_arithmetic3A_276 = arith.constant 16 : i32
          %shift_right_arithmetic3A_277 = vector.broadcast %shift_right_arithmetic3A_276 : i32 to vector<16xi32>
          %shift_right_arithmetic3A_278 = arith.shrsi %get3A_261, %shift_right_arithmetic3A_277 : vector<16xi32>
          %and3A_279 = arith.andi %get3A_261, %broadcast_in_dim3A_42 : vector<16xi32>
          %shift_right_arithmetic3A_280 = arith.constant 16 : i32
          %shift_right_arithmetic3A_281 = vector.broadcast %shift_right_arithmetic3A_280 : i32 to vector<16xi32>
          %shift_right_arithmetic3A_282 = arith.shrsi %get3A_268, %shift_right_arithmetic3A_281 : vector<16xi32>
          %and3A_283 = arith.andi %get3A_268, %broadcast_in_dim3A_42 : vector<16xi32>
          %scatter3A = tpu.memref_slice %arg6[%mul3A_232] : memref<32768xf32, #tpu.memory_space<vmem>> -> memref<4096xf32, #tpu.memory_space<vmem>>
          tpu.vector_store_idx %scatter3A[%shift_right_arithmetic3A_270], %broadcast_in_dim3A_38 {add = true} : memref<4096xf32, #tpu.memory_space<vmem>>[vector<16xi32>], vector<16xf32>,
          %scatter3A_284 = tpu.memref_slice %arg6[%mul3A_232] : memref<32768xf32, #tpu.memory_space<vmem>> -> memref<4096xf32, #tpu.memory_space<vmem>>
          tpu.vector_store_idx %scatter3A_284[%and3A_271], %broadcast_in_dim3A_38 {add = true} : memref<4096xf32, #tpu.memory_space<vmem>>[vector<16xi32>], vector<16xf32>,
          %scatter3A_285 = tpu.memref_slice %arg6[%mul3A_232] : memref<32768xf32, #tpu.memory_space<vmem>> -> memref<4096xf32, #tpu.memory_space<vmem>>
          tpu.vector_store_idx %scatter3A_285[%shift_right_arithmetic3A_274], %broadcast_in_dim3A_38 {add = true} : memref<4096xf32, #tpu.memory_space<vmem>>[vector<16xi32>], vector<16xf32>,
          %scatter3A_286 = tpu.memref_slice %arg6[%mul3A_232] : memref<32768xf32, #tpu.memory_space<vmem>> -> memref<4096xf32, #tpu.memory_space<vmem>>
          tpu.vector_store_idx %scatter3A_286[%and3A_275], %broadcast_in_dim3A_38 {add = true} : memref<4096xf32, #tpu.memory_space<vmem>>[vector<16xi32>], vector<16xf32>,
          %scatter3A_287 = tpu.memref_slice %arg6[%mul3A_232] : memref<32768xf32, #tpu.memory_space<vmem>> -> memref<4096xf32, #tpu.memory_space<vmem>>
          tpu.vector_store_idx %scatter3A_287[%shift_right_arithmetic3A_278], %broadcast_in_dim3A_38 {add = true} : memref<4096xf32, #tpu.memory_space<vmem>>[vector<16xi32>], vector<16xf32>,
          %scatter3A_288 = tpu.memref_slice %arg6[%mul3A_232] : memref<32768xf32, #tpu.memory_space<vmem>> -> memref<4096xf32, #tpu.memory_space<vmem>>
          tpu.vector_store_idx %scatter3A_288[%and3A_279], %broadcast_in_dim3A_38 {add = true} : memref<4096xf32, #tpu.memory_space<vmem>>[vector<16xi32>], vector<16xf32>,
          %scatter3A_289 = tpu.memref_slice %arg6[%mul3A_232] : memref<32768xf32, #tpu.memory_space<vmem>> -> memref<4096xf32, #tpu.memory_space<vmem>>
          tpu.vector_store_idx %scatter3A_289[%shift_right_arithmetic3A_282], %broadcast_in_dim3A_38 {add = true} : memref<4096xf32, #tpu.memory_space<vmem>>[vector<16xi32>], vector<16xf32>,
          %scatter3A_290 = tpu.memref_slice %arg6[%mul3A_232] : memref<32768xf32, #tpu.memory_space<vmem>> -> memref<4096xf32, #tpu.memory_space<vmem>>
          tpu.vector_store_idx %scatter3A_290[%and3A_283], %broadcast_in_dim3A_38 {add = true} : memref<4096xf32, #tpu.memory_space<vmem>>[vector<16xi32>], vector<16xf32>,
          %scan3A_291 = arith.constant 1 : i32
          %scan3A_292 = arith.addi %scan3A_239, %scan3A_291 : i32
          %mul3A_293 = arith.constant 64 : i32
          %mul3A_294 = arith.muli %scan3A_292, %mul3A_293 : i32
          %add3A_295 = arith.constant 0 : i32
          %add3A_296 = arith.addi %mul3A_294, %add3A_295 : i32
          %get3A_297 = arith.constant 0 : i32
          %get3A_298 = arith.index_cast %get3A_297 : i32 to index
          %get3A_299 = arith.index_cast %add3A_230 : i32 to index
          %get3A_300 = arith.index_cast %add3A_296 : i32 to index
          %get3A_301 = tpu.vector_load %arg5[%get3A_298, %get3A_299, %get3A_300] {strides = array<i32>} : memref<2x8x3328xi32, #tpu.memory_space<vmem>>, vector<16xi32>,
          %add3A_302 = arith.constant 16 : i32
          %add3A_303 = arith.addi %mul3A_294, %add3A_302 : i32
          %get3A_304 = arith.constant 0 : i32
          %get3A_305 = arith.index_cast %get3A_304 : i32 to index
          %get3A_306 = arith.index_cast %add3A_230 : i32 to index
          %get3A_307 = arith.index_cast %add3A_303 : i32 to index
          %get3A_308 = tpu.vector_load %arg5[%get3A_305, %get3A_306, %get3A_307] {strides = array<i32>} : memref<2x8x3328xi32, #tpu.memory_space<vmem>>, vector<16xi32>,
          %add3A_309 = arith.constant 32 : i32
          %add3A_310 = arith.addi %mul3A_294, %add3A_309 : i32
          %get3A_311 = arith.constant 0 : i32
          %get3A_312 = arith.index_cast %get3A_311 : i32 to index
          %get3A_313 = arith.index_cast %add3A_230 : i32 to index
          %get3A_314 = arith.index_cast %add3A_310 : i32 to index
          %get3A_315 = tpu.vector_load %arg5[%get3A_312, %get3A_313, %get3A_314] {strides = array<i32>} : memref<2x8x3328xi32, #tpu.memory_space<vmem>>, vector<16xi32>,
          %add3A_316 = arith.constant 48 : i32
          %add3A_317 = arith.addi %mul3A_294, %add3A_316 : i32
          %get3A_318 = arith.constant 0 : i32
          %get3A_319 = arith.index_cast %get3A_318 : i32 to index
          %get3A_320 = arith.index_cast %add3A_230 : i32 to index
          %get3A_321 = arith.index_cast %add3A_317 : i32 to index
          %get3A_322 = tpu.vector_load %arg5[%get3A_319, %get3A_320, %get3A_321] {strides = array<i32>} : memref<2x8x3328xi32, #tpu.memory_space<vmem>>, vector<16xi32>,
          %shift_right_arithmetic3A_323 = arith.constant 16 : i32
          %shift_right_arithmetic3A_324 = vector.broadcast %shift_right_arithmetic3A_323 : i32 to vector<16xi32>
          %shift_right_arithmetic3A_325 = arith.shrsi %get3A_301, %shift_right_arithmetic3A_324 : vector<16xi32>
          %and3A_326 = arith.andi %get3A_301, %broadcast_in_dim3A_42 : vector<16xi32>
          %shift_right_arithmetic3A_327 = arith.constant 16 : i32
          %shift_right_arithmetic3A_328 = vector.broadcast %shift_right_arithmetic3A_327 : i32 to vector<16xi32>
          %shift_right_arithmetic3A_329 = arith.shrsi %get3A_308, %shift_right_arithmetic3A_328 : vector<16xi32>
          %and3A_330 = arith.andi %get3A_308, %broadcast_in_dim3A_42 : vector<16xi32>
          %shift_right_arithmetic3A_331 = arith.constant 16 : i32
          %shift_right_arithmetic3A_332 = vector.broadcast %shift_right_arithmetic3A_331 : i32 to vector<16xi32>
          %shift_right_arithmetic3A_333 = arith.shrsi %get3A_315, %shift_right_arithmetic3A_332 : vector<16xi32>
          %and3A_334 = arith.andi %get3A_315, %broadcast_in_dim3A_42 : vector<16xi32>
          %shift_right_arithmetic3A_335 = arith.constant 16 : i32
          %shift_right_arithmetic3A_336 = vector.broadcast %shift_right_arithmetic3A_335 : i32 to vector<16xi32>
          %shift_right_arithmetic3A_337 = arith.shrsi %get3A_322, %shift_right_arithmetic3A_336 : vector<16xi32>
          %and3A_338 = arith.andi %get3A_322, %broadcast_in_dim3A_42 : vector<16xi32>
          %scatter3A_339 = tpu.memref_slice %arg6[%mul3A_232] : memref<32768xf32, #tpu.memory_space<vmem>> -> memref<4096xf32, #tpu.memory_space<vmem>>
          tpu.vector_store_idx %scatter3A_339[%shift_right_arithmetic3A_325], %broadcast_in_dim3A_38 {add = true} : memref<4096xf32, #tpu.memory_space<vmem>>[vector<16xi32>], vector<16xf32>,
          %scatter3A_340 = tpu.memref_slice %arg6[%mul3A_232] : memref<32768xf32, #tpu.memory_space<vmem>> -> memref<4096xf32, #tpu.memory_space<vmem>>
          tpu.vector_store_idx %scatter3A_340[%and3A_326], %broadcast_in_dim3A_38 {add = true} : memref<4096xf32, #tpu.memory_space<vmem>>[vector<16xi32>], vector<16xf32>,
          %scatter3A_341 = tpu.memref_slice %arg6[%mul3A_232] : memref<32768xf32, #tpu.memory_space<vmem>> -> memref<4096xf32, #tpu.memory_space<vmem>>
          tpu.vector_store_idx %scatter3A_341[%shift_right_arithmetic3A_329], %broadcast_in_dim3A_38 {add = true} : memref<4096xf32, #tpu.memory_space<vmem>>[vector<16xi32>], vector<16xf32>,
          %scatter3A_342 = tpu.memref_slice %arg6[%mul3A_232] : memref<32768xf32, #tpu.memory_space<vmem>> -> memref<4096xf32, #tpu.memory_space<vmem>>
          tpu.vector_store_idx %scatter3A_342[%and3A_330], %broadcast_in_dim3A_38 {add = true} : memref<4096xf32, #tpu.memory_space<vmem>>[vector<16xi32>], vector<16xf32>,
          %scatter3A_343 = tpu.memref_slice %arg6[%mul3A_232] : memref<32768xf32, #tpu.memory_space<vmem>> -> memref<4096xf32, #tpu.memory_space<vmem>>
          tpu.vector_store_idx %scatter3A_343[%shift_right_arithmetic3A_333], %broadcast_in_dim3A_38 {add = true} : memref<4096xf32, #tpu.memory_space<vmem>>[vector<16xi32>], vector<16xf32>,
          %scatter3A_344 = tpu.memref_slice %arg6[%mul3A_232] : memref<32768xf32, #tpu.memory_space<vmem>> -> memref<4096xf32, #tpu.memory_space<vmem>>
          tpu.vector_store_idx %scatter3A_344[%and3A_334], %broadcast_in_dim3A_38 {add = true} : memref<4096xf32, #tpu.memory_space<vmem>>[vector<16xi32>], vector<16xf32>,
          %scatter3A_345 = tpu.memref_slice %arg6[%mul3A_232] : memref<32768xf32, #tpu.memory_space<vmem>> -> memref<4096xf32, #tpu.memory_space<vmem>>
          tpu.vector_store_idx %scatter3A_345[%shift_right_arithmetic3A_337], %broadcast_in_dim3A_38 {add = true} : memref<4096xf32, #tpu.memory_space<vmem>>[vector<16xi32>], vector<16xf32>,
          %scatter3A_346 = tpu.memref_slice %arg6[%mul3A_232] : memref<32768xf32, #tpu.memory_space<vmem>> -> memref<4096xf32, #tpu.memory_space<vmem>>
          tpu.vector_store_idx %scatter3A_346[%and3A_338], %broadcast_in_dim3A_38 {add = true} : memref<4096xf32, #tpu.memory_space<vmem>>[vector<16xi32>], vector<16xf32>,
        }
        %scan3A_238 = arith.constant 52 : i32
      }
      %scan3A_197 = arith.constant 8 : i32
      %mul3A_198 = arith.constant 2 : i32
      %mul3A_199 = arith.muli %mul3A_198, %while3A_157 : i32
      %add3A_200 = arith.constant 2 : i32
      %add3A_201 = arith.addi %mul3A_199, %add3A_200 : i32
      %lt3A_202 = arith.cmpi slt, %add3A_201, %select_n3A_35 : i32
      %convert_element_type3A_203 = arith.extui %lt3A_202 : i1 to i32
      %cond3A_204 = arith.constant 0 : i32
      %cond3A_205 = arith.cmpi ne, %convert_element_type3A_203, %cond3A_204 : i32
      scf.if %cond3A_205 {
        %mul3A_226 = arith.constant 2 : i32
        %mul3A_227 = arith.muli %mul3A_226, %while3A_157 : i32
        %add3A_228 = arith.constant 2 : i32
        %add3A_229 = arith.addi %mul3A_227, %add3A_228 : i32
        %mul3A_230 = arith.constant 4 : i32
        %mul3A_231 = arith.muli %mul3A_230, %add3A_229 : i32
        %add3A_232 = arith.addi %select_n3A_30, %mul3A_231 : i32
        %mul3A_233 = arith.constant 3328 : i32
        %mul3A_234 = arith.muli %add3A_232, %mul3A_233 : i32
        %multiple_of3A_235 = tpu.assume_multiple %mul3A_234, 128 : i32
        %dma_start3A_236 = arith.constant 0 : i32
        %dma_start3A_237 = arith.constant 0 : i32
        %dma_start3A_238 = arith.constant 0 : i32
        %dma_start3A_239 = tpu.memref_slice %arg5[%dma_start3A_236, %dma_start3A_237, %dma_start3A_238] : memref<2x8x3328xi32, #tpu.memory_space<vmem>> -> memref<1x8x3328xi32, #tpu.memory_space<vmem>>
        %dma_start3A_240 = tpu.memref_squeeze %dma_start3A_239 : memref<1x8x3328xi32, #tpu.memory_space<vmem>> -> memref<8x3328xi32, #tpu.memory_space<vmem>>
        %dma_start3A_241 = tpu.memref_slice %arg2[%multiple_of3A, %multiple_of3A_235] : memref<64x49920xi32, #tpu.memory_space<hbm>> -> memref<8x3328xi32, #tpu.memory_space<hbm>>
        %dma_start3A_242 = arith.constant 0 : i32
        %dma_start3A_243 = arith.constant 0 : i32
        %dma_start3A_244 = tpu.memref_slice %arg5[%dma_start3A_236, %dma_start3A_242, %dma_start3A_243] : memref<2x8x3328xi32, #tpu.memory_space<vmem>> -> memref<1x8x3328xi32, #tpu.memory_space<vmem>>
        %dma_start3A_245 = tpu.memref_squeeze %dma_start3A_244 : memref<1x8x3328xi32, #tpu.memory_space<vmem>> -> memref<8x3328xi32, #tpu.memory_space<vmem>>
        %dma_start3A_246 = tpu.memref_slice %arg2[%multiple_of3A, %multiple_of3A_235] : memref<64x49920xi32, #tpu.memory_space<hbm>> -> memref<8x3328xi32, #tpu.memory_space<hbm>>
        tpu.enqueue_dma source(%dma_start3A_246 : memref<8x3328xi32, #tpu.memory_space<hbm>>) target(%dma_start3A_245 : memref<8x3328xi32, #tpu.memory_space<vmem>>) target_semaphore(%arg9 : memref<!tpu.dma_semaphore, #tpu.memory_space<semaphore_mem>>)
      } else {
      }
      %dma_wait3A_206 = arith.constant 1 : i32
      %dma_wait3A_207 = arith.constant 0 : i32
      %dma_wait3A_208 = arith.constant 0 : i32
      %dma_wait3A_209 = tpu.memref_slice %arg5[%dma_wait3A_206, %dma_wait3A_207, %dma_wait3A_208] : memref<2x8x3328xi32, #tpu.memory_space<vmem>> -> memref<1x8x3328xi32, #tpu.memory_space<vmem>>
      %dma_wait3A_210 = tpu.memref_squeeze %dma_wait3A_209 : memref<1x8x3328xi32, #tpu.memory_space<vmem>> -> memref<8x3328xi32, #tpu.memory_space<vmem>>
      %dma_wait3A_211 = arith.constant 0 : i32
      %dma_wait3A_212 = arith.constant 0 : i32
      %dma_wait3A_213 = tpu.memref_slice %arg2[%dma_wait3A_211, %dma_wait3A_212] : memref<64x49920xi32, #tpu.memory_space<hbm>> -> memref<8x3328xi32, #tpu.memory_space<hbm>>
      %dma_wait3A_214 = arith.constant 0 : i32
      %dma_wait3A_215 = arith.constant 0 : i32
      %dma_wait3A_216 = tpu.memref_slice %arg5[%dma_wait3A_206, %dma_wait3A_214, %dma_wait3A_215] : memref<2x8x3328xi32, #tpu.memory_space<vmem>> -> memref<1x8x3328xi32, #tpu.memory_space<vmem>>
      %dma_wait3A_217 = tpu.memref_squeeze %dma_wait3A_216 : memref<1x8x3328xi32, #tpu.memory_space<vmem>> -> memref<8x3328xi32, #tpu.memory_space<vmem>>
      %dma_wait3A_218 = arith.constant 0 : i32
      %dma_wait3A_219 = arith.constant 0 : i32
      %dma_wait3A_220 = tpu.memref_slice %arg2[%dma_wait3A_218, %dma_wait3A_219] : memref<64x49920xi32, #tpu.memory_space<hbm>> -> memref<8x3328xi32, #tpu.memory_space<hbm>>
      tpu.wait_dma2 semaphore(%arg10 : memref<!tpu.dma_semaphore, #tpu.memory_space<semaphore_mem>>) src(%dma_wait3A_220 : memref<8x3328xi32, #tpu.memory_space<hbm>>) dst(%dma_wait3A_217 : memref<8x3328xi32, #tpu.memory_space<vmem>>)
      %scan3A_221 = arith.constant 0 : i32
      %scan3A_222 = arith.constant 8 : i32
      %scan3A_223 = arith.addi %scan3A_221, %scan3A_222 : i32
      %scan3A_224 = arith.constant 1 : i32
      scf.for %scan3A_226 = %scan3A_221 to %scan3A_223 step %scan3A_224  : i32 {
        %mul3A_227 = arith.constant 1 : i32
        %mul3A_228 = arith.muli %scan3A_226, %mul3A_227 : i32
        %add3A_229 = arith.constant 0 : i32
        %add3A_230 = arith.addi %add3A_229, %mul3A_228 : i32
        %mul3A_231 = arith.constant 4096 : i32
        %mul3A_232 = arith.muli %add3A_230, %mul3A_231 : i32
        %scan3A_233 = arith.constant 0 : i32
        %scan3A_234 = arith.constant 0 : i32
        %scan3A_235 = arith.constant 52 : i32
        %scan3A_236 = arith.addi %scan3A_234, %scan3A_235 : i32
        %scan3A_237 = arith.constant 2 : i32
        scf.for %scan3A_239 = %scan3A_234 to %scan3A_236 step %scan3A_237  : i32 {
          %mul3A_240 = arith.constant 64 : i32
          %mul3A_241 = arith.muli %scan3A_239, %mul3A_240 : i32
          %add3A_242 = arith.constant 0 : i32
          %add3A_243 = arith.addi %mul3A_241, %add3A_242 : i32
          %get3A = arith.constant 1 : i32
          %get3A_244 = arith.index_cast %get3A : i32 to index
          %get3A_245 = arith.index_cast %add3A_230 : i32 to index
          %get3A_246 = arith.index_cast %add3A_243 : i32 to index
          %get3A_247 = tpu.vector_load %arg5[%get3A_244, %get3A_245, %get3A_246] {strides = array<i32>} : memref<2x8x3328xi32, #tpu.memory_space<vmem>>, vector<16xi32>,
          %add3A_248 = arith.constant 16 : i32
          %add3A_249 = arith.addi %mul3A_241, %add3A_248 : i32
          %get3A_250 = arith.constant 1 : i32
          %get3A_251 = arith.index_cast %get3A_250 : i32 to index
          %get3A_252 = arith.index_cast %add3A_230 : i32 to index
          %get3A_253 = arith.index_cast %add3A_249 : i32 to index
          %get3A_254 = tpu.vector_load %arg5[%get3A_251, %get3A_252, %get3A_253] {strides = array<i32>} : memref<2x8x3328xi32, #tpu.memory_space<vmem>>, vector<16xi32>,
          %add3A_255 = arith.constant 32 : i32
          %add3A_256 = arith.addi %mul3A_241, %add3A_255 : i32
          %get3A_257 = arith.constant 1 : i32
          %get3A_258 = arith.index_cast %get3A_257 : i32 to index
          %get3A_259 = arith.index_cast %add3A_230 : i32 to index
          %get3A_260 = arith.index_cast %add3A_256 : i32 to index
          %get3A_261 = tpu.vector_load %arg5[%get3A_258, %get3A_259, %get3A_260] {strides = array<i32>} : memref<2x8x3328xi32, #tpu.memory_space<vmem>>, vector<16xi32>,
          %add3A_262 = arith.constant 48 : i32
          %add3A_263 = arith.addi %mul3A_241, %add3A_262 : i32
          %get3A_264 = arith.constant 1 : i32
          %get3A_265 = arith.index_cast %get3A_264 : i32 to index
          %get3A_266 = arith.index_cast %add3A_230 : i32 to index
          %get3A_267 = arith.index_cast %add3A_263 : i32 to index
          %get3A_268 = tpu.vector_load %arg5[%get3A_265, %get3A_266, %get3A_267] {strides = array<i32>} : memref<2x8x3328xi32, #tpu.memory_space<vmem>>, vector<16xi32>,
          %shift_right_arithmetic3A = arith.constant 16 : i32
          %shift_right_arithmetic3A_269 = vector.broadcast %shift_right_arithmetic3A : i32 to vector<16xi32>
          %shift_right_arithmetic3A_270 = arith.shrsi %get3A_247, %shift_right_arithmetic3A_269 : vector<16xi32>
          %and3A_271 = arith.andi %get3A_247, %broadcast_in_dim3A_42 : vector<16xi32>
          %shift_right_arithmetic3A_272 = arith.constant 16 : i32
          %shift_right_arithmetic3A_273 = vector.broadcast %shift_right_arithmetic3A_272 : i32 to vector<16xi32>
          %shift_right_arithmetic3A_274 = arith.shrsi %get3A_254, %shift_right_arithmetic3A_273 : vector<16xi32>
          %and3A_275 = arith.andi %get3A_254, %broadcast_in_dim3A_42 : vector<16xi32>
          %shift_right_arithmetic3A_276 = arith.constant 16 : i32
          %shift_right_arithmetic3A_277 = vector.broadcast %shift_right_arithmetic3A_276 : i32 to vector<16xi32>
          %shift_right_arithmetic3A_278 = arith.shrsi %get3A_261, %shift_right_arithmetic3A_277 : vector<16xi32>
          %and3A_279 = arith.andi %get3A_261, %broadcast_in_dim3A_42 : vector<16xi32>
          %shift_right_arithmetic3A_280 = arith.constant 16 : i32
          %shift_right_arithmetic3A_281 = vector.broadcast %shift_right_arithmetic3A_280 : i32 to vector<16xi32>
          %shift_right_arithmetic3A_282 = arith.shrsi %get3A_268, %shift_right_arithmetic3A_281 : vector<16xi32>
          %and3A_283 = arith.andi %get3A_268, %broadcast_in_dim3A_42 : vector<16xi32>
          %scatter3A = tpu.memref_slice %arg6[%mul3A_232] : memref<32768xf32, #tpu.memory_space<vmem>> -> memref<4096xf32, #tpu.memory_space<vmem>>
          tpu.vector_store_idx %scatter3A[%shift_right_arithmetic3A_270], %broadcast_in_dim3A_38 {add = true} : memref<4096xf32, #tpu.memory_space<vmem>>[vector<16xi32>], vector<16xf32>,
          %scatter3A_284 = tpu.memref_slice %arg6[%mul3A_232] : memref<32768xf32, #tpu.memory_space<vmem>> -> memref<4096xf32, #tpu.memory_space<vmem>>
          tpu.vector_store_idx %scatter3A_284[%and3A_271], %broadcast_in_dim3A_38 {add = true} : memref<4096xf32, #tpu.memory_space<vmem>>[vector<16xi32>], vector<16xf32>,
          %scatter3A_285 = tpu.memref_slice %arg6[%mul3A_232] : memref<32768xf32, #tpu.memory_space<vmem>> -> memref<4096xf32, #tpu.memory_space<vmem>>
          tpu.vector_store_idx %scatter3A_285[%shift_right_arithmetic3A_274], %broadcast_in_dim3A_38 {add = true} : memref<4096xf32, #tpu.memory_space<vmem>>[vector<16xi32>], vector<16xf32>,
          %scatter3A_286 = tpu.memref_slice %arg6[%mul3A_232] : memref<32768xf32, #tpu.memory_space<vmem>> -> memref<4096xf32, #tpu.memory_space<vmem>>
          tpu.vector_store_idx %scatter3A_286[%and3A_275], %broadcast_in_dim3A_38 {add = true} : memref<4096xf32, #tpu.memory_space<vmem>>[vector<16xi32>], vector<16xf32>,
          %scatter3A_287 = tpu.memref_slice %arg6[%mul3A_232] : memref<32768xf32, #tpu.memory_space<vmem>> -> memref<4096xf32, #tpu.memory_space<vmem>>
          tpu.vector_store_idx %scatter3A_287[%shift_right_arithmetic3A_278], %broadcast_in_dim3A_38 {add = true} : memref<4096xf32, #tpu.memory_space<vmem>>[vector<16xi32>], vector<16xf32>,
          %scatter3A_288 = tpu.memref_slice %arg6[%mul3A_232] : memref<32768xf32, #tpu.memory_space<vmem>> -> memref<4096xf32, #tpu.memory_space<vmem>>
          tpu.vector_store_idx %scatter3A_288[%and3A_279], %broadcast_in_dim3A_38 {add = true} : memref<4096xf32, #tpu.memory_space<vmem>>[vector<16xi32>], vector<16xf32>,
          %scatter3A_289 = tpu.memref_slice %arg6[%mul3A_232] : memref<32768xf32, #tpu.memory_space<vmem>> -> memref<4096xf32, #tpu.memory_space<vmem>>
          tpu.vector_store_idx %scatter3A_289[%shift_right_arithmetic3A_282], %broadcast_in_dim3A_38 {add = true} : memref<4096xf32, #tpu.memory_space<vmem>>[vector<16xi32>], vector<16xf32>,
          %scatter3A_290 = tpu.memref_slice %arg6[%mul3A_232] : memref<32768xf32, #tpu.memory_space<vmem>> -> memref<4096xf32, #tpu.memory_space<vmem>>
          tpu.vector_store_idx %scatter3A_290[%and3A_283], %broadcast_in_dim3A_38 {add = true} : memref<4096xf32, #tpu.memory_space<vmem>>[vector<16xi32>], vector<16xf32>,
          %scan3A_291 = arith.constant 1 : i32
          %scan3A_292 = arith.addi %scan3A_239, %scan3A_291 : i32
          %mul3A_293 = arith.constant 64 : i32
          %mul3A_294 = arith.muli %scan3A_292, %mul3A_293 : i32
          %add3A_295 = arith.constant 0 : i32
          %add3A_296 = arith.addi %mul3A_294, %add3A_295 : i32
          %get3A_297 = arith.constant 1 : i32
          %get3A_298 = arith.index_cast %get3A_297 : i32 to index
          %get3A_299 = arith.index_cast %add3A_230 : i32 to index
          %get3A_300 = arith.index_cast %add3A_296 : i32 to index
          %get3A_301 = tpu.vector_load %arg5[%get3A_298, %get3A_299, %get3A_300] {strides = array<i32>} : memref<2x8x3328xi32, #tpu.memory_space<vmem>>, vector<16xi32>,
          %add3A_302 = arith.constant 16 : i32
          %add3A_303 = arith.addi %mul3A_294, %add3A_302 : i32
          %get3A_304 = arith.constant 1 : i32
          %get3A_305 = arith.index_cast %get3A_304 : i32 to index
          %get3A_306 = arith.index_cast %add3A_230 : i32 to index
          %get3A_307 = arith.index_cast %add3A_303 : i32 to index
          %get3A_308 = tpu.vector_load %arg5[%get3A_305, %get3A_306, %get3A_307] {strides = array<i32>} : memref<2x8x3328xi32, #tpu.memory_space<vmem>>, vector<16xi32>,
          %add3A_309 = arith.constant 32 : i32
          %add3A_310 = arith.addi %mul3A_294, %add3A_309 : i32
          %get3A_311 = arith.constant 1 : i32
          %get3A_312 = arith.index_cast %get3A_311 : i32 to index
          %get3A_313 = arith.index_cast %add3A_230 : i32 to index
          %get3A_314 = arith.index_cast %add3A_310 : i32 to index
          %get3A_315 = tpu.vector_load %arg5[%get3A_312, %get3A_313, %get3A_314] {strides = array<i32>} : memref<2x8x3328xi32, #tpu.memory_space<vmem>>, vector<16xi32>,
          %add3A_316 = arith.constant 48 : i32
          %add3A_317 = arith.addi %mul3A_294, %add3A_316 : i32
          %get3A_318 = arith.constant 1 : i32
          %get3A_319 = arith.index_cast %get3A_318 : i32 to index
          %get3A_320 = arith.index_cast %add3A_230 : i32 to index
          %get3A_321 = arith.index_cast %add3A_317 : i32 to index
          %get3A_322 = tpu.vector_load %arg5[%get3A_319, %get3A_320, %get3A_321] {strides = array<i32>} : memref<2x8x3328xi32, #tpu.memory_space<vmem>>, vector<16xi32>,
          %shift_right_arithmetic3A_323 = arith.constant 16 : i32
          %shift_right_arithmetic3A_324 = vector.broadcast %shift_right_arithmetic3A_323 : i32 to vector<16xi32>
          %shift_right_arithmetic3A_325 = arith.shrsi %get3A_301, %shift_right_arithmetic3A_324 : vector<16xi32>
          %and3A_326 = arith.andi %get3A_301, %broadcast_in_dim3A_42 : vector<16xi32>
          %shift_right_arithmetic3A_327 = arith.constant 16 : i32
          %shift_right_arithmetic3A_328 = vector.broadcast %shift_right_arithmetic3A_327 : i32 to vector<16xi32>
          %shift_right_arithmetic3A_329 = arith.shrsi %get3A_308, %shift_right_arithmetic3A_328 : vector<16xi32>
          %and3A_330 = arith.andi %get3A_308, %broadcast_in_dim3A_42 : vector<16xi32>
          %shift_right_arithmetic3A_331 = arith.constant 16 : i32
          %shift_right_arithmetic3A_332 = vector.broadcast %shift_right_arithmetic3A_331 : i32 to vector<16xi32>
          %shift_right_arithmetic3A_333 = arith.shrsi %get3A_315, %shift_right_arithmetic3A_332 : vector<16xi32>
          %and3A_334 = arith.andi %get3A_315, %broadcast_in_dim3A_42 : vector<16xi32>
          %shift_right_arithmetic3A_335 = arith.constant 16 : i32
          %shift_right_arithmetic3A_336 = vector.broadcast %shift_right_arithmetic3A_335 : i32 to vector<16xi32>
          %shift_right_arithmetic3A_337 = arith.shrsi %get3A_322, %shift_right_arithmetic3A_336 : vector<16xi32>
          %and3A_338 = arith.andi %get3A_322, %broadcast_in_dim3A_42 : vector<16xi32>
          %scatter3A_339 = tpu.memref_slice %arg6[%mul3A_232] : memref<32768xf32, #tpu.memory_space<vmem>> -> memref<4096xf32, #tpu.memory_space<vmem>>
          tpu.vector_store_idx %scatter3A_339[%shift_right_arithmetic3A_325], %broadcast_in_dim3A_38 {add = true} : memref<4096xf32, #tpu.memory_space<vmem>>[vector<16xi32>], vector<16xf32>,
          %scatter3A_340 = tpu.memref_slice %arg6[%mul3A_232] : memref<32768xf32, #tpu.memory_space<vmem>> -> memref<4096xf32, #tpu.memory_space<vmem>>
          tpu.vector_store_idx %scatter3A_340[%and3A_326], %broadcast_in_dim3A_38 {add = true} : memref<4096xf32, #tpu.memory_space<vmem>>[vector<16xi32>], vector<16xf32>,
          %scatter3A_341 = tpu.memref_slice %arg6[%mul3A_232] : memref<32768xf32, #tpu.memory_space<vmem>> -> memref<4096xf32, #tpu.memory_space<vmem>>
          tpu.vector_store_idx %scatter3A_341[%shift_right_arithmetic3A_329], %broadcast_in_dim3A_38 {add = true} : memref<4096xf32, #tpu.memory_space<vmem>>[vector<16xi32>], vector<16xf32>,
          %scatter3A_342 = tpu.memref_slice %arg6[%mul3A_232] : memref<32768xf32, #tpu.memory_space<vmem>> -> memref<4096xf32, #tpu.memory_space<vmem>>
          tpu.vector_store_idx %scatter3A_342[%and3A_330], %broadcast_in_dim3A_38 {add = true} : memref<4096xf32, #tpu.memory_space<vmem>>[vector<16xi32>], vector<16xf32>,
          %scatter3A_343 = tpu.memref_slice %arg6[%mul3A_232] : memref<32768xf32, #tpu.memory_space<vmem>> -> memref<4096xf32, #tpu.memory_space<vmem>>
          tpu.vector_store_idx %scatter3A_343[%shift_right_arithmetic3A_333], %broadcast_in_dim3A_38 {add = true} : memref<4096xf32, #tpu.memory_space<vmem>>[vector<16xi32>], vector<16xf32>,
          %scatter3A_344 = tpu.memref_slice %arg6[%mul3A_232] : memref<32768xf32, #tpu.memory_space<vmem>> -> memref<4096xf32, #tpu.memory_space<vmem>>
          tpu.vector_store_idx %scatter3A_344[%and3A_334], %broadcast_in_dim3A_38 {add = true} : memref<4096xf32, #tpu.memory_space<vmem>>[vector<16xi32>], vector<16xf32>,
          %scatter3A_345 = tpu.memref_slice %arg6[%mul3A_232] : memref<32768xf32, #tpu.memory_space<vmem>> -> memref<4096xf32, #tpu.memory_space<vmem>>
          tpu.vector_store_idx %scatter3A_345[%shift_right_arithmetic3A_337], %broadcast_in_dim3A_38 {add = true} : memref<4096xf32, #tpu.memory_space<vmem>>[vector<16xi32>], vector<16xf32>,
          %scatter3A_346 = tpu.memref_slice %arg6[%mul3A_232] : memref<32768xf32, #tpu.memory_space<vmem>> -> memref<4096xf32, #tpu.memory_space<vmem>>
          tpu.vector_store_idx %scatter3A_346[%and3A_338], %broadcast_in_dim3A_38 {add = true} : memref<4096xf32, #tpu.memory_space<vmem>>[vector<16xi32>], vector<16xf32>,
        }
        %scan3A_238 = arith.constant 52 : i32
      }
      %scan3A_225 = arith.constant 8 : i32
    }
    %while3A_92 = arith.constant 1 : i32
    scf.for %while3A_157 = %while3A_90 to %while3A_86 step %while3A_92  : i32 {
      %mul3A_158 = arith.constant 2 : i32
      %mul3A_159 = arith.muli %mul3A_158, %while3A_157 : i32
      %add3A_160 = arith.constant 1 : i32
      %add3A_161 = arith.addi %mul3A_159, %add3A_160 : i32
      %mul3A_162 = arith.constant 4 : i32
      %mul3A_163 = arith.muli %mul3A_162, %add3A_161 : i32
      %add3A_164 = arith.addi %select_n3A_30, %mul3A_163 : i32
      %mul3A_165 = arith.constant 3328 : i32
      %mul3A_166 = arith.muli %add3A_164, %mul3A_165 : i32
      %multiple_of3A_167 = tpu.assume_multiple %mul3A_166, 128 : i32
      %dma_start3A_168 = arith.constant 1 : i32
      %dma_start3A_169 = arith.constant 0 : i32
      %dma_start3A_170 = arith.constant 0 : i32
      %dma_start3A_171 = tpu.memref_slice %arg5[%dma_start3A_168, %dma_start3A_169, %dma_start3A_170] : memref<2x8x3328xi32, #tpu.memory_space<vmem>> -> memref<1x8x3328xi32, #tpu.memory_space<vmem>>
      %dma_start3A_172 = tpu.memref_squeeze %dma_start3A_171 : memref<1x8x3328xi32, #tpu.memory_space<vmem>> -> memref<8x3328xi32, #tpu.memory_space<vmem>>
      %dma_start3A_173 = tpu.memref_slice %arg2[%multiple_of3A, %multiple_of3A_167] : memref<64x49920xi32, #tpu.memory_space<hbm>> -> memref<8x3328xi32, #tpu.memory_space<hbm>>
      %dma_start3A_174 = arith.constant 0 : i32
      %dma_start3A_175 = arith.constant 0 : i32
      %dma_start3A_176 = tpu.memref_slice %arg5[%dma_start3A_168, %dma_start3A_174, %dma_start3A_175] : memref<2x8x3328xi32, #tpu.memory_space<vmem>> -> memref<1x8x3328xi32, #tpu.memory_space<vmem>>
      %dma_start3A_177 = tpu.memref_squeeze %dma_start3A_176 : memref<1x8x3328xi32, #tpu.memory_space<vmem>> -> memref<8x3328xi32, #tpu.memory_space<vmem>>
      %dma_start3A_178 = tpu.memref_slice %arg2[%multiple_of3A, %multiple_of3A_167] : memref<64x49920xi32, #tpu.memory_space<hbm>> -> memref<8x3328xi32, #tpu.memory_space<hbm>>
      tpu.enqueue_dma source(%dma_start3A_178 : memref<8x3328xi32, #tpu.memory_space<hbm>>) target(%dma_start3A_177 : memref<8x3328xi32, #tpu.memory_space<vmem>>) target_semaphore(%arg10 : memref<!tpu.dma_semaphore, #tpu.memory_space<semaphore_mem>>)
      %dma_wait3A = arith.constant 0 : i32
      %dma_wait3A_179 = arith.constant 0 : i32
      %dma_wait3A_180 = arith.constant 0 : i32
      %dma_wait3A_181 = tpu.memref_slice %arg5[%dma_wait3A, %dma_wait3A_179, %dma_wait3A_180] : memref<2x8x3328xi32, #tpu.memory_space<vmem>> -> memref<1x8x3328xi32, #tpu.memory_space<vmem>>
      %dma_wait3A_182 = tpu.memref_squeeze %dma_wait3A_181 : memref<1x8x3328xi32, #tpu.memory_space<vmem>> -> memref<8x3328xi32, #tpu.memory_space<vmem>>
      %dma_wait3A_183 = arith.constant 0 : i32
      %dma_wait3A_184 = arith.constant 0 : i32
      %dma_wait3A_185 = tpu.memref_slice %arg2[%dma_wait3A_183, %dma_wait3A_184] : memref<64x49920xi32, #tpu.memory_space<hbm>> -> memref<8x3328xi32, #tpu.memory_space<hbm>>
      %dma_wait3A_186 = arith.constant 0 : i32
      %dma_wait3A_187 = arith.constant 0 : i32
      %dma_wait3A_188 = tpu.memref_slice %arg5[%dma_wait3A, %dma_wait3A_186, %dma_wait3A_187] : memref<2x8x3328xi32, #tpu.memory_space<vmem>> -> memref<1x8x3328xi32, #tpu.memory_space<vmem>>
      %dma_wait3A_189 = tpu.memref_squeeze %dma_wait3A_188 : memref<1x8x3328xi32, #tpu.memory_space<vmem>> -> memref<8x3328xi32, #tpu.memory_space<vmem>>
      %dma_wait3A_190 = arith.constant 0 : i32
      %dma_wait3A_191 = arith.constant 0 : i32
      %dma_wait3A_192 = tpu.memref_slice %arg2[%dma_wait3A_190, %dma_wait3A_191] : memref<64x49920xi32, #tpu.memory_space<hbm>> -> memref<8x3328xi32, #tpu.memory_space<hbm>>
      tpu.wait_dma2 semaphore(%arg9 : memref<!tpu.dma_semaphore, #tpu.memory_space<semaphore_mem>>) src(%dma_wait3A_192 : memref<8x3328xi32, #tpu.memory_space<hbm>>) dst(%dma_wait3A_189 : memref<8x3328xi32, #tpu.memory_space<vmem>>)
      %scan3A_193 = arith.constant 0 : i32
      %scan3A_194 = arith.constant 8 : i32
      %scan3A_195 = arith.addi %scan3A_193, %scan3A_194 : i32
      %scan3A_196 = arith.constant 1 : i32
      scf.for %scan3A_226 = %scan3A_193 to %scan3A_195 step %scan3A_196  : i32 {
        %mul3A_227 = arith.constant 1 : i32
        %mul3A_228 = arith.muli %scan3A_226, %mul3A_227 : i32
        %add3A_229 = arith.constant 0 : i32
        %add3A_230 = arith.addi %add3A_229, %mul3A_228 : i32
        %mul3A_231 = arith.constant 4096 : i32
        %mul3A_232 = arith.muli %add3A_230, %mul3A_231 : i32
        %scan3A_233 = arith.constant 0 : i32
        %scan3A_234 = arith.constant 0 : i32
        %scan3A_235 = arith.constant 52 : i32
        %scan3A_236 = arith.addi %scan3A_234, %scan3A_235 : i32
        %scan3A_237 = arith.constant 2 : i32
        scf.for %scan3A_239 = %scan3A_234 to %scan3A_236 step %scan3A_237  : i32 {
          %mul3A_240 = arith.constant 64 : i32
          %mul3A_241 = arith.muli %scan3A_239, %mul3A_240 : i32
          %add3A_242 = arith.constant 0 : i32
          %add3A_243 = arith.addi %mul3A_241, %add3A_242 : i32
          %get3A = arith.constant 0 : i32
          %get3A_244 = arith.index_cast %get3A : i32 to index
          %get3A_245 = arith.index_cast %add3A_230 : i32 to index
          %get3A_246 = arith.index_cast %add3A_243 : i32 to index
          %get3A_247 = tpu.vector_load %arg5[%get3A_244, %get3A_245, %get3A_246] {strides = array<i32>} : memref<2x8x3328xi32, #tpu.memory_space<vmem>>, vector<16xi32>,
          %add3A_248 = arith.constant 16 : i32
          %add3A_249 = arith.addi %mul3A_241, %add3A_248 : i32
          %get3A_250 = arith.constant 0 : i32
          %get3A_251 = arith.index_cast %get3A_250 : i32 to index
          %get3A_252 = arith.index_cast %add3A_230 : i32 to index
          %get3A_253 = arith.index_cast %add3A_249 : i32 to index
          %get3A_254 = tpu.vector_load %arg5[%get3A_251, %get3A_252, %get3A_253] {strides = array<i32>} : memref<2x8x3328xi32, #tpu.memory_space<vmem>>, vector<16xi32>,
          %add3A_255 = arith.constant 32 : i32
          %add3A_256 = arith.addi %mul3A_241, %add3A_255 : i32
          %get3A_257 = arith.constant 0 : i32
          %get3A_258 = arith.index_cast %get3A_257 : i32 to index
          %get3A_259 = arith.index_cast %add3A_230 : i32 to index
          %get3A_260 = arith.index_cast %add3A_256 : i32 to index
          %get3A_261 = tpu.vector_load %arg5[%get3A_258, %get3A_259, %get3A_260] {strides = array<i32>} : memref<2x8x3328xi32, #tpu.memory_space<vmem>>, vector<16xi32>,
          %add3A_262 = arith.constant 48 : i32
          %add3A_263 = arith.addi %mul3A_241, %add3A_262 : i32
          %get3A_264 = arith.constant 0 : i32
          %get3A_265 = arith.index_cast %get3A_264 : i32 to index
          %get3A_266 = arith.index_cast %add3A_230 : i32 to index
          %get3A_267 = arith.index_cast %add3A_263 : i32 to index
          %get3A_268 = tpu.vector_load %arg5[%get3A_265, %get3A_266, %get3A_267] {strides = array<i32>} : memref<2x8x3328xi32, #tpu.memory_space<vmem>>, vector<16xi32>,
          %shift_right_arithmetic3A = arith.constant 16 : i32
          %shift_right_arithmetic3A_269 = vector.broadcast %shift_right_arithmetic3A : i32 to vector<16xi32>
          %shift_right_arithmetic3A_270 = arith.shrsi %get3A_247, %shift_right_arithmetic3A_269 : vector<16xi32>
          %and3A_271 = arith.andi %get3A_247, %broadcast_in_dim3A_42 : vector<16xi32>
          %shift_right_arithmetic3A_272 = arith.constant 16 : i32
          %shift_right_arithmetic3A_273 = vector.broadcast %shift_right_arithmetic3A_272 : i32 to vector<16xi32>
          %shift_right_arithmetic3A_274 = arith.shrsi %get3A_254, %shift_right_arithmetic3A_273 : vector<16xi32>
          %and3A_275 = arith.andi %get3A_254, %broadcast_in_dim3A_42 : vector<16xi32>
          %shift_right_arithmetic3A_276 = arith.constant 16 : i32
          %shift_right_arithmetic3A_277 = vector.broadcast %shift_right_arithmetic3A_276 : i32 to vector<16xi32>
          %shift_right_arithmetic3A_278 = arith.shrsi %get3A_261, %shift_right_arithmetic3A_277 : vector<16xi32>
          %and3A_279 = arith.andi %get3A_261, %broadcast_in_dim3A_42 : vector<16xi32>
          %shift_right_arithmetic3A_280 = arith.constant 16 : i32
          %shift_right_arithmetic3A_281 = vector.broadcast %shift_right_arithmetic3A_280 : i32 to vector<16xi32>
          %shift_right_arithmetic3A_282 = arith.shrsi %get3A_268, %shift_right_arithmetic3A_281 : vector<16xi32>
          %and3A_283 = arith.andi %get3A_268, %broadcast_in_dim3A_42 : vector<16xi32>
          %scatter3A = tpu.memref_slice %arg6[%mul3A_232] : memref<32768xf32, #tpu.memory_space<vmem>> -> memref<4096xf32, #tpu.memory_space<vmem>>
          tpu.vector_store_idx %scatter3A[%shift_right_arithmetic3A_270], %broadcast_in_dim3A_38 {add = true} : memref<4096xf32, #tpu.memory_space<vmem>>[vector<16xi32>], vector<16xf32>,
          %scatter3A_284 = tpu.memref_slice %arg6[%mul3A_232] : memref<32768xf32, #tpu.memory_space<vmem>> -> memref<4096xf32, #tpu.memory_space<vmem>>
          tpu.vector_store_idx %scatter3A_284[%and3A_271], %broadcast_in_dim3A_38 {add = true} : memref<4096xf32, #tpu.memory_space<vmem>>[vector<16xi32>], vector<16xf32>,
          %scatter3A_285 = tpu.memref_slice %arg6[%mul3A_232] : memref<32768xf32, #tpu.memory_space<vmem>> -> memref<4096xf32, #tpu.memory_space<vmem>>
          tpu.vector_store_idx %scatter3A_285[%shift_right_arithmetic3A_274], %broadcast_in_dim3A_38 {add = true} : memref<4096xf32, #tpu.memory_space<vmem>>[vector<16xi32>], vector<16xf32>,
          %scatter3A_286 = tpu.memref_slice %arg6[%mul3A_232] : memref<32768xf32, #tpu.memory_space<vmem>> -> memref<4096xf32, #tpu.memory_space<vmem>>
          tpu.vector_store_idx %scatter3A_286[%and3A_275], %broadcast_in_dim3A_38 {add = true} : memref<4096xf32, #tpu.memory_space<vmem>>[vector<16xi32>], vector<16xf32>,
          %scatter3A_287 = tpu.memref_slice %arg6[%mul3A_232] : memref<32768xf32, #tpu.memory_space<vmem>> -> memref<4096xf32, #tpu.memory_space<vmem>>
          tpu.vector_store_idx %scatter3A_287[%shift_right_arithmetic3A_278], %broadcast_in_dim3A_38 {add = true} : memref<4096xf32, #tpu.memory_space<vmem>>[vector<16xi32>], vector<16xf32>,
          %scatter3A_288 = tpu.memref_slice %arg6[%mul3A_232] : memref<32768xf32, #tpu.memory_space<vmem>> -> memref<4096xf32, #tpu.memory_space<vmem>>
          tpu.vector_store_idx %scatter3A_288[%and3A_279], %broadcast_in_dim3A_38 {add = true} : memref<4096xf32, #tpu.memory_space<vmem>>[vector<16xi32>], vector<16xf32>,
          %scatter3A_289 = tpu.memref_slice %arg6[%mul3A_232] : memref<32768xf32, #tpu.memory_space<vmem>> -> memref<4096xf32, #tpu.memory_space<vmem>>
          tpu.vector_store_idx %scatter3A_289[%shift_right_arithmetic3A_282], %broadcast_in_dim3A_38 {add = true} : memref<4096xf32, #tpu.memory_space<vmem>>[vector<16xi32>], vector<16xf32>,
          %scatter3A_290 = tpu.memref_slice %arg6[%mul3A_232] : memref<32768xf32, #tpu.memory_space<vmem>> -> memref<4096xf32, #tpu.memory_space<vmem>>
          tpu.vector_store_idx %scatter3A_290[%and3A_283], %broadcast_in_dim3A_38 {add = true} : memref<4096xf32, #tpu.memory_space<vmem>>[vector<16xi32>], vector<16xf32>,
          %scan3A_291 = arith.constant 1 : i32
          %scan3A_292 = arith.addi %scan3A_239, %scan3A_291 : i32
          %mul3A_293 = arith.constant 64 : i32
          %mul3A_294 = arith.muli %scan3A_292, %mul3A_293 : i32
          %add3A_295 = arith.constant 0 : i32
          %add3A_296 = arith.addi %mul3A_294, %add3A_295 : i32
          %get3A_297 = arith.constant 0 : i32
          %get3A_298 = arith.index_cast %get3A_297 : i32 to index
          %get3A_299 = arith.index_cast %add3A_230 : i32 to index
          %get3A_300 = arith.index_cast %add3A_296 : i32 to index
          %get3A_301 = tpu.vector_load %arg5[%get3A_298, %get3A_299, %get3A_300] {strides = array<i32>} : memref<2x8x3328xi32, #tpu.memory_space<vmem>>, vector<16xi32>,
          %add3A_302 = arith.constant 16 : i32
          %add3A_303 = arith.addi %mul3A_294, %add3A_302 : i32
          %get3A_304 = arith.constant 0 : i32
          %get3A_305 = arith.index_cast %get3A_304 : i32 to index
          %get3A_306 = arith.index_cast %add3A_230 : i32 to index
          %get3A_307 = arith.index_cast %add3A_303 : i32 to index
          %get3A_308 = tpu.vector_load %arg5[%get3A_305, %get3A_306, %get3A_307] {strides = array<i32>} : memref<2x8x3328xi32, #tpu.memory_space<vmem>>, vector<16xi32>,
          %add3A_309 = arith.constant 32 : i32
          %add3A_310 = arith.addi %mul3A_294, %add3A_309 : i32
          %get3A_311 = arith.constant 0 : i32
          %get3A_312 = arith.index_cast %get3A_311 : i32 to index
          %get3A_313 = arith.index_cast %add3A_230 : i32 to index
          %get3A_314 = arith.index_cast %add3A_310 : i32 to index
          %get3A_315 = tpu.vector_load %arg5[%get3A_312, %get3A_313, %get3A_314] {strides = array<i32>} : memref<2x8x3328xi32, #tpu.memory_space<vmem>>, vector<16xi32>,
          %add3A_316 = arith.constant 48 : i32
          %add3A_317 = arith.addi %mul3A_294, %add3A_316 : i32
          %get3A_318 = arith.constant 0 : i32
          %get3A_319 = arith.index_cast %get3A_318 : i32 to index
          %get3A_320 = arith.index_cast %add3A_230 : i32 to index
          %get3A_321 = arith.index_cast %add3A_317 : i32 to index
          %get3A_322 = tpu.vector_load %arg5[%get3A_319, %get3A_320, %get3A_321] {strides = array<i32>} : memref<2x8x3328xi32, #tpu.memory_space<vmem>>, vector<16xi32>,
          %shift_right_arithmetic3A_323 = arith.constant 16 : i32
          %shift_right_arithmetic3A_324 = vector.broadcast %shift_right_arithmetic3A_323 : i32 to vector<16xi32>
          %shift_right_arithmetic3A_325 = arith.shrsi %get3A_301, %shift_right_arithmetic3A_324 : vector<16xi32>
          %and3A_326 = arith.andi %get3A_301, %broadcast_in_dim3A_42 : vector<16xi32>
          %shift_right_arithmetic3A_327 = arith.constant 16 : i32
          %shift_right_arithmetic3A_328 = vector.broadcast %shift_right_arithmetic3A_327 : i32 to vector<16xi32>
          %shift_right_arithmetic3A_329 = arith.shrsi %get3A_308, %shift_right_arithmetic3A_328 : vector<16xi32>
          %and3A_330 = arith.andi %get3A_308, %broadcast_in_dim3A_42 : vector<16xi32>
          %shift_right_arithmetic3A_331 = arith.constant 16 : i32
          %shift_right_arithmetic3A_332 = vector.broadcast %shift_right_arithmetic3A_331 : i32 to vector<16xi32>
          %shift_right_arithmetic3A_333 = arith.shrsi %get3A_315, %shift_right_arithmetic3A_332 : vector<16xi32>
          %and3A_334 = arith.andi %get3A_315, %broadcast_in_dim3A_42 : vector<16xi32>
          %shift_right_arithmetic3A_335 = arith.constant 16 : i32
          %shift_right_arithmetic3A_336 = vector.broadcast %shift_right_arithmetic3A_335 : i32 to vector<16xi32>
          %shift_right_arithmetic3A_337 = arith.shrsi %get3A_322, %shift_right_arithmetic3A_336 : vector<16xi32>
          %and3A_338 = arith.andi %get3A_322, %broadcast_in_dim3A_42 : vector<16xi32>
          %scatter3A_339 = tpu.memref_slice %arg6[%mul3A_232] : memref<32768xf32, #tpu.memory_space<vmem>> -> memref<4096xf32, #tpu.memory_space<vmem>>
          tpu.vector_store_idx %scatter3A_339[%shift_right_arithmetic3A_325], %broadcast_in_dim3A_38 {add = true} : memref<4096xf32, #tpu.memory_space<vmem>>[vector<16xi32>], vector<16xf32>,
          %scatter3A_340 = tpu.memref_slice %arg6[%mul3A_232] : memref<32768xf32, #tpu.memory_space<vmem>> -> memref<4096xf32, #tpu.memory_space<vmem>>
          tpu.vector_store_idx %scatter3A_340[%and3A_326], %broadcast_in_dim3A_38 {add = true} : memref<4096xf32, #tpu.memory_space<vmem>>[vector<16xi32>], vector<16xf32>,
          %scatter3A_341 = tpu.memref_slice %arg6[%mul3A_232] : memref<32768xf32, #tpu.memory_space<vmem>> -> memref<4096xf32, #tpu.memory_space<vmem>>
          tpu.vector_store_idx %scatter3A_341[%shift_right_arithmetic3A_329], %broadcast_in_dim3A_38 {add = true} : memref<4096xf32, #tpu.memory_space<vmem>>[vector<16xi32>], vector<16xf32>,
          %scatter3A_342 = tpu.memref_slice %arg6[%mul3A_232] : memref<32768xf32, #tpu.memory_space<vmem>> -> memref<4096xf32, #tpu.memory_space<vmem>>
          tpu.vector_store_idx %scatter3A_342[%and3A_330], %broadcast_in_dim3A_38 {add = true} : memref<4096xf32, #tpu.memory_space<vmem>>[vector<16xi32>], vector<16xf32>,
          %scatter3A_343 = tpu.memref_slice %arg6[%mul3A_232] : memref<32768xf32, #tpu.memory_space<vmem>> -> memref<4096xf32, #tpu.memory_space<vmem>>
          tpu.vector_store_idx %scatter3A_343[%shift_right_arithmetic3A_333], %broadcast_in_dim3A_38 {add = true} : memref<4096xf32, #tpu.memory_space<vmem>>[vector<16xi32>], vector<16xf32>,
          %scatter3A_344 = tpu.memref_slice %arg6[%mul3A_232] : memref<32768xf32, #tpu.memory_space<vmem>> -> memref<4096xf32, #tpu.memory_space<vmem>>
          tpu.vector_store_idx %scatter3A_344[%and3A_334], %broadcast_in_dim3A_38 {add = true} : memref<4096xf32, #tpu.memory_space<vmem>>[vector<16xi32>], vector<16xf32>,
          %scatter3A_345 = tpu.memref_slice %arg6[%mul3A_232] : memref<32768xf32, #tpu.memory_space<vmem>> -> memref<4096xf32, #tpu.memory_space<vmem>>
          tpu.vector_store_idx %scatter3A_345[%shift_right_arithmetic3A_337], %broadcast_in_dim3A_38 {add = true} : memref<4096xf32, #tpu.memory_space<vmem>>[vector<16xi32>], vector<16xf32>,
          %scatter3A_346 = tpu.memref_slice %arg6[%mul3A_232] : memref<32768xf32, #tpu.memory_space<vmem>> -> memref<4096xf32, #tpu.memory_space<vmem>>
          tpu.vector_store_idx %scatter3A_346[%and3A_338], %broadcast_in_dim3A_38 {add = true} : memref<4096xf32, #tpu.memory_space<vmem>>[vector<16xi32>], vector<16xf32>,
        }
        %scan3A_238 = arith.constant 52 : i32
      }
      %scan3A_197 = arith.constant 8 : i32
      %mul3A_198 = arith.constant 2 : i32
      %mul3A_199 = arith.muli %mul3A_198, %while3A_157 : i32
      %add3A_200 = arith.constant 2 : i32
      %add3A_201 = arith.addi %mul3A_199, %add3A_200 : i32
      %lt3A_202 = arith.cmpi slt, %add3A_201, %select_n3A_35 : i32
      %convert_element_type3A_203 = arith.extui %lt3A_202 : i1 to i32
      %cond3A_204 = arith.constant 0 : i32
      %cond3A_205 = arith.cmpi ne, %convert_element_type3A_203, %cond3A_204 : i32
      scf.if %cond3A_205 {
        %mul3A_226 = arith.constant 2 : i32
        %mul3A_227 = arith.muli %mul3A_226, %while3A_157 : i32
        %add3A_228 = arith.constant 2 : i32
        %add3A_229 = arith.addi %mul3A_227, %add3A_228 : i32
        %mul3A_230 = arith.constant 4 : i32
        %mul3A_231 = arith.muli %mul3A_230, %add3A_229 : i32
        %add3A_232 = arith.addi %select_n3A_30, %mul3A_231 : i32
        %mul3A_233 = arith.constant 3328 : i32
        %mul3A_234 = arith.muli %add3A_232, %mul3A_233 : i32
        %multiple_of3A_235 = tpu.assume_multiple %mul3A_234, 128 : i32
        %dma_start3A_236 = arith.constant 0 : i32
        %dma_start3A_237 = arith.constant 0 : i32
        %dma_start3A_238 = arith.constant 0 : i32
        %dma_start3A_239 = tpu.memref_slice %arg5[%dma_start3A_236, %dma_start3A_237, %dma_start3A_238] : memref<2x8x3328xi32, #tpu.memory_space<vmem>> -> memref<1x8x3328xi32, #tpu.memory_space<vmem>>
        %dma_start3A_240 = tpu.memref_squeeze %dma_start3A_239 : memref<1x8x3328xi32, #tpu.memory_space<vmem>> -> memref<8x3328xi32, #tpu.memory_space<vmem>>
        %dma_start3A_241 = tpu.memref_slice %arg2[%multiple_of3A, %multiple_of3A_235] : memref<64x49920xi32, #tpu.memory_space<hbm>> -> memref<8x3328xi32, #tpu.memory_space<hbm>>
        %dma_start3A_242 = arith.constant 0 : i32
        %dma_start3A_243 = arith.constant 0 : i32
        %dma_start3A_244 = tpu.memref_slice %arg5[%dma_start3A_236, %dma_start3A_242, %dma_start3A_243] : memref<2x8x3328xi32, #tpu.memory_space<vmem>> -> memref<1x8x3328xi32, #tpu.memory_space<vmem>>
        %dma_start3A_245 = tpu.memref_squeeze %dma_start3A_244 : memref<1x8x3328xi32, #tpu.memory_space<vmem>> -> memref<8x3328xi32, #tpu.memory_space<vmem>>
        %dma_start3A_246 = tpu.memref_slice %arg2[%multiple_of3A, %multiple_of3A_235] : memref<64x49920xi32, #tpu.memory_space<hbm>> -> memref<8x3328xi32, #tpu.memory_space<hbm>>
        tpu.enqueue_dma source(%dma_start3A_246 : memref<8x3328xi32, #tpu.memory_space<hbm>>) target(%dma_start3A_245 : memref<8x3328xi32, #tpu.memory_space<vmem>>) target_semaphore(%arg9 : memref<!tpu.dma_semaphore, #tpu.memory_space<semaphore_mem>>)
      } else {
      }
      %dma_wait3A_206 = arith.constant 1 : i32
      %dma_wait3A_207 = arith.constant 0 : i32
      %dma_wait3A_208 = arith.constant 0 : i32
      %dma_wait3A_209 = tpu.memref_slice %arg5[%dma_wait3A_206, %dma_wait3A_207, %dma_wait3A_208] : memref<2x8x3328xi32, #tpu.memory_space<vmem>> -> memref<1x8x3328xi32, #tpu.memory_space<vmem>>
      %dma_wait3A_210 = tpu.memref_squeeze %dma_wait3A_209 : memref<1x8x3328xi32, #tpu.memory_space<vmem>> -> memref<8x3328xi32, #tpu.memory_space<vmem>>
      %dma_wait3A_211 = arith.constant 0 : i32
      %dma_wait3A_212 = arith.constant 0 : i32
      %dma_wait3A_213 = tpu.memref_slice %arg2[%dma_wait3A_211, %dma_wait3A_212] : memref<64x49920xi32, #tpu.memory_space<hbm>> -> memref<8x3328xi32, #tpu.memory_space<hbm>>
      %dma_wait3A_214 = arith.constant 0 : i32
      %dma_wait3A_215 = arith.constant 0 : i32
      %dma_wait3A_216 = tpu.memref_slice %arg5[%dma_wait3A_206, %dma_wait3A_214, %dma_wait3A_215] : memref<2x8x3328xi32, #tpu.memory_space<vmem>> -> memref<1x8x3328xi32, #tpu.memory_space<vmem>>
      %dma_wait3A_217 = tpu.memref_squeeze %dma_wait3A_216 : memref<1x8x3328xi32, #tpu.memory_space<vmem>> -> memref<8x3328xi32, #tpu.memory_space<vmem>>
      %dma_wait3A_218 = arith.constant 0 : i32
      %dma_wait3A_219 = arith.constant 0 : i32
      %dma_wait3A_220 = tpu.memref_slice %arg2[%dma_wait3A_218, %dma_wait3A_219] : memref<64x49920xi32, #tpu.memory_space<hbm>> -> memref<8x3328xi32, #tpu.memory_space<hbm>>
      tpu.wait_dma2 semaphore(%arg10 : memref<!tpu.dma_semaphore, #tpu.memory_space<semaphore_mem>>) src(%dma_wait3A_220 : memref<8x3328xi32, #tpu.memory_space<hbm>>) dst(%dma_wait3A_217 : memref<8x3328xi32, #tpu.memory_space<vmem>>)
      %scan3A_221 = arith.constant 0 : i32
      %scan3A_222 = arith.constant 8 : i32
      %scan3A_223 = arith.addi %scan3A_221, %scan3A_222 : i32
      %scan3A_224 = arith.constant 1 : i32
      scf.for %scan3A_226 = %scan3A_221 to %scan3A_223 step %scan3A_224  : i32 {
        %mul3A_227 = arith.constant 1 : i32
        %mul3A_228 = arith.muli %scan3A_226, %mul3A_227 : i32
        %add3A_229 = arith.constant 0 : i32
        %add3A_230 = arith.addi %add3A_229, %mul3A_228 : i32
        %mul3A_231 = arith.constant 4096 : i32
        %mul3A_232 = arith.muli %add3A_230, %mul3A_231 : i32
        %scan3A_233 = arith.constant 0 : i32
        %scan3A_234 = arith.constant 0 : i32
        %scan3A_235 = arith.constant 52 : i32
        %scan3A_236 = arith.addi %scan3A_234, %scan3A_235 : i32
        %scan3A_237 = arith.constant 2 : i32
        scf.for %scan3A_239 = %scan3A_234 to %scan3A_236 step %scan3A_237  : i32 {
          %mul3A_240 = arith.constant 64 : i32
          %mul3A_241 = arith.muli %scan3A_239, %mul3A_240 : i32
          %add3A_242 = arith.constant 0 : i32
          %add3A_243 = arith.addi %mul3A_241, %add3A_242 : i32
          %get3A = arith.constant 1 : i32
          %get3A_244 = arith.index_cast %get3A : i32 to index
          %get3A_245 = arith.index_cast %add3A_230 : i32 to index
          %get3A_246 = arith.index_cast %add3A_243 : i32 to index
          %get3A_247 = tpu.vector_load %arg5[%get3A_244, %get3A_245, %get3A_246] {strides = array<i32>} : memref<2x8x3328xi32, #tpu.memory_space<vmem>>, vector<16xi32>,
          %add3A_248 = arith.constant 16 : i32
          %add3A_249 = arith.addi %mul3A_241, %add3A_248 : i32
          %get3A_250 = arith.constant 1 : i32
          %get3A_251 = arith.index_cast %get3A_250 : i32 to index
          %get3A_252 = arith.index_cast %add3A_230 : i32 to index
          %get3A_253 = arith.index_cast %add3A_249 : i32 to index
          %get3A_254 = tpu.vector_load %arg5[%get3A_251, %get3A_252, %get3A_253] {strides = array<i32>} : memref<2x8x3328xi32, #tpu.memory_space<vmem>>, vector<16xi32>,
          %add3A_255 = arith.constant 32 : i32
          %add3A_256 = arith.addi %mul3A_241, %add3A_255 : i32
          %get3A_257 = arith.constant 1 : i32
          %get3A_258 = arith.index_cast %get3A_257 : i32 to index
          %get3A_259 = arith.index_cast %add3A_230 : i32 to index
          %get3A_260 = arith.index_cast %add3A_256 : i32 to index
          %get3A_261 = tpu.vector_load %arg5[%get3A_258, %get3A_259, %get3A_260] {strides = array<i32>} : memref<2x8x3328xi32, #tpu.memory_space<vmem>>, vector<16xi32>,
          %add3A_262 = arith.constant 48 : i32
          %add3A_263 = arith.addi %mul3A_241, %add3A_262 : i32
          %get3A_264 = arith.constant 1 : i32
          %get3A_265 = arith.index_cast %get3A_264 : i32 to index
          %get3A_266 = arith.index_cast %add3A_230 : i32 to index
          %get3A_267 = arith.index_cast %add3A_263 : i32 to index
          %get3A_268 = tpu.vector_load %arg5[%get3A_265, %get3A_266, %get3A_267] {strides = array<i32>} : memref<2x8x3328xi32, #tpu.memory_space<vmem>>, vector<16xi32>,
          %shift_right_arithmetic3A = arith.constant 16 : i32
          %shift_right_arithmetic3A_269 = vector.broadcast %shift_right_arithmetic3A : i32 to vector<16xi32>
          %shift_right_arithmetic3A_270 = arith.shrsi %get3A_247, %shift_right_arithmetic3A_269 : vector<16xi32>
          %and3A_271 = arith.andi %get3A_247, %broadcast_in_dim3A_42 : vector<16xi32>
          %shift_right_arithmetic3A_272 = arith.constant 16 : i32
          %shift_right_arithmetic3A_273 = vector.broadcast %shift_right_arithmetic3A_272 : i32 to vector<16xi32>
          %shift_right_arithmetic3A_274 = arith.shrsi %get3A_254, %shift_right_arithmetic3A_273 : vector<16xi32>
          %and3A_275 = arith.andi %get3A_254, %broadcast_in_dim3A_42 : vector<16xi32>
          %shift_right_arithmetic3A_276 = arith.constant 16 : i32
          %shift_right_arithmetic3A_277 = vector.broadcast %shift_right_arithmetic3A_276 : i32 to vector<16xi32>
          %shift_right_arithmetic3A_278 = arith.shrsi %get3A_261, %shift_right_arithmetic3A_277 : vector<16xi32>
          %and3A_279 = arith.andi %get3A_261, %broadcast_in_dim3A_42 : vector<16xi32>
          %shift_right_arithmetic3A_280 = arith.constant 16 : i32
          %shift_right_arithmetic3A_281 = vector.broadcast %shift_right_arithmetic3A_280 : i32 to vector<16xi32>
          %shift_right_arithmetic3A_282 = arith.shrsi %get3A_268, %shift_right_arithmetic3A_281 : vector<16xi32>
          %and3A_283 = arith.andi %get3A_268, %broadcast_in_dim3A_42 : vector<16xi32>
          %scatter3A = tpu.memref_slice %arg6[%mul3A_232] : memref<32768xf32, #tpu.memory_space<vmem>> -> memref<4096xf32, #tpu.memory_space<vmem>>
          tpu.vector_store_idx %scatter3A[%shift_right_arithmetic3A_270], %broadcast_in_dim3A_38 {add = true} : memref<4096xf32, #tpu.memory_space<vmem>>[vector<16xi32>], vector<16xf32>,
          %scatter3A_284 = tpu.memref_slice %arg6[%mul3A_232] : memref<32768xf32, #tpu.memory_space<vmem>> -> memref<4096xf32, #tpu.memory_space<vmem>>
          tpu.vector_store_idx %scatter3A_284[%and3A_271], %broadcast_in_dim3A_38 {add = true} : memref<4096xf32, #tpu.memory_space<vmem>>[vector<16xi32>], vector<16xf32>,
          %scatter3A_285 = tpu.memref_slice %arg6[%mul3A_232] : memref<32768xf32, #tpu.memory_space<vmem>> -> memref<4096xf32, #tpu.memory_space<vmem>>
          tpu.vector_store_idx %scatter3A_285[%shift_right_arithmetic3A_274], %broadcast_in_dim3A_38 {add = true} : memref<4096xf32, #tpu.memory_space<vmem>>[vector<16xi32>], vector<16xf32>,
          %scatter3A_286 = tpu.memref_slice %arg6[%mul3A_232] : memref<32768xf32, #tpu.memory_space<vmem>> -> memref<4096xf32, #tpu.memory_space<vmem>>
          tpu.vector_store_idx %scatter3A_286[%and3A_275], %broadcast_in_dim3A_38 {add = true} : memref<4096xf32, #tpu.memory_space<vmem>>[vector<16xi32>], vector<16xf32>,
          %scatter3A_287 = tpu.memref_slice %arg6[%mul3A_232] : memref<32768xf32, #tpu.memory_space<vmem>> -> memref<4096xf32, #tpu.memory_space<vmem>>
          tpu.vector_store_idx %scatter3A_287[%shift_right_arithmetic3A_278], %broadcast_in_dim3A_38 {add = true} : memref<4096xf32, #tpu.memory_space<vmem>>[vector<16xi32>], vector<16xf32>,
          %scatter3A_288 = tpu.memref_slice %arg6[%mul3A_232] : memref<32768xf32, #tpu.memory_space<vmem>> -> memref<4096xf32, #tpu.memory_space<vmem>>
          tpu.vector_store_idx %scatter3A_288[%and3A_279], %broadcast_in_dim3A_38 {add = true} : memref<4096xf32, #tpu.memory_space<vmem>>[vector<16xi32>], vector<16xf32>,
          %scatter3A_289 = tpu.memref_slice %arg6[%mul3A_232] : memref<32768xf32, #tpu.memory_space<vmem>> -> memref<4096xf32, #tpu.memory_space<vmem>>
          tpu.vector_store_idx %scatter3A_289[%shift_right_arithmetic3A_282], %broadcast_in_dim3A_38 {add = true} : memref<4096xf32, #tpu.memory_space<vmem>>[vector<16xi32>], vector<16xf32>,
          %scatter3A_290 = tpu.memref_slice %arg6[%mul3A_232] : memref<32768xf32, #tpu.memory_space<vmem>> -> memref<4096xf32, #tpu.memory_space<vmem>>
          tpu.vector_store_idx %scatter3A_290[%and3A_283], %broadcast_in_dim3A_38 {add = true} : memref<4096xf32, #tpu.memory_space<vmem>>[vector<16xi32>], vector<16xf32>,
          %scan3A_291 = arith.constant 1 : i32
          %scan3A_292 = arith.addi %scan3A_239, %scan3A_291 : i32
          %mul3A_293 = arith.constant 64 : i32
          %mul3A_294 = arith.muli %scan3A_292, %mul3A_293 : i32
          %add3A_295 = arith.constant 0 : i32
          %add3A_296 = arith.addi %mul3A_294, %add3A_295 : i32
          %get3A_297 = arith.constant 1 : i32
          %get3A_298 = arith.index_cast %get3A_297 : i32 to index
          %get3A_299 = arith.index_cast %add3A_230 : i32 to index
          %get3A_300 = arith.index_cast %add3A_296 : i32 to index
          %get3A_301 = tpu.vector_load %arg5[%get3A_298, %get3A_299, %get3A_300] {strides = array<i32>} : memref<2x8x3328xi32, #tpu.memory_space<vmem>>, vector<16xi32>,
          %add3A_302 = arith.constant 16 : i32
          %add3A_303 = arith.addi %mul3A_294, %add3A_302 : i32
          %get3A_304 = arith.constant 1 : i32
          %get3A_305 = arith.index_cast %get3A_304 : i32 to index
          %get3A_306 = arith.index_cast %add3A_230 : i32 to index
          %get3A_307 = arith.index_cast %add3A_303 : i32 to index
          %get3A_308 = tpu.vector_load %arg5[%get3A_305, %get3A_306, %get3A_307] {strides = array<i32>} : memref<2x8x3328xi32, #tpu.memory_space<vmem>>, vector<16xi32>,
          %add3A_309 = arith.constant 32 : i32
          %add3A_310 = arith.addi %mul3A_294, %add3A_309 : i32
          %get3A_311 = arith.constant 1 : i32
          %get3A_312 = arith.index_cast %get3A_311 : i32 to index
          %get3A_313 = arith.index_cast %add3A_230 : i32 to index
          %get3A_314 = arith.index_cast %add3A_310 : i32 to index
          %get3A_315 = tpu.vector_load %arg5[%get3A_312, %get3A_313, %get3A_314] {strides = array<i32>} : memref<2x8x3328xi32, #tpu.memory_space<vmem>>, vector<16xi32>,
          %add3A_316 = arith.constant 48 : i32
          %add3A_317 = arith.addi %mul3A_294, %add3A_316 : i32
          %get3A_318 = arith.constant 1 : i32
          %get3A_319 = arith.index_cast %get3A_318 : i32 to index
          %get3A_320 = arith.index_cast %add3A_230 : i32 to index
          %get3A_321 = arith.index_cast %add3A_317 : i32 to index
          %get3A_322 = tpu.vector_load %arg5[%get3A_319, %get3A_320, %get3A_321] {strides = array<i32>} : memref<2x8x3328xi32, #tpu.memory_space<vmem>>, vector<16xi32>,
          %shift_right_arithmetic3A_323 = arith.constant 16 : i32
          %shift_right_arithmetic3A_324 = vector.broadcast %shift_right_arithmetic3A_323 : i32 to vector<16xi32>
          %shift_right_arithmetic3A_325 = arith.shrsi %get3A_301, %shift_right_arithmetic3A_324 : vector<16xi32>
          %and3A_326 = arith.andi %get3A_301, %broadcast_in_dim3A_42 : vector<16xi32>
          %shift_right_arithmetic3A_327 = arith.constant 16 : i32
          %shift_right_arithmetic3A_328 = vector.broadcast %shift_right_arithmetic3A_327 : i32 to vector<16xi32>
          %shift_right_arithmetic3A_329 = arith.shrsi %get3A_308, %shift_right_arithmetic3A_328 : vector<16xi32>
          %and3A_330 = arith.andi %get3A_308, %broadcast_in_dim3A_42 : vector<16xi32>
          %shift_right_arithmetic3A_331 = arith.constant 16 : i32
          %shift_right_arithmetic3A_332 = vector.broadcast %shift_right_arithmetic3A_331 : i32 to vector<16xi32>
          %shift_right_arithmetic3A_333 = arith.shrsi %get3A_315, %shift_right_arithmetic3A_332 : vector<16xi32>
          %and3A_334 = arith.andi %get3A_315, %broadcast_in_dim3A_42 : vector<16xi32>
          %shift_right_arithmetic3A_335 = arith.constant 16 : i32
          %shift_right_arithmetic3A_336 = vector.broadcast %shift_right_arithmetic3A_335 : i32 to vector<16xi32>
          %shift_right_arithmetic3A_337 = arith.shrsi %get3A_322, %shift_right_arithmetic3A_336 : vector<16xi32>
          %and3A_338 = arith.andi %get3A_322, %broadcast_in_dim3A_42 : vector<16xi32>
          %scatter3A_339 = tpu.memref_slice %arg6[%mul3A_232] : memref<32768xf32, #tpu.memory_space<vmem>> -> memref<4096xf32, #tpu.memory_space<vmem>>
          tpu.vector_store_idx %scatter3A_339[%shift_right_arithmetic3A_325], %broadcast_in_dim3A_38 {add = true} : memref<4096xf32, #tpu.memory_space<vmem>>[vector<16xi32>], vector<16xf32>,
          %scatter3A_340 = tpu.memref_slice %arg6[%mul3A_232] : memref<32768xf32, #tpu.memory_space<vmem>> -> memref<4096xf32, #tpu.memory_space<vmem>>
          tpu.vector_store_idx %scatter3A_340[%and3A_326], %broadcast_in_dim3A_38 {add = true} : memref<4096xf32, #tpu.memory_space<vmem>>[vector<16xi32>], vector<16xf32>,
          %scatter3A_341 = tpu.memref_slice %arg6[%mul3A_232] : memref<32768xf32, #tpu.memory_space<vmem>> -> memref<4096xf32, #tpu.memory_space<vmem>>
          tpu.vector_store_idx %scatter3A_341[%shift_right_arithmetic3A_329], %broadcast_in_dim3A_38 {add = true} : memref<4096xf32, #tpu.memory_space<vmem>>[vector<16xi32>], vector<16xf32>,
          %scatter3A_342 = tpu.memref_slice %arg6[%mul3A_232] : memref<32768xf32, #tpu.memory_space<vmem>> -> memref<4096xf32, #tpu.memory_space<vmem>>
          tpu.vector_store_idx %scatter3A_342[%and3A_330], %broadcast_in_dim3A_38 {add = true} : memref<4096xf32, #tpu.memory_space<vmem>>[vector<16xi32>], vector<16xf32>,
          %scatter3A_343 = tpu.memref_slice %arg6[%mul3A_232] : memref<32768xf32, #tpu.memory_space<vmem>> -> memref<4096xf32, #tpu.memory_space<vmem>>
          tpu.vector_store_idx %scatter3A_343[%shift_right_arithmetic3A_333], %broadcast_in_dim3A_38 {add = true} : memref<4096xf32, #tpu.memory_space<vmem>>[vector<16xi32>], vector<16xf32>,
          %scatter3A_344 = tpu.memref_slice %arg6[%mul3A_232] : memref<32768xf32, #tpu.memory_space<vmem>> -> memref<4096xf32, #tpu.memory_space<vmem>>
          tpu.vector_store_idx %scatter3A_344[%and3A_334], %broadcast_in_dim3A_38 {add = true} : memref<4096xf32, #tpu.memory_space<vmem>>[vector<16xi32>], vector<16xf32>,
          %scatter3A_345 = tpu.memref_slice %arg6[%mul3A_232] : memref<32768xf32, #tpu.memory_space<vmem>> -> memref<4096xf32, #tpu.memory_space<vmem>>
          tpu.vector_store_idx %scatter3A_345[%shift_right_arithmetic3A_337], %broadcast_in_dim3A_38 {add = true} : memref<4096xf32, #tpu.memory_space<vmem>>[vector<16xi32>], vector<16xf32>,
          %scatter3A_346 = tpu.memref_slice %arg6[%mul3A_232] : memref<32768xf32, #tpu.memory_space<vmem>> -> memref<4096xf32, #tpu.memory_space<vmem>>
          tpu.vector_store_idx %scatter3A_346[%and3A_338], %broadcast_in_dim3A_38 {add = true} : memref<4096xf32, #tpu.memory_space<vmem>>[vector<16xi32>], vector<16xf32>,
        }
        %scan3A_238 = arith.constant 52 : i32
      }
      %scan3A_225 = arith.constant 8 : i32
    }
    %jit3A_93 = arith.constant 2 : i32
    %eq3A_94 = arith.constant 0 : i32
    %eq3A_95 = arith.cmpi eq, %jit3A_93, %eq3A_94 : i32
    %jit3A_96 = arith.constant 1 : i32
    %select_n3A_97 = arith.select %eq3A_95, %jit3A_96, %jit3A_93 : i32
    %rem3A_98 = arith.remsi %select_n3A_35, %select_n3A_97 : i32
    %ne3A_99 = arith.constant 0 : i32
    %ne3A_100 = arith.cmpi ne, %rem3A_98, %ne3A_99 : i32
    %lt3A_101 = arith.constant 0 : i32
    %lt3A_102 = arith.cmpi slt, %rem3A_98, %lt3A_101 : i32
    %lt3A_103 = arith.constant 0 : i32
    %lt3A_104 = arith.cmpi slt, %select_n3A_97, %lt3A_103 : i32
    %ne3A_105 = arith.xori %lt3A_102, %lt3A_104 : i1
    %and3A_106 = arith.andi %ne3A_105, %ne3A_100 : i1
    %add3A_107 = arith.addi %rem3A_98, %select_n3A_97 : i32
    %select_n3A_108 = arith.select %and3A_106, %add3A_107, %rem3A_98 : i32
    %eq3A_109 = arith.constant 1 : i32
    %eq3A_110 = arith.cmpi eq, %select_n3A_108, %eq3A_109 : i32
    %convert_element_type3A = arith.extui %eq3A_110 : i1 to i32
    %cond3A = arith.constant 0 : i32
    %cond3A_111 = arith.cmpi ne, %convert_element_type3A, %cond3A : i32
    scf.if %cond3A_111 {
      %dma_wait3A = arith.constant 0 : i32
      %dma_wait3A_157 = arith.constant 0 : i32
      %dma_wait3A_158 = arith.constant 0 : i32
      %dma_wait3A_159 = tpu.memref_slice %arg5[%dma_wait3A, %dma_wait3A_157, %dma_wait3A_158] : memref<2x8x3328xi32, #tpu.memory_space<vmem>> -> memref<1x8x3328xi32, #tpu.memory_space<vmem>>
      %dma_wait3A_160 = tpu.memref_squeeze %dma_wait3A_159 : memref<1x8x3328xi32, #tpu.memory_space<vmem>> -> memref<8x3328xi32, #tpu.memory_space<vmem>>
      %dma_wait3A_161 = arith.constant 0 : i32
      %dma_wait3A_162 = arith.constant 0 : i32
      %dma_wait3A_163 = tpu.memref_slice %arg2[%dma_wait3A_161, %dma_wait3A_162] : memref<64x49920xi32, #tpu.memory_space<hbm>> -> memref<8x3328xi32, #tpu.memory_space<hbm>>
      %dma_wait3A_164 = arith.constant 0 : i32
      %dma_wait3A_165 = arith.constant 0 : i32
      %dma_wait3A_166 = tpu.memref_slice %arg5[%dma_wait3A, %dma_wait3A_164, %dma_wait3A_165] : memref<2x8x3328xi32, #tpu.memory_space<vmem>> -> memref<1x8x3328xi32, #tpu.memory_space<vmem>>
      %dma_wait3A_167 = tpu.memref_squeeze %dma_wait3A_166 : memref<1x8x3328xi32, #tpu.memory_space<vmem>> -> memref<8x3328xi32, #tpu.memory_space<vmem>>
      %dma_wait3A_168 = arith.constant 0 : i32
      %dma_wait3A_169 = arith.constant 0 : i32
      %dma_wait3A_170 = tpu.memref_slice %arg2[%dma_wait3A_168, %dma_wait3A_169] : memref<64x49920xi32, #tpu.memory_space<hbm>> -> memref<8x3328xi32, #tpu.memory_space<hbm>>
      tpu.wait_dma2 semaphore(%arg9 : memref<!tpu.dma_semaphore, #tpu.memory_space<semaphore_mem>>) src(%dma_wait3A_170 : memref<8x3328xi32, #tpu.memory_space<hbm>>) dst(%dma_wait3A_167 : memref<8x3328xi32, #tpu.memory_space<vmem>>)
      %scan3A_171 = arith.constant 0 : i32
      %scan3A_172 = arith.constant 8 : i32
      %scan3A_173 = arith.addi %scan3A_171, %scan3A_172 : i32
      %scan3A_174 = arith.constant 1 : i32
      scf.for %scan3A_176 = %scan3A_171 to %scan3A_173 step %scan3A_174  : i32 {
        %mul3A_177 = arith.constant 1 : i32
        %mul3A_178 = arith.muli %scan3A_176, %mul3A_177 : i32
        %add3A_179 = arith.constant 0 : i32
        %add3A_180 = arith.addi %add3A_179, %mul3A_178 : i32
        %mul3A_181 = arith.constant 4096 : i32
        %mul3A_182 = arith.muli %add3A_180, %mul3A_181 : i32
        %scan3A_183 = arith.constant 0 : i32
        %scan3A_184 = arith.constant 0 : i32
        %scan3A_185 = arith.constant 52 : i32
        %scan3A_186 = arith.addi %scan3A_184, %scan3A_185 : i32
        %scan3A_187 = arith.constant 2 : i32
        scf.for %scan3A_189 = %scan3A_184 to %scan3A_186 step %scan3A_187  : i32 {
          %mul3A_190 = arith.constant 64 : i32
          %mul3A_191 = arith.muli %scan3A_189, %mul3A_190 : i32
          %add3A_192 = arith.constant 0 : i32
          %add3A_193 = arith.addi %mul3A_191, %add3A_192 : i32
          %get3A = arith.constant 0 : i32
          %get3A_194 = arith.index_cast %get3A : i32 to index
          %get3A_195 = arith.index_cast %add3A_180 : i32 to index
          %get3A_196 = arith.index_cast %add3A_193 : i32 to index
          %get3A_197 = tpu.vector_load %arg5[%get3A_194, %get3A_195, %get3A_196] {strides = array<i32>} : memref<2x8x3328xi32, #tpu.memory_space<vmem>>, vector<16xi32>,
          %add3A_198 = arith.constant 16 : i32
          %add3A_199 = arith.addi %mul3A_191, %add3A_198 : i32
          %get3A_200 = arith.constant 0 : i32
          %get3A_201 = arith.index_cast %get3A_200 : i32 to index
          %get3A_202 = arith.index_cast %add3A_180 : i32 to index
          %get3A_203 = arith.index_cast %add3A_199 : i32 to index
          %get3A_204 = tpu.vector_load %arg5[%get3A_201, %get3A_202, %get3A_203] {strides = array<i32>} : memref<2x8x3328xi32, #tpu.memory_space<vmem>>, vector<16xi32>,
          %add3A_205 = arith.constant 32 : i32
          %add3A_206 = arith.addi %mul3A_191, %add3A_205 : i32
          %get3A_207 = arith.constant 0 : i32
          %get3A_208 = arith.index_cast %get3A_207 : i32 to index
          %get3A_209 = arith.index_cast %add3A_180 : i32 to index
          %get3A_210 = arith.index_cast %add3A_206 : i32 to index
          %get3A_211 = tpu.vector_load %arg5[%get3A_208, %get3A_209, %get3A_210] {strides = array<i32>} : memref<2x8x3328xi32, #tpu.memory_space<vmem>>, vector<16xi32>,
          %add3A_212 = arith.constant 48 : i32
          %add3A_213 = arith.addi %mul3A_191, %add3A_212 : i32
          %get3A_214 = arith.constant 0 : i32
          %get3A_215 = arith.index_cast %get3A_214 : i32 to index
          %get3A_216 = arith.index_cast %add3A_180 : i32 to index
          %get3A_217 = arith.index_cast %add3A_213 : i32 to index
          %get3A_218 = tpu.vector_load %arg5[%get3A_215, %get3A_216, %get3A_217] {strides = array<i32>} : memref<2x8x3328xi32, #tpu.memory_space<vmem>>, vector<16xi32>,
          %shift_right_arithmetic3A = arith.constant 16 : i32
          %shift_right_arithmetic3A_219 = vector.broadcast %shift_right_arithmetic3A : i32 to vector<16xi32>
          %shift_right_arithmetic3A_220 = arith.shrsi %get3A_197, %shift_right_arithmetic3A_219 : vector<16xi32>
          %and3A_221 = arith.andi %get3A_197, %broadcast_in_dim3A_42 : vector<16xi32>
          %shift_right_arithmetic3A_222 = arith.constant 16 : i32
          %shift_right_arithmetic3A_223 = vector.broadcast %shift_right_arithmetic3A_222 : i32 to vector<16xi32>
          %shift_right_arithmetic3A_224 = arith.shrsi %get3A_204, %shift_right_arithmetic3A_223 : vector<16xi32>
          %and3A_225 = arith.andi %get3A_204, %broadcast_in_dim3A_42 : vector<16xi32>
          %shift_right_arithmetic3A_226 = arith.constant 16 : i32
          %shift_right_arithmetic3A_227 = vector.broadcast %shift_right_arithmetic3A_226 : i32 to vector<16xi32>
          %shift_right_arithmetic3A_228 = arith.shrsi %get3A_211, %shift_right_arithmetic3A_227 : vector<16xi32>
          %and3A_229 = arith.andi %get3A_211, %broadcast_in_dim3A_42 : vector<16xi32>
          %shift_right_arithmetic3A_230 = arith.constant 16 : i32
          %shift_right_arithmetic3A_231 = vector.broadcast %shift_right_arithmetic3A_230 : i32 to vector<16xi32>
          %shift_right_arithmetic3A_232 = arith.shrsi %get3A_218, %shift_right_arithmetic3A_231 : vector<16xi32>
          %and3A_233 = arith.andi %get3A_218, %broadcast_in_dim3A_42 : vector<16xi32>
          %scatter3A = tpu.memref_slice %arg6[%mul3A_182] : memref<32768xf32, #tpu.memory_space<vmem>> -> memref<4096xf32, #tpu.memory_space<vmem>>
          tpu.vector_store_idx %scatter3A[%shift_right_arithmetic3A_220], %broadcast_in_dim3A_38 {add = true} : memref<4096xf32, #tpu.memory_space<vmem>>[vector<16xi32>], vector<16xf32>,
          %scatter3A_234 = tpu.memref_slice %arg6[%mul3A_182] : memref<32768xf32, #tpu.memory_space<vmem>> -> memref<4096xf32, #tpu.memory_space<vmem>>
          tpu.vector_store_idx %scatter3A_234[%and3A_221], %broadcast_in_dim3A_38 {add = true} : memref<4096xf32, #tpu.memory_space<vmem>>[vector<16xi32>], vector<16xf32>,
          %scatter3A_235 = tpu.memref_slice %arg6[%mul3A_182] : memref<32768xf32, #tpu.memory_space<vmem>> -> memref<4096xf32, #tpu.memory_space<vmem>>
          tpu.vector_store_idx %scatter3A_235[%shift_right_arithmetic3A_224], %broadcast_in_dim3A_38 {add = true} : memref<4096xf32, #tpu.memory_space<vmem>>[vector<16xi32>], vector<16xf32>,
          %scatter3A_236 = tpu.memref_slice %arg6[%mul3A_182] : memref<32768xf32, #tpu.memory_space<vmem>> -> memref<4096xf32, #tpu.memory_space<vmem>>
          tpu.vector_store_idx %scatter3A_236[%and3A_225], %broadcast_in_dim3A_38 {add = true} : memref<4096xf32, #tpu.memory_space<vmem>>[vector<16xi32>], vector<16xf32>,
          %scatter3A_237 = tpu.memref_slice %arg6[%mul3A_182] : memref<32768xf32, #tpu.memory_space<vmem>> -> memref<4096xf32, #tpu.memory_space<vmem>>
          tpu.vector_store_idx %scatter3A_237[%shift_right_arithmetic3A_228], %broadcast_in_dim3A_38 {add = true} : memref<4096xf32, #tpu.memory_space<vmem>>[vector<16xi32>], vector<16xf32>,
          %scatter3A_238 = tpu.memref_slice %arg6[%mul3A_182] : memref<32768xf32, #tpu.memory_space<vmem>> -> memref<4096xf32, #tpu.memory_space<vmem>>
          tpu.vector_store_idx %scatter3A_238[%and3A_229], %broadcast_in_dim3A_38 {add = true} : memref<4096xf32, #tpu.memory_space<vmem>>[vector<16xi32>], vector<16xf32>,
          %scatter3A_239 = tpu.memref_slice %arg6[%mul3A_182] : memref<32768xf32, #tpu.memory_space<vmem>> -> memref<4096xf32, #tpu.memory_space<vmem>>
          tpu.vector_store_idx %scatter3A_239[%shift_right_arithmetic3A_232], %broadcast_in_dim3A_38 {add = true} : memref<4096xf32, #tpu.memory_space<vmem>>[vector<16xi32>], vector<16xf32>,
          %scatter3A_240 = tpu.memref_slice %arg6[%mul3A_182] : memref<32768xf32, #tpu.memory_space<vmem>> -> memref<4096xf32, #tpu.memory_space<vmem>>
          tpu.vector_store_idx %scatter3A_240[%and3A_233], %broadcast_in_dim3A_38 {add = true} : memref<4096xf32, #tpu.memory_space<vmem>>[vector<16xi32>], vector<16xf32>,
          %scan3A_241 = arith.constant 1 : i32
          %scan3A_242 = arith.addi %scan3A_189, %scan3A_241 : i32
          %mul3A_243 = arith.constant 64 : i32
          %mul3A_244 = arith.muli %scan3A_242, %mul3A_243 : i32
          %add3A_245 = arith.constant 0 : i32
          %add3A_246 = arith.addi %mul3A_244, %add3A_245 : i32
          %get3A_247 = arith.constant 0 : i32
          %get3A_248 = arith.index_cast %get3A_247 : i32 to index
          %get3A_249 = arith.index_cast %add3A_180 : i32 to index
          %get3A_250 = arith.index_cast %add3A_246 : i32 to index
          %get3A_251 = tpu.vector_load %arg5[%get3A_248, %get3A_249, %get3A_250] {strides = array<i32>} : memref<2x8x3328xi32, #tpu.memory_space<vmem>>, vector<16xi32>,
          %add3A_252 = arith.constant 16 : i32
          %add3A_253 = arith.addi %mul3A_244, %add3A_252 : i32
          %get3A_254 = arith.constant 0 : i32
          %get3A_255 = arith.index_cast %get3A_254 : i32 to index
          %get3A_256 = arith.index_cast %add3A_180 : i32 to index
          %get3A_257 = arith.index_cast %add3A_253 : i32 to index
          %get3A_258 = tpu.vector_load %arg5[%get3A_255, %get3A_256, %get3A_257] {strides = array<i32>} : memref<2x8x3328xi32, #tpu.memory_space<vmem>>, vector<16xi32>,
          %add3A_259 = arith.constant 32 : i32
          %add3A_260 = arith.addi %mul3A_244, %add3A_259 : i32
          %get3A_261 = arith.constant 0 : i32
          %get3A_262 = arith.index_cast %get3A_261 : i32 to index
          %get3A_263 = arith.index_cast %add3A_180 : i32 to index
          %get3A_264 = arith.index_cast %add3A_260 : i32 to index
          %get3A_265 = tpu.vector_load %arg5[%get3A_262, %get3A_263, %get3A_264] {strides = array<i32>} : memref<2x8x3328xi32, #tpu.memory_space<vmem>>, vector<16xi32>,
          %add3A_266 = arith.constant 48 : i32
          %add3A_267 = arith.addi %mul3A_244, %add3A_266 : i32
          %get3A_268 = arith.constant 0 : i32
          %get3A_269 = arith.index_cast %get3A_268 : i32 to index
          %get3A_270 = arith.index_cast %add3A_180 : i32 to index
          %get3A_271 = arith.index_cast %add3A_267 : i32 to index
          %get3A_272 = tpu.vector_load %arg5[%get3A_269, %get3A_270, %get3A_271] {strides = array<i32>} : memref<2x8x3328xi32, #tpu.memory_space<vmem>>, vector<16xi32>,
          %shift_right_arithmetic3A_273 = arith.constant 16 : i32
          %shift_right_arithmetic3A_274 = vector.broadcast %shift_right_arithmetic3A_273 : i32 to vector<16xi32>
          %shift_right_arithmetic3A_275 = arith.shrsi %get3A_251, %shift_right_arithmetic3A_274 : vector<16xi32>
          %and3A_276 = arith.andi %get3A_251, %broadcast_in_dim3A_42 : vector<16xi32>
          %shift_right_arithmetic3A_277 = arith.constant 16 : i32
          %shift_right_arithmetic3A_278 = vector.broadcast %shift_right_arithmetic3A_277 : i32 to vector<16xi32>
          %shift_right_arithmetic3A_279 = arith.shrsi %get3A_258, %shift_right_arithmetic3A_278 : vector<16xi32>
          %and3A_280 = arith.andi %get3A_258, %broadcast_in_dim3A_42 : vector<16xi32>
          %shift_right_arithmetic3A_281 = arith.constant 16 : i32
          %shift_right_arithmetic3A_282 = vector.broadcast %shift_right_arithmetic3A_281 : i32 to vector<16xi32>
          %shift_right_arithmetic3A_283 = arith.shrsi %get3A_265, %shift_right_arithmetic3A_282 : vector<16xi32>
          %and3A_284 = arith.andi %get3A_265, %broadcast_in_dim3A_42 : vector<16xi32>
          %shift_right_arithmetic3A_285 = arith.constant 16 : i32
          %shift_right_arithmetic3A_286 = vector.broadcast %shift_right_arithmetic3A_285 : i32 to vector<16xi32>
          %shift_right_arithmetic3A_287 = arith.shrsi %get3A_272, %shift_right_arithmetic3A_286 : vector<16xi32>
          %and3A_288 = arith.andi %get3A_272, %broadcast_in_dim3A_42 : vector<16xi32>
          %scatter3A_289 = tpu.memref_slice %arg6[%mul3A_182] : memref<32768xf32, #tpu.memory_space<vmem>> -> memref<4096xf32, #tpu.memory_space<vmem>>
          tpu.vector_store_idx %scatter3A_289[%shift_right_arithmetic3A_275], %broadcast_in_dim3A_38 {add = true} : memref<4096xf32, #tpu.memory_space<vmem>>[vector<16xi32>], vector<16xf32>,
          %scatter3A_290 = tpu.memref_slice %arg6[%mul3A_182] : memref<32768xf32, #tpu.memory_space<vmem>> -> memref<4096xf32, #tpu.memory_space<vmem>>
          tpu.vector_store_idx %scatter3A_290[%and3A_276], %broadcast_in_dim3A_38 {add = true} : memref<4096xf32, #tpu.memory_space<vmem>>[vector<16xi32>], vector<16xf32>,
          %scatter3A_291 = tpu.memref_slice %arg6[%mul3A_182] : memref<32768xf32, #tpu.memory_space<vmem>> -> memref<4096xf32, #tpu.memory_space<vmem>>
          tpu.vector_store_idx %scatter3A_291[%shift_right_arithmetic3A_279], %broadcast_in_dim3A_38 {add = true} : memref<4096xf32, #tpu.memory_space<vmem>>[vector<16xi32>], vector<16xf32>,
          %scatter3A_292 = tpu.memref_slice %arg6[%mul3A_182] : memref<32768xf32, #tpu.memory_space<vmem>> -> memref<4096xf32, #tpu.memory_space<vmem>>
          tpu.vector_store_idx %scatter3A_292[%and3A_280], %broadcast_in_dim3A_38 {add = true} : memref<4096xf32, #tpu.memory_space<vmem>>[vector<16xi32>], vector<16xf32>,
          %scatter3A_293 = tpu.memref_slice %arg6[%mul3A_182] : memref<32768xf32, #tpu.memory_space<vmem>> -> memref<4096xf32, #tpu.memory_space<vmem>>
          tpu.vector_store_idx %scatter3A_293[%shift_right_arithmetic3A_283], %broadcast_in_dim3A_38 {add = true} : memref<4096xf32, #tpu.memory_space<vmem>>[vector<16xi32>], vector<16xf32>,
          %scatter3A_294 = tpu.memref_slice %arg6[%mul3A_182] : memref<32768xf32, #tpu.memory_space<vmem>> -> memref<4096xf32, #tpu.memory_space<vmem>>
          tpu.vector_store_idx %scatter3A_294[%and3A_284], %broadcast_in_dim3A_38 {add = true} : memref<4096xf32, #tpu.memory_space<vmem>>[vector<16xi32>], vector<16xf32>,
          %scatter3A_295 = tpu.memref_slice %arg6[%mul3A_182] : memref<32768xf32, #tpu.memory_space<vmem>> -> memref<4096xf32, #tpu.memory_space<vmem>>
          tpu.vector_store_idx %scatter3A_295[%shift_right_arithmetic3A_287], %broadcast_in_dim3A_38 {add = true} : memref<4096xf32, #tpu.memory_space<vmem>>[vector<16xi32>], vector<16xf32>,
          %scatter3A_296 = tpu.memref_slice %arg6[%mul3A_182] : memref<32768xf32, #tpu.memory_space<vmem>> -> memref<4096xf32, #tpu.memory_space<vmem>>
          tpu.vector_store_idx %scatter3A_296[%and3A_288], %broadcast_in_dim3A_38 {add = true} : memref<4096xf32, #tpu.memory_space<vmem>>[vector<16xi32>], vector<16xf32>,
        }
        %scan3A_188 = arith.constant 52 : i32
      }
      %scan3A_175 = arith.constant 8 : i32
    } else {
    }
    %eq3A_112 = arith.constant 3 : i32
    %eq3A_113 = arith.cmpi eq, %select_n3A_30, %eq3A_112 : i32
    %convert_element_type3A_114 = arith.extui %eq3A_113 : i1 to i32
    %cond3A_115 = arith.constant 0 : i32
    %cond3A_116 = arith.cmpi ne, %convert_element_type3A_114, %cond3A_115 : i32
    scf.if %cond3A_116 {
      "tpu.region"() ({
        %run_scoped3A = tpu.sem_alloc : memref<!tpu.dma_semaphore, #tpu.memory_space<semaphore_mem>>
        %dma_start3A_162 = arith.constant 0 : i32
        %dma_start3A_163 = tpu.memref_slice %arg3[%multiple_of3A, %dma_start3A_162] : memref<64x256xi32, #tpu.memory_space<hbm>> -> memref<8x256xi32, #tpu.memory_space<hbm>>
        %dma_start3A_164 = arith.constant 0 : i32
        %dma_start3A_165 = tpu.memref_slice %arg3[%multiple_of3A, %dma_start3A_164] : memref<64x256xi32, #tpu.memory_space<hbm>> -> memref<8x256xi32, #tpu.memory_space<hbm>>
        tpu.enqueue_dma source(%dma_start3A_165 : memref<8x256xi32, #tpu.memory_space<hbm>>) target(%arg8 : memref<8x256xi32, #tpu.memory_space<vmem>>) target_semaphore(%run_scoped3A : memref<!tpu.dma_semaphore, #tpu.memory_space<semaphore_mem>>)
        %dma_wait3A = arith.constant 0 : i32
        %dma_wait3A_166 = tpu.memref_slice %arg3[%multiple_of3A, %dma_wait3A] : memref<64x256xi32, #tpu.memory_space<hbm>> -> memref<8x256xi32, #tpu.memory_space<hbm>>
        %dma_wait3A_167 = arith.constant 0 : i32
        %dma_wait3A_168 = tpu.memref_slice %arg3[%multiple_of3A, %dma_wait3A_167] : memref<64x256xi32, #tpu.memory_space<hbm>> -> memref<8x256xi32, #tpu.memory_space<hbm>>
        tpu.wait_dma2 semaphore(%run_scoped3A : memref<!tpu.dma_semaphore, #tpu.memory_space<semaphore_mem>>) src(%dma_wait3A_168 : memref<8x256xi32, #tpu.memory_space<hbm>>) dst(%arg8 : memref<8x256xi32, #tpu.memory_space<vmem>>)
        tpu.yield
      }) : () -> ()
      %scan3A_157 = arith.constant 0 : i32
      %scan3A_158 = arith.constant 8 : i32
      %scan3A_159 = arith.addi %scan3A_157, %scan3A_158 : i32
      %scan3A_160 = arith.constant 1 : i32
      scf.for %scan3A_162 = %scan3A_157 to %scan3A_159 step %scan3A_160  : i32 {
        %mul3A_163 = arith.constant 1 : i32
        %mul3A_164 = arith.muli %scan3A_162, %mul3A_163 : i32
        %add3A_165 = arith.constant 0 : i32
        %add3A_166 = arith.addi %add3A_165, %mul3A_164 : i32
        %mul3A_167 = arith.constant 4096 : i32
        %mul3A_168 = arith.muli %add3A_166, %mul3A_167 : i32
        %scan3A_169 = arith.constant 0 : i32
        %scan3A_170 = arith.constant 10 : i32
        %scan3A_171 = arith.addi %scan3A_169, %scan3A_170 : i32
        %scan3A_172 = arith.constant 1 : i32
        scf.for %scan3A_174 = %scan3A_169 to %scan3A_171 step %scan3A_172  : i32 {
          %mul3A_175 = arith.constant 1 : i32
          %mul3A_176 = arith.muli %scan3A_174, %mul3A_175 : i32
          %add3A_177 = arith.constant 0 : i32
          %add3A_178 = arith.addi %add3A_177, %mul3A_176 : i32
          %mul3A_179 = arith.constant 16 : i32
          %mul3A_180 = arith.muli %add3A_178, %mul3A_179 : i32
          %get3A = arith.index_cast %add3A_166 : i32 to index
          %get3A_181 = arith.index_cast %mul3A_180 : i32 to index
          %get3A_182 = tpu.vector_load %arg8[%get3A, %get3A_181] {strides = array<i32>} : memref<8x256xi32, #tpu.memory_space<vmem>>, vector<16xi32>,
          %scatter3A = tpu.memref_slice %arg6[%mul3A_168] : memref<32768xf32, #tpu.memory_space<vmem>> -> memref<4096xf32, #tpu.memory_space<vmem>>
          tpu.vector_store_idx %scatter3A[%get3A_182], %broadcast_in_dim3A_38 {add = true} : memref<4096xf32, #tpu.memory_space<vmem>>[vector<16xi32>], vector<16xf32>,
        }
        %scan3A_173 = arith.constant 10 : i32
      }
      %scan3A_161 = arith.constant 8 : i32
    } else {
    }
    %scan3A_117 = arith.constant 0 : i32
    %scan3A_118 = arith.constant 32 : i32
    %scan3A_119 = arith.addi %scan3A_117, %scan3A_118 : i32
    %scan3A_120 = arith.constant 4 : i32
    scf.for %scan3A_157 = %scan3A_117 to %scan3A_119 step %scan3A_120  : i32 {
      %mul3A_158 = arith.constant 1 : i32
      %mul3A_159 = arith.muli %scan3A_157, %mul3A_158 : i32
      %add3A_160 = arith.constant 0 : i32
      %add3A_161 = arith.addi %add3A_160, %mul3A_159 : i32
      %mul3A_162 = arith.constant 128 : i32
      %mul3A_163 = arith.muli %add3A_161, %mul3A_162 : i32
      %add3A_164 = arith.constant 0 : i32
      %add3A_165 = arith.addi %mul3A_163, %add3A_164 : i32
      %add3A_166 = arith.constant 0 : i32
      %add3A_167 = arith.addi %add3A_166, %add3A_165 : i32
      %get3A = arith.index_cast %add3A_167 : i32 to index
      %get3A_168 = tpu.vector_load %arg6[%get3A] {strides = array<i32>} : memref<32768xf32, #tpu.memory_space<vmem>>, vector<16xf32>,
      %swap3A = arith.constant 0 : i32
      %swap3A_169 = arith.index_cast %swap3A : i32 to index
      %swap3A_170 = arith.index_cast %add3A_165 : i32 to index
      %swap3A_171 = tpu.vector_load %arg7[%swap3A_169, %swap3A_170] {strides = array<i32>} : memref<8x4096xf32, #tpu.memory_space<vmem>>, vector<16xf32>,
      tpu.vector_store %arg7[%swap3A_169, %swap3A_170], %get3A_168 {strides = array<i32>} : memref<8x4096xf32, #tpu.memory_space<vmem>>, vector<16xf32>,
      %mul3A_172 = arith.constant 128 : i32
      %mul3A_173 = arith.muli %add3A_161, %mul3A_172 : i32
      %add3A_174 = arith.constant 16 : i32
      %add3A_175 = arith.addi %mul3A_173, %add3A_174 : i32
      %add3A_176 = arith.constant 0 : i32
      %add3A_177 = arith.addi %add3A_176, %add3A_175 : i32
      %get3A_178 = arith.index_cast %add3A_177 : i32 to index
      %get3A_179 = tpu.vector_load %arg6[%get3A_178] {strides = array<i32>} : memref<32768xf32, #tpu.memory_space<vmem>>, vector<16xf32>,
      %swap3A_180 = arith.constant 0 : i32
      %swap3A_181 = arith.index_cast %swap3A_180 : i32 to index
      %swap3A_182 = arith.index_cast %add3A_175 : i32 to index
      %swap3A_183 = tpu.vector_load %arg7[%swap3A_181, %swap3A_182] {strides = array<i32>} : memref<8x4096xf32, #tpu.memory_space<vmem>>, vector<16xf32>,
      tpu.vector_store %arg7[%swap3A_181, %swap3A_182], %get3A_179 {strides = array<i32>} : memref<8x4096xf32, #tpu.memory_space<vmem>>, vector<16xf32>,
      %mul3A_184 = arith.constant 128 : i32
      %mul3A_185 = arith.muli %add3A_161, %mul3A_184 : i32
      %add3A_186 = arith.constant 32 : i32
      %add3A_187 = arith.addi %mul3A_185, %add3A_186 : i32
      %add3A_188 = arith.constant 0 : i32
      %add3A_189 = arith.addi %add3A_188, %add3A_187 : i32
      %get3A_190 = arith.index_cast %add3A_189 : i32 to index
      %get3A_191 = tpu.vector_load %arg6[%get3A_190] {strides = array<i32>} : memref<32768xf32, #tpu.memory_space<vmem>>, vector<16xf32>,
      %swap3A_192 = arith.constant 0 : i32
      %swap3A_193 = arith.index_cast %swap3A_192 : i32 to index
      %swap3A_194 = arith.index_cast %add3A_187 : i32 to index
      %swap3A_195 = tpu.vector_load %arg7[%swap3A_193, %swap3A_194] {strides = array<i32>} : memref<8x4096xf32, #tpu.memory_space<vmem>>, vector<16xf32>,
      tpu.vector_store %arg7[%swap3A_193, %swap3A_194], %get3A_191 {strides = array<i32>} : memref<8x4096xf32, #tpu.memory_space<vmem>>, vector<16xf32>,
      %mul3A_196 = arith.constant 128 : i32
      %mul3A_197 = arith.muli %add3A_161, %mul3A_196 : i32
      %add3A_198 = arith.constant 48 : i32
      %add3A_199 = arith.addi %mul3A_197, %add3A_198 : i32
      %add3A_200 = arith.constant 0 : i32
      %add3A_201 = arith.addi %add3A_200, %add3A_199 : i32
      %get3A_202 = arith.index_cast %add3A_201 : i32 to index
      %get3A_203 = tpu.vector_load %arg6[%get3A_202] {strides = array<i32>} : memref<32768xf32, #tpu.memory_space<vmem>>, vector<16xf32>,
      %swap3A_204 = arith.constant 0 : i32
      %swap3A_205 = arith.index_cast %swap3A_204 : i32 to index
      %swap3A_206 = arith.index_cast %add3A_199 : i32 to index
      %swap3A_207 = tpu.vector_load %arg7[%swap3A_205, %swap3A_206] {strides = array<i32>} : memref<8x4096xf32, #tpu.memory_space<vmem>>, vector<16xf32>,
      tpu.vector_store %arg7[%swap3A_205, %swap3A_206], %get3A_203 {strides = array<i32>} : memref<8x4096xf32, #tpu.memory_space<vmem>>, vector<16xf32>,
      %mul3A_208 = arith.constant 128 : i32
      %mul3A_209 = arith.muli %add3A_161, %mul3A_208 : i32
      %add3A_210 = arith.constant 64 : i32
      %add3A_211 = arith.addi %mul3A_209, %add3A_210 : i32
      %add3A_212 = arith.constant 0 : i32
      %add3A_213 = arith.addi %add3A_212, %add3A_211 : i32
      %get3A_214 = arith.index_cast %add3A_213 : i32 to index
      %get3A_215 = tpu.vector_load %arg6[%get3A_214] {strides = array<i32>} : memref<32768xf32, #tpu.memory_space<vmem>>, vector<16xf32>,
      %swap3A_216 = arith.constant 0 : i32
      %swap3A_217 = arith.index_cast %swap3A_216 : i32 to index
      %swap3A_218 = arith.index_cast %add3A_211 : i32 to index
      %swap3A_219 = tpu.vector_load %arg7[%swap3A_217, %swap3A_218] {strides = array<i32>} : memref<8x4096xf32, #tpu.memory_space<vmem>>, vector<16xf32>,
      tpu.vector_store %arg7[%swap3A_217, %swap3A_218], %get3A_215 {strides = array<i32>} : memref<8x4096xf32, #tpu.memory_space<vmem>>, vector<16xf32>,
      %mul3A_220 = arith.constant 128 : i32
      %mul3A_221 = arith.muli %add3A_161, %mul3A_220 : i32
      %add3A_222 = arith.constant 80 : i32
      %add3A_223 = arith.addi %mul3A_221, %add3A_222 : i32
      %add3A_224 = arith.constant 0 : i32
      %add3A_225 = arith.addi %add3A_224, %add3A_223 : i32
      %get3A_226 = arith.index_cast %add3A_225 : i32 to index
      %get3A_227 = tpu.vector_load %arg6[%get3A_226] {strides = array<i32>} : memref<32768xf32, #tpu.memory_space<vmem>>, vector<16xf32>,
      %swap3A_228 = arith.constant 0 : i32
      %swap3A_229 = arith.index_cast %swap3A_228 : i32 to index
      %swap3A_230 = arith.index_cast %add3A_223 : i32 to index
      %swap3A_231 = tpu.vector_load %arg7[%swap3A_229, %swap3A_230] {strides = array<i32>} : memref<8x4096xf32, #tpu.memory_space<vmem>>, vector<16xf32>,
      tpu.vector_store %arg7[%swap3A_229, %swap3A_230], %get3A_227 {strides = array<i32>} : memref<8x4096xf32, #tpu.memory_space<vmem>>, vector<16xf32>,
      %mul3A_232 = arith.constant 128 : i32
      %mul3A_233 = arith.muli %add3A_161, %mul3A_232 : i32
      %add3A_234 = arith.constant 96 : i32
      %add3A_235 = arith.addi %mul3A_233, %add3A_234 : i32
      %add3A_236 = arith.constant 0 : i32
      %add3A_237 = arith.addi %add3A_236, %add3A_235 : i32
      %get3A_238 = arith.index_cast %add3A_237 : i32 to index
      %get3A_239 = tpu.vector_load %arg6[%get3A_238] {strides = array<i32>} : memref<32768xf32, #tpu.memory_space<vmem>>, vector<16xf32>,
      %swap3A_240 = arith.constant 0 : i32
      %swap3A_241 = arith.index_cast %swap3A_240 : i32 to index
      %swap3A_242 = arith.index_cast %add3A_235 : i32 to index
      %swap3A_243 = tpu.vector_load %arg7[%swap3A_241, %swap3A_242] {strides = array<i32>} : memref<8x4096xf32, #tpu.memory_space<vmem>>, vector<16xf32>,
      tpu.vector_store %arg7[%swap3A_241, %swap3A_242], %get3A_239 {strides = array<i32>} : memref<8x4096xf32, #tpu.memory_space<vmem>>, vector<16xf32>,
      %mul3A_244 = arith.constant 128 : i32
      %mul3A_245 = arith.muli %add3A_161, %mul3A_244 : i32
      %add3A_246 = arith.constant 112 : i32
      %add3A_247 = arith.addi %mul3A_245, %add3A_246 : i32
      %add3A_248 = arith.constant 0 : i32
      %add3A_249 = arith.addi %add3A_248, %add3A_247 : i32
      %get3A_250 = arith.index_cast %add3A_249 : i32 to index
      %get3A_251 = tpu.vector_load %arg6[%get3A_250] {strides = array<i32>} : memref<32768xf32, #tpu.memory_space<vmem>>, vector<16xf32>,
      %swap3A_252 = arith.constant 0 : i32
      %swap3A_253 = arith.index_cast %swap3A_252 : i32 to index
      %swap3A_254 = arith.index_cast %add3A_247 : i32 to index
      %swap3A_255 = tpu.vector_load %arg7[%swap3A_253, %swap3A_254] {strides = array<i32>} : memref<8x4096xf32, #tpu.memory_space<vmem>>, vector<16xf32>,
      tpu.vector_store %arg7[%swap3A_253, %swap3A_254], %get3A_251 {strides = array<i32>} : memref<8x4096xf32, #tpu.memory_space<vmem>>, vector<16xf32>,
      %scan3A_256 = arith.constant 1 : i32
      %scan3A_257 = arith.addi %scan3A_157, %scan3A_256 : i32
      %mul3A_258 = arith.constant 1 : i32
      %mul3A_259 = arith.muli %scan3A_257, %mul3A_258 : i32
      %add3A_260 = arith.constant 0 : i32
      %add3A_261 = arith.addi %add3A_260, %mul3A_259 : i32
      %mul3A_262 = arith.constant 128 : i32
      %mul3A_263 = arith.muli %add3A_261, %mul3A_262 : i32
      %add3A_264 = arith.constant 0 : i32
      %add3A_265 = arith.addi %mul3A_263, %add3A_264 : i32
      %add3A_266 = arith.constant 0 : i32
      %add3A_267 = arith.addi %add3A_266, %add3A_265 : i32
      %get3A_268 = arith.index_cast %add3A_267 : i32 to index
      %get3A_269 = tpu.vector_load %arg6[%get3A_268] {strides = array<i32>} : memref<32768xf32, #tpu.memory_space<vmem>>, vector<16xf32>,
      %swap3A_270 = arith.constant 0 : i32
      %swap3A_271 = arith.index_cast %swap3A_270 : i32 to index
      %swap3A_272 = arith.index_cast %add3A_265 : i32 to index
      %swap3A_273 = tpu.vector_load %arg7[%swap3A_271, %swap3A_272] {strides = array<i32>} : memref<8x4096xf32, #tpu.memory_space<vmem>>, vector<16xf32>,
      tpu.vector_store %arg7[%swap3A_271, %swap3A_272], %get3A_269 {strides = array<i32>} : memref<8x4096xf32, #tpu.memory_space<vmem>>, vector<16xf32>,
      %mul3A_274 = arith.constant 128 : i32
      %mul3A_275 = arith.muli %add3A_261, %mul3A_274 : i32
      %add3A_276 = arith.constant 16 : i32
      %add3A_277 = arith.addi %mul3A_275, %add3A_276 : i32
      %add3A_278 = arith.constant 0 : i32
      %add3A_279 = arith.addi %add3A_278, %add3A_277 : i32
      %get3A_280 = arith.index_cast %add3A_279 : i32 to index
      %get3A_281 = tpu.vector_load %arg6[%get3A_280] {strides = array<i32>} : memref<32768xf32, #tpu.memory_space<vmem>>, vector<16xf32>,
      %swap3A_282 = arith.constant 0 : i32
      %swap3A_283 = arith.index_cast %swap3A_282 : i32 to index
      %swap3A_284 = arith.index_cast %add3A_277 : i32 to index
      %swap3A_285 = tpu.vector_load %arg7[%swap3A_283, %swap3A_284] {strides = array<i32>} : memref<8x4096xf32, #tpu.memory_space<vmem>>, vector<16xf32>,
      tpu.vector_store %arg7[%swap3A_283, %swap3A_284], %get3A_281 {strides = array<i32>} : memref<8x4096xf32, #tpu.memory_space<vmem>>, vector<16xf32>,
      %mul3A_286 = arith.constant 128 : i32
      %mul3A_287 = arith.muli %add3A_261, %mul3A_286 : i32
      %add3A_288 = arith.constant 32 : i32
      %add3A_289 = arith.addi %mul3A_287, %add3A_288 : i32
      %add3A_290 = arith.constant 0 : i32
      %add3A_291 = arith.addi %add3A_290, %add3A_289 : i32
      %get3A_292 = arith.index_cast %add3A_291 : i32 to index
      %get3A_293 = tpu.vector_load %arg6[%get3A_292] {strides = array<i32>} : memref<32768xf32, #tpu.memory_space<vmem>>, vector<16xf32>,
      %swap3A_294 = arith.constant 0 : i32
      %swap3A_295 = arith.index_cast %swap3A_294 : i32 to index
      %swap3A_296 = arith.index_cast %add3A_289 : i32 to index
      %swap3A_297 = tpu.vector_load %arg7[%swap3A_295, %swap3A_296] {strides = array<i32>} : memref<8x4096xf32, #tpu.memory_space<vmem>>, vector<16xf32>,
      tpu.vector_store %arg7[%swap3A_295, %swap3A_296], %get3A_293 {strides = array<i32>} : memref<8x4096xf32, #tpu.memory_space<vmem>>, vector<16xf32>,
      %mul3A_298 = arith.constant 128 : i32
      %mul3A_299 = arith.muli %add3A_261, %mul3A_298 : i32
      %add3A_300 = arith.constant 48 : i32
      %add3A_301 = arith.addi %mul3A_299, %add3A_300 : i32
      %add3A_302 = arith.constant 0 : i32
      %add3A_303 = arith.addi %add3A_302, %add3A_301 : i32
      %get3A_304 = arith.index_cast %add3A_303 : i32 to index
      %get3A_305 = tpu.vector_load %arg6[%get3A_304] {strides = array<i32>} : memref<32768xf32, #tpu.memory_space<vmem>>, vector<16xf32>,
      %swap3A_306 = arith.constant 0 : i32
      %swap3A_307 = arith.index_cast %swap3A_306 : i32 to index
      %swap3A_308 = arith.index_cast %add3A_301 : i32 to index
      %swap3A_309 = tpu.vector_load %arg7[%swap3A_307, %swap3A_308] {strides = array<i32>} : memref<8x4096xf32, #tpu.memory_space<vmem>>, vector<16xf32>,
      tpu.vector_store %arg7[%swap3A_307, %swap3A_308], %get3A_305 {strides = array<i32>} : memref<8x4096xf32, #tpu.memory_space<vmem>>, vector<16xf32>,
      %mul3A_310 = arith.constant 128 : i32
      %mul3A_311 = arith.muli %add3A_261, %mul3A_310 : i32
      %add3A_312 = arith.constant 64 : i32
      %add3A_313 = arith.addi %mul3A_311, %add3A_312 : i32
      %add3A_314 = arith.constant 0 : i32
      %add3A_315 = arith.addi %add3A_314, %add3A_313 : i32
      %get3A_316 = arith.index_cast %add3A_315 : i32 to index
      %get3A_317 = tpu.vector_load %arg6[%get3A_316] {strides = array<i32>} : memref<32768xf32, #tpu.memory_space<vmem>>, vector<16xf32>,
      %swap3A_318 = arith.constant 0 : i32
      %swap3A_319 = arith.index_cast %swap3A_318 : i32 to index
      %swap3A_320 = arith.index_cast %add3A_313 : i32 to index
      %swap3A_321 = tpu.vector_load %arg7[%swap3A_319, %swap3A_320] {strides = array<i32>} : memref<8x4096xf32, #tpu.memory_space<vmem>>, vector<16xf32>,
      tpu.vector_store %arg7[%swap3A_319, %swap3A_320], %get3A_317 {strides = array<i32>} : memref<8x4096xf32, #tpu.memory_space<vmem>>, vector<16xf32>,
      %mul3A_322 = arith.constant 128 : i32
      %mul3A_323 = arith.muli %add3A_261, %mul3A_322 : i32
      %add3A_324 = arith.constant 80 : i32
      %add3A_325 = arith.addi %mul3A_323, %add3A_324 : i32
      %add3A_326 = arith.constant 0 : i32
      %add3A_327 = arith.addi %add3A_326, %add3A_325 : i32
      %get3A_328 = arith.index_cast %add3A_327 : i32 to index
      %get3A_329 = tpu.vector_load %arg6[%get3A_328] {strides = array<i32>} : memref<32768xf32, #tpu.memory_space<vmem>>, vector<16xf32>,
      %swap3A_330 = arith.constant 0 : i32
      %swap3A_331 = arith.index_cast %swap3A_330 : i32 to index
      %swap3A_332 = arith.index_cast %add3A_325 : i32 to index
      %swap3A_333 = tpu.vector_load %arg7[%swap3A_331, %swap3A_332] {strides = array<i32>} : memref<8x4096xf32, #tpu.memory_space<vmem>>, vector<16xf32>,
      tpu.vector_store %arg7[%swap3A_331, %swap3A_332], %get3A_329 {strides = array<i32>} : memref<8x4096xf32, #tpu.memory_space<vmem>>, vector<16xf32>,
      %mul3A_334 = arith.constant 128 : i32
      %mul3A_335 = arith.muli %add3A_261, %mul3A_334 : i32
      %add3A_336 = arith.constant 96 : i32
      %add3A_337 = arith.addi %mul3A_335, %add3A_336 : i32
      %add3A_338 = arith.constant 0 : i32
      %add3A_339 = arith.addi %add3A_338, %add3A_337 : i32
      %get3A_340 = arith.index_cast %add3A_339 : i32 to index
      %get3A_341 = tpu.vector_load %arg6[%get3A_340] {strides = array<i32>} : memref<32768xf32, #tpu.memory_space<vmem>>, vector<16xf32>,
      %swap3A_342 = arith.constant 0 : i32
      %swap3A_343 = arith.index_cast %swap3A_342 : i32 to index
      %swap3A_344 = arith.index_cast %add3A_337 : i32 to index
      %swap3A_345 = tpu.vector_load %arg7[%swap3A_343, %swap3A_344] {strides = array<i32>} : memref<8x4096xf32, #tpu.memory_space<vmem>>, vector<16xf32>,
      tpu.vector_store %arg7[%swap3A_343, %swap3A_344], %get3A_341 {strides = array<i32>} : memref<8x4096xf32, #tpu.memory_space<vmem>>, vector<16xf32>,
      %mul3A_346 = arith.constant 128 : i32
      %mul3A_347 = arith.muli %add3A_261, %mul3A_346 : i32
      %add3A_348 = arith.constant 112 : i32
      %add3A_349 = arith.addi %mul3A_347, %add3A_348 : i32
      %add3A_350 = arith.constant 0 : i32
      %add3A_351 = arith.addi %add3A_350, %add3A_349 : i32
      %get3A_352 = arith.index_cast %add3A_351 : i32 to index
      %get3A_353 = tpu.vector_load %arg6[%get3A_352] {strides = array<i32>} : memref<32768xf32, #tpu.memory_space<vmem>>, vector<16xf32>,
      %swap3A_354 = arith.constant 0 : i32
      %swap3A_355 = arith.index_cast %swap3A_354 : i32 to index
      %swap3A_356 = arith.index_cast %add3A_349 : i32 to index
      %swap3A_357 = tpu.vector_load %arg7[%swap3A_355, %swap3A_356] {strides = array<i32>} : memref<8x4096xf32, #tpu.memory_space<vmem>>, vector<16xf32>,
      tpu.vector_store %arg7[%swap3A_355, %swap3A_356], %get3A_353 {strides = array<i32>} : memref<8x4096xf32, #tpu.memory_space<vmem>>, vector<16xf32>,
      %scan3A_358 = arith.constant 2 : i32
      %scan3A_359 = arith.addi %scan3A_157, %scan3A_358 : i32
      %mul3A_360 = arith.constant 1 : i32
      %mul3A_361 = arith.muli %scan3A_359, %mul3A_360 : i32
      %add3A_362 = arith.constant 0 : i32
      %add3A_363 = arith.addi %add3A_362, %mul3A_361 : i32
      %mul3A_364 = arith.constant 128 : i32
      %mul3A_365 = arith.muli %add3A_363, %mul3A_364 : i32
      %add3A_366 = arith.constant 0 : i32
      %add3A_367 = arith.addi %mul3A_365, %add3A_366 : i32
      %add3A_368 = arith.constant 0 : i32
      %add3A_369 = arith.addi %add3A_368, %add3A_367 : i32
      %get3A_370 = arith.index_cast %add3A_369 : i32 to index
      %get3A_371 = tpu.vector_load %arg6[%get3A_370] {strides = array<i32>} : memref<32768xf32, #tpu.memory_space<vmem>>, vector<16xf32>,
      %swap3A_372 = arith.constant 0 : i32
      %swap3A_373 = arith.index_cast %swap3A_372 : i32 to index
      %swap3A_374 = arith.index_cast %add3A_367 : i32 to index
      %swap3A_375 = tpu.vector_load %arg7[%swap3A_373, %swap3A_374] {strides = array<i32>} : memref<8x4096xf32, #tpu.memory_space<vmem>>, vector<16xf32>,
      tpu.vector_store %arg7[%swap3A_373, %swap3A_374], %get3A_371 {strides = array<i32>} : memref<8x4096xf32, #tpu.memory_space<vmem>>, vector<16xf32>,
      %mul3A_376 = arith.constant 128 : i32
      %mul3A_377 = arith.muli %add3A_363, %mul3A_376 : i32
      %add3A_378 = arith.constant 16 : i32
      %add3A_379 = arith.addi %mul3A_377, %add3A_378 : i32
      %add3A_380 = arith.constant 0 : i32
      %add3A_381 = arith.addi %add3A_380, %add3A_379 : i32
      %get3A_382 = arith.index_cast %add3A_381 : i32 to index
      %get3A_383 = tpu.vector_load %arg6[%get3A_382] {strides = array<i32>} : memref<32768xf32, #tpu.memory_space<vmem>>, vector<16xf32>,
      %swap3A_384 = arith.constant 0 : i32
      %swap3A_385 = arith.index_cast %swap3A_384 : i32 to index
      %swap3A_386 = arith.index_cast %add3A_379 : i32 to index
      %swap3A_387 = tpu.vector_load %arg7[%swap3A_385, %swap3A_386] {strides = array<i32>} : memref<8x4096xf32, #tpu.memory_space<vmem>>, vector<16xf32>,
      tpu.vector_store %arg7[%swap3A_385, %swap3A_386], %get3A_383 {strides = array<i32>} : memref<8x4096xf32, #tpu.memory_space<vmem>>, vector<16xf32>,
      %mul3A_388 = arith.constant 128 : i32
      %mul3A_389 = arith.muli %add3A_363, %mul3A_388 : i32
      %add3A_390 = arith.constant 32 : i32
      %add3A_391 = arith.addi %mul3A_389, %add3A_390 : i32
      %add3A_392 = arith.constant 0 : i32
      %add3A_393 = arith.addi %add3A_392, %add3A_391 : i32
      %get3A_394 = arith.index_cast %add3A_393 : i32 to index
      %get3A_395 = tpu.vector_load %arg6[%get3A_394] {strides = array<i32>} : memref<32768xf32, #tpu.memory_space<vmem>>, vector<16xf32>,
      %swap3A_396 = arith.constant 0 : i32
      %swap3A_397 = arith.index_cast %swap3A_396 : i32 to index
      %swap3A_398 = arith.index_cast %add3A_391 : i32 to index
      %swap3A_399 = tpu.vector_load %arg7[%swap3A_397, %swap3A_398] {strides = array<i32>} : memref<8x4096xf32, #tpu.memory_space<vmem>>, vector<16xf32>,
      tpu.vector_store %arg7[%swap3A_397, %swap3A_398], %get3A_395 {strides = array<i32>} : memref<8x4096xf32, #tpu.memory_space<vmem>>, vector<16xf32>,
      %mul3A_400 = arith.constant 128 : i32
      %mul3A_401 = arith.muli %add3A_363, %mul3A_400 : i32
      %add3A_402 = arith.constant 48 : i32
      %add3A_403 = arith.addi %mul3A_401, %add3A_402 : i32
      %add3A_404 = arith.constant 0 : i32
      %add3A_405 = arith.addi %add3A_404, %add3A_403 : i32
      %get3A_406 = arith.index_cast %add3A_405 : i32 to index
      %get3A_407 = tpu.vector_load %arg6[%get3A_406] {strides = array<i32>} : memref<32768xf32, #tpu.memory_space<vmem>>, vector<16xf32>,
      %swap3A_408 = arith.constant 0 : i32
      %swap3A_409 = arith.index_cast %swap3A_408 : i32 to index
      %swap3A_410 = arith.index_cast %add3A_403 : i32 to index
      %swap3A_411 = tpu.vector_load %arg7[%swap3A_409, %swap3A_410] {strides = array<i32>} : memref<8x4096xf32, #tpu.memory_space<vmem>>, vector<16xf32>,
      tpu.vector_store %arg7[%swap3A_409, %swap3A_410], %get3A_407 {strides = array<i32>} : memref<8x4096xf32, #tpu.memory_space<vmem>>, vector<16xf32>,
      %mul3A_412 = arith.constant 128 : i32
      %mul3A_413 = arith.muli %add3A_363, %mul3A_412 : i32
      %add3A_414 = arith.constant 64 : i32
      %add3A_415 = arith.addi %mul3A_413, %add3A_414 : i32
      %add3A_416 = arith.constant 0 : i32
      %add3A_417 = arith.addi %add3A_416, %add3A_415 : i32
      %get3A_418 = arith.index_cast %add3A_417 : i32 to index
      %get3A_419 = tpu.vector_load %arg6[%get3A_418] {strides = array<i32>} : memref<32768xf32, #tpu.memory_space<vmem>>, vector<16xf32>,
      %swap3A_420 = arith.constant 0 : i32
      %swap3A_421 = arith.index_cast %swap3A_420 : i32 to index
      %swap3A_422 = arith.index_cast %add3A_415 : i32 to index
      %swap3A_423 = tpu.vector_load %arg7[%swap3A_421, %swap3A_422] {strides = array<i32>} : memref<8x4096xf32, #tpu.memory_space<vmem>>, vector<16xf32>,
      tpu.vector_store %arg7[%swap3A_421, %swap3A_422], %get3A_419 {strides = array<i32>} : memref<8x4096xf32, #tpu.memory_space<vmem>>, vector<16xf32>,
      %mul3A_424 = arith.constant 128 : i32
      %mul3A_425 = arith.muli %add3A_363, %mul3A_424 : i32
      %add3A_426 = arith.constant 80 : i32
      %add3A_427 = arith.addi %mul3A_425, %add3A_426 : i32
      %add3A_428 = arith.constant 0 : i32
      %add3A_429 = arith.addi %add3A_428, %add3A_427 : i32
      %get3A_430 = arith.index_cast %add3A_429 : i32 to index
      %get3A_431 = tpu.vector_load %arg6[%get3A_430] {strides = array<i32>} : memref<32768xf32, #tpu.memory_space<vmem>>, vector<16xf32>,
      %swap3A_432 = arith.constant 0 : i32
      %swap3A_433 = arith.index_cast %swap3A_432 : i32 to index
      %swap3A_434 = arith.index_cast %add3A_427 : i32 to index
      %swap3A_435 = tpu.vector_load %arg7[%swap3A_433, %swap3A_434] {strides = array<i32>} : memref<8x4096xf32, #tpu.memory_space<vmem>>, vector<16xf32>,
      tpu.vector_store %arg7[%swap3A_433, %swap3A_434], %get3A_431 {strides = array<i32>} : memref<8x4096xf32, #tpu.memory_space<vmem>>, vector<16xf32>,
      %mul3A_436 = arith.constant 128 : i32
      %mul3A_437 = arith.muli %add3A_363, %mul3A_436 : i32
      %add3A_438 = arith.constant 96 : i32
      %add3A_439 = arith.addi %mul3A_437, %add3A_438 : i32
      %add3A_440 = arith.constant 0 : i32
      %add3A_441 = arith.addi %add3A_440, %add3A_439 : i32
      %get3A_442 = arith.index_cast %add3A_441 : i32 to index
      %get3A_443 = tpu.vector_load %arg6[%get3A_442] {strides = array<i32>} : memref<32768xf32, #tpu.memory_space<vmem>>, vector<16xf32>,
      %swap3A_444 = arith.constant 0 : i32
      %swap3A_445 = arith.index_cast %swap3A_444 : i32 to index
      %swap3A_446 = arith.index_cast %add3A_439 : i32 to index
      %swap3A_447 = tpu.vector_load %arg7[%swap3A_445, %swap3A_446] {strides = array<i32>} : memref<8x4096xf32, #tpu.memory_space<vmem>>, vector<16xf32>,
      tpu.vector_store %arg7[%swap3A_445, %swap3A_446], %get3A_443 {strides = array<i32>} : memref<8x4096xf32, #tpu.memory_space<vmem>>, vector<16xf32>,
      %mul3A_448 = arith.constant 128 : i32
      %mul3A_449 = arith.muli %add3A_363, %mul3A_448 : i32
      %add3A_450 = arith.constant 112 : i32
      %add3A_451 = arith.addi %mul3A_449, %add3A_450 : i32
      %add3A_452 = arith.constant 0 : i32
      %add3A_453 = arith.addi %add3A_452, %add3A_451 : i32
      %get3A_454 = arith.index_cast %add3A_453 : i32 to index
      %get3A_455 = tpu.vector_load %arg6[%get3A_454] {strides = array<i32>} : memref<32768xf32, #tpu.memory_space<vmem>>, vector<16xf32>,
      %swap3A_456 = arith.constant 0 : i32
      %swap3A_457 = arith.index_cast %swap3A_456 : i32 to index
      %swap3A_458 = arith.index_cast %add3A_451 : i32 to index
      %swap3A_459 = tpu.vector_load %arg7[%swap3A_457, %swap3A_458] {strides = array<i32>} : memref<8x4096xf32, #tpu.memory_space<vmem>>, vector<16xf32>,
      tpu.vector_store %arg7[%swap3A_457, %swap3A_458], %get3A_455 {strides = array<i32>} : memref<8x4096xf32, #tpu.memory_space<vmem>>, vector<16xf32>,
      %scan3A_460 = arith.constant 3 : i32
      %scan3A_461 = arith.addi %scan3A_157, %scan3A_460 : i32
      %mul3A_462 = arith.constant 1 : i32
      %mul3A_463 = arith.muli %scan3A_461, %mul3A_462 : i32
      %add3A_464 = arith.constant 0 : i32
      %add3A_465 = arith.addi %add3A_464, %mul3A_463 : i32
      %mul3A_466 = arith.constant 128 : i32
      %mul3A_467 = arith.muli %add3A_465, %mul3A_466 : i32
      %add3A_468 = arith.constant 0 : i32
      %add3A_469 = arith.addi %mul3A_467, %add3A_468 : i32
      %add3A_470 = arith.constant 0 : i32
      %add3A_471 = arith.addi %add3A_470, %add3A_469 : i32
      %get3A_472 = arith.index_cast %add3A_471 : i32 to index
      %get3A_473 = tpu.vector_load %arg6[%get3A_472] {strides = array<i32>} : memref<32768xf32, #tpu.memory_space<vmem>>, vector<16xf32>,
      %swap3A_474 = arith.constant 0 : i32
      %swap3A_475 = arith.index_cast %swap3A_474 : i32 to index
      %swap3A_476 = arith.index_cast %add3A_469 : i32 to index
      %swap3A_477 = tpu.vector_load %arg7[%swap3A_475, %swap3A_476] {strides = array<i32>} : memref<8x4096xf32, #tpu.memory_space<vmem>>, vector<16xf32>,
      tpu.vector_store %arg7[%swap3A_475, %swap3A_476], %get3A_473 {strides = array<i32>} : memref<8x4096xf32, #tpu.memory_space<vmem>>, vector<16xf32>,
      %mul3A_478 = arith.constant 128 : i32
      %mul3A_479 = arith.muli %add3A_465, %mul3A_478 : i32
      %add3A_480 = arith.constant 16 : i32
      %add3A_481 = arith.addi %mul3A_479, %add3A_480 : i32
      %add3A_482 = arith.constant 0 : i32
      %add3A_483 = arith.addi %add3A_482, %add3A_481 : i32
      %get3A_484 = arith.index_cast %add3A_483 : i32 to index
      %get3A_485 = tpu.vector_load %arg6[%get3A_484] {strides = array<i32>} : memref<32768xf32, #tpu.memory_space<vmem>>, vector<16xf32>,
      %swap3A_486 = arith.constant 0 : i32
      %swap3A_487 = arith.index_cast %swap3A_486 : i32 to index
      %swap3A_488 = arith.index_cast %add3A_481 : i32 to index
      %swap3A_489 = tpu.vector_load %arg7[%swap3A_487, %swap3A_488] {strides = array<i32>} : memref<8x4096xf32, #tpu.memory_space<vmem>>, vector<16xf32>,
      tpu.vector_store %arg7[%swap3A_487, %swap3A_488], %get3A_485 {strides = array<i32>} : memref<8x4096xf32, #tpu.memory_space<vmem>>, vector<16xf32>,
      %mul3A_490 = arith.constant 128 : i32
      %mul3A_491 = arith.muli %add3A_465, %mul3A_490 : i32
      %add3A_492 = arith.constant 32 : i32
      %add3A_493 = arith.addi %mul3A_491, %add3A_492 : i32
      %add3A_494 = arith.constant 0 : i32
      %add3A_495 = arith.addi %add3A_494, %add3A_493 : i32
      %get3A_496 = arith.index_cast %add3A_495 : i32 to index
      %get3A_497 = tpu.vector_load %arg6[%get3A_496] {strides = array<i32>} : memref<32768xf32, #tpu.memory_space<vmem>>, vector<16xf32>,
      %swap3A_498 = arith.constant 0 : i32
      %swap3A_499 = arith.index_cast %swap3A_498 : i32 to index
      %swap3A_500 = arith.index_cast %add3A_493 : i32 to index
      %swap3A_501 = tpu.vector_load %arg7[%swap3A_499, %swap3A_500] {strides = array<i32>} : memref<8x4096xf32, #tpu.memory_space<vmem>>, vector<16xf32>,
      tpu.vector_store %arg7[%swap3A_499, %swap3A_500], %get3A_497 {strides = array<i32>} : memref<8x4096xf32, #tpu.memory_space<vmem>>, vector<16xf32>,
      %mul3A_502 = arith.constant 128 : i32
      %mul3A_503 = arith.muli %add3A_465, %mul3A_502 : i32
      %add3A_504 = arith.constant 48 : i32
      %add3A_505 = arith.addi %mul3A_503, %add3A_504 : i32
      %add3A_506 = arith.constant 0 : i32
      %add3A_507 = arith.addi %add3A_506, %add3A_505 : i32
      %get3A_508 = arith.index_cast %add3A_507 : i32 to index
      %get3A_509 = tpu.vector_load %arg6[%get3A_508] {strides = array<i32>} : memref<32768xf32, #tpu.memory_space<vmem>>, vector<16xf32>,
      %swap3A_510 = arith.constant 0 : i32
      %swap3A_511 = arith.index_cast %swap3A_510 : i32 to index
      %swap3A_512 = arith.index_cast %add3A_505 : i32 to index
      %swap3A_513 = tpu.vector_load %arg7[%swap3A_511, %swap3A_512] {strides = array<i32>} : memref<8x4096xf32, #tpu.memory_space<vmem>>, vector<16xf32>,
      tpu.vector_store %arg7[%swap3A_511, %swap3A_512], %get3A_509 {strides = array<i32>} : memref<8x4096xf32, #tpu.memory_space<vmem>>, vector<16xf32>,
      %mul3A_514 = arith.constant 128 : i32
      %mul3A_515 = arith.muli %add3A_465, %mul3A_514 : i32
      %add3A_516 = arith.constant 64 : i32
      %add3A_517 = arith.addi %mul3A_515, %add3A_516 : i32
      %add3A_518 = arith.constant 0 : i32
      %add3A_519 = arith.addi %add3A_518, %add3A_517 : i32
      %get3A_520 = arith.index_cast %add3A_519 : i32 to index
      %get3A_521 = tpu.vector_load %arg6[%get3A_520] {strides = array<i32>} : memref<32768xf32, #tpu.memory_space<vmem>>, vector<16xf32>,
      %swap3A_522 = arith.constant 0 : i32
      %swap3A_523 = arith.index_cast %swap3A_522 : i32 to index
      %swap3A_524 = arith.index_cast %add3A_517 : i32 to index
      %swap3A_525 = tpu.vector_load %arg7[%swap3A_523, %swap3A_524] {strides = array<i32>} : memref<8x4096xf32, #tpu.memory_space<vmem>>, vector<16xf32>,
      tpu.vector_store %arg7[%swap3A_523, %swap3A_524], %get3A_521 {strides = array<i32>} : memref<8x4096xf32, #tpu.memory_space<vmem>>, vector<16xf32>,
      %mul3A_526 = arith.constant 128 : i32
      %mul3A_527 = arith.muli %add3A_465, %mul3A_526 : i32
      %add3A_528 = arith.constant 80 : i32
      %add3A_529 = arith.addi %mul3A_527, %add3A_528 : i32
      %add3A_530 = arith.constant 0 : i32
      %add3A_531 = arith.addi %add3A_530, %add3A_529 : i32
      %get3A_532 = arith.index_cast %add3A_531 : i32 to index
      %get3A_533 = tpu.vector_load %arg6[%get3A_532] {strides = array<i32>} : memref<32768xf32, #tpu.memory_space<vmem>>, vector<16xf32>,
      %swap3A_534 = arith.constant 0 : i32
      %swap3A_535 = arith.index_cast %swap3A_534 : i32 to index
      %swap3A_536 = arith.index_cast %add3A_529 : i32 to index
      %swap3A_537 = tpu.vector_load %arg7[%swap3A_535, %swap3A_536] {strides = array<i32>} : memref<8x4096xf32, #tpu.memory_space<vmem>>, vector<16xf32>,
      tpu.vector_store %arg7[%swap3A_535, %swap3A_536], %get3A_533 {strides = array<i32>} : memref<8x4096xf32, #tpu.memory_space<vmem>>, vector<16xf32>,
      %mul3A_538 = arith.constant 128 : i32
      %mul3A_539 = arith.muli %add3A_465, %mul3A_538 : i32
      %add3A_540 = arith.constant 96 : i32
      %add3A_541 = arith.addi %mul3A_539, %add3A_540 : i32
      %add3A_542 = arith.constant 0 : i32
      %add3A_543 = arith.addi %add3A_542, %add3A_541 : i32
      %get3A_544 = arith.index_cast %add3A_543 : i32 to index
      %get3A_545 = tpu.vector_load %arg6[%get3A_544] {strides = array<i32>} : memref<32768xf32, #tpu.memory_space<vmem>>, vector<16xf32>,
      %swap3A_546 = arith.constant 0 : i32
      %swap3A_547 = arith.index_cast %swap3A_546 : i32 to index
      %swap3A_548 = arith.index_cast %add3A_541 : i32 to index
      %swap3A_549 = tpu.vector_load %arg7[%swap3A_547, %swap3A_548] {strides = array<i32>} : memref<8x4096xf32, #tpu.memory_space<vmem>>, vector<16xf32>,
      tpu.vector_store %arg7[%swap3A_547, %swap3A_548], %get3A_545 {strides = array<i32>} : memref<8x4096xf32, #tpu.memory_space<vmem>>, vector<16xf32>,
      %mul3A_550 = arith.constant 128 : i32
      %mul3A_551 = arith.muli %add3A_465, %mul3A_550 : i32
      %add3A_552 = arith.constant 112 : i32
      %add3A_553 = arith.addi %mul3A_551, %add3A_552 : i32
      %add3A_554 = arith.constant 0 : i32
      %add3A_555 = arith.addi %add3A_554, %add3A_553 : i32
      %get3A_556 = arith.index_cast %add3A_555 : i32 to index
      %get3A_557 = tpu.vector_load %arg6[%get3A_556] {strides = array<i32>} : memref<32768xf32, #tpu.memory_space<vmem>>, vector<16xf32>,
      %swap3A_558 = arith.constant 0 : i32
      %swap3A_559 = arith.index_cast %swap3A_558 : i32 to index
      %swap3A_560 = arith.index_cast %add3A_553 : i32 to index
      %swap3A_561 = tpu.vector_load %arg7[%swap3A_559, %swap3A_560] {strides = array<i32>} : memref<8x4096xf32, #tpu.memory_space<vmem>>, vector<16xf32>,
      tpu.vector_store %arg7[%swap3A_559, %swap3A_560], %get3A_557 {strides = array<i32>} : memref<8x4096xf32, #tpu.memory_space<vmem>>, vector<16xf32>,
    }
    %scan3A_121 = arith.constant 32 : i32
    %scan3A_122 = arith.constant 0 : i32
    %scan3A_123 = arith.constant 32 : i32
    %scan3A_124 = arith.addi %scan3A_122, %scan3A_123 : i32
    %scan3A_125 = arith.constant 4 : i32
    scf.for %scan3A_157 = %scan3A_122 to %scan3A_124 step %scan3A_125  : i32 {
      %mul3A_158 = arith.constant 1 : i32
      %mul3A_159 = arith.muli %scan3A_157, %mul3A_158 : i32
      %add3A_160 = arith.constant 0 : i32
      %add3A_161 = arith.addi %add3A_160, %mul3A_159 : i32
      %mul3A_162 = arith.constant 128 : i32
      %mul3A_163 = arith.muli %add3A_161, %mul3A_162 : i32
      %add3A_164 = arith.constant 0 : i32
      %add3A_165 = arith.addi %mul3A_163, %add3A_164 : i32
      %add3A_166 = arith.constant 4096 : i32
      %add3A_167 = arith.addi %add3A_166, %add3A_165 : i32
      %get3A = arith.index_cast %add3A_167 : i32 to index
      %get3A_168 = tpu.vector_load %arg6[%get3A] {strides = array<i32>} : memref<32768xf32, #tpu.memory_space<vmem>>, vector<16xf32>,
      %swap3A = arith.constant 1 : i32
      %swap3A_169 = arith.index_cast %swap3A : i32 to index
      %swap3A_170 = arith.index_cast %add3A_165 : i32 to index
      %swap3A_171 = tpu.vector_load %arg7[%swap3A_169, %swap3A_170] {strides = array<i32>} : memref<8x4096xf32, #tpu.memory_space<vmem>>, vector<16xf32>,
      tpu.vector_store %arg7[%swap3A_169, %swap3A_170], %get3A_168 {strides = array<i32>} : memref<8x4096xf32, #tpu.memory_space<vmem>>, vector<16xf32>,
      %mul3A_172 = arith.constant 128 : i32
      %mul3A_173 = arith.muli %add3A_161, %mul3A_172 : i32
      %add3A_174 = arith.constant 16 : i32
      %add3A_175 = arith.addi %mul3A_173, %add3A_174 : i32
      %add3A_176 = arith.constant 4096 : i32
      %add3A_177 = arith.addi %add3A_176, %add3A_175 : i32
      %get3A_178 = arith.index_cast %add3A_177 : i32 to index
      %get3A_179 = tpu.vector_load %arg6[%get3A_178] {strides = array<i32>} : memref<32768xf32, #tpu.memory_space<vmem>>, vector<16xf32>,
      %swap3A_180 = arith.constant 1 : i32
      %swap3A_181 = arith.index_cast %swap3A_180 : i32 to index
      %swap3A_182 = arith.index_cast %add3A_175 : i32 to index
      %swap3A_183 = tpu.vector_load %arg7[%swap3A_181, %swap3A_182] {strides = array<i32>} : memref<8x4096xf32, #tpu.memory_space<vmem>>, vector<16xf32>,
      tpu.vector_store %arg7[%swap3A_181, %swap3A_182], %get3A_179 {strides = array<i32>} : memref<8x4096xf32, #tpu.memory_space<vmem>>, vector<16xf32>,
      %mul3A_184 = arith.constant 128 : i32
      %mul3A_185 = arith.muli %add3A_161, %mul3A_184 : i32
      %add3A_186 = arith.constant 32 : i32
      %add3A_187 = arith.addi %mul3A_185, %add3A_186 : i32
      %add3A_188 = arith.constant 4096 : i32
      %add3A_189 = arith.addi %add3A_188, %add3A_187 : i32
      %get3A_190 = arith.index_cast %add3A_189 : i32 to index
      %get3A_191 = tpu.vector_load %arg6[%get3A_190] {strides = array<i32>} : memref<32768xf32, #tpu.memory_space<vmem>>, vector<16xf32>,
      %swap3A_192 = arith.constant 1 : i32
      %swap3A_193 = arith.index_cast %swap3A_192 : i32 to index
      %swap3A_194 = arith.index_cast %add3A_187 : i32 to index
      %swap3A_195 = tpu.vector_load %arg7[%swap3A_193, %swap3A_194] {strides = array<i32>} : memref<8x4096xf32, #tpu.memory_space<vmem>>, vector<16xf32>,
      tpu.vector_store %arg7[%swap3A_193, %swap3A_194], %get3A_191 {strides = array<i32>} : memref<8x4096xf32, #tpu.memory_space<vmem>>, vector<16xf32>,
      %mul3A_196 = arith.constant 128 : i32
      %mul3A_197 = arith.muli %add3A_161, %mul3A_196 : i32
      %add3A_198 = arith.constant 48 : i32
      %add3A_199 = arith.addi %mul3A_197, %add3A_198 : i32
      %add3A_200 = arith.constant 4096 : i32
      %add3A_201 = arith.addi %add3A_200, %add3A_199 : i32
      %get3A_202 = arith.index_cast %add3A_201 : i32 to index
      %get3A_203 = tpu.vector_load %arg6[%get3A_202] {strides = array<i32>} : memref<32768xf32, #tpu.memory_space<vmem>>, vector<16xf32>,
      %swap3A_204 = arith.constant 1 : i32
      %swap3A_205 = arith.index_cast %swap3A_204 : i32 to index
      %swap3A_206 = arith.index_cast %add3A_199 : i32 to index
      %swap3A_207 = tpu.vector_load %arg7[%swap3A_205, %swap3A_206] {strides = array<i32>} : memref<8x4096xf32, #tpu.memory_space<vmem>>, vector<16xf32>,
      tpu.vector_store %arg7[%swap3A_205, %swap3A_206], %get3A_203 {strides = array<i32>} : memref<8x4096xf32, #tpu.memory_space<vmem>>, vector<16xf32>,
      %mul3A_208 = arith.constant 128 : i32
      %mul3A_209 = arith.muli %add3A_161, %mul3A_208 : i32
      %add3A_210 = arith.constant 64 : i32
      %add3A_211 = arith.addi %mul3A_209, %add3A_210 : i32
      %add3A_212 = arith.constant 4096 : i32
      %add3A_213 = arith.addi %add3A_212, %add3A_211 : i32
      %get3A_214 = arith.index_cast %add3A_213 : i32 to index
      %get3A_215 = tpu.vector_load %arg6[%get3A_214] {strides = array<i32>} : memref<32768xf32, #tpu.memory_space<vmem>>, vector<16xf32>,
      %swap3A_216 = arith.constant 1 : i32
      %swap3A_217 = arith.index_cast %swap3A_216 : i32 to index
      %swap3A_218 = arith.index_cast %add3A_211 : i32 to index
      %swap3A_219 = tpu.vector_load %arg7[%swap3A_217, %swap3A_218] {strides = array<i32>} : memref<8x4096xf32, #tpu.memory_space<vmem>>, vector<16xf32>,
      tpu.vector_store %arg7[%swap3A_217, %swap3A_218], %get3A_215 {strides = array<i32>} : memref<8x4096xf32, #tpu.memory_space<vmem>>, vector<16xf32>,
      %mul3A_220 = arith.constant 128 : i32
      %mul3A_221 = arith.muli %add3A_161, %mul3A_220 : i32
      %add3A_222 = arith.constant 80 : i32
      %add3A_223 = arith.addi %mul3A_221, %add3A_222 : i32
      %add3A_224 = arith.constant 4096 : i32
      %add3A_225 = arith.addi %add3A_224, %add3A_223 : i32
      %get3A_226 = arith.index_cast %add3A_225 : i32 to index
      %get3A_227 = tpu.vector_load %arg6[%get3A_226] {strides = array<i32>} : memref<32768xf32, #tpu.memory_space<vmem>>, vector<16xf32>,
      %swap3A_228 = arith.constant 1 : i32
      %swap3A_229 = arith.index_cast %swap3A_228 : i32 to index
      %swap3A_230 = arith.index_cast %add3A_223 : i32 to index
      %swap3A_231 = tpu.vector_load %arg7[%swap3A_229, %swap3A_230] {strides = array<i32>} : memref<8x4096xf32, #tpu.memory_space<vmem>>, vector<16xf32>,
      tpu.vector_store %arg7[%swap3A_229, %swap3A_230], %get3A_227 {strides = array<i32>} : memref<8x4096xf32, #tpu.memory_space<vmem>>, vector<16xf32>,
      %mul3A_232 = arith.constant 128 : i32
      %mul3A_233 = arith.muli %add3A_161, %mul3A_232 : i32
      %add3A_234 = arith.constant 96 : i32
      %add3A_235 = arith.addi %mul3A_233, %add3A_234 : i32
      %add3A_236 = arith.constant 4096 : i32
      %add3A_237 = arith.addi %add3A_236, %add3A_235 : i32
      %get3A_238 = arith.index_cast %add3A_237 : i32 to index
      %get3A_239 = tpu.vector_load %arg6[%get3A_238] {strides = array<i32>} : memref<32768xf32, #tpu.memory_space<vmem>>, vector<16xf32>,
      %swap3A_240 = arith.constant 1 : i32
      %swap3A_241 = arith.index_cast %swap3A_240 : i32 to index
      %swap3A_242 = arith.index_cast %add3A_235 : i32 to index
      %swap3A_243 = tpu.vector_load %arg7[%swap3A_241, %swap3A_242] {strides = array<i32>} : memref<8x4096xf32, #tpu.memory_space<vmem>>, vector<16xf32>,
      tpu.vector_store %arg7[%swap3A_241, %swap3A_242], %get3A_239 {strides = array<i32>} : memref<8x4096xf32, #tpu.memory_space<vmem>>, vector<16xf32>,
      %mul3A_244 = arith.constant 128 : i32
      %mul3A_245 = arith.muli %add3A_161, %mul3A_244 : i32
      %add3A_246 = arith.constant 112 : i32
      %add3A_247 = arith.addi %mul3A_245, %add3A_246 : i32
      %add3A_248 = arith.constant 4096 : i32
      %add3A_249 = arith.addi %add3A_248, %add3A_247 : i32
      %get3A_250 = arith.index_cast %add3A_249 : i32 to index
      %get3A_251 = tpu.vector_load %arg6[%get3A_250] {strides = array<i32>} : memref<32768xf32, #tpu.memory_space<vmem>>, vector<16xf32>,
      %swap3A_252 = arith.constant 1 : i32
      %swap3A_253 = arith.index_cast %swap3A_252 : i32 to index
      %swap3A_254 = arith.index_cast %add3A_247 : i32 to index
      %swap3A_255 = tpu.vector_load %arg7[%swap3A_253, %swap3A_254] {strides = array<i32>} : memref<8x4096xf32, #tpu.memory_space<vmem>>, vector<16xf32>,
      tpu.vector_store %arg7[%swap3A_253, %swap3A_254], %get3A_251 {strides = array<i32>} : memref<8x4096xf32, #tpu.memory_space<vmem>>, vector<16xf32>,
      %scan3A_256 = arith.constant 1 : i32
      %scan3A_257 = arith.addi %scan3A_157, %scan3A_256 : i32
      %mul3A_258 = arith.constant 1 : i32
      %mul3A_259 = arith.muli %scan3A_257, %mul3A_258 : i32
      %add3A_260 = arith.constant 0 : i32
      %add3A_261 = arith.addi %add3A_260, %mul3A_259 : i32
      %mul3A_262 = arith.constant 128 : i32
      %mul3A_263 = arith.muli %add3A_261, %mul3A_262 : i32
      %add3A_264 = arith.constant 0 : i32
      %add3A_265 = arith.addi %mul3A_263, %add3A_264 : i32
      %add3A_266 = arith.constant 4096 : i32
      %add3A_267 = arith.addi %add3A_266, %add3A_265 : i32
      %get3A_268 = arith.index_cast %add3A_267 : i32 to index
      %get3A_269 = tpu.vector_load %arg6[%get3A_268] {strides = array<i32>} : memref<32768xf32, #tpu.memory_space<vmem>>, vector<16xf32>,
      %swap3A_270 = arith.constant 1 : i32
      %swap3A_271 = arith.index_cast %swap3A_270 : i32 to index
      %swap3A_272 = arith.index_cast %add3A_265 : i32 to index
      %swap3A_273 = tpu.vector_load %arg7[%swap3A_271, %swap3A_272] {strides = array<i32>} : memref<8x4096xf32, #tpu.memory_space<vmem>>, vector<16xf32>,
      tpu.vector_store %arg7[%swap3A_271, %swap3A_272], %get3A_269 {strides = array<i32>} : memref<8x4096xf32, #tpu.memory_space<vmem>>, vector<16xf32>,
      %mul3A_274 = arith.constant 128 : i32
      %mul3A_275 = arith.muli %add3A_261, %mul3A_274 : i32
      %add3A_276 = arith.constant 16 : i32
      %add3A_277 = arith.addi %mul3A_275, %add3A_276 : i32
      %add3A_278 = arith.constant 4096 : i32
      %add3A_279 = arith.addi %add3A_278, %add3A_277 : i32
      %get3A_280 = arith.index_cast %add3A_279 : i32 to index
      %get3A_281 = tpu.vector_load %arg6[%get3A_280] {strides = array<i32>} : memref<32768xf32, #tpu.memory_space<vmem>>, vector<16xf32>,
      %swap3A_282 = arith.constant 1 : i32
      %swap3A_283 = arith.index_cast %swap3A_282 : i32 to index
      %swap3A_284 = arith.index_cast %add3A_277 : i32 to index
      %swap3A_285 = tpu.vector_load %arg7[%swap3A_283, %swap3A_284] {strides = array<i32>} : memref<8x4096xf32, #tpu.memory_space<vmem>>, vector<16xf32>,
      tpu.vector_store %arg7[%swap3A_283, %swap3A_284], %get3A_281 {strides = array<i32>} : memref<8x4096xf32, #tpu.memory_space<vmem>>, vector<16xf32>,
      %mul3A_286 = arith.constant 128 : i32
      %mul3A_287 = arith.muli %add3A_261, %mul3A_286 : i32
      %add3A_288 = arith.constant 32 : i32
      %add3A_289 = arith.addi %mul3A_287, %add3A_288 : i32
      %add3A_290 = arith.constant 4096 : i32
      %add3A_291 = arith.addi %add3A_290, %add3A_289 : i32
      %get3A_292 = arith.index_cast %add3A_291 : i32 to index
      %get3A_293 = tpu.vector_load %arg6[%get3A_292] {strides = array<i32>} : memref<32768xf32, #tpu.memory_space<vmem>>, vector<16xf32>,
      %swap3A_294 = arith.constant 1 : i32
      %swap3A_295 = arith.index_cast %swap3A_294 : i32 to index
      %swap3A_296 = arith.index_cast %add3A_289 : i32 to index
      %swap3A_297 = tpu.vector_load %arg7[%swap3A_295, %swap3A_296] {strides = array<i32>} : memref<8x4096xf32, #tpu.memory_space<vmem>>, vector<16xf32>,
      tpu.vector_store %arg7[%swap3A_295, %swap3A_296], %get3A_293 {strides = array<i32>} : memref<8x4096xf32, #tpu.memory_space<vmem>>, vector<16xf32>,
      %mul3A_298 = arith.constant 128 : i32
      %mul3A_299 = arith.muli %add3A_261, %mul3A_298 : i32
      %add3A_300 = arith.constant 48 : i32
      %add3A_301 = arith.addi %mul3A_299, %add3A_300 : i32
      %add3A_302 = arith.constant 4096 : i32
      %add3A_303 = arith.addi %add3A_302, %add3A_301 : i32
      %get3A_304 = arith.index_cast %add3A_303 : i32 to index
      %get3A_305 = tpu.vector_load %arg6[%get3A_304] {strides = array<i32>} : memref<32768xf32, #tpu.memory_space<vmem>>, vector<16xf32>,
      %swap3A_306 = arith.constant 1 : i32
      %swap3A_307 = arith.index_cast %swap3A_306 : i32 to index
      %swap3A_308 = arith.index_cast %add3A_301 : i32 to index
      %swap3A_309 = tpu.vector_load %arg7[%swap3A_307, %swap3A_308] {strides = array<i32>} : memref<8x4096xf32, #tpu.memory_space<vmem>>, vector<16xf32>,
      tpu.vector_store %arg7[%swap3A_307, %swap3A_308], %get3A_305 {strides = array<i32>} : memref<8x4096xf32, #tpu.memory_space<vmem>>, vector<16xf32>,
      %mul3A_310 = arith.constant 128 : i32
      %mul3A_311 = arith.muli %add3A_261, %mul3A_310 : i32
      %add3A_312 = arith.constant 64 : i32
      %add3A_313 = arith.addi %mul3A_311, %add3A_312 : i32
      %add3A_314 = arith.constant 4096 : i32
      %add3A_315 = arith.addi %add3A_314, %add3A_313 : i32
      %get3A_316 = arith.index_cast %add3A_315 : i32 to index
      %get3A_317 = tpu.vector_load %arg6[%get3A_316] {strides = array<i32>} : memref<32768xf32, #tpu.memory_space<vmem>>, vector<16xf32>,
      %swap3A_318 = arith.constant 1 : i32
      %swap3A_319 = arith.index_cast %swap3A_318 : i32 to index
      %swap3A_320 = arith.index_cast %add3A_313 : i32 to index
      %swap3A_321 = tpu.vector_load %arg7[%swap3A_319, %swap3A_320] {strides = array<i32>} : memref<8x4096xf32, #tpu.memory_space<vmem>>, vector<16xf32>,
      tpu.vector_store %arg7[%swap3A_319, %swap3A_320], %get3A_317 {strides = array<i32>} : memref<8x4096xf32, #tpu.memory_space<vmem>>, vector<16xf32>,
      %mul3A_322 = arith.constant 128 : i32
      %mul3A_323 = arith.muli %add3A_261, %mul3A_322 : i32
      %add3A_324 = arith.constant 80 : i32
      %add3A_325 = arith.addi %mul3A_323, %add3A_324 : i32
      %add3A_326 = arith.constant 4096 : i32
      %add3A_327 = arith.addi %add3A_326, %add3A_325 : i32
      %get3A_328 = arith.index_cast %add3A_327 : i32 to index
      %get3A_329 = tpu.vector_load %arg6[%get3A_328] {strides = array<i32>} : memref<32768xf32, #tpu.memory_space<vmem>>, vector<16xf32>,
      %swap3A_330 = arith.constant 1 : i32
      %swap3A_331 = arith.index_cast %swap3A_330 : i32 to index
      %swap3A_332 = arith.index_cast %add3A_325 : i32 to index
      %swap3A_333 = tpu.vector_load %arg7[%swap3A_331, %swap3A_332] {strides = array<i32>} : memref<8x4096xf32, #tpu.memory_space<vmem>>, vector<16xf32>,
      tpu.vector_store %arg7[%swap3A_331, %swap3A_332], %get3A_329 {strides = array<i32>} : memref<8x4096xf32, #tpu.memory_space<vmem>>, vector<16xf32>,
      %mul3A_334 = arith.constant 128 : i32
      %mul3A_335 = arith.muli %add3A_261, %mul3A_334 : i32
      %add3A_336 = arith.constant 96 : i32
      %add3A_337 = arith.addi %mul3A_335, %add3A_336 : i32
      %add3A_338 = arith.constant 4096 : i32
      %add3A_339 = arith.addi %add3A_338, %add3A_337 : i32
      %get3A_340 = arith.index_cast %add3A_339 : i32 to index
      %get3A_341 = tpu.vector_load %arg6[%get3A_340] {strides = array<i32>} : memref<32768xf32, #tpu.memory_space<vmem>>, vector<16xf32>,
      %swap3A_342 = arith.constant 1 : i32
      %swap3A_343 = arith.index_cast %swap3A_342 : i32 to index
      %swap3A_344 = arith.index_cast %add3A_337 : i32 to index
      %swap3A_345 = tpu.vector_load %arg7[%swap3A_343, %swap3A_344] {strides = array<i32>} : memref<8x4096xf32, #tpu.memory_space<vmem>>, vector<16xf32>,
      tpu.vector_store %arg7[%swap3A_343, %swap3A_344], %get3A_341 {strides = array<i32>} : memref<8x4096xf32, #tpu.memory_space<vmem>>, vector<16xf32>,
      %mul3A_346 = arith.constant 128 : i32
      %mul3A_347 = arith.muli %add3A_261, %mul3A_346 : i32
      %add3A_348 = arith.constant 112 : i32
      %add3A_349 = arith.addi %mul3A_347, %add3A_348 : i32
      %add3A_350 = arith.constant 4096 : i32
      %add3A_351 = arith.addi %add3A_350, %add3A_349 : i32
      %get3A_352 = arith.index_cast %add3A_351 : i32 to index
      %get3A_353 = tpu.vector_load %arg6[%get3A_352] {strides = array<i32>} : memref<32768xf32, #tpu.memory_space<vmem>>, vector<16xf32>,
      %swap3A_354 = arith.constant 1 : i32
      %swap3A_355 = arith.index_cast %swap3A_354 : i32 to index
      %swap3A_356 = arith.index_cast %add3A_349 : i32 to index
      %swap3A_357 = tpu.vector_load %arg7[%swap3A_355, %swap3A_356] {strides = array<i32>} : memref<8x4096xf32, #tpu.memory_space<vmem>>, vector<16xf32>,
      tpu.vector_store %arg7[%swap3A_355, %swap3A_356], %get3A_353 {strides = array<i32>} : memref<8x4096xf32, #tpu.memory_space<vmem>>, vector<16xf32>,
      %scan3A_358 = arith.constant 2 : i32
      %scan3A_359 = arith.addi %scan3A_157, %scan3A_358 : i32
      %mul3A_360 = arith.constant 1 : i32
      %mul3A_361 = arith.muli %scan3A_359, %mul3A_360 : i32
      %add3A_362 = arith.constant 0 : i32
      %add3A_363 = arith.addi %add3A_362, %mul3A_361 : i32
      %mul3A_364 = arith.constant 128 : i32
      %mul3A_365 = arith.muli %add3A_363, %mul3A_364 : i32
      %add3A_366 = arith.constant 0 : i32
      %add3A_367 = arith.addi %mul3A_365, %add3A_366 : i32
      %add3A_368 = arith.constant 4096 : i32
      %add3A_369 = arith.addi %add3A_368, %add3A_367 : i32
      %get3A_370 = arith.index_cast %add3A_369 : i32 to index
      %get3A_371 = tpu.vector_load %arg6[%get3A_370] {strides = array<i32>} : memref<32768xf32, #tpu.memory_space<vmem>>, vector<16xf32>,
      %swap3A_372 = arith.constant 1 : i32
      %swap3A_373 = arith.index_cast %swap3A_372 : i32 to index
      %swap3A_374 = arith.index_cast %add3A_367 : i32 to index
      %swap3A_375 = tpu.vector_load %arg7[%swap3A_373, %swap3A_374] {strides = array<i32>} : memref<8x4096xf32, #tpu.memory_space<vmem>>, vector<16xf32>,
      tpu.vector_store %arg7[%swap3A_373, %swap3A_374], %get3A_371 {strides = array<i32>} : memref<8x4096xf32, #tpu.memory_space<vmem>>, vector<16xf32>,
      %mul3A_376 = arith.constant 128 : i32
      %mul3A_377 = arith.muli %add3A_363, %mul3A_376 : i32
      %add3A_378 = arith.constant 16 : i32
      %add3A_379 = arith.addi %mul3A_377, %add3A_378 : i32
      %add3A_380 = arith.constant 4096 : i32
      %add3A_381 = arith.addi %add3A_380, %add3A_379 : i32
      %get3A_382 = arith.index_cast %add3A_381 : i32 to index
      %get3A_383 = tpu.vector_load %arg6[%get3A_382] {strides = array<i32>} : memref<32768xf32, #tpu.memory_space<vmem>>, vector<16xf32>,
      %swap3A_384 = arith.constant 1 : i32
      %swap3A_385 = arith.index_cast %swap3A_384 : i32 to index
      %swap3A_386 = arith.index_cast %add3A_379 : i32 to index
      %swap3A_387 = tpu.vector_load %arg7[%swap3A_385, %swap3A_386] {strides = array<i32>} : memref<8x4096xf32, #tpu.memory_space<vmem>>, vector<16xf32>,
      tpu.vector_store %arg7[%swap3A_385, %swap3A_386], %get3A_383 {strides = array<i32>} : memref<8x4096xf32, #tpu.memory_space<vmem>>, vector<16xf32>,
      %mul3A_388 = arith.constant 128 : i32
      %mul3A_389 = arith.muli %add3A_363, %mul3A_388 : i32
      %add3A_390 = arith.constant 32 : i32
      %add3A_391 = arith.addi %mul3A_389, %add3A_390 : i32
      %add3A_392 = arith.constant 4096 : i32
      %add3A_393 = arith.addi %add3A_392, %add3A_391 : i32
      %get3A_394 = arith.index_cast %add3A_393 : i32 to index
      %get3A_395 = tpu.vector_load %arg6[%get3A_394] {strides = array<i32>} : memref<32768xf32, #tpu.memory_space<vmem>>, vector<16xf32>,
      %swap3A_396 = arith.constant 1 : i32
      %swap3A_397 = arith.index_cast %swap3A_396 : i32 to index
      %swap3A_398 = arith.index_cast %add3A_391 : i32 to index
      %swap3A_399 = tpu.vector_load %arg7[%swap3A_397, %swap3A_398] {strides = array<i32>} : memref<8x4096xf32, #tpu.memory_space<vmem>>, vector<16xf32>,
      tpu.vector_store %arg7[%swap3A_397, %swap3A_398], %get3A_395 {strides = array<i32>} : memref<8x4096xf32, #tpu.memory_space<vmem>>, vector<16xf32>,
      %mul3A_400 = arith.constant 128 : i32
      %mul3A_401 = arith.muli %add3A_363, %mul3A_400 : i32
      %add3A_402 = arith.constant 48 : i32
      %add3A_403 = arith.addi %mul3A_401, %add3A_402 : i32
      %add3A_404 = arith.constant 4096 : i32
      %add3A_405 = arith.addi %add3A_404, %add3A_403 : i32
      %get3A_406 = arith.index_cast %add3A_405 : i32 to index
      %get3A_407 = tpu.vector_load %arg6[%get3A_406] {strides = array<i32>} : memref<32768xf32, #tpu.memory_space<vmem>>, vector<16xf32>,
      %swap3A_408 = arith.constant 1 : i32
      %swap3A_409 = arith.index_cast %swap3A_408 : i32 to index
      %swap3A_410 = arith.index_cast %add3A_403 : i32 to index
      %swap3A_411 = tpu.vector_load %arg7[%swap3A_409, %swap3A_410] {strides = array<i32>} : memref<8x4096xf32, #tpu.memory_space<vmem>>, vector<16xf32>,
      tpu.vector_store %arg7[%swap3A_409, %swap3A_410], %get3A_407 {strides = array<i32>} : memref<8x4096xf32, #tpu.memory_space<vmem>>, vector<16xf32>,
      %mul3A_412 = arith.constant 128 : i32
      %mul3A_413 = arith.muli %add3A_363, %mul3A_412 : i32
      %add3A_414 = arith.constant 64 : i32
      %add3A_415 = arith.addi %mul3A_413, %add3A_414 : i32
      %add3A_416 = arith.constant 4096 : i32
      %add3A_417 = arith.addi %add3A_416, %add3A_415 : i32
      %get3A_418 = arith.index_cast %add3A_417 : i32 to index
      %get3A_419 = tpu.vector_load %arg6[%get3A_418] {strides = array<i32>} : memref<32768xf32, #tpu.memory_space<vmem>>, vector<16xf32>,
      %swap3A_420 = arith.constant 1 : i32
      %swap3A_421 = arith.index_cast %swap3A_420 : i32 to index
      %swap3A_422 = arith.index_cast %add3A_415 : i32 to index
      %swap3A_423 = tpu.vector_load %arg7[%swap3A_421, %swap3A_422] {strides = array<i32>} : memref<8x4096xf32, #tpu.memory_space<vmem>>, vector<16xf32>,
      tpu.vector_store %arg7[%swap3A_421, %swap3A_422], %get3A_419 {strides = array<i32>} : memref<8x4096xf32, #tpu.memory_space<vmem>>, vector<16xf32>,
      %mul3A_424 = arith.constant 128 : i32
      %mul3A_425 = arith.muli %add3A_363, %mul3A_424 : i32
      %add3A_426 = arith.constant 80 : i32
      %add3A_427 = arith.addi %mul3A_425, %add3A_426 : i32
      %add3A_428 = arith.constant 4096 : i32
      %add3A_429 = arith.addi %add3A_428, %add3A_427 : i32
      %get3A_430 = arith.index_cast %add3A_429 : i32 to index
      %get3A_431 = tpu.vector_load %arg6[%get3A_430] {strides = array<i32>} : memref<32768xf32, #tpu.memory_space<vmem>>, vector<16xf32>,
      %swap3A_432 = arith.constant 1 : i32
      %swap3A_433 = arith.index_cast %swap3A_432 : i32 to index
      %swap3A_434 = arith.index_cast %add3A_427 : i32 to index
      %swap3A_435 = tpu.vector_load %arg7[%swap3A_433, %swap3A_434] {strides = array<i32>} : memref<8x4096xf32, #tpu.memory_space<vmem>>, vector<16xf32>,
      tpu.vector_store %arg7[%swap3A_433, %swap3A_434], %get3A_431 {strides = array<i32>} : memref<8x4096xf32, #tpu.memory_space<vmem>>, vector<16xf32>,
      %mul3A_436 = arith.constant 128 : i32
      %mul3A_437 = arith.muli %add3A_363, %mul3A_436 : i32
      %add3A_438 = arith.constant 96 : i32
      %add3A_439 = arith.addi %mul3A_437, %add3A_438 : i32
      %add3A_440 = arith.constant 4096 : i32
      %add3A_441 = arith.addi %add3A_440, %add3A_439 : i32
      %get3A_442 = arith.index_cast %add3A_441 : i32 to index
      %get3A_443 = tpu.vector_load %arg6[%get3A_442] {strides = array<i32>} : memref<32768xf32, #tpu.memory_space<vmem>>, vector<16xf32>,
      %swap3A_444 = arith.constant 1 : i32
      %swap3A_445 = arith.index_cast %swap3A_444 : i32 to index
      %swap3A_446 = arith.index_cast %add3A_439 : i32 to index
      %swap3A_447 = tpu.vector_load %arg7[%swap3A_445, %swap3A_446] {strides = array<i32>} : memref<8x4096xf32, #tpu.memory_space<vmem>>, vector<16xf32>,
      tpu.vector_store %arg7[%swap3A_445, %swap3A_446], %get3A_443 {strides = array<i32>} : memref<8x4096xf32, #tpu.memory_space<vmem>>, vector<16xf32>,
      %mul3A_448 = arith.constant 128 : i32
      %mul3A_449 = arith.muli %add3A_363, %mul3A_448 : i32
      %add3A_450 = arith.constant 112 : i32
      %add3A_451 = arith.addi %mul3A_449, %add3A_450 : i32
      %add3A_452 = arith.constant 4096 : i32
      %add3A_453 = arith.addi %add3A_452, %add3A_451 : i32
      %get3A_454 = arith.index_cast %add3A_453 : i32 to index
      %get3A_455 = tpu.vector_load %arg6[%get3A_454] {strides = array<i32>} : memref<32768xf32, #tpu.memory_space<vmem>>, vector<16xf32>,
      %swap3A_456 = arith.constant 1 : i32
      %swap3A_457 = arith.index_cast %swap3A_456 : i32 to index
      %swap3A_458 = arith.index_cast %add3A_451 : i32 to index
      %swap3A_459 = tpu.vector_load %arg7[%swap3A_457, %swap3A_458] {strides = array<i32>} : memref<8x4096xf32, #tpu.memory_space<vmem>>, vector<16xf32>,
      tpu.vector_store %arg7[%swap3A_457, %swap3A_458], %get3A_455 {strides = array<i32>} : memref<8x4096xf32, #tpu.memory_space<vmem>>, vector<16xf32>,
      %scan3A_460 = arith.constant 3 : i32
      %scan3A_461 = arith.addi %scan3A_157, %scan3A_460 : i32
      %mul3A_462 = arith.constant 1 : i32
      %mul3A_463 = arith.muli %scan3A_461, %mul3A_462 : i32
      %add3A_464 = arith.constant 0 : i32
      %add3A_465 = arith.addi %add3A_464, %mul3A_463 : i32
      %mul3A_466 = arith.constant 128 : i32
      %mul3A_467 = arith.muli %add3A_465, %mul3A_466 : i32
      %add3A_468 = arith.constant 0 : i32
      %add3A_469 = arith.addi %mul3A_467, %add3A_468 : i32
      %add3A_470 = arith.constant 4096 : i32
      %add3A_471 = arith.addi %add3A_470, %add3A_469 : i32
      %get3A_472 = arith.index_cast %add3A_471 : i32 to index
      %get3A_473 = tpu.vector_load %arg6[%get3A_472] {strides = array<i32>} : memref<32768xf32, #tpu.memory_space<vmem>>, vector<16xf32>,
      %swap3A_474 = arith.constant 1 : i32
      %swap3A_475 = arith.index_cast %swap3A_474 : i32 to index
      %swap3A_476 = arith.index_cast %add3A_469 : i32 to index
      %swap3A_477 = tpu.vector_load %arg7[%swap3A_475, %swap3A_476] {strides = array<i32>} : memref<8x4096xf32, #tpu.memory_space<vmem>>, vector<16xf32>,
      tpu.vector_store %arg7[%swap3A_475, %swap3A_476], %get3A_473 {strides = array<i32>} : memref<8x4096xf32, #tpu.memory_space<vmem>>, vector<16xf32>,
      %mul3A_478 = arith.constant 128 : i32
      %mul3A_479 = arith.muli %add3A_465, %mul3A_478 : i32
      %add3A_480 = arith.constant 16 : i32
      %add3A_481 = arith.addi %mul3A_479, %add3A_480 : i32
      %add3A_482 = arith.constant 4096 : i32
      %add3A_483 = arith.addi %add3A_482, %add3A_481 : i32
      %get3A_484 = arith.index_cast %add3A_483 : i32 to index
      %get3A_485 = tpu.vector_load %arg6[%get3A_484] {strides = array<i32>} : memref<32768xf32, #tpu.memory_space<vmem>>, vector<16xf32>,
      %swap3A_486 = arith.constant 1 : i32
      %swap3A_487 = arith.index_cast %swap3A_486 : i32 to index
      %swap3A_488 = arith.index_cast %add3A_481 : i32 to index
      %swap3A_489 = tpu.vector_load %arg7[%swap3A_487, %swap3A_488] {strides = array<i32>} : memref<8x4096xf32, #tpu.memory_space<vmem>>, vector<16xf32>,
      tpu.vector_store %arg7[%swap3A_487, %swap3A_488], %get3A_485 {strides = array<i32>} : memref<8x4096xf32, #tpu.memory_space<vmem>>, vector<16xf32>,
      %mul3A_490 = arith.constant 128 : i32
      %mul3A_491 = arith.muli %add3A_465, %mul3A_490 : i32
      %add3A_492 = arith.constant 32 : i32
      %add3A_493 = arith.addi %mul3A_491, %add3A_492 : i32
      %add3A_494 = arith.constant 4096 : i32
      %add3A_495 = arith.addi %add3A_494, %add3A_493 : i32
      %get3A_496 = arith.index_cast %add3A_495 : i32 to index
      %get3A_497 = tpu.vector_load %arg6[%get3A_496] {strides = array<i32>} : memref<32768xf32, #tpu.memory_space<vmem>>, vector<16xf32>,
      %swap3A_498 = arith.constant 1 : i32
      %swap3A_499 = arith.index_cast %swap3A_498 : i32 to index
      %swap3A_500 = arith.index_cast %add3A_493 : i32 to index
      %swap3A_501 = tpu.vector_load %arg7[%swap3A_499, %swap3A_500] {strides = array<i32>} : memref<8x4096xf32, #tpu.memory_space<vmem>>, vector<16xf32>,
      tpu.vector_store %arg7[%swap3A_499, %swap3A_500], %get3A_497 {strides = array<i32>} : memref<8x4096xf32, #tpu.memory_space<vmem>>, vector<16xf32>,
      %mul3A_502 = arith.constant 128 : i32
      %mul3A_503 = arith.muli %add3A_465, %mul3A_502 : i32
      %add3A_504 = arith.constant 48 : i32
      %add3A_505 = arith.addi %mul3A_503, %add3A_504 : i32
      %add3A_506 = arith.constant 4096 : i32
      %add3A_507 = arith.addi %add3A_506, %add3A_505 : i32
      %get3A_508 = arith.index_cast %add3A_507 : i32 to index
      %get3A_509 = tpu.vector_load %arg6[%get3A_508] {strides = array<i32>} : memref<32768xf32, #tpu.memory_space<vmem>>, vector<16xf32>,
      %swap3A_510 = arith.constant 1 : i32
      %swap3A_511 = arith.index_cast %swap3A_510 : i32 to index
      %swap3A_512 = arith.index_cast %add3A_505 : i32 to index
      %swap3A_513 = tpu.vector_load %arg7[%swap3A_511, %swap3A_512] {strides = array<i32>} : memref<8x4096xf32, #tpu.memory_space<vmem>>, vector<16xf32>,
      tpu.vector_store %arg7[%swap3A_511, %swap3A_512], %get3A_509 {strides = array<i32>} : memref<8x4096xf32, #tpu.memory_space<vmem>>, vector<16xf32>,
      %mul3A_514 = arith.constant 128 : i32
      %mul3A_515 = arith.muli %add3A_465, %mul3A_514 : i32
      %add3A_516 = arith.constant 64 : i32
      %add3A_517 = arith.addi %mul3A_515, %add3A_516 : i32
      %add3A_518 = arith.constant 4096 : i32
      %add3A_519 = arith.addi %add3A_518, %add3A_517 : i32
      %get3A_520 = arith.index_cast %add3A_519 : i32 to index
      %get3A_521 = tpu.vector_load %arg6[%get3A_520] {strides = array<i32>} : memref<32768xf32, #tpu.memory_space<vmem>>, vector<16xf32>,
      %swap3A_522 = arith.constant 1 : i32
      %swap3A_523 = arith.index_cast %swap3A_522 : i32 to index
      %swap3A_524 = arith.index_cast %add3A_517 : i32 to index
      %swap3A_525 = tpu.vector_load %arg7[%swap3A_523, %swap3A_524] {strides = array<i32>} : memref<8x4096xf32, #tpu.memory_space<vmem>>, vector<16xf32>,
      tpu.vector_store %arg7[%swap3A_523, %swap3A_524], %get3A_521 {strides = array<i32>} : memref<8x4096xf32, #tpu.memory_space<vmem>>, vector<16xf32>,
      %mul3A_526 = arith.constant 128 : i32
      %mul3A_527 = arith.muli %add3A_465, %mul3A_526 : i32
      %add3A_528 = arith.constant 80 : i32
      %add3A_529 = arith.addi %mul3A_527, %add3A_528 : i32
      %add3A_530 = arith.constant 4096 : i32
      %add3A_531 = arith.addi %add3A_530, %add3A_529 : i32
      %get3A_532 = arith.index_cast %add3A_531 : i32 to index
      %get3A_533 = tpu.vector_load %arg6[%get3A_532] {strides = array<i32>} : memref<32768xf32, #tpu.memory_space<vmem>>, vector<16xf32>,
      %swap3A_534 = arith.constant 1 : i32
      %swap3A_535 = arith.index_cast %swap3A_534 : i32 to index
      %swap3A_536 = arith.index_cast %add3A_529 : i32 to index
      %swap3A_537 = tpu.vector_load %arg7[%swap3A_535, %swap3A_536] {strides = array<i32>} : memref<8x4096xf32, #tpu.memory_space<vmem>>, vector<16xf32>,
      tpu.vector_store %arg7[%swap3A_535, %swap3A_536], %get3A_533 {strides = array<i32>} : memref<8x4096xf32, #tpu.memory_space<vmem>>, vector<16xf32>,
      %mul3A_538 = arith.constant 128 : i32
      %mul3A_539 = arith.muli %add3A_465, %mul3A_538 : i32
      %add3A_540 = arith.constant 96 : i32
      %add3A_541 = arith.addi %mul3A_539, %add3A_540 : i32
      %add3A_542 = arith.constant 4096 : i32
      %add3A_543 = arith.addi %add3A_542, %add3A_541 : i32
      %get3A_544 = arith.index_cast %add3A_543 : i32 to index
      %get3A_545 = tpu.vector_load %arg6[%get3A_544] {strides = array<i32>} : memref<32768xf32, #tpu.memory_space<vmem>>, vector<16xf32>,
      %swap3A_546 = arith.constant 1 : i32
      %swap3A_547 = arith.index_cast %swap3A_546 : i32 to index
      %swap3A_548 = arith.index_cast %add3A_541 : i32 to index
      %swap3A_549 = tpu.vector_load %arg7[%swap3A_547, %swap3A_548] {strides = array<i32>} : memref<8x4096xf32, #tpu.memory_space<vmem>>, vector<16xf32>,
      tpu.vector_store %arg7[%swap3A_547, %swap3A_548], %get3A_545 {strides = array<i32>} : memref<8x4096xf32, #tpu.memory_space<vmem>>, vector<16xf32>,
      %mul3A_550 = arith.constant 128 : i32
      %mul3A_551 = arith.muli %add3A_465, %mul3A_550 : i32
      %add3A_552 = arith.constant 112 : i32
      %add3A_553 = arith.addi %mul3A_551, %add3A_552 : i32
      %add3A_554 = arith.constant 4096 : i32
      %add3A_555 = arith.addi %add3A_554, %add3A_553 : i32
      %get3A_556 = arith.index_cast %add3A_555 : i32 to index
      %get3A_557 = tpu.vector_load %arg6[%get3A_556] {strides = array<i32>} : memref<32768xf32, #tpu.memory_space<vmem>>, vector<16xf32>,
      %swap3A_558 = arith.constant 1 : i32
      %swap3A_559 = arith.index_cast %swap3A_558 : i32 to index
      %swap3A_560 = arith.index_cast %add3A_553 : i32 to index
      %swap3A_561 = tpu.vector_load %arg7[%swap3A_559, %swap3A_560] {strides = array<i32>} : memref<8x4096xf32, #tpu.memory_space<vmem>>, vector<16xf32>,
      tpu.vector_store %arg7[%swap3A_559, %swap3A_560], %get3A_557 {strides = array<i32>} : memref<8x4096xf32, #tpu.memory_space<vmem>>, vector<16xf32>,
    }
    %scan3A_126 = arith.constant 32 : i32
    %scan3A_127 = arith.constant 0 : i32
    %scan3A_128 = arith.constant 32 : i32
    %scan3A_129 = arith.addi %scan3A_127, %scan3A_128 : i32
    %scan3A_130 = arith.constant 4 : i32
    scf.for %scan3A_157 = %scan3A_127 to %scan3A_129 step %scan3A_130  : i32 {
      %mul3A_158 = arith.constant 1 : i32
      %mul3A_159 = arith.muli %scan3A_157, %mul3A_158 : i32
      %add3A_160 = arith.constant 0 : i32
      %add3A_161 = arith.addi %add3A_160, %mul3A_159 : i32
      %mul3A_162 = arith.constant 128 : i32
      %mul3A_163 = arith.muli %add3A_161, %mul3A_162 : i32
      %add3A_164 = arith.constant 0 : i32
      %add3A_165 = arith.addi %mul3A_163, %add3A_164 : i32
      %add3A_166 = arith.constant 8192 : i32
      %add3A_167 = arith.addi %add3A_166, %add3A_165 : i32
      %get3A = arith.index_cast %add3A_167 : i32 to index
      %get3A_168 = tpu.vector_load %arg6[%get3A] {strides = array<i32>} : memref<32768xf32, #tpu.memory_space<vmem>>, vector<16xf32>,
      %swap3A = arith.constant 2 : i32
      %swap3A_169 = arith.index_cast %swap3A : i32 to index
      %swap3A_170 = arith.index_cast %add3A_165 : i32 to index
      %swap3A_171 = tpu.vector_load %arg7[%swap3A_169, %swap3A_170] {strides = array<i32>} : memref<8x4096xf32, #tpu.memory_space<vmem>>, vector<16xf32>,
      tpu.vector_store %arg7[%swap3A_169, %swap3A_170], %get3A_168 {strides = array<i32>} : memref<8x4096xf32, #tpu.memory_space<vmem>>, vector<16xf32>,
      %mul3A_172 = arith.constant 128 : i32
      %mul3A_173 = arith.muli %add3A_161, %mul3A_172 : i32
      %add3A_174 = arith.constant 16 : i32
      %add3A_175 = arith.addi %mul3A_173, %add3A_174 : i32
      %add3A_176 = arith.constant 8192 : i32
      %add3A_177 = arith.addi %add3A_176, %add3A_175 : i32
      %get3A_178 = arith.index_cast %add3A_177 : i32 to index
      %get3A_179 = tpu.vector_load %arg6[%get3A_178] {strides = array<i32>} : memref<32768xf32, #tpu.memory_space<vmem>>, vector<16xf32>,
      %swap3A_180 = arith.constant 2 : i32
      %swap3A_181 = arith.index_cast %swap3A_180 : i32 to index
      %swap3A_182 = arith.index_cast %add3A_175 : i32 to index
      %swap3A_183 = tpu.vector_load %arg7[%swap3A_181, %swap3A_182] {strides = array<i32>} : memref<8x4096xf32, #tpu.memory_space<vmem>>, vector<16xf32>,
      tpu.vector_store %arg7[%swap3A_181, %swap3A_182], %get3A_179 {strides = array<i32>} : memref<8x4096xf32, #tpu.memory_space<vmem>>, vector<16xf32>,
      %mul3A_184 = arith.constant 128 : i32
      %mul3A_185 = arith.muli %add3A_161, %mul3A_184 : i32
      %add3A_186 = arith.constant 32 : i32
      %add3A_187 = arith.addi %mul3A_185, %add3A_186 : i32
      %add3A_188 = arith.constant 8192 : i32
      %add3A_189 = arith.addi %add3A_188, %add3A_187 : i32
      %get3A_190 = arith.index_cast %add3A_189 : i32 to index
      %get3A_191 = tpu.vector_load %arg6[%get3A_190] {strides = array<i32>} : memref<32768xf32, #tpu.memory_space<vmem>>, vector<16xf32>,
      %swap3A_192 = arith.constant 2 : i32
      %swap3A_193 = arith.index_cast %swap3A_192 : i32 to index
      %swap3A_194 = arith.index_cast %add3A_187 : i32 to index
      %swap3A_195 = tpu.vector_load %arg7[%swap3A_193, %swap3A_194] {strides = array<i32>} : memref<8x4096xf32, #tpu.memory_space<vmem>>, vector<16xf32>,
      tpu.vector_store %arg7[%swap3A_193, %swap3A_194], %get3A_191 {strides = array<i32>} : memref<8x4096xf32, #tpu.memory_space<vmem>>, vector<16xf32>,
      %mul3A_196 = arith.constant 128 : i32
      %mul3A_197 = arith.muli %add3A_161, %mul3A_196 : i32
      %add3A_198 = arith.constant 48 : i32
      %add3A_199 = arith.addi %mul3A_197, %add3A_198 : i32
      %add3A_200 = arith.constant 8192 : i32
      %add3A_201 = arith.addi %add3A_200, %add3A_199 : i32
      %get3A_202 = arith.index_cast %add3A_201 : i32 to index
      %get3A_203 = tpu.vector_load %arg6[%get3A_202] {strides = array<i32>} : memref<32768xf32, #tpu.memory_space<vmem>>, vector<16xf32>,
      %swap3A_204 = arith.constant 2 : i32
      %swap3A_205 = arith.index_cast %swap3A_204 : i32 to index
      %swap3A_206 = arith.index_cast %add3A_199 : i32 to index
      %swap3A_207 = tpu.vector_load %arg7[%swap3A_205, %swap3A_206] {strides = array<i32>} : memref<8x4096xf32, #tpu.memory_space<vmem>>, vector<16xf32>,
      tpu.vector_store %arg7[%swap3A_205, %swap3A_206], %get3A_203 {strides = array<i32>} : memref<8x4096xf32, #tpu.memory_space<vmem>>, vector<16xf32>,
      %mul3A_208 = arith.constant 128 : i32
      %mul3A_209 = arith.muli %add3A_161, %mul3A_208 : i32
      %add3A_210 = arith.constant 64 : i32
      %add3A_211 = arith.addi %mul3A_209, %add3A_210 : i32
      %add3A_212 = arith.constant 8192 : i32
      %add3A_213 = arith.addi %add3A_212, %add3A_211 : i32
      %get3A_214 = arith.index_cast %add3A_213 : i32 to index
      %get3A_215 = tpu.vector_load %arg6[%get3A_214] {strides = array<i32>} : memref<32768xf32, #tpu.memory_space<vmem>>, vector<16xf32>,
      %swap3A_216 = arith.constant 2 : i32
      %swap3A_217 = arith.index_cast %swap3A_216 : i32 to index
      %swap3A_218 = arith.index_cast %add3A_211 : i32 to index
      %swap3A_219 = tpu.vector_load %arg7[%swap3A_217, %swap3A_218] {strides = array<i32>} : memref<8x4096xf32, #tpu.memory_space<vmem>>, vector<16xf32>,
      tpu.vector_store %arg7[%swap3A_217, %swap3A_218], %get3A_215 {strides = array<i32>} : memref<8x4096xf32, #tpu.memory_space<vmem>>, vector<16xf32>,
      %mul3A_220 = arith.constant 128 : i32
      %mul3A_221 = arith.muli %add3A_161, %mul3A_220 : i32
      %add3A_222 = arith.constant 80 : i32
      %add3A_223 = arith.addi %mul3A_221, %add3A_222 : i32
      %add3A_224 = arith.constant 8192 : i32
      %add3A_225 = arith.addi %add3A_224, %add3A_223 : i32
      %get3A_226 = arith.index_cast %add3A_225 : i32 to index
      %get3A_227 = tpu.vector_load %arg6[%get3A_226] {strides = array<i32>} : memref<32768xf32, #tpu.memory_space<vmem>>, vector<16xf32>,
      %swap3A_228 = arith.constant 2 : i32
      %swap3A_229 = arith.index_cast %swap3A_228 : i32 to index
      %swap3A_230 = arith.index_cast %add3A_223 : i32 to index
      %swap3A_231 = tpu.vector_load %arg7[%swap3A_229, %swap3A_230] {strides = array<i32>} : memref<8x4096xf32, #tpu.memory_space<vmem>>, vector<16xf32>,
      tpu.vector_store %arg7[%swap3A_229, %swap3A_230], %get3A_227 {strides = array<i32>} : memref<8x4096xf32, #tpu.memory_space<vmem>>, vector<16xf32>,
      %mul3A_232 = arith.constant 128 : i32
      %mul3A_233 = arith.muli %add3A_161, %mul3A_232 : i32
      %add3A_234 = arith.constant 96 : i32
      %add3A_235 = arith.addi %mul3A_233, %add3A_234 : i32
      %add3A_236 = arith.constant 8192 : i32
      %add3A_237 = arith.addi %add3A_236, %add3A_235 : i32
      %get3A_238 = arith.index_cast %add3A_237 : i32 to index
      %get3A_239 = tpu.vector_load %arg6[%get3A_238] {strides = array<i32>} : memref<32768xf32, #tpu.memory_space<vmem>>, vector<16xf32>,
      %swap3A_240 = arith.constant 2 : i32
      %swap3A_241 = arith.index_cast %swap3A_240 : i32 to index
      %swap3A_242 = arith.index_cast %add3A_235 : i32 to index
      %swap3A_243 = tpu.vector_load %arg7[%swap3A_241, %swap3A_242] {strides = array<i32>} : memref<8x4096xf32, #tpu.memory_space<vmem>>, vector<16xf32>,
      tpu.vector_store %arg7[%swap3A_241, %swap3A_242], %get3A_239 {strides = array<i32>} : memref<8x4096xf32, #tpu.memory_space<vmem>>, vector<16xf32>,
      %mul3A_244 = arith.constant 128 : i32
      %mul3A_245 = arith.muli %add3A_161, %mul3A_244 : i32
      %add3A_246 = arith.constant 112 : i32
      %add3A_247 = arith.addi %mul3A_245, %add3A_246 : i32
      %add3A_248 = arith.constant 8192 : i32
      %add3A_249 = arith.addi %add3A_248, %add3A_247 : i32
      %get3A_250 = arith.index_cast %add3A_249 : i32 to index
      %get3A_251 = tpu.vector_load %arg6[%get3A_250] {strides = array<i32>} : memref<32768xf32, #tpu.memory_space<vmem>>, vector<16xf32>,
      %swap3A_252 = arith.constant 2 : i32
      %swap3A_253 = arith.index_cast %swap3A_252 : i32 to index
      %swap3A_254 = arith.index_cast %add3A_247 : i32 to index
      %swap3A_255 = tpu.vector_load %arg7[%swap3A_253, %swap3A_254] {strides = array<i32>} : memref<8x4096xf32, #tpu.memory_space<vmem>>, vector<16xf32>,
      tpu.vector_store %arg7[%swap3A_253, %swap3A_254], %get3A_251 {strides = array<i32>} : memref<8x4096xf32, #tpu.memory_space<vmem>>, vector<16xf32>,
      %scan3A_256 = arith.constant 1 : i32
      %scan3A_257 = arith.addi %scan3A_157, %scan3A_256 : i32
      %mul3A_258 = arith.constant 1 : i32
      %mul3A_259 = arith.muli %scan3A_257, %mul3A_258 : i32
      %add3A_260 = arith.constant 0 : i32
      %add3A_261 = arith.addi %add3A_260, %mul3A_259 : i32
      %mul3A_262 = arith.constant 128 : i32
      %mul3A_263 = arith.muli %add3A_261, %mul3A_262 : i32
      %add3A_264 = arith.constant 0 : i32
      %add3A_265 = arith.addi %mul3A_263, %add3A_264 : i32
      %add3A_266 = arith.constant 8192 : i32
      %add3A_267 = arith.addi %add3A_266, %add3A_265 : i32
      %get3A_268 = arith.index_cast %add3A_267 : i32 to index
      %get3A_269 = tpu.vector_load %arg6[%get3A_268] {strides = array<i32>} : memref<32768xf32, #tpu.memory_space<vmem>>, vector<16xf32>,
      %swap3A_270 = arith.constant 2 : i32
      %swap3A_271 = arith.index_cast %swap3A_270 : i32 to index
      %swap3A_272 = arith.index_cast %add3A_265 : i32 to index
      %swap3A_273 = tpu.vector_load %arg7[%swap3A_271, %swap3A_272] {strides = array<i32>} : memref<8x4096xf32, #tpu.memory_space<vmem>>, vector<16xf32>,
      tpu.vector_store %arg7[%swap3A_271, %swap3A_272], %get3A_269 {strides = array<i32>} : memref<8x4096xf32, #tpu.memory_space<vmem>>, vector<16xf32>,
      %mul3A_274 = arith.constant 128 : i32
      %mul3A_275 = arith.muli %add3A_261, %mul3A_274 : i32
      %add3A_276 = arith.constant 16 : i32
      %add3A_277 = arith.addi %mul3A_275, %add3A_276 : i32
      %add3A_278 = arith.constant 8192 : i32
      %add3A_279 = arith.addi %add3A_278, %add3A_277 : i32
      %get3A_280 = arith.index_cast %add3A_279 : i32 to index
      %get3A_281 = tpu.vector_load %arg6[%get3A_280] {strides = array<i32>} : memref<32768xf32, #tpu.memory_space<vmem>>, vector<16xf32>,
      %swap3A_282 = arith.constant 2 : i32
      %swap3A_283 = arith.index_cast %swap3A_282 : i32 to index
      %swap3A_284 = arith.index_cast %add3A_277 : i32 to index
      %swap3A_285 = tpu.vector_load %arg7[%swap3A_283, %swap3A_284] {strides = array<i32>} : memref<8x4096xf32, #tpu.memory_space<vmem>>, vector<16xf32>,
      tpu.vector_store %arg7[%swap3A_283, %swap3A_284], %get3A_281 {strides = array<i32>} : memref<8x4096xf32, #tpu.memory_space<vmem>>, vector<16xf32>,
      %mul3A_286 = arith.constant 128 : i32
      %mul3A_287 = arith.muli %add3A_261, %mul3A_286 : i32
      %add3A_288 = arith.constant 32 : i32
      %add3A_289 = arith.addi %mul3A_287, %add3A_288 : i32
      %add3A_290 = arith.constant 8192 : i32
      %add3A_291 = arith.addi %add3A_290, %add3A_289 : i32
      %get3A_292 = arith.index_cast %add3A_291 : i32 to index
      %get3A_293 = tpu.vector_load %arg6[%get3A_292] {strides = array<i32>} : memref<32768xf32, #tpu.memory_space<vmem>>, vector<16xf32>,
      %swap3A_294 = arith.constant 2 : i32
      %swap3A_295 = arith.index_cast %swap3A_294 : i32 to index
      %swap3A_296 = arith.index_cast %add3A_289 : i32 to index
      %swap3A_297 = tpu.vector_load %arg7[%swap3A_295, %swap3A_296] {strides = array<i32>} : memref<8x4096xf32, #tpu.memory_space<vmem>>, vector<16xf32>,
      tpu.vector_store %arg7[%swap3A_295, %swap3A_296], %get3A_293 {strides = array<i32>} : memref<8x4096xf32, #tpu.memory_space<vmem>>, vector<16xf32>,
      %mul3A_298 = arith.constant 128 : i32
      %mul3A_299 = arith.muli %add3A_261, %mul3A_298 : i32
      %add3A_300 = arith.constant 48 : i32
      %add3A_301 = arith.addi %mul3A_299, %add3A_300 : i32
      %add3A_302 = arith.constant 8192 : i32
      %add3A_303 = arith.addi %add3A_302, %add3A_301 : i32
      %get3A_304 = arith.index_cast %add3A_303 : i32 to index
      %get3A_305 = tpu.vector_load %arg6[%get3A_304] {strides = array<i32>} : memref<32768xf32, #tpu.memory_space<vmem>>, vector<16xf32>,
      %swap3A_306 = arith.constant 2 : i32
      %swap3A_307 = arith.index_cast %swap3A_306 : i32 to index
      %swap3A_308 = arith.index_cast %add3A_301 : i32 to index
      %swap3A_309 = tpu.vector_load %arg7[%swap3A_307, %swap3A_308] {strides = array<i32>} : memref<8x4096xf32, #tpu.memory_space<vmem>>, vector<16xf32>,
      tpu.vector_store %arg7[%swap3A_307, %swap3A_308], %get3A_305 {strides = array<i32>} : memref<8x4096xf32, #tpu.memory_space<vmem>>, vector<16xf32>,
      %mul3A_310 = arith.constant 128 : i32
      %mul3A_311 = arith.muli %add3A_261, %mul3A_310 : i32
      %add3A_312 = arith.constant 64 : i32
      %add3A_313 = arith.addi %mul3A_311, %add3A_312 : i32
      %add3A_314 = arith.constant 8192 : i32
      %add3A_315 = arith.addi %add3A_314, %add3A_313 : i32
      %get3A_316 = arith.index_cast %add3A_315 : i32 to index
      %get3A_317 = tpu.vector_load %arg6[%get3A_316] {strides = array<i32>} : memref<32768xf32, #tpu.memory_space<vmem>>, vector<16xf32>,
      %swap3A_318 = arith.constant 2 : i32
      %swap3A_319 = arith.index_cast %swap3A_318 : i32 to index
      %swap3A_320 = arith.index_cast %add3A_313 : i32 to index
      %swap3A_321 = tpu.vector_load %arg7[%swap3A_319, %swap3A_320] {strides = array<i32>} : memref<8x4096xf32, #tpu.memory_space<vmem>>, vector<16xf32>,
      tpu.vector_store %arg7[%swap3A_319, %swap3A_320], %get3A_317 {strides = array<i32>} : memref<8x4096xf32, #tpu.memory_space<vmem>>, vector<16xf32>,
      %mul3A_322 = arith.constant 128 : i32
      %mul3A_323 = arith.muli %add3A_261, %mul3A_322 : i32
      %add3A_324 = arith.constant 80 : i32
      %add3A_325 = arith.addi %mul3A_323, %add3A_324 : i32
      %add3A_326 = arith.constant 8192 : i32
      %add3A_327 = arith.addi %add3A_326, %add3A_325 : i32
      %get3A_328 = arith.index_cast %add3A_327 : i32 to index
      %get3A_329 = tpu.vector_load %arg6[%get3A_328] {strides = array<i32>} : memref<32768xf32, #tpu.memory_space<vmem>>, vector<16xf32>,
      %swap3A_330 = arith.constant 2 : i32
      %swap3A_331 = arith.index_cast %swap3A_330 : i32 to index
      %swap3A_332 = arith.index_cast %add3A_325 : i32 to index
      %swap3A_333 = tpu.vector_load %arg7[%swap3A_331, %swap3A_332] {strides = array<i32>} : memref<8x4096xf32, #tpu.memory_space<vmem>>, vector<16xf32>,
      tpu.vector_store %arg7[%swap3A_331, %swap3A_332], %get3A_329 {strides = array<i32>} : memref<8x4096xf32, #tpu.memory_space<vmem>>, vector<16xf32>,
      %mul3A_334 = arith.constant 128 : i32
      %mul3A_335 = arith.muli %add3A_261, %mul3A_334 : i32
      %add3A_336 = arith.constant 96 : i32
      %add3A_337 = arith.addi %mul3A_335, %add3A_336 : i32
      %add3A_338 = arith.constant 8192 : i32
      %add3A_339 = arith.addi %add3A_338, %add3A_337 : i32
      %get3A_340 = arith.index_cast %add3A_339 : i32 to index
      %get3A_341 = tpu.vector_load %arg6[%get3A_340] {strides = array<i32>} : memref<32768xf32, #tpu.memory_space<vmem>>, vector<16xf32>,
      %swap3A_342 = arith.constant 2 : i32
      %swap3A_343 = arith.index_cast %swap3A_342 : i32 to index
      %swap3A_344 = arith.index_cast %add3A_337 : i32 to index
      %swap3A_345 = tpu.vector_load %arg7[%swap3A_343, %swap3A_344] {strides = array<i32>} : memref<8x4096xf32, #tpu.memory_space<vmem>>, vector<16xf32>,
      tpu.vector_store %arg7[%swap3A_343, %swap3A_344], %get3A_341 {strides = array<i32>} : memref<8x4096xf32, #tpu.memory_space<vmem>>, vector<16xf32>,
      %mul3A_346 = arith.constant 128 : i32
      %mul3A_347 = arith.muli %add3A_261, %mul3A_346 : i32
      %add3A_348 = arith.constant 112 : i32
      %add3A_349 = arith.addi %mul3A_347, %add3A_348 : i32
      %add3A_350 = arith.constant 8192 : i32
      %add3A_351 = arith.addi %add3A_350, %add3A_349 : i32
      %get3A_352 = arith.index_cast %add3A_351 : i32 to index
      %get3A_353 = tpu.vector_load %arg6[%get3A_352] {strides = array<i32>} : memref<32768xf32, #tpu.memory_space<vmem>>, vector<16xf32>,
      %swap3A_354 = arith.constant 2 : i32
      %swap3A_355 = arith.index_cast %swap3A_354 : i32 to index
      %swap3A_356 = arith.index_cast %add3A_349 : i32 to index
      %swap3A_357 = tpu.vector_load %arg7[%swap3A_355, %swap3A_356] {strides = array<i32>} : memref<8x4096xf32, #tpu.memory_space<vmem>>, vector<16xf32>,
      tpu.vector_store %arg7[%swap3A_355, %swap3A_356], %get3A_353 {strides = array<i32>} : memref<8x4096xf32, #tpu.memory_space<vmem>>, vector<16xf32>,
      %scan3A_358 = arith.constant 2 : i32
      %scan3A_359 = arith.addi %scan3A_157, %scan3A_358 : i32
      %mul3A_360 = arith.constant 1 : i32
      %mul3A_361 = arith.muli %scan3A_359, %mul3A_360 : i32
      %add3A_362 = arith.constant 0 : i32
      %add3A_363 = arith.addi %add3A_362, %mul3A_361 : i32
      %mul3A_364 = arith.constant 128 : i32
      %mul3A_365 = arith.muli %add3A_363, %mul3A_364 : i32
      %add3A_366 = arith.constant 0 : i32
      %add3A_367 = arith.addi %mul3A_365, %add3A_366 : i32
      %add3A_368 = arith.constant 8192 : i32
      %add3A_369 = arith.addi %add3A_368, %add3A_367 : i32
      %get3A_370 = arith.index_cast %add3A_369 : i32 to index
      %get3A_371 = tpu.vector_load %arg6[%get3A_370] {strides = array<i32>} : memref<32768xf32, #tpu.memory_space<vmem>>, vector<16xf32>,
      %swap3A_372 = arith.constant 2 : i32
      %swap3A_373 = arith.index_cast %swap3A_372 : i32 to index
      %swap3A_374 = arith.index_cast %add3A_367 : i32 to index
      %swap3A_375 = tpu.vector_load %arg7[%swap3A_373, %swap3A_374] {strides = array<i32>} : memref<8x4096xf32, #tpu.memory_space<vmem>>, vector<16xf32>,
      tpu.vector_store %arg7[%swap3A_373, %swap3A_374], %get3A_371 {strides = array<i32>} : memref<8x4096xf32, #tpu.memory_space<vmem>>, vector<16xf32>,
      %mul3A_376 = arith.constant 128 : i32
      %mul3A_377 = arith.muli %add3A_363, %mul3A_376 : i32
      %add3A_378 = arith.constant 16 : i32
      %add3A_379 = arith.addi %mul3A_377, %add3A_378 : i32
      %add3A_380 = arith.constant 8192 : i32
      %add3A_381 = arith.addi %add3A_380, %add3A_379 : i32
      %get3A_382 = arith.index_cast %add3A_381 : i32 to index
      %get3A_383 = tpu.vector_load %arg6[%get3A_382] {strides = array<i32>} : memref<32768xf32, #tpu.memory_space<vmem>>, vector<16xf32>,
      %swap3A_384 = arith.constant 2 : i32
      %swap3A_385 = arith.index_cast %swap3A_384 : i32 to index
      %swap3A_386 = arith.index_cast %add3A_379 : i32 to index
      %swap3A_387 = tpu.vector_load %arg7[%swap3A_385, %swap3A_386] {strides = array<i32>} : memref<8x4096xf32, #tpu.memory_space<vmem>>, vector<16xf32>,
      tpu.vector_store %arg7[%swap3A_385, %swap3A_386], %get3A_383 {strides = array<i32>} : memref<8x4096xf32, #tpu.memory_space<vmem>>, vector<16xf32>,
      %mul3A_388 = arith.constant 128 : i32
      %mul3A_389 = arith.muli %add3A_363, %mul3A_388 : i32
      %add3A_390 = arith.constant 32 : i32
      %add3A_391 = arith.addi %mul3A_389, %add3A_390 : i32
      %add3A_392 = arith.constant 8192 : i32
      %add3A_393 = arith.addi %add3A_392, %add3A_391 : i32
      %get3A_394 = arith.index_cast %add3A_393 : i32 to index
      %get3A_395 = tpu.vector_load %arg6[%get3A_394] {strides = array<i32>} : memref<32768xf32, #tpu.memory_space<vmem>>, vector<16xf32>,
      %swap3A_396 = arith.constant 2 : i32
      %swap3A_397 = arith.index_cast %swap3A_396 : i32 to index
      %swap3A_398 = arith.index_cast %add3A_391 : i32 to index
      %swap3A_399 = tpu.vector_load %arg7[%swap3A_397, %swap3A_398] {strides = array<i32>} : memref<8x4096xf32, #tpu.memory_space<vmem>>, vector<16xf32>,
      tpu.vector_store %arg7[%swap3A_397, %swap3A_398], %get3A_395 {strides = array<i32>} : memref<8x4096xf32, #tpu.memory_space<vmem>>, vector<16xf32>,
      %mul3A_400 = arith.constant 128 : i32
      %mul3A_401 = arith.muli %add3A_363, %mul3A_400 : i32
      %add3A_402 = arith.constant 48 : i32
      %add3A_403 = arith.addi %mul3A_401, %add3A_402 : i32
      %add3A_404 = arith.constant 8192 : i32
      %add3A_405 = arith.addi %add3A_404, %add3A_403 : i32
      %get3A_406 = arith.index_cast %add3A_405 : i32 to index
      %get3A_407 = tpu.vector_load %arg6[%get3A_406] {strides = array<i32>} : memref<32768xf32, #tpu.memory_space<vmem>>, vector<16xf32>,
      %swap3A_408 = arith.constant 2 : i32
      %swap3A_409 = arith.index_cast %swap3A_408 : i32 to index
      %swap3A_410 = arith.index_cast %add3A_403 : i32 to index
      %swap3A_411 = tpu.vector_load %arg7[%swap3A_409, %swap3A_410] {strides = array<i32>} : memref<8x4096xf32, #tpu.memory_space<vmem>>, vector<16xf32>,
      tpu.vector_store %arg7[%swap3A_409, %swap3A_410], %get3A_407 {strides = array<i32>} : memref<8x4096xf32, #tpu.memory_space<vmem>>, vector<16xf32>,
      %mul3A_412 = arith.constant 128 : i32
      %mul3A_413 = arith.muli %add3A_363, %mul3A_412 : i32
      %add3A_414 = arith.constant 64 : i32
      %add3A_415 = arith.addi %mul3A_413, %add3A_414 : i32
      %add3A_416 = arith.constant 8192 : i32
      %add3A_417 = arith.addi %add3A_416, %add3A_415 : i32
      %get3A_418 = arith.index_cast %add3A_417 : i32 to index
      %get3A_419 = tpu.vector_load %arg6[%get3A_418] {strides = array<i32>} : memref<32768xf32, #tpu.memory_space<vmem>>, vector<16xf32>,
      %swap3A_420 = arith.constant 2 : i32
      %swap3A_421 = arith.index_cast %swap3A_420 : i32 to index
      %swap3A_422 = arith.index_cast %add3A_415 : i32 to index
      %swap3A_423 = tpu.vector_load %arg7[%swap3A_421, %swap3A_422] {strides = array<i32>} : memref<8x4096xf32, #tpu.memory_space<vmem>>, vector<16xf32>,
      tpu.vector_store %arg7[%swap3A_421, %swap3A_422], %get3A_419 {strides = array<i32>} : memref<8x4096xf32, #tpu.memory_space<vmem>>, vector<16xf32>,
      %mul3A_424 = arith.constant 128 : i32
      %mul3A_425 = arith.muli %add3A_363, %mul3A_424 : i32
      %add3A_426 = arith.constant 80 : i32
      %add3A_427 = arith.addi %mul3A_425, %add3A_426 : i32
      %add3A_428 = arith.constant 8192 : i32
      %add3A_429 = arith.addi %add3A_428, %add3A_427 : i32
      %get3A_430 = arith.index_cast %add3A_429 : i32 to index
      %get3A_431 = tpu.vector_load %arg6[%get3A_430] {strides = array<i32>} : memref<32768xf32, #tpu.memory_space<vmem>>, vector<16xf32>,
      %swap3A_432 = arith.constant 2 : i32
      %swap3A_433 = arith.index_cast %swap3A_432 : i32 to index
      %swap3A_434 = arith.index_cast %add3A_427 : i32 to index
      %swap3A_435 = tpu.vector_load %arg7[%swap3A_433, %swap3A_434] {strides = array<i32>} : memref<8x4096xf32, #tpu.memory_space<vmem>>, vector<16xf32>,
      tpu.vector_store %arg7[%swap3A_433, %swap3A_434], %get3A_431 {strides = array<i32>} : memref<8x4096xf32, #tpu.memory_space<vmem>>, vector<16xf32>,
      %mul3A_436 = arith.constant 128 : i32
      %mul3A_437 = arith.muli %add3A_363, %mul3A_436 : i32
      %add3A_438 = arith.constant 96 : i32
      %add3A_439 = arith.addi %mul3A_437, %add3A_438 : i32
      %add3A_440 = arith.constant 8192 : i32
      %add3A_441 = arith.addi %add3A_440, %add3A_439 : i32
      %get3A_442 = arith.index_cast %add3A_441 : i32 to index
      %get3A_443 = tpu.vector_load %arg6[%get3A_442] {strides = array<i32>} : memref<32768xf32, #tpu.memory_space<vmem>>, vector<16xf32>,
      %swap3A_444 = arith.constant 2 : i32
      %swap3A_445 = arith.index_cast %swap3A_444 : i32 to index
      %swap3A_446 = arith.index_cast %add3A_439 : i32 to index
      %swap3A_447 = tpu.vector_load %arg7[%swap3A_445, %swap3A_446] {strides = array<i32>} : memref<8x4096xf32, #tpu.memory_space<vmem>>, vector<16xf32>,
      tpu.vector_store %arg7[%swap3A_445, %swap3A_446], %get3A_443 {strides = array<i32>} : memref<8x4096xf32, #tpu.memory_space<vmem>>, vector<16xf32>,
      %mul3A_448 = arith.constant 128 : i32
      %mul3A_449 = arith.muli %add3A_363, %mul3A_448 : i32
      %add3A_450 = arith.constant 112 : i32
      %add3A_451 = arith.addi %mul3A_449, %add3A_450 : i32
      %add3A_452 = arith.constant 8192 : i32
      %add3A_453 = arith.addi %add3A_452, %add3A_451 : i32
      %get3A_454 = arith.index_cast %add3A_453 : i32 to index
      %get3A_455 = tpu.vector_load %arg6[%get3A_454] {strides = array<i32>} : memref<32768xf32, #tpu.memory_space<vmem>>, vector<16xf32>,
      %swap3A_456 = arith.constant 2 : i32
      %swap3A_457 = arith.index_cast %swap3A_456 : i32 to index
      %swap3A_458 = arith.index_cast %add3A_451 : i32 to index
      %swap3A_459 = tpu.vector_load %arg7[%swap3A_457, %swap3A_458] {strides = array<i32>} : memref<8x4096xf32, #tpu.memory_space<vmem>>, vector<16xf32>,
      tpu.vector_store %arg7[%swap3A_457, %swap3A_458], %get3A_455 {strides = array<i32>} : memref<8x4096xf32, #tpu.memory_space<vmem>>, vector<16xf32>,
      %scan3A_460 = arith.constant 3 : i32
      %scan3A_461 = arith.addi %scan3A_157, %scan3A_460 : i32
      %mul3A_462 = arith.constant 1 : i32
      %mul3A_463 = arith.muli %scan3A_461, %mul3A_462 : i32
      %add3A_464 = arith.constant 0 : i32
      %add3A_465 = arith.addi %add3A_464, %mul3A_463 : i32
      %mul3A_466 = arith.constant 128 : i32
      %mul3A_467 = arith.muli %add3A_465, %mul3A_466 : i32
      %add3A_468 = arith.constant 0 : i32
      %add3A_469 = arith.addi %mul3A_467, %add3A_468 : i32
      %add3A_470 = arith.constant 8192 : i32
      %add3A_471 = arith.addi %add3A_470, %add3A_469 : i32
      %get3A_472 = arith.index_cast %add3A_471 : i32 to index
      %get3A_473 = tpu.vector_load %arg6[%get3A_472] {strides = array<i32>} : memref<32768xf32, #tpu.memory_space<vmem>>, vector<16xf32>,
      %swap3A_474 = arith.constant 2 : i32
      %swap3A_475 = arith.index_cast %swap3A_474 : i32 to index
      %swap3A_476 = arith.index_cast %add3A_469 : i32 to index
      %swap3A_477 = tpu.vector_load %arg7[%swap3A_475, %swap3A_476] {strides = array<i32>} : memref<8x4096xf32, #tpu.memory_space<vmem>>, vector<16xf32>,
      tpu.vector_store %arg7[%swap3A_475, %swap3A_476], %get3A_473 {strides = array<i32>} : memref<8x4096xf32, #tpu.memory_space<vmem>>, vector<16xf32>,
      %mul3A_478 = arith.constant 128 : i32
      %mul3A_479 = arith.muli %add3A_465, %mul3A_478 : i32
      %add3A_480 = arith.constant 16 : i32
      %add3A_481 = arith.addi %mul3A_479, %add3A_480 : i32
      %add3A_482 = arith.constant 8192 : i32
      %add3A_483 = arith.addi %add3A_482, %add3A_481 : i32
      %get3A_484 = arith.index_cast %add3A_483 : i32 to index
      %get3A_485 = tpu.vector_load %arg6[%get3A_484] {strides = array<i32>} : memref<32768xf32, #tpu.memory_space<vmem>>, vector<16xf32>,
      %swap3A_486 = arith.constant 2 : i32
      %swap3A_487 = arith.index_cast %swap3A_486 : i32 to index
      %swap3A_488 = arith.index_cast %add3A_481 : i32 to index
      %swap3A_489 = tpu.vector_load %arg7[%swap3A_487, %swap3A_488] {strides = array<i32>} : memref<8x4096xf32, #tpu.memory_space<vmem>>, vector<16xf32>,
      tpu.vector_store %arg7[%swap3A_487, %swap3A_488], %get3A_485 {strides = array<i32>} : memref<8x4096xf32, #tpu.memory_space<vmem>>, vector<16xf32>,
      %mul3A_490 = arith.constant 128 : i32
      %mul3A_491 = arith.muli %add3A_465, %mul3A_490 : i32
      %add3A_492 = arith.constant 32 : i32
      %add3A_493 = arith.addi %mul3A_491, %add3A_492 : i32
      %add3A_494 = arith.constant 8192 : i32
      %add3A_495 = arith.addi %add3A_494, %add3A_493 : i32
      %get3A_496 = arith.index_cast %add3A_495 : i32 to index
      %get3A_497 = tpu.vector_load %arg6[%get3A_496] {strides = array<i32>} : memref<32768xf32, #tpu.memory_space<vmem>>, vector<16xf32>,
      %swap3A_498 = arith.constant 2 : i32
      %swap3A_499 = arith.index_cast %swap3A_498 : i32 to index
      %swap3A_500 = arith.index_cast %add3A_493 : i32 to index
      %swap3A_501 = tpu.vector_load %arg7[%swap3A_499, %swap3A_500] {strides = array<i32>} : memref<8x4096xf32, #tpu.memory_space<vmem>>, vector<16xf32>,
      tpu.vector_store %arg7[%swap3A_499, %swap3A_500], %get3A_497 {strides = array<i32>} : memref<8x4096xf32, #tpu.memory_space<vmem>>, vector<16xf32>,
      %mul3A_502 = arith.constant 128 : i32
      %mul3A_503 = arith.muli %add3A_465, %mul3A_502 : i32
      %add3A_504 = arith.constant 48 : i32
      %add3A_505 = arith.addi %mul3A_503, %add3A_504 : i32
      %add3A_506 = arith.constant 8192 : i32
      %add3A_507 = arith.addi %add3A_506, %add3A_505 : i32
      %get3A_508 = arith.index_cast %add3A_507 : i32 to index
      %get3A_509 = tpu.vector_load %arg6[%get3A_508] {strides = array<i32>} : memref<32768xf32, #tpu.memory_space<vmem>>, vector<16xf32>,
      %swap3A_510 = arith.constant 2 : i32
      %swap3A_511 = arith.index_cast %swap3A_510 : i32 to index
      %swap3A_512 = arith.index_cast %add3A_505 : i32 to index
      %swap3A_513 = tpu.vector_load %arg7[%swap3A_511, %swap3A_512] {strides = array<i32>} : memref<8x4096xf32, #tpu.memory_space<vmem>>, vector<16xf32>,
      tpu.vector_store %arg7[%swap3A_511, %swap3A_512], %get3A_509 {strides = array<i32>} : memref<8x4096xf32, #tpu.memory_space<vmem>>, vector<16xf32>,
      %mul3A_514 = arith.constant 128 : i32
      %mul3A_515 = arith.muli %add3A_465, %mul3A_514 : i32
      %add3A_516 = arith.constant 64 : i32
      %add3A_517 = arith.addi %mul3A_515, %add3A_516 : i32
      %add3A_518 = arith.constant 8192 : i32
      %add3A_519 = arith.addi %add3A_518, %add3A_517 : i32
      %get3A_520 = arith.index_cast %add3A_519 : i32 to index
      %get3A_521 = tpu.vector_load %arg6[%get3A_520] {strides = array<i32>} : memref<32768xf32, #tpu.memory_space<vmem>>, vector<16xf32>,
      %swap3A_522 = arith.constant 2 : i32
      %swap3A_523 = arith.index_cast %swap3A_522 : i32 to index
      %swap3A_524 = arith.index_cast %add3A_517 : i32 to index
      %swap3A_525 = tpu.vector_load %arg7[%swap3A_523, %swap3A_524] {strides = array<i32>} : memref<8x4096xf32, #tpu.memory_space<vmem>>, vector<16xf32>,
      tpu.vector_store %arg7[%swap3A_523, %swap3A_524], %get3A_521 {strides = array<i32>} : memref<8x4096xf32, #tpu.memory_space<vmem>>, vector<16xf32>,
      %mul3A_526 = arith.constant 128 : i32
      %mul3A_527 = arith.muli %add3A_465, %mul3A_526 : i32
      %add3A_528 = arith.constant 80 : i32
      %add3A_529 = arith.addi %mul3A_527, %add3A_528 : i32
      %add3A_530 = arith.constant 8192 : i32
      %add3A_531 = arith.addi %add3A_530, %add3A_529 : i32
      %get3A_532 = arith.index_cast %add3A_531 : i32 to index
      %get3A_533 = tpu.vector_load %arg6[%get3A_532] {strides = array<i32>} : memref<32768xf32, #tpu.memory_space<vmem>>, vector<16xf32>,
      %swap3A_534 = arith.constant 2 : i32
      %swap3A_535 = arith.index_cast %swap3A_534 : i32 to index
      %swap3A_536 = arith.index_cast %add3A_529 : i32 to index
      %swap3A_537 = tpu.vector_load %arg7[%swap3A_535, %swap3A_536] {strides = array<i32>} : memref<8x4096xf32, #tpu.memory_space<vmem>>, vector<16xf32>,
      tpu.vector_store %arg7[%swap3A_535, %swap3A_536], %get3A_533 {strides = array<i32>} : memref<8x4096xf32, #tpu.memory_space<vmem>>, vector<16xf32>,
      %mul3A_538 = arith.constant 128 : i32
      %mul3A_539 = arith.muli %add3A_465, %mul3A_538 : i32
      %add3A_540 = arith.constant 96 : i32
      %add3A_541 = arith.addi %mul3A_539, %add3A_540 : i32
      %add3A_542 = arith.constant 8192 : i32
      %add3A_543 = arith.addi %add3A_542, %add3A_541 : i32
      %get3A_544 = arith.index_cast %add3A_543 : i32 to index
      %get3A_545 = tpu.vector_load %arg6[%get3A_544] {strides = array<i32>} : memref<32768xf32, #tpu.memory_space<vmem>>, vector<16xf32>,
      %swap3A_546 = arith.constant 2 : i32
      %swap3A_547 = arith.index_cast %swap3A_546 : i32 to index
      %swap3A_548 = arith.index_cast %add3A_541 : i32 to index
      %swap3A_549 = tpu.vector_load %arg7[%swap3A_547, %swap3A_548] {strides = array<i32>} : memref<8x4096xf32, #tpu.memory_space<vmem>>, vector<16xf32>,
      tpu.vector_store %arg7[%swap3A_547, %swap3A_548], %get3A_545 {strides = array<i32>} : memref<8x4096xf32, #tpu.memory_space<vmem>>, vector<16xf32>,
      %mul3A_550 = arith.constant 128 : i32
      %mul3A_551 = arith.muli %add3A_465, %mul3A_550 : i32
      %add3A_552 = arith.constant 112 : i32
      %add3A_553 = arith.addi %mul3A_551, %add3A_552 : i32
      %add3A_554 = arith.constant 8192 : i32
      %add3A_555 = arith.addi %add3A_554, %add3A_553 : i32
      %get3A_556 = arith.index_cast %add3A_555 : i32 to index
      %get3A_557 = tpu.vector_load %arg6[%get3A_556] {strides = array<i32>} : memref<32768xf32, #tpu.memory_space<vmem>>, vector<16xf32>,
      %swap3A_558 = arith.constant 2 : i32
      %swap3A_559 = arith.index_cast %swap3A_558 : i32 to index
      %swap3A_560 = arith.index_cast %add3A_553 : i32 to index
      %swap3A_561 = tpu.vector_load %arg7[%swap3A_559, %swap3A_560] {strides = array<i32>} : memref<8x4096xf32, #tpu.memory_space<vmem>>, vector<16xf32>,
      tpu.vector_store %arg7[%swap3A_559, %swap3A_560], %get3A_557 {strides = array<i32>} : memref<8x4096xf32, #tpu.memory_space<vmem>>, vector<16xf32>,
    }
    %scan3A_131 = arith.constant 32 : i32
    %scan3A_132 = arith.constant 0 : i32
    %scan3A_133 = arith.constant 32 : i32
    %scan3A_134 = arith.addi %scan3A_132, %scan3A_133 : i32
    %scan3A_135 = arith.constant 4 : i32
    scf.for %scan3A_157 = %scan3A_132 to %scan3A_134 step %scan3A_135  : i32 {
      %mul3A_158 = arith.constant 1 : i32
      %mul3A_159 = arith.muli %scan3A_157, %mul3A_158 : i32
      %add3A_160 = arith.constant 0 : i32
      %add3A_161 = arith.addi %add3A_160, %mul3A_159 : i32
      %mul3A_162 = arith.constant 128 : i32
      %mul3A_163 = arith.muli %add3A_161, %mul3A_162 : i32
      %add3A_164 = arith.constant 0 : i32
      %add3A_165 = arith.addi %mul3A_163, %add3A_164 : i32
      %add3A_166 = arith.constant 12288 : i32
      %add3A_167 = arith.addi %add3A_166, %add3A_165 : i32
      %get3A = arith.index_cast %add3A_167 : i32 to index
      %get3A_168 = tpu.vector_load %arg6[%get3A] {strides = array<i32>} : memref<32768xf32, #tpu.memory_space<vmem>>, vector<16xf32>,
      %swap3A = arith.constant 3 : i32
      %swap3A_169 = arith.index_cast %swap3A : i32 to index
      %swap3A_170 = arith.index_cast %add3A_165 : i32 to index
      %swap3A_171 = tpu.vector_load %arg7[%swap3A_169, %swap3A_170] {strides = array<i32>} : memref<8x4096xf32, #tpu.memory_space<vmem>>, vector<16xf32>,
      tpu.vector_store %arg7[%swap3A_169, %swap3A_170], %get3A_168 {strides = array<i32>} : memref<8x4096xf32, #tpu.memory_space<vmem>>, vector<16xf32>,
      %mul3A_172 = arith.constant 128 : i32
      %mul3A_173 = arith.muli %add3A_161, %mul3A_172 : i32
      %add3A_174 = arith.constant 16 : i32
      %add3A_175 = arith.addi %mul3A_173, %add3A_174 : i32
      %add3A_176 = arith.constant 12288 : i32
      %add3A_177 = arith.addi %add3A_176, %add3A_175 : i32
      %get3A_178 = arith.index_cast %add3A_177 : i32 to index
      %get3A_179 = tpu.vector_load %arg6[%get3A_178] {strides = array<i32>} : memref<32768xf32, #tpu.memory_space<vmem>>, vector<16xf32>,
      %swap3A_180 = arith.constant 3 : i32
      %swap3A_181 = arith.index_cast %swap3A_180 : i32 to index
      %swap3A_182 = arith.index_cast %add3A_175 : i32 to index
      %swap3A_183 = tpu.vector_load %arg7[%swap3A_181, %swap3A_182] {strides = array<i32>} : memref<8x4096xf32, #tpu.memory_space<vmem>>, vector<16xf32>,
      tpu.vector_store %arg7[%swap3A_181, %swap3A_182], %get3A_179 {strides = array<i32>} : memref<8x4096xf32, #tpu.memory_space<vmem>>, vector<16xf32>,
      %mul3A_184 = arith.constant 128 : i32
      %mul3A_185 = arith.muli %add3A_161, %mul3A_184 : i32
      %add3A_186 = arith.constant 32 : i32
      %add3A_187 = arith.addi %mul3A_185, %add3A_186 : i32
      %add3A_188 = arith.constant 12288 : i32
      %add3A_189 = arith.addi %add3A_188, %add3A_187 : i32
      %get3A_190 = arith.index_cast %add3A_189 : i32 to index
      %get3A_191 = tpu.vector_load %arg6[%get3A_190] {strides = array<i32>} : memref<32768xf32, #tpu.memory_space<vmem>>, vector<16xf32>,
      %swap3A_192 = arith.constant 3 : i32
      %swap3A_193 = arith.index_cast %swap3A_192 : i32 to index
      %swap3A_194 = arith.index_cast %add3A_187 : i32 to index
      %swap3A_195 = tpu.vector_load %arg7[%swap3A_193, %swap3A_194] {strides = array<i32>} : memref<8x4096xf32, #tpu.memory_space<vmem>>, vector<16xf32>,
      tpu.vector_store %arg7[%swap3A_193, %swap3A_194], %get3A_191 {strides = array<i32>} : memref<8x4096xf32, #tpu.memory_space<vmem>>, vector<16xf32>,
      %mul3A_196 = arith.constant 128 : i32
      %mul3A_197 = arith.muli %add3A_161, %mul3A_196 : i32
      %add3A_198 = arith.constant 48 : i32
      %add3A_199 = arith.addi %mul3A_197, %add3A_198 : i32
      %add3A_200 = arith.constant 12288 : i32
      %add3A_201 = arith.addi %add3A_200, %add3A_199 : i32
      %get3A_202 = arith.index_cast %add3A_201 : i32 to index
      %get3A_203 = tpu.vector_load %arg6[%get3A_202] {strides = array<i32>} : memref<32768xf32, #tpu.memory_space<vmem>>, vector<16xf32>,
      %swap3A_204 = arith.constant 3 : i32
      %swap3A_205 = arith.index_cast %swap3A_204 : i32 to index
      %swap3A_206 = arith.index_cast %add3A_199 : i32 to index
      %swap3A_207 = tpu.vector_load %arg7[%swap3A_205, %swap3A_206] {strides = array<i32>} : memref<8x4096xf32, #tpu.memory_space<vmem>>, vector<16xf32>,
      tpu.vector_store %arg7[%swap3A_205, %swap3A_206], %get3A_203 {strides = array<i32>} : memref<8x4096xf32, #tpu.memory_space<vmem>>, vector<16xf32>,
      %mul3A_208 = arith.constant 128 : i32
      %mul3A_209 = arith.muli %add3A_161, %mul3A_208 : i32
      %add3A_210 = arith.constant 64 : i32
      %add3A_211 = arith.addi %mul3A_209, %add3A_210 : i32
      %add3A_212 = arith.constant 12288 : i32
      %add3A_213 = arith.addi %add3A_212, %add3A_211 : i32
      %get3A_214 = arith.index_cast %add3A_213 : i32 to index
      %get3A_215 = tpu.vector_load %arg6[%get3A_214] {strides = array<i32>} : memref<32768xf32, #tpu.memory_space<vmem>>, vector<16xf32>,
      %swap3A_216 = arith.constant 3 : i32
      %swap3A_217 = arith.index_cast %swap3A_216 : i32 to index
      %swap3A_218 = arith.index_cast %add3A_211 : i32 to index
      %swap3A_219 = tpu.vector_load %arg7[%swap3A_217, %swap3A_218] {strides = array<i32>} : memref<8x4096xf32, #tpu.memory_space<vmem>>, vector<16xf32>,
      tpu.vector_store %arg7[%swap3A_217, %swap3A_218], %get3A_215 {strides = array<i32>} : memref<8x4096xf32, #tpu.memory_space<vmem>>, vector<16xf32>,
      %mul3A_220 = arith.constant 128 : i32
      %mul3A_221 = arith.muli %add3A_161, %mul3A_220 : i32
      %add3A_222 = arith.constant 80 : i32
      %add3A_223 = arith.addi %mul3A_221, %add3A_222 : i32
      %add3A_224 = arith.constant 12288 : i32
      %add3A_225 = arith.addi %add3A_224, %add3A_223 : i32
      %get3A_226 = arith.index_cast %add3A_225 : i32 to index
      %get3A_227 = tpu.vector_load %arg6[%get3A_226] {strides = array<i32>} : memref<32768xf32, #tpu.memory_space<vmem>>, vector<16xf32>,
      %swap3A_228 = arith.constant 3 : i32
      %swap3A_229 = arith.index_cast %swap3A_228 : i32 to index
      %swap3A_230 = arith.index_cast %add3A_223 : i32 to index
      %swap3A_231 = tpu.vector_load %arg7[%swap3A_229, %swap3A_230] {strides = array<i32>} : memref<8x4096xf32, #tpu.memory_space<vmem>>, vector<16xf32>,
      tpu.vector_store %arg7[%swap3A_229, %swap3A_230], %get3A_227 {strides = array<i32>} : memref<8x4096xf32, #tpu.memory_space<vmem>>, vector<16xf32>,
      %mul3A_232 = arith.constant 128 : i32
      %mul3A_233 = arith.muli %add3A_161, %mul3A_232 : i32
      %add3A_234 = arith.constant 96 : i32
      %add3A_235 = arith.addi %mul3A_233, %add3A_234 : i32
      %add3A_236 = arith.constant 12288 : i32
      %add3A_237 = arith.addi %add3A_236, %add3A_235 : i32
      %get3A_238 = arith.index_cast %add3A_237 : i32 to index
      %get3A_239 = tpu.vector_load %arg6[%get3A_238] {strides = array<i32>} : memref<32768xf32, #tpu.memory_space<vmem>>, vector<16xf32>,
      %swap3A_240 = arith.constant 3 : i32
      %swap3A_241 = arith.index_cast %swap3A_240 : i32 to index
      %swap3A_242 = arith.index_cast %add3A_235 : i32 to index
      %swap3A_243 = tpu.vector_load %arg7[%swap3A_241, %swap3A_242] {strides = array<i32>} : memref<8x4096xf32, #tpu.memory_space<vmem>>, vector<16xf32>,
      tpu.vector_store %arg7[%swap3A_241, %swap3A_242], %get3A_239 {strides = array<i32>} : memref<8x4096xf32, #tpu.memory_space<vmem>>, vector<16xf32>,
      %mul3A_244 = arith.constant 128 : i32
      %mul3A_245 = arith.muli %add3A_161, %mul3A_244 : i32
      %add3A_246 = arith.constant 112 : i32
      %add3A_247 = arith.addi %mul3A_245, %add3A_246 : i32
      %add3A_248 = arith.constant 12288 : i32
      %add3A_249 = arith.addi %add3A_248, %add3A_247 : i32
      %get3A_250 = arith.index_cast %add3A_249 : i32 to index
      %get3A_251 = tpu.vector_load %arg6[%get3A_250] {strides = array<i32>} : memref<32768xf32, #tpu.memory_space<vmem>>, vector<16xf32>,
      %swap3A_252 = arith.constant 3 : i32
      %swap3A_253 = arith.index_cast %swap3A_252 : i32 to index
      %swap3A_254 = arith.index_cast %add3A_247 : i32 to index
      %swap3A_255 = tpu.vector_load %arg7[%swap3A_253, %swap3A_254] {strides = array<i32>} : memref<8x4096xf32, #tpu.memory_space<vmem>>, vector<16xf32>,
      tpu.vector_store %arg7[%swap3A_253, %swap3A_254], %get3A_251 {strides = array<i32>} : memref<8x4096xf32, #tpu.memory_space<vmem>>, vector<16xf32>,
      %scan3A_256 = arith.constant 1 : i32
      %scan3A_257 = arith.addi %scan3A_157, %scan3A_256 : i32
      %mul3A_258 = arith.constant 1 : i32
      %mul3A_259 = arith.muli %scan3A_257, %mul3A_258 : i32
      %add3A_260 = arith.constant 0 : i32
      %add3A_261 = arith.addi %add3A_260, %mul3A_259 : i32
      %mul3A_262 = arith.constant 128 : i32
      %mul3A_263 = arith.muli %add3A_261, %mul3A_262 : i32
      %add3A_264 = arith.constant 0 : i32
      %add3A_265 = arith.addi %mul3A_263, %add3A_264 : i32
      %add3A_266 = arith.constant 12288 : i32
      %add3A_267 = arith.addi %add3A_266, %add3A_265 : i32
      %get3A_268 = arith.index_cast %add3A_267 : i32 to index
      %get3A_269 = tpu.vector_load %arg6[%get3A_268] {strides = array<i32>} : memref<32768xf32, #tpu.memory_space<vmem>>, vector<16xf32>,
      %swap3A_270 = arith.constant 3 : i32
      %swap3A_271 = arith.index_cast %swap3A_270 : i32 to index
      %swap3A_272 = arith.index_cast %add3A_265 : i32 to index
      %swap3A_273 = tpu.vector_load %arg7[%swap3A_271, %swap3A_272] {strides = array<i32>} : memref<8x4096xf32, #tpu.memory_space<vmem>>, vector<16xf32>,
      tpu.vector_store %arg7[%swap3A_271, %swap3A_272], %get3A_269 {strides = array<i32>} : memref<8x4096xf32, #tpu.memory_space<vmem>>, vector<16xf32>,
      %mul3A_274 = arith.constant 128 : i32
      %mul3A_275 = arith.muli %add3A_261, %mul3A_274 : i32
      %add3A_276 = arith.constant 16 : i32
      %add3A_277 = arith.addi %mul3A_275, %add3A_276 : i32
      %add3A_278 = arith.constant 12288 : i32
      %add3A_279 = arith.addi %add3A_278, %add3A_277 : i32
      %get3A_280 = arith.index_cast %add3A_279 : i32 to index
      %get3A_281 = tpu.vector_load %arg6[%get3A_280] {strides = array<i32>} : memref<32768xf32, #tpu.memory_space<vmem>>, vector<16xf32>,
      %swap3A_282 = arith.constant 3 : i32
      %swap3A_283 = arith.index_cast %swap3A_282 : i32 to index
      %swap3A_284 = arith.index_cast %add3A_277 : i32 to index
      %swap3A_285 = tpu.vector_load %arg7[%swap3A_283, %swap3A_284] {strides = array<i32>} : memref<8x4096xf32, #tpu.memory_space<vmem>>, vector<16xf32>,
      tpu.vector_store %arg7[%swap3A_283, %swap3A_284], %get3A_281 {strides = array<i32>} : memref<8x4096xf32, #tpu.memory_space<vmem>>, vector<16xf32>,
      %mul3A_286 = arith.constant 128 : i32
      %mul3A_287 = arith.muli %add3A_261, %mul3A_286 : i32
      %add3A_288 = arith.constant 32 : i32
      %add3A_289 = arith.addi %mul3A_287, %add3A_288 : i32
      %add3A_290 = arith.constant 12288 : i32
      %add3A_291 = arith.addi %add3A_290, %add3A_289 : i32
      %get3A_292 = arith.index_cast %add3A_291 : i32 to index
      %get3A_293 = tpu.vector_load %arg6[%get3A_292] {strides = array<i32>} : memref<32768xf32, #tpu.memory_space<vmem>>, vector<16xf32>,
      %swap3A_294 = arith.constant 3 : i32
      %swap3A_295 = arith.index_cast %swap3A_294 : i32 to index
      %swap3A_296 = arith.index_cast %add3A_289 : i32 to index
      %swap3A_297 = tpu.vector_load %arg7[%swap3A_295, %swap3A_296] {strides = array<i32>} : memref<8x4096xf32, #tpu.memory_space<vmem>>, vector<16xf32>,
      tpu.vector_store %arg7[%swap3A_295, %swap3A_296], %get3A_293 {strides = array<i32>} : memref<8x4096xf32, #tpu.memory_space<vmem>>, vector<16xf32>,
      %mul3A_298 = arith.constant 128 : i32
      %mul3A_299 = arith.muli %add3A_261, %mul3A_298 : i32
      %add3A_300 = arith.constant 48 : i32
      %add3A_301 = arith.addi %mul3A_299, %add3A_300 : i32
      %add3A_302 = arith.constant 12288 : i32
      %add3A_303 = arith.addi %add3A_302, %add3A_301 : i32
      %get3A_304 = arith.index_cast %add3A_303 : i32 to index
      %get3A_305 = tpu.vector_load %arg6[%get3A_304] {strides = array<i32>} : memref<32768xf32, #tpu.memory_space<vmem>>, vector<16xf32>,
      %swap3A_306 = arith.constant 3 : i32
      %swap3A_307 = arith.index_cast %swap3A_306 : i32 to index
      %swap3A_308 = arith.index_cast %add3A_301 : i32 to index
      %swap3A_309 = tpu.vector_load %arg7[%swap3A_307, %swap3A_308] {strides = array<i32>} : memref<8x4096xf32, #tpu.memory_space<vmem>>, vector<16xf32>,
      tpu.vector_store %arg7[%swap3A_307, %swap3A_308], %get3A_305 {strides = array<i32>} : memref<8x4096xf32, #tpu.memory_space<vmem>>, vector<16xf32>,
      %mul3A_310 = arith.constant 128 : i32
      %mul3A_311 = arith.muli %add3A_261, %mul3A_310 : i32
      %add3A_312 = arith.constant 64 : i32
      %add3A_313 = arith.addi %mul3A_311, %add3A_312 : i32
      %add3A_314 = arith.constant 12288 : i32
      %add3A_315 = arith.addi %add3A_314, %add3A_313 : i32
      %get3A_316 = arith.index_cast %add3A_315 : i32 to index
      %get3A_317 = tpu.vector_load %arg6[%get3A_316] {strides = array<i32>} : memref<32768xf32, #tpu.memory_space<vmem>>, vector<16xf32>,
      %swap3A_318 = arith.constant 3 : i32
      %swap3A_319 = arith.index_cast %swap3A_318 : i32 to index
      %swap3A_320 = arith.index_cast %add3A_313 : i32 to index
      %swap3A_321 = tpu.vector_load %arg7[%swap3A_319, %swap3A_320] {strides = array<i32>} : memref<8x4096xf32, #tpu.memory_space<vmem>>, vector<16xf32>,
      tpu.vector_store %arg7[%swap3A_319, %swap3A_320], %get3A_317 {strides = array<i32>} : memref<8x4096xf32, #tpu.memory_space<vmem>>, vector<16xf32>,
      %mul3A_322 = arith.constant 128 : i32
      %mul3A_323 = arith.muli %add3A_261, %mul3A_322 : i32
      %add3A_324 = arith.constant 80 : i32
      %add3A_325 = arith.addi %mul3A_323, %add3A_324 : i32
      %add3A_326 = arith.constant 12288 : i32
      %add3A_327 = arith.addi %add3A_326, %add3A_325 : i32
      %get3A_328 = arith.index_cast %add3A_327 : i32 to index
      %get3A_329 = tpu.vector_load %arg6[%get3A_328] {strides = array<i32>} : memref<32768xf32, #tpu.memory_space<vmem>>, vector<16xf32>,
      %swap3A_330 = arith.constant 3 : i32
      %swap3A_331 = arith.index_cast %swap3A_330 : i32 to index
      %swap3A_332 = arith.index_cast %add3A_325 : i32 to index
      %swap3A_333 = tpu.vector_load %arg7[%swap3A_331, %swap3A_332] {strides = array<i32>} : memref<8x4096xf32, #tpu.memory_space<vmem>>, vector<16xf32>,
      tpu.vector_store %arg7[%swap3A_331, %swap3A_332], %get3A_329 {strides = array<i32>} : memref<8x4096xf32, #tpu.memory_space<vmem>>, vector<16xf32>,
      %mul3A_334 = arith.constant 128 : i32
      %mul3A_335 = arith.muli %add3A_261, %mul3A_334 : i32
      %add3A_336 = arith.constant 96 : i32
      %add3A_337 = arith.addi %mul3A_335, %add3A_336 : i32
      %add3A_338 = arith.constant 12288 : i32
      %add3A_339 = arith.addi %add3A_338, %add3A_337 : i32
      %get3A_340 = arith.index_cast %add3A_339 : i32 to index
      %get3A_341 = tpu.vector_load %arg6[%get3A_340] {strides = array<i32>} : memref<32768xf32, #tpu.memory_space<vmem>>, vector<16xf32>,
      %swap3A_342 = arith.constant 3 : i32
      %swap3A_343 = arith.index_cast %swap3A_342 : i32 to index
      %swap3A_344 = arith.index_cast %add3A_337 : i32 to index
      %swap3A_345 = tpu.vector_load %arg7[%swap3A_343, %swap3A_344] {strides = array<i32>} : memref<8x4096xf32, #tpu.memory_space<vmem>>, vector<16xf32>,
      tpu.vector_store %arg7[%swap3A_343, %swap3A_344], %get3A_341 {strides = array<i32>} : memref<8x4096xf32, #tpu.memory_space<vmem>>, vector<16xf32>,
      %mul3A_346 = arith.constant 128 : i32
      %mul3A_347 = arith.muli %add3A_261, %mul3A_346 : i32
      %add3A_348 = arith.constant 112 : i32
      %add3A_349 = arith.addi %mul3A_347, %add3A_348 : i32
      %add3A_350 = arith.constant 12288 : i32
      %add3A_351 = arith.addi %add3A_350, %add3A_349 : i32
      %get3A_352 = arith.index_cast %add3A_351 : i32 to index
      %get3A_353 = tpu.vector_load %arg6[%get3A_352] {strides = array<i32>} : memref<32768xf32, #tpu.memory_space<vmem>>, vector<16xf32>,
      %swap3A_354 = arith.constant 3 : i32
      %swap3A_355 = arith.index_cast %swap3A_354 : i32 to index
      %swap3A_356 = arith.index_cast %add3A_349 : i32 to index
      %swap3A_357 = tpu.vector_load %arg7[%swap3A_355, %swap3A_356] {strides = array<i32>} : memref<8x4096xf32, #tpu.memory_space<vmem>>, vector<16xf32>,
      tpu.vector_store %arg7[%swap3A_355, %swap3A_356], %get3A_353 {strides = array<i32>} : memref<8x4096xf32, #tpu.memory_space<vmem>>, vector<16xf32>,
      %scan3A_358 = arith.constant 2 : i32
      %scan3A_359 = arith.addi %scan3A_157, %scan3A_358 : i32
      %mul3A_360 = arith.constant 1 : i32
      %mul3A_361 = arith.muli %scan3A_359, %mul3A_360 : i32
      %add3A_362 = arith.constant 0 : i32
      %add3A_363 = arith.addi %add3A_362, %mul3A_361 : i32
      %mul3A_364 = arith.constant 128 : i32
      %mul3A_365 = arith.muli %add3A_363, %mul3A_364 : i32
      %add3A_366 = arith.constant 0 : i32
      %add3A_367 = arith.addi %mul3A_365, %add3A_366 : i32
      %add3A_368 = arith.constant 12288 : i32
      %add3A_369 = arith.addi %add3A_368, %add3A_367 : i32
      %get3A_370 = arith.index_cast %add3A_369 : i32 to index
      %get3A_371 = tpu.vector_load %arg6[%get3A_370] {strides = array<i32>} : memref<32768xf32, #tpu.memory_space<vmem>>, vector<16xf32>,
      %swap3A_372 = arith.constant 3 : i32
      %swap3A_373 = arith.index_cast %swap3A_372 : i32 to index
      %swap3A_374 = arith.index_cast %add3A_367 : i32 to index
      %swap3A_375 = tpu.vector_load %arg7[%swap3A_373, %swap3A_374] {strides = array<i32>} : memref<8x4096xf32, #tpu.memory_space<vmem>>, vector<16xf32>,
      tpu.vector_store %arg7[%swap3A_373, %swap3A_374], %get3A_371 {strides = array<i32>} : memref<8x4096xf32, #tpu.memory_space<vmem>>, vector<16xf32>,
      %mul3A_376 = arith.constant 128 : i32
      %mul3A_377 = arith.muli %add3A_363, %mul3A_376 : i32
      %add3A_378 = arith.constant 16 : i32
      %add3A_379 = arith.addi %mul3A_377, %add3A_378 : i32
      %add3A_380 = arith.constant 12288 : i32
      %add3A_381 = arith.addi %add3A_380, %add3A_379 : i32
      %get3A_382 = arith.index_cast %add3A_381 : i32 to index
      %get3A_383 = tpu.vector_load %arg6[%get3A_382] {strides = array<i32>} : memref<32768xf32, #tpu.memory_space<vmem>>, vector<16xf32>,
      %swap3A_384 = arith.constant 3 : i32
      %swap3A_385 = arith.index_cast %swap3A_384 : i32 to index
      %swap3A_386 = arith.index_cast %add3A_379 : i32 to index
      %swap3A_387 = tpu.vector_load %arg7[%swap3A_385, %swap3A_386] {strides = array<i32>} : memref<8x4096xf32, #tpu.memory_space<vmem>>, vector<16xf32>,
      tpu.vector_store %arg7[%swap3A_385, %swap3A_386], %get3A_383 {strides = array<i32>} : memref<8x4096xf32, #tpu.memory_space<vmem>>, vector<16xf32>,
      %mul3A_388 = arith.constant 128 : i32
      %mul3A_389 = arith.muli %add3A_363, %mul3A_388 : i32
      %add3A_390 = arith.constant 32 : i32
      %add3A_391 = arith.addi %mul3A_389, %add3A_390 : i32
      %add3A_392 = arith.constant 12288 : i32
      %add3A_393 = arith.addi %add3A_392, %add3A_391 : i32
      %get3A_394 = arith.index_cast %add3A_393 : i32 to index
      %get3A_395 = tpu.vector_load %arg6[%get3A_394] {strides = array<i32>} : memref<32768xf32, #tpu.memory_space<vmem>>, vector<16xf32>,
      %swap3A_396 = arith.constant 3 : i32
      %swap3A_397 = arith.index_cast %swap3A_396 : i32 to index
      %swap3A_398 = arith.index_cast %add3A_391 : i32 to index
      %swap3A_399 = tpu.vector_load %arg7[%swap3A_397, %swap3A_398] {strides = array<i32>} : memref<8x4096xf32, #tpu.memory_space<vmem>>, vector<16xf32>,
      tpu.vector_store %arg7[%swap3A_397, %swap3A_398], %get3A_395 {strides = array<i32>} : memref<8x4096xf32, #tpu.memory_space<vmem>>, vector<16xf32>,
      %mul3A_400 = arith.constant 128 : i32
      %mul3A_401 = arith.muli %add3A_363, %mul3A_400 : i32
      %add3A_402 = arith.constant 48 : i32
      %add3A_403 = arith.addi %mul3A_401, %add3A_402 : i32
      %add3A_404 = arith.constant 12288 : i32
      %add3A_405 = arith.addi %add3A_404, %add3A_403 : i32
      %get3A_406 = arith.index_cast %add3A_405 : i32 to index
      %get3A_407 = tpu.vector_load %arg6[%get3A_406] {strides = array<i32>} : memref<32768xf32, #tpu.memory_space<vmem>>, vector<16xf32>,
      %swap3A_408 = arith.constant 3 : i32
      %swap3A_409 = arith.index_cast %swap3A_408 : i32 to index
      %swap3A_410 = arith.index_cast %add3A_403 : i32 to index
      %swap3A_411 = tpu.vector_load %arg7[%swap3A_409, %swap3A_410] {strides = array<i32>} : memref<8x4096xf32, #tpu.memory_space<vmem>>, vector<16xf32>,
      tpu.vector_store %arg7[%swap3A_409, %swap3A_410], %get3A_407 {strides = array<i32>} : memref<8x4096xf32, #tpu.memory_space<vmem>>, vector<16xf32>,
      %mul3A_412 = arith.constant 128 : i32
      %mul3A_413 = arith.muli %add3A_363, %mul3A_412 : i32
      %add3A_414 = arith.constant 64 : i32
      %add3A_415 = arith.addi %mul3A_413, %add3A_414 : i32
      %add3A_416 = arith.constant 12288 : i32
      %add3A_417 = arith.addi %add3A_416, %add3A_415 : i32
      %get3A_418 = arith.index_cast %add3A_417 : i32 to index
      %get3A_419 = tpu.vector_load %arg6[%get3A_418] {strides = array<i32>} : memref<32768xf32, #tpu.memory_space<vmem>>, vector<16xf32>,
      %swap3A_420 = arith.constant 3 : i32
      %swap3A_421 = arith.index_cast %swap3A_420 : i32 to index
      %swap3A_422 = arith.index_cast %add3A_415 : i32 to index
      %swap3A_423 = tpu.vector_load %arg7[%swap3A_421, %swap3A_422] {strides = array<i32>} : memref<8x4096xf32, #tpu.memory_space<vmem>>, vector<16xf32>,
      tpu.vector_store %arg7[%swap3A_421, %swap3A_422], %get3A_419 {strides = array<i32>} : memref<8x4096xf32, #tpu.memory_space<vmem>>, vector<16xf32>,
      %mul3A_424 = arith.constant 128 : i32
      %mul3A_425 = arith.muli %add3A_363, %mul3A_424 : i32
      %add3A_426 = arith.constant 80 : i32
      %add3A_427 = arith.addi %mul3A_425, %add3A_426 : i32
      %add3A_428 = arith.constant 12288 : i32
      %add3A_429 = arith.addi %add3A_428, %add3A_427 : i32
      %get3A_430 = arith.index_cast %add3A_429 : i32 to index
      %get3A_431 = tpu.vector_load %arg6[%get3A_430] {strides = array<i32>} : memref<32768xf32, #tpu.memory_space<vmem>>, vector<16xf32>,
      %swap3A_432 = arith.constant 3 : i32
      %swap3A_433 = arith.index_cast %swap3A_432 : i32 to index
      %swap3A_434 = arith.index_cast %add3A_427 : i32 to index
      %swap3A_435 = tpu.vector_load %arg7[%swap3A_433, %swap3A_434] {strides = array<i32>} : memref<8x4096xf32, #tpu.memory_space<vmem>>, vector<16xf32>,
      tpu.vector_store %arg7[%swap3A_433, %swap3A_434], %get3A_431 {strides = array<i32>} : memref<8x4096xf32, #tpu.memory_space<vmem>>, vector<16xf32>,
      %mul3A_436 = arith.constant 128 : i32
      %mul3A_437 = arith.muli %add3A_363, %mul3A_436 : i32
      %add3A_438 = arith.constant 96 : i32
      %add3A_439 = arith.addi %mul3A_437, %add3A_438 : i32
      %add3A_440 = arith.constant 12288 : i32
      %add3A_441 = arith.addi %add3A_440, %add3A_439 : i32
      %get3A_442 = arith.index_cast %add3A_441 : i32 to index
      %get3A_443 = tpu.vector_load %arg6[%get3A_442] {strides = array<i32>} : memref<32768xf32, #tpu.memory_space<vmem>>, vector<16xf32>,
      %swap3A_444 = arith.constant 3 : i32
      %swap3A_445 = arith.index_cast %swap3A_444 : i32 to index
      %swap3A_446 = arith.index_cast %add3A_439 : i32 to index
      %swap3A_447 = tpu.vector_load %arg7[%swap3A_445, %swap3A_446] {strides = array<i32>} : memref<8x4096xf32, #tpu.memory_space<vmem>>, vector<16xf32>,
      tpu.vector_store %arg7[%swap3A_445, %swap3A_446], %get3A_443 {strides = array<i32>} : memref<8x4096xf32, #tpu.memory_space<vmem>>, vector<16xf32>,
      %mul3A_448 = arith.constant 128 : i32
      %mul3A_449 = arith.muli %add3A_363, %mul3A_448 : i32
      %add3A_450 = arith.constant 112 : i32
      %add3A_451 = arith.addi %mul3A_449, %add3A_450 : i32
      %add3A_452 = arith.constant 12288 : i32
      %add3A_453 = arith.addi %add3A_452, %add3A_451 : i32
      %get3A_454 = arith.index_cast %add3A_453 : i32 to index
      %get3A_455 = tpu.vector_load %arg6[%get3A_454] {strides = array<i32>} : memref<32768xf32, #tpu.memory_space<vmem>>, vector<16xf32>,
      %swap3A_456 = arith.constant 3 : i32
      %swap3A_457 = arith.index_cast %swap3A_456 : i32 to index
      %swap3A_458 = arith.index_cast %add3A_451 : i32 to index
      %swap3A_459 = tpu.vector_load %arg7[%swap3A_457, %swap3A_458] {strides = array<i32>} : memref<8x4096xf32, #tpu.memory_space<vmem>>, vector<16xf32>,
      tpu.vector_store %arg7[%swap3A_457, %swap3A_458], %get3A_455 {strides = array<i32>} : memref<8x4096xf32, #tpu.memory_space<vmem>>, vector<16xf32>,
      %scan3A_460 = arith.constant 3 : i32
      %scan3A_461 = arith.addi %scan3A_157, %scan3A_460 : i32
      %mul3A_462 = arith.constant 1 : i32
      %mul3A_463 = arith.muli %scan3A_461, %mul3A_462 : i32
      %add3A_464 = arith.constant 0 : i32
      %add3A_465 = arith.addi %add3A_464, %mul3A_463 : i32
      %mul3A_466 = arith.constant 128 : i32
      %mul3A_467 = arith.muli %add3A_465, %mul3A_466 : i32
      %add3A_468 = arith.constant 0 : i32
      %add3A_469 = arith.addi %mul3A_467, %add3A_468 : i32
      %add3A_470 = arith.constant 12288 : i32
      %add3A_471 = arith.addi %add3A_470, %add3A_469 : i32
      %get3A_472 = arith.index_cast %add3A_471 : i32 to index
      %get3A_473 = tpu.vector_load %arg6[%get3A_472] {strides = array<i32>} : memref<32768xf32, #tpu.memory_space<vmem>>, vector<16xf32>,
      %swap3A_474 = arith.constant 3 : i32
      %swap3A_475 = arith.index_cast %swap3A_474 : i32 to index
      %swap3A_476 = arith.index_cast %add3A_469 : i32 to index
      %swap3A_477 = tpu.vector_load %arg7[%swap3A_475, %swap3A_476] {strides = array<i32>} : memref<8x4096xf32, #tpu.memory_space<vmem>>, vector<16xf32>,
      tpu.vector_store %arg7[%swap3A_475, %swap3A_476], %get3A_473 {strides = array<i32>} : memref<8x4096xf32, #tpu.memory_space<vmem>>, vector<16xf32>,
      %mul3A_478 = arith.constant 128 : i32
      %mul3A_479 = arith.muli %add3A_465, %mul3A_478 : i32
      %add3A_480 = arith.constant 16 : i32
      %add3A_481 = arith.addi %mul3A_479, %add3A_480 : i32
      %add3A_482 = arith.constant 12288 : i32
      %add3A_483 = arith.addi %add3A_482, %add3A_481 : i32
      %get3A_484 = arith.index_cast %add3A_483 : i32 to index
      %get3A_485 = tpu.vector_load %arg6[%get3A_484] {strides = array<i32>} : memref<32768xf32, #tpu.memory_space<vmem>>, vector<16xf32>,
      %swap3A_486 = arith.constant 3 : i32
      %swap3A_487 = arith.index_cast %swap3A_486 : i32 to index
      %swap3A_488 = arith.index_cast %add3A_481 : i32 to index
      %swap3A_489 = tpu.vector_load %arg7[%swap3A_487, %swap3A_488] {strides = array<i32>} : memref<8x4096xf32, #tpu.memory_space<vmem>>, vector<16xf32>,
      tpu.vector_store %arg7[%swap3A_487, %swap3A_488], %get3A_485 {strides = array<i32>} : memref<8x4096xf32, #tpu.memory_space<vmem>>, vector<16xf32>,
      %mul3A_490 = arith.constant 128 : i32
      %mul3A_491 = arith.muli %add3A_465, %mul3A_490 : i32
      %add3A_492 = arith.constant 32 : i32
      %add3A_493 = arith.addi %mul3A_491, %add3A_492 : i32
      %add3A_494 = arith.constant 12288 : i32
      %add3A_495 = arith.addi %add3A_494, %add3A_493 : i32
      %get3A_496 = arith.index_cast %add3A_495 : i32 to index
      %get3A_497 = tpu.vector_load %arg6[%get3A_496] {strides = array<i32>} : memref<32768xf32, #tpu.memory_space<vmem>>, vector<16xf32>,
      %swap3A_498 = arith.constant 3 : i32
      %swap3A_499 = arith.index_cast %swap3A_498 : i32 to index
      %swap3A_500 = arith.index_cast %add3A_493 : i32 to index
      %swap3A_501 = tpu.vector_load %arg7[%swap3A_499, %swap3A_500] {strides = array<i32>} : memref<8x4096xf32, #tpu.memory_space<vmem>>, vector<16xf32>,
      tpu.vector_store %arg7[%swap3A_499, %swap3A_500], %get3A_497 {strides = array<i32>} : memref<8x4096xf32, #tpu.memory_space<vmem>>, vector<16xf32>,
      %mul3A_502 = arith.constant 128 : i32
      %mul3A_503 = arith.muli %add3A_465, %mul3A_502 : i32
      %add3A_504 = arith.constant 48 : i32
      %add3A_505 = arith.addi %mul3A_503, %add3A_504 : i32
      %add3A_506 = arith.constant 12288 : i32
      %add3A_507 = arith.addi %add3A_506, %add3A_505 : i32
      %get3A_508 = arith.index_cast %add3A_507 : i32 to index
      %get3A_509 = tpu.vector_load %arg6[%get3A_508] {strides = array<i32>} : memref<32768xf32, #tpu.memory_space<vmem>>, vector<16xf32>,
      %swap3A_510 = arith.constant 3 : i32
      %swap3A_511 = arith.index_cast %swap3A_510 : i32 to index
      %swap3A_512 = arith.index_cast %add3A_505 : i32 to index
      %swap3A_513 = tpu.vector_load %arg7[%swap3A_511, %swap3A_512] {strides = array<i32>} : memref<8x4096xf32, #tpu.memory_space<vmem>>, vector<16xf32>,
      tpu.vector_store %arg7[%swap3A_511, %swap3A_512], %get3A_509 {strides = array<i32>} : memref<8x4096xf32, #tpu.memory_space<vmem>>, vector<16xf32>,
      %mul3A_514 = arith.constant 128 : i32
      %mul3A_515 = arith.muli %add3A_465, %mul3A_514 : i32
      %add3A_516 = arith.constant 64 : i32
      %add3A_517 = arith.addi %mul3A_515, %add3A_516 : i32
      %add3A_518 = arith.constant 12288 : i32
      %add3A_519 = arith.addi %add3A_518, %add3A_517 : i32
      %get3A_520 = arith.index_cast %add3A_519 : i32 to index
      %get3A_521 = tpu.vector_load %arg6[%get3A_520] {strides = array<i32>} : memref<32768xf32, #tpu.memory_space<vmem>>, vector<16xf32>,
      %swap3A_522 = arith.constant 3 : i32
      %swap3A_523 = arith.index_cast %swap3A_522 : i32 to index
      %swap3A_524 = arith.index_cast %add3A_517 : i32 to index
      %swap3A_525 = tpu.vector_load %arg7[%swap3A_523, %swap3A_524] {strides = array<i32>} : memref<8x4096xf32, #tpu.memory_space<vmem>>, vector<16xf32>,
      tpu.vector_store %arg7[%swap3A_523, %swap3A_524], %get3A_521 {strides = array<i32>} : memref<8x4096xf32, #tpu.memory_space<vmem>>, vector<16xf32>,
      %mul3A_526 = arith.constant 128 : i32
      %mul3A_527 = arith.muli %add3A_465, %mul3A_526 : i32
      %add3A_528 = arith.constant 80 : i32
      %add3A_529 = arith.addi %mul3A_527, %add3A_528 : i32
      %add3A_530 = arith.constant 12288 : i32
      %add3A_531 = arith.addi %add3A_530, %add3A_529 : i32
      %get3A_532 = arith.index_cast %add3A_531 : i32 to index
      %get3A_533 = tpu.vector_load %arg6[%get3A_532] {strides = array<i32>} : memref<32768xf32, #tpu.memory_space<vmem>>, vector<16xf32>,
      %swap3A_534 = arith.constant 3 : i32
      %swap3A_535 = arith.index_cast %swap3A_534 : i32 to index
      %swap3A_536 = arith.index_cast %add3A_529 : i32 to index
      %swap3A_537 = tpu.vector_load %arg7[%swap3A_535, %swap3A_536] {strides = array<i32>} : memref<8x4096xf32, #tpu.memory_space<vmem>>, vector<16xf32>,
      tpu.vector_store %arg7[%swap3A_535, %swap3A_536], %get3A_533 {strides = array<i32>} : memref<8x4096xf32, #tpu.memory_space<vmem>>, vector<16xf32>,
      %mul3A_538 = arith.constant 128 : i32
      %mul3A_539 = arith.muli %add3A_465, %mul3A_538 : i32
      %add3A_540 = arith.constant 96 : i32
      %add3A_541 = arith.addi %mul3A_539, %add3A_540 : i32
      %add3A_542 = arith.constant 12288 : i32
      %add3A_543 = arith.addi %add3A_542, %add3A_541 : i32
      %get3A_544 = arith.index_cast %add3A_543 : i32 to index
      %get3A_545 = tpu.vector_load %arg6[%get3A_544] {strides = array<i32>} : memref<32768xf32, #tpu.memory_space<vmem>>, vector<16xf32>,
      %swap3A_546 = arith.constant 3 : i32
      %swap3A_547 = arith.index_cast %swap3A_546 : i32 to index
      %swap3A_548 = arith.index_cast %add3A_541 : i32 to index
      %swap3A_549 = tpu.vector_load %arg7[%swap3A_547, %swap3A_548] {strides = array<i32>} : memref<8x4096xf32, #tpu.memory_space<vmem>>, vector<16xf32>,
      tpu.vector_store %arg7[%swap3A_547, %swap3A_548], %get3A_545 {strides = array<i32>} : memref<8x4096xf32, #tpu.memory_space<vmem>>, vector<16xf32>,
      %mul3A_550 = arith.constant 128 : i32
      %mul3A_551 = arith.muli %add3A_465, %mul3A_550 : i32
      %add3A_552 = arith.constant 112 : i32
      %add3A_553 = arith.addi %mul3A_551, %add3A_552 : i32
      %add3A_554 = arith.constant 12288 : i32
      %add3A_555 = arith.addi %add3A_554, %add3A_553 : i32
      %get3A_556 = arith.index_cast %add3A_555 : i32 to index
      %get3A_557 = tpu.vector_load %arg6[%get3A_556] {strides = array<i32>} : memref<32768xf32, #tpu.memory_space<vmem>>, vector<16xf32>,
      %swap3A_558 = arith.constant 3 : i32
      %swap3A_559 = arith.index_cast %swap3A_558 : i32 to index
      %swap3A_560 = arith.index_cast %add3A_553 : i32 to index
      %swap3A_561 = tpu.vector_load %arg7[%swap3A_559, %swap3A_560] {strides = array<i32>} : memref<8x4096xf32, #tpu.memory_space<vmem>>, vector<16xf32>,
      tpu.vector_store %arg7[%swap3A_559, %swap3A_560], %get3A_557 {strides = array<i32>} : memref<8x4096xf32, #tpu.memory_space<vmem>>, vector<16xf32>,
    }
    %scan3A_136 = arith.constant 32 : i32
    %scan3A_137 = arith.constant 0 : i32
    %scan3A_138 = arith.constant 32 : i32
    %scan3A_139 = arith.addi %scan3A_137, %scan3A_138 : i32
    %scan3A_140 = arith.constant 4 : i32
    scf.for %scan3A_157 = %scan3A_137 to %scan3A_139 step %scan3A_140  : i32 {
      %mul3A_158 = arith.constant 1 : i32
      %mul3A_159 = arith.muli %scan3A_157, %mul3A_158 : i32
      %add3A_160 = arith.constant 0 : i32
      %add3A_161 = arith.addi %add3A_160, %mul3A_159 : i32
      %mul3A_162 = arith.constant 128 : i32
      %mul3A_163 = arith.muli %add3A_161, %mul3A_162 : i32
      %add3A_164 = arith.constant 0 : i32
      %add3A_165 = arith.addi %mul3A_163, %add3A_164 : i32
      %add3A_166 = arith.constant 16384 : i32
      %add3A_167 = arith.addi %add3A_166, %add3A_165 : i32
      %get3A = arith.index_cast %add3A_167 : i32 to index
      %get3A_168 = tpu.vector_load %arg6[%get3A] {strides = array<i32>} : memref<32768xf32, #tpu.memory_space<vmem>>, vector<16xf32>,
      %swap3A = arith.constant 4 : i32
      %swap3A_169 = arith.index_cast %swap3A : i32 to index
      %swap3A_170 = arith.index_cast %add3A_165 : i32 to index
      %swap3A_171 = tpu.vector_load %arg7[%swap3A_169, %swap3A_170] {strides = array<i32>} : memref<8x4096xf32, #tpu.memory_space<vmem>>, vector<16xf32>,
      tpu.vector_store %arg7[%swap3A_169, %swap3A_170], %get3A_168 {strides = array<i32>} : memref<8x4096xf32, #tpu.memory_space<vmem>>, vector<16xf32>,
      %mul3A_172 = arith.constant 128 : i32
      %mul3A_173 = arith.muli %add3A_161, %mul3A_172 : i32
      %add3A_174 = arith.constant 16 : i32
      %add3A_175 = arith.addi %mul3A_173, %add3A_174 : i32
      %add3A_176 = arith.constant 16384 : i32
      %add3A_177 = arith.addi %add3A_176, %add3A_175 : i32
      %get3A_178 = arith.index_cast %add3A_177 : i32 to index
      %get3A_179 = tpu.vector_load %arg6[%get3A_178] {strides = array<i32>} : memref<32768xf32, #tpu.memory_space<vmem>>, vector<16xf32>,
      %swap3A_180 = arith.constant 4 : i32
      %swap3A_181 = arith.index_cast %swap3A_180 : i32 to index
      %swap3A_182 = arith.index_cast %add3A_175 : i32 to index
      %swap3A_183 = tpu.vector_load %arg7[%swap3A_181, %swap3A_182] {strides = array<i32>} : memref<8x4096xf32, #tpu.memory_space<vmem>>, vector<16xf32>,
      tpu.vector_store %arg7[%swap3A_181, %swap3A_182], %get3A_179 {strides = array<i32>} : memref<8x4096xf32, #tpu.memory_space<vmem>>, vector<16xf32>,
      %mul3A_184 = arith.constant 128 : i32
      %mul3A_185 = arith.muli %add3A_161, %mul3A_184 : i32
      %add3A_186 = arith.constant 32 : i32
      %add3A_187 = arith.addi %mul3A_185, %add3A_186 : i32
      %add3A_188 = arith.constant 16384 : i32
      %add3A_189 = arith.addi %add3A_188, %add3A_187 : i32
      %get3A_190 = arith.index_cast %add3A_189 : i32 to index
      %get3A_191 = tpu.vector_load %arg6[%get3A_190] {strides = array<i32>} : memref<32768xf32, #tpu.memory_space<vmem>>, vector<16xf32>,
      %swap3A_192 = arith.constant 4 : i32
      %swap3A_193 = arith.index_cast %swap3A_192 : i32 to index
      %swap3A_194 = arith.index_cast %add3A_187 : i32 to index
      %swap3A_195 = tpu.vector_load %arg7[%swap3A_193, %swap3A_194] {strides = array<i32>} : memref<8x4096xf32, #tpu.memory_space<vmem>>, vector<16xf32>,
      tpu.vector_store %arg7[%swap3A_193, %swap3A_194], %get3A_191 {strides = array<i32>} : memref<8x4096xf32, #tpu.memory_space<vmem>>, vector<16xf32>,
      %mul3A_196 = arith.constant 128 : i32
      %mul3A_197 = arith.muli %add3A_161, %mul3A_196 : i32
      %add3A_198 = arith.constant 48 : i32
      %add3A_199 = arith.addi %mul3A_197, %add3A_198 : i32
      %add3A_200 = arith.constant 16384 : i32
      %add3A_201 = arith.addi %add3A_200, %add3A_199 : i32
      %get3A_202 = arith.index_cast %add3A_201 : i32 to index
      %get3A_203 = tpu.vector_load %arg6[%get3A_202] {strides = array<i32>} : memref<32768xf32, #tpu.memory_space<vmem>>, vector<16xf32>,
      %swap3A_204 = arith.constant 4 : i32
      %swap3A_205 = arith.index_cast %swap3A_204 : i32 to index
      %swap3A_206 = arith.index_cast %add3A_199 : i32 to index
      %swap3A_207 = tpu.vector_load %arg7[%swap3A_205, %swap3A_206] {strides = array<i32>} : memref<8x4096xf32, #tpu.memory_space<vmem>>, vector<16xf32>,
      tpu.vector_store %arg7[%swap3A_205, %swap3A_206], %get3A_203 {strides = array<i32>} : memref<8x4096xf32, #tpu.memory_space<vmem>>, vector<16xf32>,
      %mul3A_208 = arith.constant 128 : i32
      %mul3A_209 = arith.muli %add3A_161, %mul3A_208 : i32
      %add3A_210 = arith.constant 64 : i32
      %add3A_211 = arith.addi %mul3A_209, %add3A_210 : i32
      %add3A_212 = arith.constant 16384 : i32
      %add3A_213 = arith.addi %add3A_212, %add3A_211 : i32
      %get3A_214 = arith.index_cast %add3A_213 : i32 to index
      %get3A_215 = tpu.vector_load %arg6[%get3A_214] {strides = array<i32>} : memref<32768xf32, #tpu.memory_space<vmem>>, vector<16xf32>,
      %swap3A_216 = arith.constant 4 : i32
      %swap3A_217 = arith.index_cast %swap3A_216 : i32 to index
      %swap3A_218 = arith.index_cast %add3A_211 : i32 to index
      %swap3A_219 = tpu.vector_load %arg7[%swap3A_217, %swap3A_218] {strides = array<i32>} : memref<8x4096xf32, #tpu.memory_space<vmem>>, vector<16xf32>,
      tpu.vector_store %arg7[%swap3A_217, %swap3A_218], %get3A_215 {strides = array<i32>} : memref<8x4096xf32, #tpu.memory_space<vmem>>, vector<16xf32>,
      %mul3A_220 = arith.constant 128 : i32
      %mul3A_221 = arith.muli %add3A_161, %mul3A_220 : i32
      %add3A_222 = arith.constant 80 : i32
      %add3A_223 = arith.addi %mul3A_221, %add3A_222 : i32
      %add3A_224 = arith.constant 16384 : i32
      %add3A_225 = arith.addi %add3A_224, %add3A_223 : i32
      %get3A_226 = arith.index_cast %add3A_225 : i32 to index
      %get3A_227 = tpu.vector_load %arg6[%get3A_226] {strides = array<i32>} : memref<32768xf32, #tpu.memory_space<vmem>>, vector<16xf32>,
      %swap3A_228 = arith.constant 4 : i32
      %swap3A_229 = arith.index_cast %swap3A_228 : i32 to index
      %swap3A_230 = arith.index_cast %add3A_223 : i32 to index
      %swap3A_231 = tpu.vector_load %arg7[%swap3A_229, %swap3A_230] {strides = array<i32>} : memref<8x4096xf32, #tpu.memory_space<vmem>>, vector<16xf32>,
      tpu.vector_store %arg7[%swap3A_229, %swap3A_230], %get3A_227 {strides = array<i32>} : memref<8x4096xf32, #tpu.memory_space<vmem>>, vector<16xf32>,
      %mul3A_232 = arith.constant 128 : i32
      %mul3A_233 = arith.muli %add3A_161, %mul3A_232 : i32
      %add3A_234 = arith.constant 96 : i32
      %add3A_235 = arith.addi %mul3A_233, %add3A_234 : i32
      %add3A_236 = arith.constant 16384 : i32
      %add3A_237 = arith.addi %add3A_236, %add3A_235 : i32
      %get3A_238 = arith.index_cast %add3A_237 : i32 to index
      %get3A_239 = tpu.vector_load %arg6[%get3A_238] {strides = array<i32>} : memref<32768xf32, #tpu.memory_space<vmem>>, vector<16xf32>,
      %swap3A_240 = arith.constant 4 : i32
      %swap3A_241 = arith.index_cast %swap3A_240 : i32 to index
      %swap3A_242 = arith.index_cast %add3A_235 : i32 to index
      %swap3A_243 = tpu.vector_load %arg7[%swap3A_241, %swap3A_242] {strides = array<i32>} : memref<8x4096xf32, #tpu.memory_space<vmem>>, vector<16xf32>,
      tpu.vector_store %arg7[%swap3A_241, %swap3A_242], %get3A_239 {strides = array<i32>} : memref<8x4096xf32, #tpu.memory_space<vmem>>, vector<16xf32>,
      %mul3A_244 = arith.constant 128 : i32
      %mul3A_245 = arith.muli %add3A_161, %mul3A_244 : i32
      %add3A_246 = arith.constant 112 : i32
      %add3A_247 = arith.addi %mul3A_245, %add3A_246 : i32
      %add3A_248 = arith.constant 16384 : i32
      %add3A_249 = arith.addi %add3A_248, %add3A_247 : i32
      %get3A_250 = arith.index_cast %add3A_249 : i32 to index
      %get3A_251 = tpu.vector_load %arg6[%get3A_250] {strides = array<i32>} : memref<32768xf32, #tpu.memory_space<vmem>>, vector<16xf32>,
      %swap3A_252 = arith.constant 4 : i32
      %swap3A_253 = arith.index_cast %swap3A_252 : i32 to index
      %swap3A_254 = arith.index_cast %add3A_247 : i32 to index
      %swap3A_255 = tpu.vector_load %arg7[%swap3A_253, %swap3A_254] {strides = array<i32>} : memref<8x4096xf32, #tpu.memory_space<vmem>>, vector<16xf32>,
      tpu.vector_store %arg7[%swap3A_253, %swap3A_254], %get3A_251 {strides = array<i32>} : memref<8x4096xf32, #tpu.memory_space<vmem>>, vector<16xf32>,
      %scan3A_256 = arith.constant 1 : i32
      %scan3A_257 = arith.addi %scan3A_157, %scan3A_256 : i32
      %mul3A_258 = arith.constant 1 : i32
      %mul3A_259 = arith.muli %scan3A_257, %mul3A_258 : i32
      %add3A_260 = arith.constant 0 : i32
      %add3A_261 = arith.addi %add3A_260, %mul3A_259 : i32
      %mul3A_262 = arith.constant 128 : i32
      %mul3A_263 = arith.muli %add3A_261, %mul3A_262 : i32
      %add3A_264 = arith.constant 0 : i32
      %add3A_265 = arith.addi %mul3A_263, %add3A_264 : i32
      %add3A_266 = arith.constant 16384 : i32
      %add3A_267 = arith.addi %add3A_266, %add3A_265 : i32
      %get3A_268 = arith.index_cast %add3A_267 : i32 to index
      %get3A_269 = tpu.vector_load %arg6[%get3A_268] {strides = array<i32>} : memref<32768xf32, #tpu.memory_space<vmem>>, vector<16xf32>,
      %swap3A_270 = arith.constant 4 : i32
      %swap3A_271 = arith.index_cast %swap3A_270 : i32 to index
      %swap3A_272 = arith.index_cast %add3A_265 : i32 to index
      %swap3A_273 = tpu.vector_load %arg7[%swap3A_271, %swap3A_272] {strides = array<i32>} : memref<8x4096xf32, #tpu.memory_space<vmem>>, vector<16xf32>,
      tpu.vector_store %arg7[%swap3A_271, %swap3A_272], %get3A_269 {strides = array<i32>} : memref<8x4096xf32, #tpu.memory_space<vmem>>, vector<16xf32>,
      %mul3A_274 = arith.constant 128 : i32
      %mul3A_275 = arith.muli %add3A_261, %mul3A_274 : i32
      %add3A_276 = arith.constant 16 : i32
      %add3A_277 = arith.addi %mul3A_275, %add3A_276 : i32
      %add3A_278 = arith.constant 16384 : i32
      %add3A_279 = arith.addi %add3A_278, %add3A_277 : i32
      %get3A_280 = arith.index_cast %add3A_279 : i32 to index
      %get3A_281 = tpu.vector_load %arg6[%get3A_280] {strides = array<i32>} : memref<32768xf32, #tpu.memory_space<vmem>>, vector<16xf32>,
      %swap3A_282 = arith.constant 4 : i32
      %swap3A_283 = arith.index_cast %swap3A_282 : i32 to index
      %swap3A_284 = arith.index_cast %add3A_277 : i32 to index
      %swap3A_285 = tpu.vector_load %arg7[%swap3A_283, %swap3A_284] {strides = array<i32>} : memref<8x4096xf32, #tpu.memory_space<vmem>>, vector<16xf32>,
      tpu.vector_store %arg7[%swap3A_283, %swap3A_284], %get3A_281 {strides = array<i32>} : memref<8x4096xf32, #tpu.memory_space<vmem>>, vector<16xf32>,
      %mul3A_286 = arith.constant 128 : i32
      %mul3A_287 = arith.muli %add3A_261, %mul3A_286 : i32
      %add3A_288 = arith.constant 32 : i32
      %add3A_289 = arith.addi %mul3A_287, %add3A_288 : i32
      %add3A_290 = arith.constant 16384 : i32
      %add3A_291 = arith.addi %add3A_290, %add3A_289 : i32
      %get3A_292 = arith.index_cast %add3A_291 : i32 to index
      %get3A_293 = tpu.vector_load %arg6[%get3A_292] {strides = array<i32>} : memref<32768xf32, #tpu.memory_space<vmem>>, vector<16xf32>,
      %swap3A_294 = arith.constant 4 : i32
      %swap3A_295 = arith.index_cast %swap3A_294 : i32 to index
      %swap3A_296 = arith.index_cast %add3A_289 : i32 to index
      %swap3A_297 = tpu.vector_load %arg7[%swap3A_295, %swap3A_296] {strides = array<i32>} : memref<8x4096xf32, #tpu.memory_space<vmem>>, vector<16xf32>,
      tpu.vector_store %arg7[%swap3A_295, %swap3A_296], %get3A_293 {strides = array<i32>} : memref<8x4096xf32, #tpu.memory_space<vmem>>, vector<16xf32>,
      %mul3A_298 = arith.constant 128 : i32
      %mul3A_299 = arith.muli %add3A_261, %mul3A_298 : i32
      %add3A_300 = arith.constant 48 : i32
      %add3A_301 = arith.addi %mul3A_299, %add3A_300 : i32
      %add3A_302 = arith.constant 16384 : i32
      %add3A_303 = arith.addi %add3A_302, %add3A_301 : i32
      %get3A_304 = arith.index_cast %add3A_303 : i32 to index
      %get3A_305 = tpu.vector_load %arg6[%get3A_304] {strides = array<i32>} : memref<32768xf32, #tpu.memory_space<vmem>>, vector<16xf32>,
      %swap3A_306 = arith.constant 4 : i32
      %swap3A_307 = arith.index_cast %swap3A_306 : i32 to index
      %swap3A_308 = arith.index_cast %add3A_301 : i32 to index
      %swap3A_309 = tpu.vector_load %arg7[%swap3A_307, %swap3A_308] {strides = array<i32>} : memref<8x4096xf32, #tpu.memory_space<vmem>>, vector<16xf32>,
      tpu.vector_store %arg7[%swap3A_307, %swap3A_308], %get3A_305 {strides = array<i32>} : memref<8x4096xf32, #tpu.memory_space<vmem>>, vector<16xf32>,
      %mul3A_310 = arith.constant 128 : i32
      %mul3A_311 = arith.muli %add3A_261, %mul3A_310 : i32
      %add3A_312 = arith.constant 64 : i32
      %add3A_313 = arith.addi %mul3A_311, %add3A_312 : i32
      %add3A_314 = arith.constant 16384 : i32
      %add3A_315 = arith.addi %add3A_314, %add3A_313 : i32
      %get3A_316 = arith.index_cast %add3A_315 : i32 to index
      %get3A_317 = tpu.vector_load %arg6[%get3A_316] {strides = array<i32>} : memref<32768xf32, #tpu.memory_space<vmem>>, vector<16xf32>,
      %swap3A_318 = arith.constant 4 : i32
      %swap3A_319 = arith.index_cast %swap3A_318 : i32 to index
      %swap3A_320 = arith.index_cast %add3A_313 : i32 to index
      %swap3A_321 = tpu.vector_load %arg7[%swap3A_319, %swap3A_320] {strides = array<i32>} : memref<8x4096xf32, #tpu.memory_space<vmem>>, vector<16xf32>,
      tpu.vector_store %arg7[%swap3A_319, %swap3A_320], %get3A_317 {strides = array<i32>} : memref<8x4096xf32, #tpu.memory_space<vmem>>, vector<16xf32>,
      %mul3A_322 = arith.constant 128 : i32
      %mul3A_323 = arith.muli %add3A_261, %mul3A_322 : i32
      %add3A_324 = arith.constant 80 : i32
      %add3A_325 = arith.addi %mul3A_323, %add3A_324 : i32
      %add3A_326 = arith.constant 16384 : i32
      %add3A_327 = arith.addi %add3A_326, %add3A_325 : i32
      %get3A_328 = arith.index_cast %add3A_327 : i32 to index
      %get3A_329 = tpu.vector_load %arg6[%get3A_328] {strides = array<i32>} : memref<32768xf32, #tpu.memory_space<vmem>>, vector<16xf32>,
      %swap3A_330 = arith.constant 4 : i32
      %swap3A_331 = arith.index_cast %swap3A_330 : i32 to index
      %swap3A_332 = arith.index_cast %add3A_325 : i32 to index
      %swap3A_333 = tpu.vector_load %arg7[%swap3A_331, %swap3A_332] {strides = array<i32>} : memref<8x4096xf32, #tpu.memory_space<vmem>>, vector<16xf32>,
      tpu.vector_store %arg7[%swap3A_331, %swap3A_332], %get3A_329 {strides = array<i32>} : memref<8x4096xf32, #tpu.memory_space<vmem>>, vector<16xf32>,
      %mul3A_334 = arith.constant 128 : i32
      %mul3A_335 = arith.muli %add3A_261, %mul3A_334 : i32
      %add3A_336 = arith.constant 96 : i32
      %add3A_337 = arith.addi %mul3A_335, %add3A_336 : i32
      %add3A_338 = arith.constant 16384 : i32
      %add3A_339 = arith.addi %add3A_338, %add3A_337 : i32
      %get3A_340 = arith.index_cast %add3A_339 : i32 to index
      %get3A_341 = tpu.vector_load %arg6[%get3A_340] {strides = array<i32>} : memref<32768xf32, #tpu.memory_space<vmem>>, vector<16xf32>,
      %swap3A_342 = arith.constant 4 : i32
      %swap3A_343 = arith.index_cast %swap3A_342 : i32 to index
      %swap3A_344 = arith.index_cast %add3A_337 : i32 to index
      %swap3A_345 = tpu.vector_load %arg7[%swap3A_343, %swap3A_344] {strides = array<i32>} : memref<8x4096xf32, #tpu.memory_space<vmem>>, vector<16xf32>,
      tpu.vector_store %arg7[%swap3A_343, %swap3A_344], %get3A_341 {strides = array<i32>} : memref<8x4096xf32, #tpu.memory_space<vmem>>, vector<16xf32>,
      %mul3A_346 = arith.constant 128 : i32
      %mul3A_347 = arith.muli %add3A_261, %mul3A_346 : i32
      %add3A_348 = arith.constant 112 : i32
      %add3A_349 = arith.addi %mul3A_347, %add3A_348 : i32
      %add3A_350 = arith.constant 16384 : i32
      %add3A_351 = arith.addi %add3A_350, %add3A_349 : i32
      %get3A_352 = arith.index_cast %add3A_351 : i32 to index
      %get3A_353 = tpu.vector_load %arg6[%get3A_352] {strides = array<i32>} : memref<32768xf32, #tpu.memory_space<vmem>>, vector<16xf32>,
      %swap3A_354 = arith.constant 4 : i32
      %swap3A_355 = arith.index_cast %swap3A_354 : i32 to index
      %swap3A_356 = arith.index_cast %add3A_349 : i32 to index
      %swap3A_357 = tpu.vector_load %arg7[%swap3A_355, %swap3A_356] {strides = array<i32>} : memref<8x4096xf32, #tpu.memory_space<vmem>>, vector<16xf32>,
      tpu.vector_store %arg7[%swap3A_355, %swap3A_356], %get3A_353 {strides = array<i32>} : memref<8x4096xf32, #tpu.memory_space<vmem>>, vector<16xf32>,
      %scan3A_358 = arith.constant 2 : i32
      %scan3A_359 = arith.addi %scan3A_157, %scan3A_358 : i32
      %mul3A_360 = arith.constant 1 : i32
      %mul3A_361 = arith.muli %scan3A_359, %mul3A_360 : i32
      %add3A_362 = arith.constant 0 : i32
      %add3A_363 = arith.addi %add3A_362, %mul3A_361 : i32
      %mul3A_364 = arith.constant 128 : i32
      %mul3A_365 = arith.muli %add3A_363, %mul3A_364 : i32
      %add3A_366 = arith.constant 0 : i32
      %add3A_367 = arith.addi %mul3A_365, %add3A_366 : i32
      %add3A_368 = arith.constant 16384 : i32
      %add3A_369 = arith.addi %add3A_368, %add3A_367 : i32
      %get3A_370 = arith.index_cast %add3A_369 : i32 to index
      %get3A_371 = tpu.vector_load %arg6[%get3A_370] {strides = array<i32>} : memref<32768xf32, #tpu.memory_space<vmem>>, vector<16xf32>,
      %swap3A_372 = arith.constant 4 : i32
      %swap3A_373 = arith.index_cast %swap3A_372 : i32 to index
      %swap3A_374 = arith.index_cast %add3A_367 : i32 to index
      %swap3A_375 = tpu.vector_load %arg7[%swap3A_373, %swap3A_374] {strides = array<i32>} : memref<8x4096xf32, #tpu.memory_space<vmem>>, vector<16xf32>,
      tpu.vector_store %arg7[%swap3A_373, %swap3A_374], %get3A_371 {strides = array<i32>} : memref<8x4096xf32, #tpu.memory_space<vmem>>, vector<16xf32>,
      %mul3A_376 = arith.constant 128 : i32
      %mul3A_377 = arith.muli %add3A_363, %mul3A_376 : i32
      %add3A_378 = arith.constant 16 : i32
      %add3A_379 = arith.addi %mul3A_377, %add3A_378 : i32
      %add3A_380 = arith.constant 16384 : i32
      %add3A_381 = arith.addi %add3A_380, %add3A_379 : i32
      %get3A_382 = arith.index_cast %add3A_381 : i32 to index
      %get3A_383 = tpu.vector_load %arg6[%get3A_382] {strides = array<i32>} : memref<32768xf32, #tpu.memory_space<vmem>>, vector<16xf32>,
      %swap3A_384 = arith.constant 4 : i32
      %swap3A_385 = arith.index_cast %swap3A_384 : i32 to index
      %swap3A_386 = arith.index_cast %add3A_379 : i32 to index
      %swap3A_387 = tpu.vector_load %arg7[%swap3A_385, %swap3A_386] {strides = array<i32>} : memref<8x4096xf32, #tpu.memory_space<vmem>>, vector<16xf32>,
      tpu.vector_store %arg7[%swap3A_385, %swap3A_386], %get3A_383 {strides = array<i32>} : memref<8x4096xf32, #tpu.memory_space<vmem>>, vector<16xf32>,
      %mul3A_388 = arith.constant 128 : i32
      %mul3A_389 = arith.muli %add3A_363, %mul3A_388 : i32
      %add3A_390 = arith.constant 32 : i32
      %add3A_391 = arith.addi %mul3A_389, %add3A_390 : i32
      %add3A_392 = arith.constant 16384 : i32
      %add3A_393 = arith.addi %add3A_392, %add3A_391 : i32
      %get3A_394 = arith.index_cast %add3A_393 : i32 to index
      %get3A_395 = tpu.vector_load %arg6[%get3A_394] {strides = array<i32>} : memref<32768xf32, #tpu.memory_space<vmem>>, vector<16xf32>,
      %swap3A_396 = arith.constant 4 : i32
      %swap3A_397 = arith.index_cast %swap3A_396 : i32 to index
      %swap3A_398 = arith.index_cast %add3A_391 : i32 to index
      %swap3A_399 = tpu.vector_load %arg7[%swap3A_397, %swap3A_398] {strides = array<i32>} : memref<8x4096xf32, #tpu.memory_space<vmem>>, vector<16xf32>,
      tpu.vector_store %arg7[%swap3A_397, %swap3A_398], %get3A_395 {strides = array<i32>} : memref<8x4096xf32, #tpu.memory_space<vmem>>, vector<16xf32>,
      %mul3A_400 = arith.constant 128 : i32
      %mul3A_401 = arith.muli %add3A_363, %mul3A_400 : i32
      %add3A_402 = arith.constant 48 : i32
      %add3A_403 = arith.addi %mul3A_401, %add3A_402 : i32
      %add3A_404 = arith.constant 16384 : i32
      %add3A_405 = arith.addi %add3A_404, %add3A_403 : i32
      %get3A_406 = arith.index_cast %add3A_405 : i32 to index
      %get3A_407 = tpu.vector_load %arg6[%get3A_406] {strides = array<i32>} : memref<32768xf32, #tpu.memory_space<vmem>>, vector<16xf32>,
      %swap3A_408 = arith.constant 4 : i32
      %swap3A_409 = arith.index_cast %swap3A_408 : i32 to index
      %swap3A_410 = arith.index_cast %add3A_403 : i32 to index
      %swap3A_411 = tpu.vector_load %arg7[%swap3A_409, %swap3A_410] {strides = array<i32>} : memref<8x4096xf32, #tpu.memory_space<vmem>>, vector<16xf32>,
      tpu.vector_store %arg7[%swap3A_409, %swap3A_410], %get3A_407 {strides = array<i32>} : memref<8x4096xf32, #tpu.memory_space<vmem>>, vector<16xf32>,
      %mul3A_412 = arith.constant 128 : i32
      %mul3A_413 = arith.muli %add3A_363, %mul3A_412 : i32
      %add3A_414 = arith.constant 64 : i32
      %add3A_415 = arith.addi %mul3A_413, %add3A_414 : i32
      %add3A_416 = arith.constant 16384 : i32
      %add3A_417 = arith.addi %add3A_416, %add3A_415 : i32
      %get3A_418 = arith.index_cast %add3A_417 : i32 to index
      %get3A_419 = tpu.vector_load %arg6[%get3A_418] {strides = array<i32>} : memref<32768xf32, #tpu.memory_space<vmem>>, vector<16xf32>,
      %swap3A_420 = arith.constant 4 : i32
      %swap3A_421 = arith.index_cast %swap3A_420 : i32 to index
      %swap3A_422 = arith.index_cast %add3A_415 : i32 to index
      %swap3A_423 = tpu.vector_load %arg7[%swap3A_421, %swap3A_422] {strides = array<i32>} : memref<8x4096xf32, #tpu.memory_space<vmem>>, vector<16xf32>,
      tpu.vector_store %arg7[%swap3A_421, %swap3A_422], %get3A_419 {strides = array<i32>} : memref<8x4096xf32, #tpu.memory_space<vmem>>, vector<16xf32>,
      %mul3A_424 = arith.constant 128 : i32
      %mul3A_425 = arith.muli %add3A_363, %mul3A_424 : i32
      %add3A_426 = arith.constant 80 : i32
      %add3A_427 = arith.addi %mul3A_425, %add3A_426 : i32
      %add3A_428 = arith.constant 16384 : i32
      %add3A_429 = arith.addi %add3A_428, %add3A_427 : i32
      %get3A_430 = arith.index_cast %add3A_429 : i32 to index
      %get3A_431 = tpu.vector_load %arg6[%get3A_430] {strides = array<i32>} : memref<32768xf32, #tpu.memory_space<vmem>>, vector<16xf32>,
      %swap3A_432 = arith.constant 4 : i32
      %swap3A_433 = arith.index_cast %swap3A_432 : i32 to index
      %swap3A_434 = arith.index_cast %add3A_427 : i32 to index
      %swap3A_435 = tpu.vector_load %arg7[%swap3A_433, %swap3A_434] {strides = array<i32>} : memref<8x4096xf32, #tpu.memory_space<vmem>>, vector<16xf32>,
      tpu.vector_store %arg7[%swap3A_433, %swap3A_434], %get3A_431 {strides = array<i32>} : memref<8x4096xf32, #tpu.memory_space<vmem>>, vector<16xf32>,
      %mul3A_436 = arith.constant 128 : i32
      %mul3A_437 = arith.muli %add3A_363, %mul3A_436 : i32
      %add3A_438 = arith.constant 96 : i32
      %add3A_439 = arith.addi %mul3A_437, %add3A_438 : i32
      %add3A_440 = arith.constant 16384 : i32
      %add3A_441 = arith.addi %add3A_440, %add3A_439 : i32
      %get3A_442 = arith.index_cast %add3A_441 : i32 to index
      %get3A_443 = tpu.vector_load %arg6[%get3A_442] {strides = array<i32>} : memref<32768xf32, #tpu.memory_space<vmem>>, vector<16xf32>,
      %swap3A_444 = arith.constant 4 : i32
      %swap3A_445 = arith.index_cast %swap3A_444 : i32 to index
      %swap3A_446 = arith.index_cast %add3A_439 : i32 to index
      %swap3A_447 = tpu.vector_load %arg7[%swap3A_445, %swap3A_446] {strides = array<i32>} : memref<8x4096xf32, #tpu.memory_space<vmem>>, vector<16xf32>,
      tpu.vector_store %arg7[%swap3A_445, %swap3A_446], %get3A_443 {strides = array<i32>} : memref<8x4096xf32, #tpu.memory_space<vmem>>, vector<16xf32>,
      %mul3A_448 = arith.constant 128 : i32
      %mul3A_449 = arith.muli %add3A_363, %mul3A_448 : i32
      %add3A_450 = arith.constant 112 : i32
      %add3A_451 = arith.addi %mul3A_449, %add3A_450 : i32
      %add3A_452 = arith.constant 16384 : i32
      %add3A_453 = arith.addi %add3A_452, %add3A_451 : i32
      %get3A_454 = arith.index_cast %add3A_453 : i32 to index
      %get3A_455 = tpu.vector_load %arg6[%get3A_454] {strides = array<i32>} : memref<32768xf32, #tpu.memory_space<vmem>>, vector<16xf32>,
      %swap3A_456 = arith.constant 4 : i32
      %swap3A_457 = arith.index_cast %swap3A_456 : i32 to index
      %swap3A_458 = arith.index_cast %add3A_451 : i32 to index
      %swap3A_459 = tpu.vector_load %arg7[%swap3A_457, %swap3A_458] {strides = array<i32>} : memref<8x4096xf32, #tpu.memory_space<vmem>>, vector<16xf32>,
      tpu.vector_store %arg7[%swap3A_457, %swap3A_458], %get3A_455 {strides = array<i32>} : memref<8x4096xf32, #tpu.memory_space<vmem>>, vector<16xf32>,
      %scan3A_460 = arith.constant 3 : i32
      %scan3A_461 = arith.addi %scan3A_157, %scan3A_460 : i32
      %mul3A_462 = arith.constant 1 : i32
      %mul3A_463 = arith.muli %scan3A_461, %mul3A_462 : i32
      %add3A_464 = arith.constant 0 : i32
      %add3A_465 = arith.addi %add3A_464, %mul3A_463 : i32
      %mul3A_466 = arith.constant 128 : i32
      %mul3A_467 = arith.muli %add3A_465, %mul3A_466 : i32
      %add3A_468 = arith.constant 0 : i32
      %add3A_469 = arith.addi %mul3A_467, %add3A_468 : i32
      %add3A_470 = arith.constant 16384 : i32
      %add3A_471 = arith.addi %add3A_470, %add3A_469 : i32
      %get3A_472 = arith.index_cast %add3A_471 : i32 to index
      %get3A_473 = tpu.vector_load %arg6[%get3A_472] {strides = array<i32>} : memref<32768xf32, #tpu.memory_space<vmem>>, vector<16xf32>,
      %swap3A_474 = arith.constant 4 : i32
      %swap3A_475 = arith.index_cast %swap3A_474 : i32 to index
      %swap3A_476 = arith.index_cast %add3A_469 : i32 to index
      %swap3A_477 = tpu.vector_load %arg7[%swap3A_475, %swap3A_476] {strides = array<i32>} : memref<8x4096xf32, #tpu.memory_space<vmem>>, vector<16xf32>,
      tpu.vector_store %arg7[%swap3A_475, %swap3A_476], %get3A_473 {strides = array<i32>} : memref<8x4096xf32, #tpu.memory_space<vmem>>, vector<16xf32>,
      %mul3A_478 = arith.constant 128 : i32
      %mul3A_479 = arith.muli %add3A_465, %mul3A_478 : i32
      %add3A_480 = arith.constant 16 : i32
      %add3A_481 = arith.addi %mul3A_479, %add3A_480 : i32
      %add3A_482 = arith.constant 16384 : i32
      %add3A_483 = arith.addi %add3A_482, %add3A_481 : i32
      %get3A_484 = arith.index_cast %add3A_483 : i32 to index
      %get3A_485 = tpu.vector_load %arg6[%get3A_484] {strides = array<i32>} : memref<32768xf32, #tpu.memory_space<vmem>>, vector<16xf32>,
      %swap3A_486 = arith.constant 4 : i32
      %swap3A_487 = arith.index_cast %swap3A_486 : i32 to index
      %swap3A_488 = arith.index_cast %add3A_481 : i32 to index
      %swap3A_489 = tpu.vector_load %arg7[%swap3A_487, %swap3A_488] {strides = array<i32>} : memref<8x4096xf32, #tpu.memory_space<vmem>>, vector<16xf32>,
      tpu.vector_store %arg7[%swap3A_487, %swap3A_488], %get3A_485 {strides = array<i32>} : memref<8x4096xf32, #tpu.memory_space<vmem>>, vector<16xf32>,
      %mul3A_490 = arith.constant 128 : i32
      %mul3A_491 = arith.muli %add3A_465, %mul3A_490 : i32
      %add3A_492 = arith.constant 32 : i32
      %add3A_493 = arith.addi %mul3A_491, %add3A_492 : i32
      %add3A_494 = arith.constant 16384 : i32
      %add3A_495 = arith.addi %add3A_494, %add3A_493 : i32
      %get3A_496 = arith.index_cast %add3A_495 : i32 to index
      %get3A_497 = tpu.vector_load %arg6[%get3A_496] {strides = array<i32>} : memref<32768xf32, #tpu.memory_space<vmem>>, vector<16xf32>,
      %swap3A_498 = arith.constant 4 : i32
      %swap3A_499 = arith.index_cast %swap3A_498 : i32 to index
      %swap3A_500 = arith.index_cast %add3A_493 : i32 to index
      %swap3A_501 = tpu.vector_load %arg7[%swap3A_499, %swap3A_500] {strides = array<i32>} : memref<8x4096xf32, #tpu.memory_space<vmem>>, vector<16xf32>,
      tpu.vector_store %arg7[%swap3A_499, %swap3A_500], %get3A_497 {strides = array<i32>} : memref<8x4096xf32, #tpu.memory_space<vmem>>, vector<16xf32>,
      %mul3A_502 = arith.constant 128 : i32
      %mul3A_503 = arith.muli %add3A_465, %mul3A_502 : i32
      %add3A_504 = arith.constant 48 : i32
      %add3A_505 = arith.addi %mul3A_503, %add3A_504 : i32
      %add3A_506 = arith.constant 16384 : i32
      %add3A_507 = arith.addi %add3A_506, %add3A_505 : i32
      %get3A_508 = arith.index_cast %add3A_507 : i32 to index
      %get3A_509 = tpu.vector_load %arg6[%get3A_508] {strides = array<i32>} : memref<32768xf32, #tpu.memory_space<vmem>>, vector<16xf32>,
      %swap3A_510 = arith.constant 4 : i32
      %swap3A_511 = arith.index_cast %swap3A_510 : i32 to index
      %swap3A_512 = arith.index_cast %add3A_505 : i32 to index
      %swap3A_513 = tpu.vector_load %arg7[%swap3A_511, %swap3A_512] {strides = array<i32>} : memref<8x4096xf32, #tpu.memory_space<vmem>>, vector<16xf32>,
      tpu.vector_store %arg7[%swap3A_511, %swap3A_512], %get3A_509 {strides = array<i32>} : memref<8x4096xf32, #tpu.memory_space<vmem>>, vector<16xf32>,
      %mul3A_514 = arith.constant 128 : i32
      %mul3A_515 = arith.muli %add3A_465, %mul3A_514 : i32
      %add3A_516 = arith.constant 64 : i32
      %add3A_517 = arith.addi %mul3A_515, %add3A_516 : i32
      %add3A_518 = arith.constant 16384 : i32
      %add3A_519 = arith.addi %add3A_518, %add3A_517 : i32
      %get3A_520 = arith.index_cast %add3A_519 : i32 to index
      %get3A_521 = tpu.vector_load %arg6[%get3A_520] {strides = array<i32>} : memref<32768xf32, #tpu.memory_space<vmem>>, vector<16xf32>,
      %swap3A_522 = arith.constant 4 : i32
      %swap3A_523 = arith.index_cast %swap3A_522 : i32 to index
      %swap3A_524 = arith.index_cast %add3A_517 : i32 to index
      %swap3A_525 = tpu.vector_load %arg7[%swap3A_523, %swap3A_524] {strides = array<i32>} : memref<8x4096xf32, #tpu.memory_space<vmem>>, vector<16xf32>,
      tpu.vector_store %arg7[%swap3A_523, %swap3A_524], %get3A_521 {strides = array<i32>} : memref<8x4096xf32, #tpu.memory_space<vmem>>, vector<16xf32>,
      %mul3A_526 = arith.constant 128 : i32
      %mul3A_527 = arith.muli %add3A_465, %mul3A_526 : i32
      %add3A_528 = arith.constant 80 : i32
      %add3A_529 = arith.addi %mul3A_527, %add3A_528 : i32
      %add3A_530 = arith.constant 16384 : i32
      %add3A_531 = arith.addi %add3A_530, %add3A_529 : i32
      %get3A_532 = arith.index_cast %add3A_531 : i32 to index
      %get3A_533 = tpu.vector_load %arg6[%get3A_532] {strides = array<i32>} : memref<32768xf32, #tpu.memory_space<vmem>>, vector<16xf32>,
      %swap3A_534 = arith.constant 4 : i32
      %swap3A_535 = arith.index_cast %swap3A_534 : i32 to index
      %swap3A_536 = arith.index_cast %add3A_529 : i32 to index
      %swap3A_537 = tpu.vector_load %arg7[%swap3A_535, %swap3A_536] {strides = array<i32>} : memref<8x4096xf32, #tpu.memory_space<vmem>>, vector<16xf32>,
      tpu.vector_store %arg7[%swap3A_535, %swap3A_536], %get3A_533 {strides = array<i32>} : memref<8x4096xf32, #tpu.memory_space<vmem>>, vector<16xf32>,
      %mul3A_538 = arith.constant 128 : i32
      %mul3A_539 = arith.muli %add3A_465, %mul3A_538 : i32
      %add3A_540 = arith.constant 96 : i32
      %add3A_541 = arith.addi %mul3A_539, %add3A_540 : i32
      %add3A_542 = arith.constant 16384 : i32
      %add3A_543 = arith.addi %add3A_542, %add3A_541 : i32
      %get3A_544 = arith.index_cast %add3A_543 : i32 to index
      %get3A_545 = tpu.vector_load %arg6[%get3A_544] {strides = array<i32>} : memref<32768xf32, #tpu.memory_space<vmem>>, vector<16xf32>,
      %swap3A_546 = arith.constant 4 : i32
      %swap3A_547 = arith.index_cast %swap3A_546 : i32 to index
      %swap3A_548 = arith.index_cast %add3A_541 : i32 to index
      %swap3A_549 = tpu.vector_load %arg7[%swap3A_547, %swap3A_548] {strides = array<i32>} : memref<8x4096xf32, #tpu.memory_space<vmem>>, vector<16xf32>,
      tpu.vector_store %arg7[%swap3A_547, %swap3A_548], %get3A_545 {strides = array<i32>} : memref<8x4096xf32, #tpu.memory_space<vmem>>, vector<16xf32>,
      %mul3A_550 = arith.constant 128 : i32
      %mul3A_551 = arith.muli %add3A_465, %mul3A_550 : i32
      %add3A_552 = arith.constant 112 : i32
      %add3A_553 = arith.addi %mul3A_551, %add3A_552 : i32
      %add3A_554 = arith.constant 16384 : i32
      %add3A_555 = arith.addi %add3A_554, %add3A_553 : i32
      %get3A_556 = arith.index_cast %add3A_555 : i32 to index
      %get3A_557 = tpu.vector_load %arg6[%get3A_556] {strides = array<i32>} : memref<32768xf32, #tpu.memory_space<vmem>>, vector<16xf32>,
      %swap3A_558 = arith.constant 4 : i32
      %swap3A_559 = arith.index_cast %swap3A_558 : i32 to index
      %swap3A_560 = arith.index_cast %add3A_553 : i32 to index
      %swap3A_561 = tpu.vector_load %arg7[%swap3A_559, %swap3A_560] {strides = array<i32>} : memref<8x4096xf32, #tpu.memory_space<vmem>>, vector<16xf32>,
      tpu.vector_store %arg7[%swap3A_559, %swap3A_560], %get3A_557 {strides = array<i32>} : memref<8x4096xf32, #tpu.memory_space<vmem>>, vector<16xf32>,
    }
    %scan3A_141 = arith.constant 32 : i32
    %scan3A_142 = arith.constant 0 : i32
    %scan3A_143 = arith.constant 32 : i32
    %scan3A_144 = arith.addi %scan3A_142, %scan3A_143 : i32
    %scan3A_145 = arith.constant 4 : i32
    scf.for %scan3A_157 = %scan3A_142 to %scan3A_144 step %scan3A_145  : i32 {
      %mul3A_158 = arith.constant 1 : i32
      %mul3A_159 = arith.muli %scan3A_157, %mul3A_158 : i32
      %add3A_160 = arith.constant 0 : i32
      %add3A_161 = arith.addi %add3A_160, %mul3A_159 : i32
      %mul3A_162 = arith.constant 128 : i32
      %mul3A_163 = arith.muli %add3A_161, %mul3A_162 : i32
      %add3A_164 = arith.constant 0 : i32
      %add3A_165 = arith.addi %mul3A_163, %add3A_164 : i32
      %add3A_166 = arith.constant 20480 : i32
      %add3A_167 = arith.addi %add3A_166, %add3A_165 : i32
      %get3A = arith.index_cast %add3A_167 : i32 to index
      %get3A_168 = tpu.vector_load %arg6[%get3A] {strides = array<i32>} : memref<32768xf32, #tpu.memory_space<vmem>>, vector<16xf32>,
      %swap3A = arith.constant 5 : i32
      %swap3A_169 = arith.index_cast %swap3A : i32 to index
      %swap3A_170 = arith.index_cast %add3A_165 : i32 to index
      %swap3A_171 = tpu.vector_load %arg7[%swap3A_169, %swap3A_170] {strides = array<i32>} : memref<8x4096xf32, #tpu.memory_space<vmem>>, vector<16xf32>,
      tpu.vector_store %arg7[%swap3A_169, %swap3A_170], %get3A_168 {strides = array<i32>} : memref<8x4096xf32, #tpu.memory_space<vmem>>, vector<16xf32>,
      %mul3A_172 = arith.constant 128 : i32
      %mul3A_173 = arith.muli %add3A_161, %mul3A_172 : i32
      %add3A_174 = arith.constant 16 : i32
      %add3A_175 = arith.addi %mul3A_173, %add3A_174 : i32
      %add3A_176 = arith.constant 20480 : i32
      %add3A_177 = arith.addi %add3A_176, %add3A_175 : i32
      %get3A_178 = arith.index_cast %add3A_177 : i32 to index
      %get3A_179 = tpu.vector_load %arg6[%get3A_178] {strides = array<i32>} : memref<32768xf32, #tpu.memory_space<vmem>>, vector<16xf32>,
      %swap3A_180 = arith.constant 5 : i32
      %swap3A_181 = arith.index_cast %swap3A_180 : i32 to index
      %swap3A_182 = arith.index_cast %add3A_175 : i32 to index
      %swap3A_183 = tpu.vector_load %arg7[%swap3A_181, %swap3A_182] {strides = array<i32>} : memref<8x4096xf32, #tpu.memory_space<vmem>>, vector<16xf32>,
      tpu.vector_store %arg7[%swap3A_181, %swap3A_182], %get3A_179 {strides = array<i32>} : memref<8x4096xf32, #tpu.memory_space<vmem>>, vector<16xf32>,
      %mul3A_184 = arith.constant 128 : i32
      %mul3A_185 = arith.muli %add3A_161, %mul3A_184 : i32
      %add3A_186 = arith.constant 32 : i32
      %add3A_187 = arith.addi %mul3A_185, %add3A_186 : i32
      %add3A_188 = arith.constant 20480 : i32
      %add3A_189 = arith.addi %add3A_188, %add3A_187 : i32
      %get3A_190 = arith.index_cast %add3A_189 : i32 to index
      %get3A_191 = tpu.vector_load %arg6[%get3A_190] {strides = array<i32>} : memref<32768xf32, #tpu.memory_space<vmem>>, vector<16xf32>,
      %swap3A_192 = arith.constant 5 : i32
      %swap3A_193 = arith.index_cast %swap3A_192 : i32 to index
      %swap3A_194 = arith.index_cast %add3A_187 : i32 to index
      %swap3A_195 = tpu.vector_load %arg7[%swap3A_193, %swap3A_194] {strides = array<i32>} : memref<8x4096xf32, #tpu.memory_space<vmem>>, vector<16xf32>,
      tpu.vector_store %arg7[%swap3A_193, %swap3A_194], %get3A_191 {strides = array<i32>} : memref<8x4096xf32, #tpu.memory_space<vmem>>, vector<16xf32>,
      %mul3A_196 = arith.constant 128 : i32
      %mul3A_197 = arith.muli %add3A_161, %mul3A_196 : i32
      %add3A_198 = arith.constant 48 : i32
      %add3A_199 = arith.addi %mul3A_197, %add3A_198 : i32
      %add3A_200 = arith.constant 20480 : i32
      %add3A_201 = arith.addi %add3A_200, %add3A_199 : i32
      %get3A_202 = arith.index_cast %add3A_201 : i32 to index
      %get3A_203 = tpu.vector_load %arg6[%get3A_202] {strides = array<i32>} : memref<32768xf32, #tpu.memory_space<vmem>>, vector<16xf32>,
      %swap3A_204 = arith.constant 5 : i32
      %swap3A_205 = arith.index_cast %swap3A_204 : i32 to index
      %swap3A_206 = arith.index_cast %add3A_199 : i32 to index
      %swap3A_207 = tpu.vector_load %arg7[%swap3A_205, %swap3A_206] {strides = array<i32>} : memref<8x4096xf32, #tpu.memory_space<vmem>>, vector<16xf32>,
      tpu.vector_store %arg7[%swap3A_205, %swap3A_206], %get3A_203 {strides = array<i32>} : memref<8x4096xf32, #tpu.memory_space<vmem>>, vector<16xf32>,
      %mul3A_208 = arith.constant 128 : i32
      %mul3A_209 = arith.muli %add3A_161, %mul3A_208 : i32
      %add3A_210 = arith.constant 64 : i32
      %add3A_211 = arith.addi %mul3A_209, %add3A_210 : i32
      %add3A_212 = arith.constant 20480 : i32
      %add3A_213 = arith.addi %add3A_212, %add3A_211 : i32
      %get3A_214 = arith.index_cast %add3A_213 : i32 to index
      %get3A_215 = tpu.vector_load %arg6[%get3A_214] {strides = array<i32>} : memref<32768xf32, #tpu.memory_space<vmem>>, vector<16xf32>,
      %swap3A_216 = arith.constant 5 : i32
      %swap3A_217 = arith.index_cast %swap3A_216 : i32 to index
      %swap3A_218 = arith.index_cast %add3A_211 : i32 to index
      %swap3A_219 = tpu.vector_load %arg7[%swap3A_217, %swap3A_218] {strides = array<i32>} : memref<8x4096xf32, #tpu.memory_space<vmem>>, vector<16xf32>,
      tpu.vector_store %arg7[%swap3A_217, %swap3A_218], %get3A_215 {strides = array<i32>} : memref<8x4096xf32, #tpu.memory_space<vmem>>, vector<16xf32>,
      %mul3A_220 = arith.constant 128 : i32
      %mul3A_221 = arith.muli %add3A_161, %mul3A_220 : i32
      %add3A_222 = arith.constant 80 : i32
      %add3A_223 = arith.addi %mul3A_221, %add3A_222 : i32
      %add3A_224 = arith.constant 20480 : i32
      %add3A_225 = arith.addi %add3A_224, %add3A_223 : i32
      %get3A_226 = arith.index_cast %add3A_225 : i32 to index
      %get3A_227 = tpu.vector_load %arg6[%get3A_226] {strides = array<i32>} : memref<32768xf32, #tpu.memory_space<vmem>>, vector<16xf32>,
      %swap3A_228 = arith.constant 5 : i32
      %swap3A_229 = arith.index_cast %swap3A_228 : i32 to index
      %swap3A_230 = arith.index_cast %add3A_223 : i32 to index
      %swap3A_231 = tpu.vector_load %arg7[%swap3A_229, %swap3A_230] {strides = array<i32>} : memref<8x4096xf32, #tpu.memory_space<vmem>>, vector<16xf32>,
      tpu.vector_store %arg7[%swap3A_229, %swap3A_230], %get3A_227 {strides = array<i32>} : memref<8x4096xf32, #tpu.memory_space<vmem>>, vector<16xf32>,
      %mul3A_232 = arith.constant 128 : i32
      %mul3A_233 = arith.muli %add3A_161, %mul3A_232 : i32
      %add3A_234 = arith.constant 96 : i32
      %add3A_235 = arith.addi %mul3A_233, %add3A_234 : i32
      %add3A_236 = arith.constant 20480 : i32
      %add3A_237 = arith.addi %add3A_236, %add3A_235 : i32
      %get3A_238 = arith.index_cast %add3A_237 : i32 to index
      %get3A_239 = tpu.vector_load %arg6[%get3A_238] {strides = array<i32>} : memref<32768xf32, #tpu.memory_space<vmem>>, vector<16xf32>,
      %swap3A_240 = arith.constant 5 : i32
      %swap3A_241 = arith.index_cast %swap3A_240 : i32 to index
      %swap3A_242 = arith.index_cast %add3A_235 : i32 to index
      %swap3A_243 = tpu.vector_load %arg7[%swap3A_241, %swap3A_242] {strides = array<i32>} : memref<8x4096xf32, #tpu.memory_space<vmem>>, vector<16xf32>,
      tpu.vector_store %arg7[%swap3A_241, %swap3A_242], %get3A_239 {strides = array<i32>} : memref<8x4096xf32, #tpu.memory_space<vmem>>, vector<16xf32>,
      %mul3A_244 = arith.constant 128 : i32
      %mul3A_245 = arith.muli %add3A_161, %mul3A_244 : i32
      %add3A_246 = arith.constant 112 : i32
      %add3A_247 = arith.addi %mul3A_245, %add3A_246 : i32
      %add3A_248 = arith.constant 20480 : i32
      %add3A_249 = arith.addi %add3A_248, %add3A_247 : i32
      %get3A_250 = arith.index_cast %add3A_249 : i32 to index
      %get3A_251 = tpu.vector_load %arg6[%get3A_250] {strides = array<i32>} : memref<32768xf32, #tpu.memory_space<vmem>>, vector<16xf32>,
      %swap3A_252 = arith.constant 5 : i32
      %swap3A_253 = arith.index_cast %swap3A_252 : i32 to index
      %swap3A_254 = arith.index_cast %add3A_247 : i32 to index
      %swap3A_255 = tpu.vector_load %arg7[%swap3A_253, %swap3A_254] {strides = array<i32>} : memref<8x4096xf32, #tpu.memory_space<vmem>>, vector<16xf32>,
      tpu.vector_store %arg7[%swap3A_253, %swap3A_254], %get3A_251 {strides = array<i32>} : memref<8x4096xf32, #tpu.memory_space<vmem>>, vector<16xf32>,
      %scan3A_256 = arith.constant 1 : i32
      %scan3A_257 = arith.addi %scan3A_157, %scan3A_256 : i32
      %mul3A_258 = arith.constant 1 : i32
      %mul3A_259 = arith.muli %scan3A_257, %mul3A_258 : i32
      %add3A_260 = arith.constant 0 : i32
      %add3A_261 = arith.addi %add3A_260, %mul3A_259 : i32
      %mul3A_262 = arith.constant 128 : i32
      %mul3A_263 = arith.muli %add3A_261, %mul3A_262 : i32
      %add3A_264 = arith.constant 0 : i32
      %add3A_265 = arith.addi %mul3A_263, %add3A_264 : i32
      %add3A_266 = arith.constant 20480 : i32
      %add3A_267 = arith.addi %add3A_266, %add3A_265 : i32
      %get3A_268 = arith.index_cast %add3A_267 : i32 to index
      %get3A_269 = tpu.vector_load %arg6[%get3A_268] {strides = array<i32>} : memref<32768xf32, #tpu.memory_space<vmem>>, vector<16xf32>,
      %swap3A_270 = arith.constant 5 : i32
      %swap3A_271 = arith.index_cast %swap3A_270 : i32 to index
      %swap3A_272 = arith.index_cast %add3A_265 : i32 to index
      %swap3A_273 = tpu.vector_load %arg7[%swap3A_271, %swap3A_272] {strides = array<i32>} : memref<8x4096xf32, #tpu.memory_space<vmem>>, vector<16xf32>,
      tpu.vector_store %arg7[%swap3A_271, %swap3A_272], %get3A_269 {strides = array<i32>} : memref<8x4096xf32, #tpu.memory_space<vmem>>, vector<16xf32>,
      %mul3A_274 = arith.constant 128 : i32
      %mul3A_275 = arith.muli %add3A_261, %mul3A_274 : i32
      %add3A_276 = arith.constant 16 : i32
      %add3A_277 = arith.addi %mul3A_275, %add3A_276 : i32
      %add3A_278 = arith.constant 20480 : i32
      %add3A_279 = arith.addi %add3A_278, %add3A_277 : i32
      %get3A_280 = arith.index_cast %add3A_279 : i32 to index
      %get3A_281 = tpu.vector_load %arg6[%get3A_280] {strides = array<i32>} : memref<32768xf32, #tpu.memory_space<vmem>>, vector<16xf32>,
      %swap3A_282 = arith.constant 5 : i32
      %swap3A_283 = arith.index_cast %swap3A_282 : i32 to index
      %swap3A_284 = arith.index_cast %add3A_277 : i32 to index
      %swap3A_285 = tpu.vector_load %arg7[%swap3A_283, %swap3A_284] {strides = array<i32>} : memref<8x4096xf32, #tpu.memory_space<vmem>>, vector<16xf32>,
      tpu.vector_store %arg7[%swap3A_283, %swap3A_284], %get3A_281 {strides = array<i32>} : memref<8x4096xf32, #tpu.memory_space<vmem>>, vector<16xf32>,
      %mul3A_286 = arith.constant 128 : i32
      %mul3A_287 = arith.muli %add3A_261, %mul3A_286 : i32
      %add3A_288 = arith.constant 32 : i32
      %add3A_289 = arith.addi %mul3A_287, %add3A_288 : i32
      %add3A_290 = arith.constant 20480 : i32
      %add3A_291 = arith.addi %add3A_290, %add3A_289 : i32
      %get3A_292 = arith.index_cast %add3A_291 : i32 to index
      %get3A_293 = tpu.vector_load %arg6[%get3A_292] {strides = array<i32>} : memref<32768xf32, #tpu.memory_space<vmem>>, vector<16xf32>,
      %swap3A_294 = arith.constant 5 : i32
      %swap3A_295 = arith.index_cast %swap3A_294 : i32 to index
      %swap3A_296 = arith.index_cast %add3A_289 : i32 to index
      %swap3A_297 = tpu.vector_load %arg7[%swap3A_295, %swap3A_296] {strides = array<i32>} : memref<8x4096xf32, #tpu.memory_space<vmem>>, vector<16xf32>,
      tpu.vector_store %arg7[%swap3A_295, %swap3A_296], %get3A_293 {strides = array<i32>} : memref<8x4096xf32, #tpu.memory_space<vmem>>, vector<16xf32>,
      %mul3A_298 = arith.constant 128 : i32
      %mul3A_299 = arith.muli %add3A_261, %mul3A_298 : i32
      %add3A_300 = arith.constant 48 : i32
      %add3A_301 = arith.addi %mul3A_299, %add3A_300 : i32
      %add3A_302 = arith.constant 20480 : i32
      %add3A_303 = arith.addi %add3A_302, %add3A_301 : i32
      %get3A_304 = arith.index_cast %add3A_303 : i32 to index
      %get3A_305 = tpu.vector_load %arg6[%get3A_304] {strides = array<i32>} : memref<32768xf32, #tpu.memory_space<vmem>>, vector<16xf32>,
      %swap3A_306 = arith.constant 5 : i32
      %swap3A_307 = arith.index_cast %swap3A_306 : i32 to index
      %swap3A_308 = arith.index_cast %add3A_301 : i32 to index
      %swap3A_309 = tpu.vector_load %arg7[%swap3A_307, %swap3A_308] {strides = array<i32>} : memref<8x4096xf32, #tpu.memory_space<vmem>>, vector<16xf32>,
      tpu.vector_store %arg7[%swap3A_307, %swap3A_308], %get3A_305 {strides = array<i32>} : memref<8x4096xf32, #tpu.memory_space<vmem>>, vector<16xf32>,
      %mul3A_310 = arith.constant 128 : i32
      %mul3A_311 = arith.muli %add3A_261, %mul3A_310 : i32
      %add3A_312 = arith.constant 64 : i32
      %add3A_313 = arith.addi %mul3A_311, %add3A_312 : i32
      %add3A_314 = arith.constant 20480 : i32
      %add3A_315 = arith.addi %add3A_314, %add3A_313 : i32
      %get3A_316 = arith.index_cast %add3A_315 : i32 to index
      %get3A_317 = tpu.vector_load %arg6[%get3A_316] {strides = array<i32>} : memref<32768xf32, #tpu.memory_space<vmem>>, vector<16xf32>,
      %swap3A_318 = arith.constant 5 : i32
      %swap3A_319 = arith.index_cast %swap3A_318 : i32 to index
      %swap3A_320 = arith.index_cast %add3A_313 : i32 to index
      %swap3A_321 = tpu.vector_load %arg7[%swap3A_319, %swap3A_320] {strides = array<i32>} : memref<8x4096xf32, #tpu.memory_space<vmem>>, vector<16xf32>,
      tpu.vector_store %arg7[%swap3A_319, %swap3A_320], %get3A_317 {strides = array<i32>} : memref<8x4096xf32, #tpu.memory_space<vmem>>, vector<16xf32>,
      %mul3A_322 = arith.constant 128 : i32
      %mul3A_323 = arith.muli %add3A_261, %mul3A_322 : i32
      %add3A_324 = arith.constant 80 : i32
      %add3A_325 = arith.addi %mul3A_323, %add3A_324 : i32
      %add3A_326 = arith.constant 20480 : i32
      %add3A_327 = arith.addi %add3A_326, %add3A_325 : i32
      %get3A_328 = arith.index_cast %add3A_327 : i32 to index
      %get3A_329 = tpu.vector_load %arg6[%get3A_328] {strides = array<i32>} : memref<32768xf32, #tpu.memory_space<vmem>>, vector<16xf32>,
      %swap3A_330 = arith.constant 5 : i32
      %swap3A_331 = arith.index_cast %swap3A_330 : i32 to index
      %swap3A_332 = arith.index_cast %add3A_325 : i32 to index
      %swap3A_333 = tpu.vector_load %arg7[%swap3A_331, %swap3A_332] {strides = array<i32>} : memref<8x4096xf32, #tpu.memory_space<vmem>>, vector<16xf32>,
      tpu.vector_store %arg7[%swap3A_331, %swap3A_332], %get3A_329 {strides = array<i32>} : memref<8x4096xf32, #tpu.memory_space<vmem>>, vector<16xf32>,
      %mul3A_334 = arith.constant 128 : i32
      %mul3A_335 = arith.muli %add3A_261, %mul3A_334 : i32
      %add3A_336 = arith.constant 96 : i32
      %add3A_337 = arith.addi %mul3A_335, %add3A_336 : i32
      %add3A_338 = arith.constant 20480 : i32
      %add3A_339 = arith.addi %add3A_338, %add3A_337 : i32
      %get3A_340 = arith.index_cast %add3A_339 : i32 to index
      %get3A_341 = tpu.vector_load %arg6[%get3A_340] {strides = array<i32>} : memref<32768xf32, #tpu.memory_space<vmem>>, vector<16xf32>,
      %swap3A_342 = arith.constant 5 : i32
      %swap3A_343 = arith.index_cast %swap3A_342 : i32 to index
      %swap3A_344 = arith.index_cast %add3A_337 : i32 to index
      %swap3A_345 = tpu.vector_load %arg7[%swap3A_343, %swap3A_344] {strides = array<i32>} : memref<8x4096xf32, #tpu.memory_space<vmem>>, vector<16xf32>,
      tpu.vector_store %arg7[%swap3A_343, %swap3A_344], %get3A_341 {strides = array<i32>} : memref<8x4096xf32, #tpu.memory_space<vmem>>, vector<16xf32>,
      %mul3A_346 = arith.constant 128 : i32
      %mul3A_347 = arith.muli %add3A_261, %mul3A_346 : i32
      %add3A_348 = arith.constant 112 : i32
      %add3A_349 = arith.addi %mul3A_347, %add3A_348 : i32
      %add3A_350 = arith.constant 20480 : i32
      %add3A_351 = arith.addi %add3A_350, %add3A_349 : i32
      %get3A_352 = arith.index_cast %add3A_351 : i32 to index
      %get3A_353 = tpu.vector_load %arg6[%get3A_352] {strides = array<i32>} : memref<32768xf32, #tpu.memory_space<vmem>>, vector<16xf32>,
      %swap3A_354 = arith.constant 5 : i32
      %swap3A_355 = arith.index_cast %swap3A_354 : i32 to index
      %swap3A_356 = arith.index_cast %add3A_349 : i32 to index
      %swap3A_357 = tpu.vector_load %arg7[%swap3A_355, %swap3A_356] {strides = array<i32>} : memref<8x4096xf32, #tpu.memory_space<vmem>>, vector<16xf32>,
      tpu.vector_store %arg7[%swap3A_355, %swap3A_356], %get3A_353 {strides = array<i32>} : memref<8x4096xf32, #tpu.memory_space<vmem>>, vector<16xf32>,
      %scan3A_358 = arith.constant 2 : i32
      %scan3A_359 = arith.addi %scan3A_157, %scan3A_358 : i32
      %mul3A_360 = arith.constant 1 : i32
      %mul3A_361 = arith.muli %scan3A_359, %mul3A_360 : i32
      %add3A_362 = arith.constant 0 : i32
      %add3A_363 = arith.addi %add3A_362, %mul3A_361 : i32
      %mul3A_364 = arith.constant 128 : i32
      %mul3A_365 = arith.muli %add3A_363, %mul3A_364 : i32
      %add3A_366 = arith.constant 0 : i32
      %add3A_367 = arith.addi %mul3A_365, %add3A_366 : i32
      %add3A_368 = arith.constant 20480 : i32
      %add3A_369 = arith.addi %add3A_368, %add3A_367 : i32
      %get3A_370 = arith.index_cast %add3A_369 : i32 to index
      %get3A_371 = tpu.vector_load %arg6[%get3A_370] {strides = array<i32>} : memref<32768xf32, #tpu.memory_space<vmem>>, vector<16xf32>,
      %swap3A_372 = arith.constant 5 : i32
      %swap3A_373 = arith.index_cast %swap3A_372 : i32 to index
      %swap3A_374 = arith.index_cast %add3A_367 : i32 to index
      %swap3A_375 = tpu.vector_load %arg7[%swap3A_373, %swap3A_374] {strides = array<i32>} : memref<8x4096xf32, #tpu.memory_space<vmem>>, vector<16xf32>,
      tpu.vector_store %arg7[%swap3A_373, %swap3A_374], %get3A_371 {strides = array<i32>} : memref<8x4096xf32, #tpu.memory_space<vmem>>, vector<16xf32>,
      %mul3A_376 = arith.constant 128 : i32
      %mul3A_377 = arith.muli %add3A_363, %mul3A_376 : i32
      %add3A_378 = arith.constant 16 : i32
      %add3A_379 = arith.addi %mul3A_377, %add3A_378 : i32
      %add3A_380 = arith.constant 20480 : i32
      %add3A_381 = arith.addi %add3A_380, %add3A_379 : i32
      %get3A_382 = arith.index_cast %add3A_381 : i32 to index
      %get3A_383 = tpu.vector_load %arg6[%get3A_382] {strides = array<i32>} : memref<32768xf32, #tpu.memory_space<vmem>>, vector<16xf32>,
      %swap3A_384 = arith.constant 5 : i32
      %swap3A_385 = arith.index_cast %swap3A_384 : i32 to index
      %swap3A_386 = arith.index_cast %add3A_379 : i32 to index
      %swap3A_387 = tpu.vector_load %arg7[%swap3A_385, %swap3A_386] {strides = array<i32>} : memref<8x4096xf32, #tpu.memory_space<vmem>>, vector<16xf32>,
      tpu.vector_store %arg7[%swap3A_385, %swap3A_386], %get3A_383 {strides = array<i32>} : memref<8x4096xf32, #tpu.memory_space<vmem>>, vector<16xf32>,
      %mul3A_388 = arith.constant 128 : i32
      %mul3A_389 = arith.muli %add3A_363, %mul3A_388 : i32
      %add3A_390 = arith.constant 32 : i32
      %add3A_391 = arith.addi %mul3A_389, %add3A_390 : i32
      %add3A_392 = arith.constant 20480 : i32
      %add3A_393 = arith.addi %add3A_392, %add3A_391 : i32
      %get3A_394 = arith.index_cast %add3A_393 : i32 to index
      %get3A_395 = tpu.vector_load %arg6[%get3A_394] {strides = array<i32>} : memref<32768xf32, #tpu.memory_space<vmem>>, vector<16xf32>,
      %swap3A_396 = arith.constant 5 : i32
      %swap3A_397 = arith.index_cast %swap3A_396 : i32 to index
      %swap3A_398 = arith.index_cast %add3A_391 : i32 to index
      %swap3A_399 = tpu.vector_load %arg7[%swap3A_397, %swap3A_398] {strides = array<i32>} : memref<8x4096xf32, #tpu.memory_space<vmem>>, vector<16xf32>,
      tpu.vector_store %arg7[%swap3A_397, %swap3A_398], %get3A_395 {strides = array<i32>} : memref<8x4096xf32, #tpu.memory_space<vmem>>, vector<16xf32>,
      %mul3A_400 = arith.constant 128 : i32
      %mul3A_401 = arith.muli %add3A_363, %mul3A_400 : i32
      %add3A_402 = arith.constant 48 : i32
      %add3A_403 = arith.addi %mul3A_401, %add3A_402 : i32
      %add3A_404 = arith.constant 20480 : i32
      %add3A_405 = arith.addi %add3A_404, %add3A_403 : i32
      %get3A_406 = arith.index_cast %add3A_405 : i32 to index
      %get3A_407 = tpu.vector_load %arg6[%get3A_406] {strides = array<i32>} : memref<32768xf32, #tpu.memory_space<vmem>>, vector<16xf32>,
      %swap3A_408 = arith.constant 5 : i32
      %swap3A_409 = arith.index_cast %swap3A_408 : i32 to index
      %swap3A_410 = arith.index_cast %add3A_403 : i32 to index
      %swap3A_411 = tpu.vector_load %arg7[%swap3A_409, %swap3A_410] {strides = array<i32>} : memref<8x4096xf32, #tpu.memory_space<vmem>>, vector<16xf32>,
      tpu.vector_store %arg7[%swap3A_409, %swap3A_410], %get3A_407 {strides = array<i32>} : memref<8x4096xf32, #tpu.memory_space<vmem>>, vector<16xf32>,
      %mul3A_412 = arith.constant 128 : i32
      %mul3A_413 = arith.muli %add3A_363, %mul3A_412 : i32
      %add3A_414 = arith.constant 64 : i32
      %add3A_415 = arith.addi %mul3A_413, %add3A_414 : i32
      %add3A_416 = arith.constant 20480 : i32
      %add3A_417 = arith.addi %add3A_416, %add3A_415 : i32
      %get3A_418 = arith.index_cast %add3A_417 : i32 to index
      %get3A_419 = tpu.vector_load %arg6[%get3A_418] {strides = array<i32>} : memref<32768xf32, #tpu.memory_space<vmem>>, vector<16xf32>,
      %swap3A_420 = arith.constant 5 : i32
      %swap3A_421 = arith.index_cast %swap3A_420 : i32 to index
      %swap3A_422 = arith.index_cast %add3A_415 : i32 to index
      %swap3A_423 = tpu.vector_load %arg7[%swap3A_421, %swap3A_422] {strides = array<i32>} : memref<8x4096xf32, #tpu.memory_space<vmem>>, vector<16xf32>,
      tpu.vector_store %arg7[%swap3A_421, %swap3A_422], %get3A_419 {strides = array<i32>} : memref<8x4096xf32, #tpu.memory_space<vmem>>, vector<16xf32>,
      %mul3A_424 = arith.constant 128 : i32
      %mul3A_425 = arith.muli %add3A_363, %mul3A_424 : i32
      %add3A_426 = arith.constant 80 : i32
      %add3A_427 = arith.addi %mul3A_425, %add3A_426 : i32
      %add3A_428 = arith.constant 20480 : i32
      %add3A_429 = arith.addi %add3A_428, %add3A_427 : i32
      %get3A_430 = arith.index_cast %add3A_429 : i32 to index
      %get3A_431 = tpu.vector_load %arg6[%get3A_430] {strides = array<i32>} : memref<32768xf32, #tpu.memory_space<vmem>>, vector<16xf32>,
      %swap3A_432 = arith.constant 5 : i32
      %swap3A_433 = arith.index_cast %swap3A_432 : i32 to index
      %swap3A_434 = arith.index_cast %add3A_427 : i32 to index
      %swap3A_435 = tpu.vector_load %arg7[%swap3A_433, %swap3A_434] {strides = array<i32>} : memref<8x4096xf32, #tpu.memory_space<vmem>>, vector<16xf32>,
      tpu.vector_store %arg7[%swap3A_433, %swap3A_434], %get3A_431 {strides = array<i32>} : memref<8x4096xf32, #tpu.memory_space<vmem>>, vector<16xf32>,
      %mul3A_436 = arith.constant 128 : i32
      %mul3A_437 = arith.muli %add3A_363, %mul3A_436 : i32
      %add3A_438 = arith.constant 96 : i32
      %add3A_439 = arith.addi %mul3A_437, %add3A_438 : i32
      %add3A_440 = arith.constant 20480 : i32
      %add3A_441 = arith.addi %add3A_440, %add3A_439 : i32
      %get3A_442 = arith.index_cast %add3A_441 : i32 to index
      %get3A_443 = tpu.vector_load %arg6[%get3A_442] {strides = array<i32>} : memref<32768xf32, #tpu.memory_space<vmem>>, vector<16xf32>,
      %swap3A_444 = arith.constant 5 : i32
      %swap3A_445 = arith.index_cast %swap3A_444 : i32 to index
      %swap3A_446 = arith.index_cast %add3A_439 : i32 to index
      %swap3A_447 = tpu.vector_load %arg7[%swap3A_445, %swap3A_446] {strides = array<i32>} : memref<8x4096xf32, #tpu.memory_space<vmem>>, vector<16xf32>,
      tpu.vector_store %arg7[%swap3A_445, %swap3A_446], %get3A_443 {strides = array<i32>} : memref<8x4096xf32, #tpu.memory_space<vmem>>, vector<16xf32>,
      %mul3A_448 = arith.constant 128 : i32
      %mul3A_449 = arith.muli %add3A_363, %mul3A_448 : i32
      %add3A_450 = arith.constant 112 : i32
      %add3A_451 = arith.addi %mul3A_449, %add3A_450 : i32
      %add3A_452 = arith.constant 20480 : i32
      %add3A_453 = arith.addi %add3A_452, %add3A_451 : i32
      %get3A_454 = arith.index_cast %add3A_453 : i32 to index
      %get3A_455 = tpu.vector_load %arg6[%get3A_454] {strides = array<i32>} : memref<32768xf32, #tpu.memory_space<vmem>>, vector<16xf32>,
      %swap3A_456 = arith.constant 5 : i32
      %swap3A_457 = arith.index_cast %swap3A_456 : i32 to index
      %swap3A_458 = arith.index_cast %add3A_451 : i32 to index
      %swap3A_459 = tpu.vector_load %arg7[%swap3A_457, %swap3A_458] {strides = array<i32>} : memref<8x4096xf32, #tpu.memory_space<vmem>>, vector<16xf32>,
      tpu.vector_store %arg7[%swap3A_457, %swap3A_458], %get3A_455 {strides = array<i32>} : memref<8x4096xf32, #tpu.memory_space<vmem>>, vector<16xf32>,
      %scan3A_460 = arith.constant 3 : i32
      %scan3A_461 = arith.addi %scan3A_157, %scan3A_460 : i32
      %mul3A_462 = arith.constant 1 : i32
      %mul3A_463 = arith.muli %scan3A_461, %mul3A_462 : i32
      %add3A_464 = arith.constant 0 : i32
      %add3A_465 = arith.addi %add3A_464, %mul3A_463 : i32
      %mul3A_466 = arith.constant 128 : i32
      %mul3A_467 = arith.muli %add3A_465, %mul3A_466 : i32
      %add3A_468 = arith.constant 0 : i32
      %add3A_469 = arith.addi %mul3A_467, %add3A_468 : i32
      %add3A_470 = arith.constant 20480 : i32
      %add3A_471 = arith.addi %add3A_470, %add3A_469 : i32
      %get3A_472 = arith.index_cast %add3A_471 : i32 to index
      %get3A_473 = tpu.vector_load %arg6[%get3A_472] {strides = array<i32>} : memref<32768xf32, #tpu.memory_space<vmem>>, vector<16xf32>,
      %swap3A_474 = arith.constant 5 : i32
      %swap3A_475 = arith.index_cast %swap3A_474 : i32 to index
      %swap3A_476 = arith.index_cast %add3A_469 : i32 to index
      %swap3A_477 = tpu.vector_load %arg7[%swap3A_475, %swap3A_476] {strides = array<i32>} : memref<8x4096xf32, #tpu.memory_space<vmem>>, vector<16xf32>,
      tpu.vector_store %arg7[%swap3A_475, %swap3A_476], %get3A_473 {strides = array<i32>} : memref<8x4096xf32, #tpu.memory_space<vmem>>, vector<16xf32>,
      %mul3A_478 = arith.constant 128 : i32
      %mul3A_479 = arith.muli %add3A_465, %mul3A_478 : i32
      %add3A_480 = arith.constant 16 : i32
      %add3A_481 = arith.addi %mul3A_479, %add3A_480 : i32
      %add3A_482 = arith.constant 20480 : i32
      %add3A_483 = arith.addi %add3A_482, %add3A_481 : i32
      %get3A_484 = arith.index_cast %add3A_483 : i32 to index
      %get3A_485 = tpu.vector_load %arg6[%get3A_484] {strides = array<i32>} : memref<32768xf32, #tpu.memory_space<vmem>>, vector<16xf32>,
      %swap3A_486 = arith.constant 5 : i32
      %swap3A_487 = arith.index_cast %swap3A_486 : i32 to index
      %swap3A_488 = arith.index_cast %add3A_481 : i32 to index
      %swap3A_489 = tpu.vector_load %arg7[%swap3A_487, %swap3A_488] {strides = array<i32>} : memref<8x4096xf32, #tpu.memory_space<vmem>>, vector<16xf32>,
      tpu.vector_store %arg7[%swap3A_487, %swap3A_488], %get3A_485 {strides = array<i32>} : memref<8x4096xf32, #tpu.memory_space<vmem>>, vector<16xf32>,
      %mul3A_490 = arith.constant 128 : i32
      %mul3A_491 = arith.muli %add3A_465, %mul3A_490 : i32
      %add3A_492 = arith.constant 32 : i32
      %add3A_493 = arith.addi %mul3A_491, %add3A_492 : i32
      %add3A_494 = arith.constant 20480 : i32
      %add3A_495 = arith.addi %add3A_494, %add3A_493 : i32
      %get3A_496 = arith.index_cast %add3A_495 : i32 to index
      %get3A_497 = tpu.vector_load %arg6[%get3A_496] {strides = array<i32>} : memref<32768xf32, #tpu.memory_space<vmem>>, vector<16xf32>,
      %swap3A_498 = arith.constant 5 : i32
      %swap3A_499 = arith.index_cast %swap3A_498 : i32 to index
      %swap3A_500 = arith.index_cast %add3A_493 : i32 to index
      %swap3A_501 = tpu.vector_load %arg7[%swap3A_499, %swap3A_500] {strides = array<i32>} : memref<8x4096xf32, #tpu.memory_space<vmem>>, vector<16xf32>,
      tpu.vector_store %arg7[%swap3A_499, %swap3A_500], %get3A_497 {strides = array<i32>} : memref<8x4096xf32, #tpu.memory_space<vmem>>, vector<16xf32>,
      %mul3A_502 = arith.constant 128 : i32
      %mul3A_503 = arith.muli %add3A_465, %mul3A_502 : i32
      %add3A_504 = arith.constant 48 : i32
      %add3A_505 = arith.addi %mul3A_503, %add3A_504 : i32
      %add3A_506 = arith.constant 20480 : i32
      %add3A_507 = arith.addi %add3A_506, %add3A_505 : i32
      %get3A_508 = arith.index_cast %add3A_507 : i32 to index
      %get3A_509 = tpu.vector_load %arg6[%get3A_508] {strides = array<i32>} : memref<32768xf32, #tpu.memory_space<vmem>>, vector<16xf32>,
      %swap3A_510 = arith.constant 5 : i32
      %swap3A_511 = arith.index_cast %swap3A_510 : i32 to index
      %swap3A_512 = arith.index_cast %add3A_505 : i32 to index
      %swap3A_513 = tpu.vector_load %arg7[%swap3A_511, %swap3A_512] {strides = array<i32>} : memref<8x4096xf32, #tpu.memory_space<vmem>>, vector<16xf32>,
      tpu.vector_store %arg7[%swap3A_511, %swap3A_512], %get3A_509 {strides = array<i32>} : memref<8x4096xf32, #tpu.memory_space<vmem>>, vector<16xf32>,
      %mul3A_514 = arith.constant 128 : i32
      %mul3A_515 = arith.muli %add3A_465, %mul3A_514 : i32
      %add3A_516 = arith.constant 64 : i32
      %add3A_517 = arith.addi %mul3A_515, %add3A_516 : i32
      %add3A_518 = arith.constant 20480 : i32
      %add3A_519 = arith.addi %add3A_518, %add3A_517 : i32
      %get3A_520 = arith.index_cast %add3A_519 : i32 to index
      %get3A_521 = tpu.vector_load %arg6[%get3A_520] {strides = array<i32>} : memref<32768xf32, #tpu.memory_space<vmem>>, vector<16xf32>,
      %swap3A_522 = arith.constant 5 : i32
      %swap3A_523 = arith.index_cast %swap3A_522 : i32 to index
      %swap3A_524 = arith.index_cast %add3A_517 : i32 to index
      %swap3A_525 = tpu.vector_load %arg7[%swap3A_523, %swap3A_524] {strides = array<i32>} : memref<8x4096xf32, #tpu.memory_space<vmem>>, vector<16xf32>,
      tpu.vector_store %arg7[%swap3A_523, %swap3A_524], %get3A_521 {strides = array<i32>} : memref<8x4096xf32, #tpu.memory_space<vmem>>, vector<16xf32>,
      %mul3A_526 = arith.constant 128 : i32
      %mul3A_527 = arith.muli %add3A_465, %mul3A_526 : i32
      %add3A_528 = arith.constant 80 : i32
      %add3A_529 = arith.addi %mul3A_527, %add3A_528 : i32
      %add3A_530 = arith.constant 20480 : i32
      %add3A_531 = arith.addi %add3A_530, %add3A_529 : i32
      %get3A_532 = arith.index_cast %add3A_531 : i32 to index
      %get3A_533 = tpu.vector_load %arg6[%get3A_532] {strides = array<i32>} : memref<32768xf32, #tpu.memory_space<vmem>>, vector<16xf32>,
      %swap3A_534 = arith.constant 5 : i32
      %swap3A_535 = arith.index_cast %swap3A_534 : i32 to index
      %swap3A_536 = arith.index_cast %add3A_529 : i32 to index
      %swap3A_537 = tpu.vector_load %arg7[%swap3A_535, %swap3A_536] {strides = array<i32>} : memref<8x4096xf32, #tpu.memory_space<vmem>>, vector<16xf32>,
      tpu.vector_store %arg7[%swap3A_535, %swap3A_536], %get3A_533 {strides = array<i32>} : memref<8x4096xf32, #tpu.memory_space<vmem>>, vector<16xf32>,
      %mul3A_538 = arith.constant 128 : i32
      %mul3A_539 = arith.muli %add3A_465, %mul3A_538 : i32
      %add3A_540 = arith.constant 96 : i32
      %add3A_541 = arith.addi %mul3A_539, %add3A_540 : i32
      %add3A_542 = arith.constant 20480 : i32
      %add3A_543 = arith.addi %add3A_542, %add3A_541 : i32
      %get3A_544 = arith.index_cast %add3A_543 : i32 to index
      %get3A_545 = tpu.vector_load %arg6[%get3A_544] {strides = array<i32>} : memref<32768xf32, #tpu.memory_space<vmem>>, vector<16xf32>,
      %swap3A_546 = arith.constant 5 : i32
      %swap3A_547 = arith.index_cast %swap3A_546 : i32 to index
      %swap3A_548 = arith.index_cast %add3A_541 : i32 to index
      %swap3A_549 = tpu.vector_load %arg7[%swap3A_547, %swap3A_548] {strides = array<i32>} : memref<8x4096xf32, #tpu.memory_space<vmem>>, vector<16xf32>,
      tpu.vector_store %arg7[%swap3A_547, %swap3A_548], %get3A_545 {strides = array<i32>} : memref<8x4096xf32, #tpu.memory_space<vmem>>, vector<16xf32>,
      %mul3A_550 = arith.constant 128 : i32
      %mul3A_551 = arith.muli %add3A_465, %mul3A_550 : i32
      %add3A_552 = arith.constant 112 : i32
      %add3A_553 = arith.addi %mul3A_551, %add3A_552 : i32
      %add3A_554 = arith.constant 20480 : i32
      %add3A_555 = arith.addi %add3A_554, %add3A_553 : i32
      %get3A_556 = arith.index_cast %add3A_555 : i32 to index
      %get3A_557 = tpu.vector_load %arg6[%get3A_556] {strides = array<i32>} : memref<32768xf32, #tpu.memory_space<vmem>>, vector<16xf32>,
      %swap3A_558 = arith.constant 5 : i32
      %swap3A_559 = arith.index_cast %swap3A_558 : i32 to index
      %swap3A_560 = arith.index_cast %add3A_553 : i32 to index
      %swap3A_561 = tpu.vector_load %arg7[%swap3A_559, %swap3A_560] {strides = array<i32>} : memref<8x4096xf32, #tpu.memory_space<vmem>>, vector<16xf32>,
      tpu.vector_store %arg7[%swap3A_559, %swap3A_560], %get3A_557 {strides = array<i32>} : memref<8x4096xf32, #tpu.memory_space<vmem>>, vector<16xf32>,
    }
    %scan3A_146 = arith.constant 32 : i32
    %scan3A_147 = arith.constant 0 : i32
    %scan3A_148 = arith.constant 32 : i32
    %scan3A_149 = arith.addi %scan3A_147, %scan3A_148 : i32
    %scan3A_150 = arith.constant 4 : i32
    scf.for %scan3A_157 = %scan3A_147 to %scan3A_149 step %scan3A_150  : i32 {
      %mul3A_158 = arith.constant 1 : i32
      %mul3A_159 = arith.muli %scan3A_157, %mul3A_158 : i32
      %add3A_160 = arith.constant 0 : i32
      %add3A_161 = arith.addi %add3A_160, %mul3A_159 : i32
      %mul3A_162 = arith.constant 128 : i32
      %mul3A_163 = arith.muli %add3A_161, %mul3A_162 : i32
      %add3A_164 = arith.constant 0 : i32
      %add3A_165 = arith.addi %mul3A_163, %add3A_164 : i32
      %add3A_166 = arith.constant 24576 : i32
      %add3A_167 = arith.addi %add3A_166, %add3A_165 : i32
      %get3A = arith.index_cast %add3A_167 : i32 to index
      %get3A_168 = tpu.vector_load %arg6[%get3A] {strides = array<i32>} : memref<32768xf32, #tpu.memory_space<vmem>>, vector<16xf32>,
      %swap3A = arith.constant 6 : i32
      %swap3A_169 = arith.index_cast %swap3A : i32 to index
      %swap3A_170 = arith.index_cast %add3A_165 : i32 to index
      %swap3A_171 = tpu.vector_load %arg7[%swap3A_169, %swap3A_170] {strides = array<i32>} : memref<8x4096xf32, #tpu.memory_space<vmem>>, vector<16xf32>,
      tpu.vector_store %arg7[%swap3A_169, %swap3A_170], %get3A_168 {strides = array<i32>} : memref<8x4096xf32, #tpu.memory_space<vmem>>, vector<16xf32>,
      %mul3A_172 = arith.constant 128 : i32
      %mul3A_173 = arith.muli %add3A_161, %mul3A_172 : i32
      %add3A_174 = arith.constant 16 : i32
      %add3A_175 = arith.addi %mul3A_173, %add3A_174 : i32
      %add3A_176 = arith.constant 24576 : i32
      %add3A_177 = arith.addi %add3A_176, %add3A_175 : i32
      %get3A_178 = arith.index_cast %add3A_177 : i32 to index
      %get3A_179 = tpu.vector_load %arg6[%get3A_178] {strides = array<i32>} : memref<32768xf32, #tpu.memory_space<vmem>>, vector<16xf32>,
      %swap3A_180 = arith.constant 6 : i32
      %swap3A_181 = arith.index_cast %swap3A_180 : i32 to index
      %swap3A_182 = arith.index_cast %add3A_175 : i32 to index
      %swap3A_183 = tpu.vector_load %arg7[%swap3A_181, %swap3A_182] {strides = array<i32>} : memref<8x4096xf32, #tpu.memory_space<vmem>>, vector<16xf32>,
      tpu.vector_store %arg7[%swap3A_181, %swap3A_182], %get3A_179 {strides = array<i32>} : memref<8x4096xf32, #tpu.memory_space<vmem>>, vector<16xf32>,
      %mul3A_184 = arith.constant 128 : i32
      %mul3A_185 = arith.muli %add3A_161, %mul3A_184 : i32
      %add3A_186 = arith.constant 32 : i32
      %add3A_187 = arith.addi %mul3A_185, %add3A_186 : i32
      %add3A_188 = arith.constant 24576 : i32
      %add3A_189 = arith.addi %add3A_188, %add3A_187 : i32
      %get3A_190 = arith.index_cast %add3A_189 : i32 to index
      %get3A_191 = tpu.vector_load %arg6[%get3A_190] {strides = array<i32>} : memref<32768xf32, #tpu.memory_space<vmem>>, vector<16xf32>,
      %swap3A_192 = arith.constant 6 : i32
      %swap3A_193 = arith.index_cast %swap3A_192 : i32 to index
      %swap3A_194 = arith.index_cast %add3A_187 : i32 to index
      %swap3A_195 = tpu.vector_load %arg7[%swap3A_193, %swap3A_194] {strides = array<i32>} : memref<8x4096xf32, #tpu.memory_space<vmem>>, vector<16xf32>,
      tpu.vector_store %arg7[%swap3A_193, %swap3A_194], %get3A_191 {strides = array<i32>} : memref<8x4096xf32, #tpu.memory_space<vmem>>, vector<16xf32>,
      %mul3A_196 = arith.constant 128 : i32
      %mul3A_197 = arith.muli %add3A_161, %mul3A_196 : i32
      %add3A_198 = arith.constant 48 : i32
      %add3A_199 = arith.addi %mul3A_197, %add3A_198 : i32
      %add3A_200 = arith.constant 24576 : i32
      %add3A_201 = arith.addi %add3A_200, %add3A_199 : i32
      %get3A_202 = arith.index_cast %add3A_201 : i32 to index
      %get3A_203 = tpu.vector_load %arg6[%get3A_202] {strides = array<i32>} : memref<32768xf32, #tpu.memory_space<vmem>>, vector<16xf32>,
      %swap3A_204 = arith.constant 6 : i32
      %swap3A_205 = arith.index_cast %swap3A_204 : i32 to index
      %swap3A_206 = arith.index_cast %add3A_199 : i32 to index
      %swap3A_207 = tpu.vector_load %arg7[%swap3A_205, %swap3A_206] {strides = array<i32>} : memref<8x4096xf32, #tpu.memory_space<vmem>>, vector<16xf32>,
      tpu.vector_store %arg7[%swap3A_205, %swap3A_206], %get3A_203 {strides = array<i32>} : memref<8x4096xf32, #tpu.memory_space<vmem>>, vector<16xf32>,
      %mul3A_208 = arith.constant 128 : i32
      %mul3A_209 = arith.muli %add3A_161, %mul3A_208 : i32
      %add3A_210 = arith.constant 64 : i32
      %add3A_211 = arith.addi %mul3A_209, %add3A_210 : i32
      %add3A_212 = arith.constant 24576 : i32
      %add3A_213 = arith.addi %add3A_212, %add3A_211 : i32
      %get3A_214 = arith.index_cast %add3A_213 : i32 to index
      %get3A_215 = tpu.vector_load %arg6[%get3A_214] {strides = array<i32>} : memref<32768xf32, #tpu.memory_space<vmem>>, vector<16xf32>,
      %swap3A_216 = arith.constant 6 : i32
      %swap3A_217 = arith.index_cast %swap3A_216 : i32 to index
      %swap3A_218 = arith.index_cast %add3A_211 : i32 to index
      %swap3A_219 = tpu.vector_load %arg7[%swap3A_217, %swap3A_218] {strides = array<i32>} : memref<8x4096xf32, #tpu.memory_space<vmem>>, vector<16xf32>,
      tpu.vector_store %arg7[%swap3A_217, %swap3A_218], %get3A_215 {strides = array<i32>} : memref<8x4096xf32, #tpu.memory_space<vmem>>, vector<16xf32>,
      %mul3A_220 = arith.constant 128 : i32
      %mul3A_221 = arith.muli %add3A_161, %mul3A_220 : i32
      %add3A_222 = arith.constant 80 : i32
      %add3A_223 = arith.addi %mul3A_221, %add3A_222 : i32
      %add3A_224 = arith.constant 24576 : i32
      %add3A_225 = arith.addi %add3A_224, %add3A_223 : i32
      %get3A_226 = arith.index_cast %add3A_225 : i32 to index
      %get3A_227 = tpu.vector_load %arg6[%get3A_226] {strides = array<i32>} : memref<32768xf32, #tpu.memory_space<vmem>>, vector<16xf32>,
      %swap3A_228 = arith.constant 6 : i32
      %swap3A_229 = arith.index_cast %swap3A_228 : i32 to index
      %swap3A_230 = arith.index_cast %add3A_223 : i32 to index
      %swap3A_231 = tpu.vector_load %arg7[%swap3A_229, %swap3A_230] {strides = array<i32>} : memref<8x4096xf32, #tpu.memory_space<vmem>>, vector<16xf32>,
      tpu.vector_store %arg7[%swap3A_229, %swap3A_230], %get3A_227 {strides = array<i32>} : memref<8x4096xf32, #tpu.memory_space<vmem>>, vector<16xf32>,
      %mul3A_232 = arith.constant 128 : i32
      %mul3A_233 = arith.muli %add3A_161, %mul3A_232 : i32
      %add3A_234 = arith.constant 96 : i32
      %add3A_235 = arith.addi %mul3A_233, %add3A_234 : i32
      %add3A_236 = arith.constant 24576 : i32
      %add3A_237 = arith.addi %add3A_236, %add3A_235 : i32
      %get3A_238 = arith.index_cast %add3A_237 : i32 to index
      %get3A_239 = tpu.vector_load %arg6[%get3A_238] {strides = array<i32>} : memref<32768xf32, #tpu.memory_space<vmem>>, vector<16xf32>,
      %swap3A_240 = arith.constant 6 : i32
      %swap3A_241 = arith.index_cast %swap3A_240 : i32 to index
      %swap3A_242 = arith.index_cast %add3A_235 : i32 to index
      %swap3A_243 = tpu.vector_load %arg7[%swap3A_241, %swap3A_242] {strides = array<i32>} : memref<8x4096xf32, #tpu.memory_space<vmem>>, vector<16xf32>,
      tpu.vector_store %arg7[%swap3A_241, %swap3A_242], %get3A_239 {strides = array<i32>} : memref<8x4096xf32, #tpu.memory_space<vmem>>, vector<16xf32>,
      %mul3A_244 = arith.constant 128 : i32
      %mul3A_245 = arith.muli %add3A_161, %mul3A_244 : i32
      %add3A_246 = arith.constant 112 : i32
      %add3A_247 = arith.addi %mul3A_245, %add3A_246 : i32
      %add3A_248 = arith.constant 24576 : i32
      %add3A_249 = arith.addi %add3A_248, %add3A_247 : i32
      %get3A_250 = arith.index_cast %add3A_249 : i32 to index
      %get3A_251 = tpu.vector_load %arg6[%get3A_250] {strides = array<i32>} : memref<32768xf32, #tpu.memory_space<vmem>>, vector<16xf32>,
      %swap3A_252 = arith.constant 6 : i32
      %swap3A_253 = arith.index_cast %swap3A_252 : i32 to index
      %swap3A_254 = arith.index_cast %add3A_247 : i32 to index
      %swap3A_255 = tpu.vector_load %arg7[%swap3A_253, %swap3A_254] {strides = array<i32>} : memref<8x4096xf32, #tpu.memory_space<vmem>>, vector<16xf32>,
      tpu.vector_store %arg7[%swap3A_253, %swap3A_254], %get3A_251 {strides = array<i32>} : memref<8x4096xf32, #tpu.memory_space<vmem>>, vector<16xf32>,
      %scan3A_256 = arith.constant 1 : i32
      %scan3A_257 = arith.addi %scan3A_157, %scan3A_256 : i32
      %mul3A_258 = arith.constant 1 : i32
      %mul3A_259 = arith.muli %scan3A_257, %mul3A_258 : i32
      %add3A_260 = arith.constant 0 : i32
      %add3A_261 = arith.addi %add3A_260, %mul3A_259 : i32
      %mul3A_262 = arith.constant 128 : i32
      %mul3A_263 = arith.muli %add3A_261, %mul3A_262 : i32
      %add3A_264 = arith.constant 0 : i32
      %add3A_265 = arith.addi %mul3A_263, %add3A_264 : i32
      %add3A_266 = arith.constant 24576 : i32
      %add3A_267 = arith.addi %add3A_266, %add3A_265 : i32
      %get3A_268 = arith.index_cast %add3A_267 : i32 to index
      %get3A_269 = tpu.vector_load %arg6[%get3A_268] {strides = array<i32>} : memref<32768xf32, #tpu.memory_space<vmem>>, vector<16xf32>,
      %swap3A_270 = arith.constant 6 : i32
      %swap3A_271 = arith.index_cast %swap3A_270 : i32 to index
      %swap3A_272 = arith.index_cast %add3A_265 : i32 to index
      %swap3A_273 = tpu.vector_load %arg7[%swap3A_271, %swap3A_272] {strides = array<i32>} : memref<8x4096xf32, #tpu.memory_space<vmem>>, vector<16xf32>,
      tpu.vector_store %arg7[%swap3A_271, %swap3A_272], %get3A_269 {strides = array<i32>} : memref<8x4096xf32, #tpu.memory_space<vmem>>, vector<16xf32>,
      %mul3A_274 = arith.constant 128 : i32
      %mul3A_275 = arith.muli %add3A_261, %mul3A_274 : i32
      %add3A_276 = arith.constant 16 : i32
      %add3A_277 = arith.addi %mul3A_275, %add3A_276 : i32
      %add3A_278 = arith.constant 24576 : i32
      %add3A_279 = arith.addi %add3A_278, %add3A_277 : i32
      %get3A_280 = arith.index_cast %add3A_279 : i32 to index
      %get3A_281 = tpu.vector_load %arg6[%get3A_280] {strides = array<i32>} : memref<32768xf32, #tpu.memory_space<vmem>>, vector<16xf32>,
      %swap3A_282 = arith.constant 6 : i32
      %swap3A_283 = arith.index_cast %swap3A_282 : i32 to index
      %swap3A_284 = arith.index_cast %add3A_277 : i32 to index
      %swap3A_285 = tpu.vector_load %arg7[%swap3A_283, %swap3A_284] {strides = array<i32>} : memref<8x4096xf32, #tpu.memory_space<vmem>>, vector<16xf32>,
      tpu.vector_store %arg7[%swap3A_283, %swap3A_284], %get3A_281 {strides = array<i32>} : memref<8x4096xf32, #tpu.memory_space<vmem>>, vector<16xf32>,
      %mul3A_286 = arith.constant 128 : i32
      %mul3A_287 = arith.muli %add3A_261, %mul3A_286 : i32
      %add3A_288 = arith.constant 32 : i32
      %add3A_289 = arith.addi %mul3A_287, %add3A_288 : i32
      %add3A_290 = arith.constant 24576 : i32
      %add3A_291 = arith.addi %add3A_290, %add3A_289 : i32
      %get3A_292 = arith.index_cast %add3A_291 : i32 to index
      %get3A_293 = tpu.vector_load %arg6[%get3A_292] {strides = array<i32>} : memref<32768xf32, #tpu.memory_space<vmem>>, vector<16xf32>,
      %swap3A_294 = arith.constant 6 : i32
      %swap3A_295 = arith.index_cast %swap3A_294 : i32 to index
      %swap3A_296 = arith.index_cast %add3A_289 : i32 to index
      %swap3A_297 = tpu.vector_load %arg7[%swap3A_295, %swap3A_296] {strides = array<i32>} : memref<8x4096xf32, #tpu.memory_space<vmem>>, vector<16xf32>,
      tpu.vector_store %arg7[%swap3A_295, %swap3A_296], %get3A_293 {strides = array<i32>} : memref<8x4096xf32, #tpu.memory_space<vmem>>, vector<16xf32>,
      %mul3A_298 = arith.constant 128 : i32
      %mul3A_299 = arith.muli %add3A_261, %mul3A_298 : i32
      %add3A_300 = arith.constant 48 : i32
      %add3A_301 = arith.addi %mul3A_299, %add3A_300 : i32
      %add3A_302 = arith.constant 24576 : i32
      %add3A_303 = arith.addi %add3A_302, %add3A_301 : i32
      %get3A_304 = arith.index_cast %add3A_303 : i32 to index
      %get3A_305 = tpu.vector_load %arg6[%get3A_304] {strides = array<i32>} : memref<32768xf32, #tpu.memory_space<vmem>>, vector<16xf32>,
      %swap3A_306 = arith.constant 6 : i32
      %swap3A_307 = arith.index_cast %swap3A_306 : i32 to index
      %swap3A_308 = arith.index_cast %add3A_301 : i32 to index
      %swap3A_309 = tpu.vector_load %arg7[%swap3A_307, %swap3A_308] {strides = array<i32>} : memref<8x4096xf32, #tpu.memory_space<vmem>>, vector<16xf32>,
      tpu.vector_store %arg7[%swap3A_307, %swap3A_308], %get3A_305 {strides = array<i32>} : memref<8x4096xf32, #tpu.memory_space<vmem>>, vector<16xf32>,
      %mul3A_310 = arith.constant 128 : i32
      %mul3A_311 = arith.muli %add3A_261, %mul3A_310 : i32
      %add3A_312 = arith.constant 64 : i32
      %add3A_313 = arith.addi %mul3A_311, %add3A_312 : i32
      %add3A_314 = arith.constant 24576 : i32
      %add3A_315 = arith.addi %add3A_314, %add3A_313 : i32
      %get3A_316 = arith.index_cast %add3A_315 : i32 to index
      %get3A_317 = tpu.vector_load %arg6[%get3A_316] {strides = array<i32>} : memref<32768xf32, #tpu.memory_space<vmem>>, vector<16xf32>,
      %swap3A_318 = arith.constant 6 : i32
      %swap3A_319 = arith.index_cast %swap3A_318 : i32 to index
      %swap3A_320 = arith.index_cast %add3A_313 : i32 to index
      %swap3A_321 = tpu.vector_load %arg7[%swap3A_319, %swap3A_320] {strides = array<i32>} : memref<8x4096xf32, #tpu.memory_space<vmem>>, vector<16xf32>,
      tpu.vector_store %arg7[%swap3A_319, %swap3A_320], %get3A_317 {strides = array<i32>} : memref<8x4096xf32, #tpu.memory_space<vmem>>, vector<16xf32>,
      %mul3A_322 = arith.constant 128 : i32
      %mul3A_323 = arith.muli %add3A_261, %mul3A_322 : i32
      %add3A_324 = arith.constant 80 : i32
      %add3A_325 = arith.addi %mul3A_323, %add3A_324 : i32
      %add3A_326 = arith.constant 24576 : i32
      %add3A_327 = arith.addi %add3A_326, %add3A_325 : i32
      %get3A_328 = arith.index_cast %add3A_327 : i32 to index
      %get3A_329 = tpu.vector_load %arg6[%get3A_328] {strides = array<i32>} : memref<32768xf32, #tpu.memory_space<vmem>>, vector<16xf32>,
      %swap3A_330 = arith.constant 6 : i32
      %swap3A_331 = arith.index_cast %swap3A_330 : i32 to index
      %swap3A_332 = arith.index_cast %add3A_325 : i32 to index
      %swap3A_333 = tpu.vector_load %arg7[%swap3A_331, %swap3A_332] {strides = array<i32>} : memref<8x4096xf32, #tpu.memory_space<vmem>>, vector<16xf32>,
      tpu.vector_store %arg7[%swap3A_331, %swap3A_332], %get3A_329 {strides = array<i32>} : memref<8x4096xf32, #tpu.memory_space<vmem>>, vector<16xf32>,
      %mul3A_334 = arith.constant 128 : i32
      %mul3A_335 = arith.muli %add3A_261, %mul3A_334 : i32
      %add3A_336 = arith.constant 96 : i32
      %add3A_337 = arith.addi %mul3A_335, %add3A_336 : i32
      %add3A_338 = arith.constant 24576 : i32
      %add3A_339 = arith.addi %add3A_338, %add3A_337 : i32
      %get3A_340 = arith.index_cast %add3A_339 : i32 to index
      %get3A_341 = tpu.vector_load %arg6[%get3A_340] {strides = array<i32>} : memref<32768xf32, #tpu.memory_space<vmem>>, vector<16xf32>,
      %swap3A_342 = arith.constant 6 : i32
      %swap3A_343 = arith.index_cast %swap3A_342 : i32 to index
      %swap3A_344 = arith.index_cast %add3A_337 : i32 to index
      %swap3A_345 = tpu.vector_load %arg7[%swap3A_343, %swap3A_344] {strides = array<i32>} : memref<8x4096xf32, #tpu.memory_space<vmem>>, vector<16xf32>,
      tpu.vector_store %arg7[%swap3A_343, %swap3A_344], %get3A_341 {strides = array<i32>} : memref<8x4096xf32, #tpu.memory_space<vmem>>, vector<16xf32>,
      %mul3A_346 = arith.constant 128 : i32
      %mul3A_347 = arith.muli %add3A_261, %mul3A_346 : i32
      %add3A_348 = arith.constant 112 : i32
      %add3A_349 = arith.addi %mul3A_347, %add3A_348 : i32
      %add3A_350 = arith.constant 24576 : i32
      %add3A_351 = arith.addi %add3A_350, %add3A_349 : i32
      %get3A_352 = arith.index_cast %add3A_351 : i32 to index
      %get3A_353 = tpu.vector_load %arg6[%get3A_352] {strides = array<i32>} : memref<32768xf32, #tpu.memory_space<vmem>>, vector<16xf32>,
      %swap3A_354 = arith.constant 6 : i32
      %swap3A_355 = arith.index_cast %swap3A_354 : i32 to index
      %swap3A_356 = arith.index_cast %add3A_349 : i32 to index
      %swap3A_357 = tpu.vector_load %arg7[%swap3A_355, %swap3A_356] {strides = array<i32>} : memref<8x4096xf32, #tpu.memory_space<vmem>>, vector<16xf32>,
      tpu.vector_store %arg7[%swap3A_355, %swap3A_356], %get3A_353 {strides = array<i32>} : memref<8x4096xf32, #tpu.memory_space<vmem>>, vector<16xf32>,
      %scan3A_358 = arith.constant 2 : i32
      %scan3A_359 = arith.addi %scan3A_157, %scan3A_358 : i32
      %mul3A_360 = arith.constant 1 : i32
      %mul3A_361 = arith.muli %scan3A_359, %mul3A_360 : i32
      %add3A_362 = arith.constant 0 : i32
      %add3A_363 = arith.addi %add3A_362, %mul3A_361 : i32
      %mul3A_364 = arith.constant 128 : i32
      %mul3A_365 = arith.muli %add3A_363, %mul3A_364 : i32
      %add3A_366 = arith.constant 0 : i32
      %add3A_367 = arith.addi %mul3A_365, %add3A_366 : i32
      %add3A_368 = arith.constant 24576 : i32
      %add3A_369 = arith.addi %add3A_368, %add3A_367 : i32
      %get3A_370 = arith.index_cast %add3A_369 : i32 to index
      %get3A_371 = tpu.vector_load %arg6[%get3A_370] {strides = array<i32>} : memref<32768xf32, #tpu.memory_space<vmem>>, vector<16xf32>,
      %swap3A_372 = arith.constant 6 : i32
      %swap3A_373 = arith.index_cast %swap3A_372 : i32 to index
      %swap3A_374 = arith.index_cast %add3A_367 : i32 to index
      %swap3A_375 = tpu.vector_load %arg7[%swap3A_373, %swap3A_374] {strides = array<i32>} : memref<8x4096xf32, #tpu.memory_space<vmem>>, vector<16xf32>,
      tpu.vector_store %arg7[%swap3A_373, %swap3A_374], %get3A_371 {strides = array<i32>} : memref<8x4096xf32, #tpu.memory_space<vmem>>, vector<16xf32>,
      %mul3A_376 = arith.constant 128 : i32
      %mul3A_377 = arith.muli %add3A_363, %mul3A_376 : i32
      %add3A_378 = arith.constant 16 : i32
      %add3A_379 = arith.addi %mul3A_377, %add3A_378 : i32
      %add3A_380 = arith.constant 24576 : i32
      %add3A_381 = arith.addi %add3A_380, %add3A_379 : i32
      %get3A_382 = arith.index_cast %add3A_381 : i32 to index
      %get3A_383 = tpu.vector_load %arg6[%get3A_382] {strides = array<i32>} : memref<32768xf32, #tpu.memory_space<vmem>>, vector<16xf32>,
      %swap3A_384 = arith.constant 6 : i32
      %swap3A_385 = arith.index_cast %swap3A_384 : i32 to index
      %swap3A_386 = arith.index_cast %add3A_379 : i32 to index
      %swap3A_387 = tpu.vector_load %arg7[%swap3A_385, %swap3A_386] {strides = array<i32>} : memref<8x4096xf32, #tpu.memory_space<vmem>>, vector<16xf32>,
      tpu.vector_store %arg7[%swap3A_385, %swap3A_386], %get3A_383 {strides = array<i32>} : memref<8x4096xf32, #tpu.memory_space<vmem>>, vector<16xf32>,
      %mul3A_388 = arith.constant 128 : i32
      %mul3A_389 = arith.muli %add3A_363, %mul3A_388 : i32
      %add3A_390 = arith.constant 32 : i32
      %add3A_391 = arith.addi %mul3A_389, %add3A_390 : i32
      %add3A_392 = arith.constant 24576 : i32
      %add3A_393 = arith.addi %add3A_392, %add3A_391 : i32
      %get3A_394 = arith.index_cast %add3A_393 : i32 to index
      %get3A_395 = tpu.vector_load %arg6[%get3A_394] {strides = array<i32>} : memref<32768xf32, #tpu.memory_space<vmem>>, vector<16xf32>,
      %swap3A_396 = arith.constant 6 : i32
      %swap3A_397 = arith.index_cast %swap3A_396 : i32 to index
      %swap3A_398 = arith.index_cast %add3A_391 : i32 to index
      %swap3A_399 = tpu.vector_load %arg7[%swap3A_397, %swap3A_398] {strides = array<i32>} : memref<8x4096xf32, #tpu.memory_space<vmem>>, vector<16xf32>,
      tpu.vector_store %arg7[%swap3A_397, %swap3A_398], %get3A_395 {strides = array<i32>} : memref<8x4096xf32, #tpu.memory_space<vmem>>, vector<16xf32>,
      %mul3A_400 = arith.constant 128 : i32
      %mul3A_401 = arith.muli %add3A_363, %mul3A_400 : i32
      %add3A_402 = arith.constant 48 : i32
      %add3A_403 = arith.addi %mul3A_401, %add3A_402 : i32
      %add3A_404 = arith.constant 24576 : i32
      %add3A_405 = arith.addi %add3A_404, %add3A_403 : i32
      %get3A_406 = arith.index_cast %add3A_405 : i32 to index
      %get3A_407 = tpu.vector_load %arg6[%get3A_406] {strides = array<i32>} : memref<32768xf32, #tpu.memory_space<vmem>>, vector<16xf32>,
      %swap3A_408 = arith.constant 6 : i32
      %swap3A_409 = arith.index_cast %swap3A_408 : i32 to index
      %swap3A_410 = arith.index_cast %add3A_403 : i32 to index
      %swap3A_411 = tpu.vector_load %arg7[%swap3A_409, %swap3A_410] {strides = array<i32>} : memref<8x4096xf32, #tpu.memory_space<vmem>>, vector<16xf32>,
      tpu.vector_store %arg7[%swap3A_409, %swap3A_410], %get3A_407 {strides = array<i32>} : memref<8x4096xf32, #tpu.memory_space<vmem>>, vector<16xf32>,
      %mul3A_412 = arith.constant 128 : i32
      %mul3A_413 = arith.muli %add3A_363, %mul3A_412 : i32
      %add3A_414 = arith.constant 64 : i32
      %add3A_415 = arith.addi %mul3A_413, %add3A_414 : i32
      %add3A_416 = arith.constant 24576 : i32
      %add3A_417 = arith.addi %add3A_416, %add3A_415 : i32
      %get3A_418 = arith.index_cast %add3A_417 : i32 to index
      %get3A_419 = tpu.vector_load %arg6[%get3A_418] {strides = array<i32>} : memref<32768xf32, #tpu.memory_space<vmem>>, vector<16xf32>,
      %swap3A_420 = arith.constant 6 : i32
      %swap3A_421 = arith.index_cast %swap3A_420 : i32 to index
      %swap3A_422 = arith.index_cast %add3A_415 : i32 to index
      %swap3A_423 = tpu.vector_load %arg7[%swap3A_421, %swap3A_422] {strides = array<i32>} : memref<8x4096xf32, #tpu.memory_space<vmem>>, vector<16xf32>,
      tpu.vector_store %arg7[%swap3A_421, %swap3A_422], %get3A_419 {strides = array<i32>} : memref<8x4096xf32, #tpu.memory_space<vmem>>, vector<16xf32>,
      %mul3A_424 = arith.constant 128 : i32
      %mul3A_425 = arith.muli %add3A_363, %mul3A_424 : i32
      %add3A_426 = arith.constant 80 : i32
      %add3A_427 = arith.addi %mul3A_425, %add3A_426 : i32
      %add3A_428 = arith.constant 24576 : i32
      %add3A_429 = arith.addi %add3A_428, %add3A_427 : i32
      %get3A_430 = arith.index_cast %add3A_429 : i32 to index
      %get3A_431 = tpu.vector_load %arg6[%get3A_430] {strides = array<i32>} : memref<32768xf32, #tpu.memory_space<vmem>>, vector<16xf32>,
      %swap3A_432 = arith.constant 6 : i32
      %swap3A_433 = arith.index_cast %swap3A_432 : i32 to index
      %swap3A_434 = arith.index_cast %add3A_427 : i32 to index
      %swap3A_435 = tpu.vector_load %arg7[%swap3A_433, %swap3A_434] {strides = array<i32>} : memref<8x4096xf32, #tpu.memory_space<vmem>>, vector<16xf32>,
      tpu.vector_store %arg7[%swap3A_433, %swap3A_434], %get3A_431 {strides = array<i32>} : memref<8x4096xf32, #tpu.memory_space<vmem>>, vector<16xf32>,
      %mul3A_436 = arith.constant 128 : i32
      %mul3A_437 = arith.muli %add3A_363, %mul3A_436 : i32
      %add3A_438 = arith.constant 96 : i32
      %add3A_439 = arith.addi %mul3A_437, %add3A_438 : i32
      %add3A_440 = arith.constant 24576 : i32
      %add3A_441 = arith.addi %add3A_440, %add3A_439 : i32
      %get3A_442 = arith.index_cast %add3A_441 : i32 to index
      %get3A_443 = tpu.vector_load %arg6[%get3A_442] {strides = array<i32>} : memref<32768xf32, #tpu.memory_space<vmem>>, vector<16xf32>,
      %swap3A_444 = arith.constant 6 : i32
      %swap3A_445 = arith.index_cast %swap3A_444 : i32 to index
      %swap3A_446 = arith.index_cast %add3A_439 : i32 to index
      %swap3A_447 = tpu.vector_load %arg7[%swap3A_445, %swap3A_446] {strides = array<i32>} : memref<8x4096xf32, #tpu.memory_space<vmem>>, vector<16xf32>,
      tpu.vector_store %arg7[%swap3A_445, %swap3A_446], %get3A_443 {strides = array<i32>} : memref<8x4096xf32, #tpu.memory_space<vmem>>, vector<16xf32>,
      %mul3A_448 = arith.constant 128 : i32
      %mul3A_449 = arith.muli %add3A_363, %mul3A_448 : i32
      %add3A_450 = arith.constant 112 : i32
      %add3A_451 = arith.addi %mul3A_449, %add3A_450 : i32
      %add3A_452 = arith.constant 24576 : i32
      %add3A_453 = arith.addi %add3A_452, %add3A_451 : i32
      %get3A_454 = arith.index_cast %add3A_453 : i32 to index
      %get3A_455 = tpu.vector_load %arg6[%get3A_454] {strides = array<i32>} : memref<32768xf32, #tpu.memory_space<vmem>>, vector<16xf32>,
      %swap3A_456 = arith.constant 6 : i32
      %swap3A_457 = arith.index_cast %swap3A_456 : i32 to index
      %swap3A_458 = arith.index_cast %add3A_451 : i32 to index
      %swap3A_459 = tpu.vector_load %arg7[%swap3A_457, %swap3A_458] {strides = array<i32>} : memref<8x4096xf32, #tpu.memory_space<vmem>>, vector<16xf32>,
      tpu.vector_store %arg7[%swap3A_457, %swap3A_458], %get3A_455 {strides = array<i32>} : memref<8x4096xf32, #tpu.memory_space<vmem>>, vector<16xf32>,
      %scan3A_460 = arith.constant 3 : i32
      %scan3A_461 = arith.addi %scan3A_157, %scan3A_460 : i32
      %mul3A_462 = arith.constant 1 : i32
      %mul3A_463 = arith.muli %scan3A_461, %mul3A_462 : i32
      %add3A_464 = arith.constant 0 : i32
      %add3A_465 = arith.addi %add3A_464, %mul3A_463 : i32
      %mul3A_466 = arith.constant 128 : i32
      %mul3A_467 = arith.muli %add3A_465, %mul3A_466 : i32
      %add3A_468 = arith.constant 0 : i32
      %add3A_469 = arith.addi %mul3A_467, %add3A_468 : i32
      %add3A_470 = arith.constant 24576 : i32
      %add3A_471 = arith.addi %add3A_470, %add3A_469 : i32
      %get3A_472 = arith.index_cast %add3A_471 : i32 to index
      %get3A_473 = tpu.vector_load %arg6[%get3A_472] {strides = array<i32>} : memref<32768xf32, #tpu.memory_space<vmem>>, vector<16xf32>,
      %swap3A_474 = arith.constant 6 : i32
      %swap3A_475 = arith.index_cast %swap3A_474 : i32 to index
      %swap3A_476 = arith.index_cast %add3A_469 : i32 to index
      %swap3A_477 = tpu.vector_load %arg7[%swap3A_475, %swap3A_476] {strides = array<i32>} : memref<8x4096xf32, #tpu.memory_space<vmem>>, vector<16xf32>,
      tpu.vector_store %arg7[%swap3A_475, %swap3A_476], %get3A_473 {strides = array<i32>} : memref<8x4096xf32, #tpu.memory_space<vmem>>, vector<16xf32>,
      %mul3A_478 = arith.constant 128 : i32
      %mul3A_479 = arith.muli %add3A_465, %mul3A_478 : i32
      %add3A_480 = arith.constant 16 : i32
      %add3A_481 = arith.addi %mul3A_479, %add3A_480 : i32
      %add3A_482 = arith.constant 24576 : i32
      %add3A_483 = arith.addi %add3A_482, %add3A_481 : i32
      %get3A_484 = arith.index_cast %add3A_483 : i32 to index
      %get3A_485 = tpu.vector_load %arg6[%get3A_484] {strides = array<i32>} : memref<32768xf32, #tpu.memory_space<vmem>>, vector<16xf32>,
      %swap3A_486 = arith.constant 6 : i32
      %swap3A_487 = arith.index_cast %swap3A_486 : i32 to index
      %swap3A_488 = arith.index_cast %add3A_481 : i32 to index
      %swap3A_489 = tpu.vector_load %arg7[%swap3A_487, %swap3A_488] {strides = array<i32>} : memref<8x4096xf32, #tpu.memory_space<vmem>>, vector<16xf32>,
      tpu.vector_store %arg7[%swap3A_487, %swap3A_488], %get3A_485 {strides = array<i32>} : memref<8x4096xf32, #tpu.memory_space<vmem>>, vector<16xf32>,
      %mul3A_490 = arith.constant 128 : i32
      %mul3A_491 = arith.muli %add3A_465, %mul3A_490 : i32
      %add3A_492 = arith.constant 32 : i32
      %add3A_493 = arith.addi %mul3A_491, %add3A_492 : i32
      %add3A_494 = arith.constant 24576 : i32
      %add3A_495 = arith.addi %add3A_494, %add3A_493 : i32
      %get3A_496 = arith.index_cast %add3A_495 : i32 to index
      %get3A_497 = tpu.vector_load %arg6[%get3A_496] {strides = array<i32>} : memref<32768xf32, #tpu.memory_space<vmem>>, vector<16xf32>,
      %swap3A_498 = arith.constant 6 : i32
      %swap3A_499 = arith.index_cast %swap3A_498 : i32 to index
      %swap3A_500 = arith.index_cast %add3A_493 : i32 to index
      %swap3A_501 = tpu.vector_load %arg7[%swap3A_499, %swap3A_500] {strides = array<i32>} : memref<8x4096xf32, #tpu.memory_space<vmem>>, vector<16xf32>,
      tpu.vector_store %arg7[%swap3A_499, %swap3A_500], %get3A_497 {strides = array<i32>} : memref<8x4096xf32, #tpu.memory_space<vmem>>, vector<16xf32>,
      %mul3A_502 = arith.constant 128 : i32
      %mul3A_503 = arith.muli %add3A_465, %mul3A_502 : i32
      %add3A_504 = arith.constant 48 : i32
      %add3A_505 = arith.addi %mul3A_503, %add3A_504 : i32
      %add3A_506 = arith.constant 24576 : i32
      %add3A_507 = arith.addi %add3A_506, %add3A_505 : i32
      %get3A_508 = arith.index_cast %add3A_507 : i32 to index
      %get3A_509 = tpu.vector_load %arg6[%get3A_508] {strides = array<i32>} : memref<32768xf32, #tpu.memory_space<vmem>>, vector<16xf32>,
      %swap3A_510 = arith.constant 6 : i32
      %swap3A_511 = arith.index_cast %swap3A_510 : i32 to index
      %swap3A_512 = arith.index_cast %add3A_505 : i32 to index
      %swap3A_513 = tpu.vector_load %arg7[%swap3A_511, %swap3A_512] {strides = array<i32>} : memref<8x4096xf32, #tpu.memory_space<vmem>>, vector<16xf32>,
      tpu.vector_store %arg7[%swap3A_511, %swap3A_512], %get3A_509 {strides = array<i32>} : memref<8x4096xf32, #tpu.memory_space<vmem>>, vector<16xf32>,
      %mul3A_514 = arith.constant 128 : i32
      %mul3A_515 = arith.muli %add3A_465, %mul3A_514 : i32
      %add3A_516 = arith.constant 64 : i32
      %add3A_517 = arith.addi %mul3A_515, %add3A_516 : i32
      %add3A_518 = arith.constant 24576 : i32
      %add3A_519 = arith.addi %add3A_518, %add3A_517 : i32
      %get3A_520 = arith.index_cast %add3A_519 : i32 to index
      %get3A_521 = tpu.vector_load %arg6[%get3A_520] {strides = array<i32>} : memref<32768xf32, #tpu.memory_space<vmem>>, vector<16xf32>,
      %swap3A_522 = arith.constant 6 : i32
      %swap3A_523 = arith.index_cast %swap3A_522 : i32 to index
      %swap3A_524 = arith.index_cast %add3A_517 : i32 to index
      %swap3A_525 = tpu.vector_load %arg7[%swap3A_523, %swap3A_524] {strides = array<i32>} : memref<8x4096xf32, #tpu.memory_space<vmem>>, vector<16xf32>,
      tpu.vector_store %arg7[%swap3A_523, %swap3A_524], %get3A_521 {strides = array<i32>} : memref<8x4096xf32, #tpu.memory_space<vmem>>, vector<16xf32>,
      %mul3A_526 = arith.constant 128 : i32
      %mul3A_527 = arith.muli %add3A_465, %mul3A_526 : i32
      %add3A_528 = arith.constant 80 : i32
      %add3A_529 = arith.addi %mul3A_527, %add3A_528 : i32
      %add3A_530 = arith.constant 24576 : i32
      %add3A_531 = arith.addi %add3A_530, %add3A_529 : i32
      %get3A_532 = arith.index_cast %add3A_531 : i32 to index
      %get3A_533 = tpu.vector_load %arg6[%get3A_532] {strides = array<i32>} : memref<32768xf32, #tpu.memory_space<vmem>>, vector<16xf32>,
      %swap3A_534 = arith.constant 6 : i32
      %swap3A_535 = arith.index_cast %swap3A_534 : i32 to index
      %swap3A_536 = arith.index_cast %add3A_529 : i32 to index
      %swap3A_537 = tpu.vector_load %arg7[%swap3A_535, %swap3A_536] {strides = array<i32>} : memref<8x4096xf32, #tpu.memory_space<vmem>>, vector<16xf32>,
      tpu.vector_store %arg7[%swap3A_535, %swap3A_536], %get3A_533 {strides = array<i32>} : memref<8x4096xf32, #tpu.memory_space<vmem>>, vector<16xf32>,
      %mul3A_538 = arith.constant 128 : i32
      %mul3A_539 = arith.muli %add3A_465, %mul3A_538 : i32
      %add3A_540 = arith.constant 96 : i32
      %add3A_541 = arith.addi %mul3A_539, %add3A_540 : i32
      %add3A_542 = arith.constant 24576 : i32
      %add3A_543 = arith.addi %add3A_542, %add3A_541 : i32
      %get3A_544 = arith.index_cast %add3A_543 : i32 to index
      %get3A_545 = tpu.vector_load %arg6[%get3A_544] {strides = array<i32>} : memref<32768xf32, #tpu.memory_space<vmem>>, vector<16xf32>,
      %swap3A_546 = arith.constant 6 : i32
      %swap3A_547 = arith.index_cast %swap3A_546 : i32 to index
      %swap3A_548 = arith.index_cast %add3A_541 : i32 to index
      %swap3A_549 = tpu.vector_load %arg7[%swap3A_547, %swap3A_548] {strides = array<i32>} : memref<8x4096xf32, #tpu.memory_space<vmem>>, vector<16xf32>,
      tpu.vector_store %arg7[%swap3A_547, %swap3A_548], %get3A_545 {strides = array<i32>} : memref<8x4096xf32, #tpu.memory_space<vmem>>, vector<16xf32>,
      %mul3A_550 = arith.constant 128 : i32
      %mul3A_551 = arith.muli %add3A_465, %mul3A_550 : i32
      %add3A_552 = arith.constant 112 : i32
      %add3A_553 = arith.addi %mul3A_551, %add3A_552 : i32
      %add3A_554 = arith.constant 24576 : i32
      %add3A_555 = arith.addi %add3A_554, %add3A_553 : i32
      %get3A_556 = arith.index_cast %add3A_555 : i32 to index
      %get3A_557 = tpu.vector_load %arg6[%get3A_556] {strides = array<i32>} : memref<32768xf32, #tpu.memory_space<vmem>>, vector<16xf32>,
      %swap3A_558 = arith.constant 6 : i32
      %swap3A_559 = arith.index_cast %swap3A_558 : i32 to index
      %swap3A_560 = arith.index_cast %add3A_553 : i32 to index
      %swap3A_561 = tpu.vector_load %arg7[%swap3A_559, %swap3A_560] {strides = array<i32>} : memref<8x4096xf32, #tpu.memory_space<vmem>>, vector<16xf32>,
      tpu.vector_store %arg7[%swap3A_559, %swap3A_560], %get3A_557 {strides = array<i32>} : memref<8x4096xf32, #tpu.memory_space<vmem>>, vector<16xf32>,
    }
    %scan3A_151 = arith.constant 32 : i32
    %scan3A_152 = arith.constant 0 : i32
    %scan3A_153 = arith.constant 32 : i32
    %scan3A_154 = arith.addi %scan3A_152, %scan3A_153 : i32
    %scan3A_155 = arith.constant 4 : i32
    scf.for %scan3A_157 = %scan3A_152 to %scan3A_154 step %scan3A_155  : i32 {
      %mul3A_158 = arith.constant 1 : i32
      %mul3A_159 = arith.muli %scan3A_157, %mul3A_158 : i32
      %add3A_160 = arith.constant 0 : i32
      %add3A_161 = arith.addi %add3A_160, %mul3A_159 : i32
      %mul3A_162 = arith.constant 128 : i32
      %mul3A_163 = arith.muli %add3A_161, %mul3A_162 : i32
      %add3A_164 = arith.constant 0 : i32
      %add3A_165 = arith.addi %mul3A_163, %add3A_164 : i32
      %add3A_166 = arith.constant 28672 : i32
      %add3A_167 = arith.addi %add3A_166, %add3A_165 : i32
      %get3A = arith.index_cast %add3A_167 : i32 to index
      %get3A_168 = tpu.vector_load %arg6[%get3A] {strides = array<i32>} : memref<32768xf32, #tpu.memory_space<vmem>>, vector<16xf32>,
      %swap3A = arith.constant 7 : i32
      %swap3A_169 = arith.index_cast %swap3A : i32 to index
      %swap3A_170 = arith.index_cast %add3A_165 : i32 to index
      %swap3A_171 = tpu.vector_load %arg7[%swap3A_169, %swap3A_170] {strides = array<i32>} : memref<8x4096xf32, #tpu.memory_space<vmem>>, vector<16xf32>,
      tpu.vector_store %arg7[%swap3A_169, %swap3A_170], %get3A_168 {strides = array<i32>} : memref<8x4096xf32, #tpu.memory_space<vmem>>, vector<16xf32>,
      %mul3A_172 = arith.constant 128 : i32
      %mul3A_173 = arith.muli %add3A_161, %mul3A_172 : i32
      %add3A_174 = arith.constant 16 : i32
      %add3A_175 = arith.addi %mul3A_173, %add3A_174 : i32
      %add3A_176 = arith.constant 28672 : i32
      %add3A_177 = arith.addi %add3A_176, %add3A_175 : i32
      %get3A_178 = arith.index_cast %add3A_177 : i32 to index
      %get3A_179 = tpu.vector_load %arg6[%get3A_178] {strides = array<i32>} : memref<32768xf32, #tpu.memory_space<vmem>>, vector<16xf32>,
      %swap3A_180 = arith.constant 7 : i32
      %swap3A_181 = arith.index_cast %swap3A_180 : i32 to index
      %swap3A_182 = arith.index_cast %add3A_175 : i32 to index
      %swap3A_183 = tpu.vector_load %arg7[%swap3A_181, %swap3A_182] {strides = array<i32>} : memref<8x4096xf32, #tpu.memory_space<vmem>>, vector<16xf32>,
      tpu.vector_store %arg7[%swap3A_181, %swap3A_182], %get3A_179 {strides = array<i32>} : memref<8x4096xf32, #tpu.memory_space<vmem>>, vector<16xf32>,
      %mul3A_184 = arith.constant 128 : i32
      %mul3A_185 = arith.muli %add3A_161, %mul3A_184 : i32
      %add3A_186 = arith.constant 32 : i32
      %add3A_187 = arith.addi %mul3A_185, %add3A_186 : i32
      %add3A_188 = arith.constant 28672 : i32
      %add3A_189 = arith.addi %add3A_188, %add3A_187 : i32
      %get3A_190 = arith.index_cast %add3A_189 : i32 to index
      %get3A_191 = tpu.vector_load %arg6[%get3A_190] {strides = array<i32>} : memref<32768xf32, #tpu.memory_space<vmem>>, vector<16xf32>,
      %swap3A_192 = arith.constant 7 : i32
      %swap3A_193 = arith.index_cast %swap3A_192 : i32 to index
      %swap3A_194 = arith.index_cast %add3A_187 : i32 to index
      %swap3A_195 = tpu.vector_load %arg7[%swap3A_193, %swap3A_194] {strides = array<i32>} : memref<8x4096xf32, #tpu.memory_space<vmem>>, vector<16xf32>,
      tpu.vector_store %arg7[%swap3A_193, %swap3A_194], %get3A_191 {strides = array<i32>} : memref<8x4096xf32, #tpu.memory_space<vmem>>, vector<16xf32>,
      %mul3A_196 = arith.constant 128 : i32
      %mul3A_197 = arith.muli %add3A_161, %mul3A_196 : i32
      %add3A_198 = arith.constant 48 : i32
      %add3A_199 = arith.addi %mul3A_197, %add3A_198 : i32
      %add3A_200 = arith.constant 28672 : i32
      %add3A_201 = arith.addi %add3A_200, %add3A_199 : i32
      %get3A_202 = arith.index_cast %add3A_201 : i32 to index
      %get3A_203 = tpu.vector_load %arg6[%get3A_202] {strides = array<i32>} : memref<32768xf32, #tpu.memory_space<vmem>>, vector<16xf32>,
      %swap3A_204 = arith.constant 7 : i32
      %swap3A_205 = arith.index_cast %swap3A_204 : i32 to index
      %swap3A_206 = arith.index_cast %add3A_199 : i32 to index
      %swap3A_207 = tpu.vector_load %arg7[%swap3A_205, %swap3A_206] {strides = array<i32>} : memref<8x4096xf32, #tpu.memory_space<vmem>>, vector<16xf32>,
      tpu.vector_store %arg7[%swap3A_205, %swap3A_206], %get3A_203 {strides = array<i32>} : memref<8x4096xf32, #tpu.memory_space<vmem>>, vector<16xf32>,
      %mul3A_208 = arith.constant 128 : i32
      %mul3A_209 = arith.muli %add3A_161, %mul3A_208 : i32
      %add3A_210 = arith.constant 64 : i32
      %add3A_211 = arith.addi %mul3A_209, %add3A_210 : i32
      %add3A_212 = arith.constant 28672 : i32
      %add3A_213 = arith.addi %add3A_212, %add3A_211 : i32
      %get3A_214 = arith.index_cast %add3A_213 : i32 to index
      %get3A_215 = tpu.vector_load %arg6[%get3A_214] {strides = array<i32>} : memref<32768xf32, #tpu.memory_space<vmem>>, vector<16xf32>,
      %swap3A_216 = arith.constant 7 : i32
      %swap3A_217 = arith.index_cast %swap3A_216 : i32 to index
      %swap3A_218 = arith.index_cast %add3A_211 : i32 to index
      %swap3A_219 = tpu.vector_load %arg7[%swap3A_217, %swap3A_218] {strides = array<i32>} : memref<8x4096xf32, #tpu.memory_space<vmem>>, vector<16xf32>,
      tpu.vector_store %arg7[%swap3A_217, %swap3A_218], %get3A_215 {strides = array<i32>} : memref<8x4096xf32, #tpu.memory_space<vmem>>, vector<16xf32>,
      %mul3A_220 = arith.constant 128 : i32
      %mul3A_221 = arith.muli %add3A_161, %mul3A_220 : i32
      %add3A_222 = arith.constant 80 : i32
      %add3A_223 = arith.addi %mul3A_221, %add3A_222 : i32
      %add3A_224 = arith.constant 28672 : i32
      %add3A_225 = arith.addi %add3A_224, %add3A_223 : i32
      %get3A_226 = arith.index_cast %add3A_225 : i32 to index
      %get3A_227 = tpu.vector_load %arg6[%get3A_226] {strides = array<i32>} : memref<32768xf32, #tpu.memory_space<vmem>>, vector<16xf32>,
      %swap3A_228 = arith.constant 7 : i32
      %swap3A_229 = arith.index_cast %swap3A_228 : i32 to index
      %swap3A_230 = arith.index_cast %add3A_223 : i32 to index
      %swap3A_231 = tpu.vector_load %arg7[%swap3A_229, %swap3A_230] {strides = array<i32>} : memref<8x4096xf32, #tpu.memory_space<vmem>>, vector<16xf32>,
      tpu.vector_store %arg7[%swap3A_229, %swap3A_230], %get3A_227 {strides = array<i32>} : memref<8x4096xf32, #tpu.memory_space<vmem>>, vector<16xf32>,
      %mul3A_232 = arith.constant 128 : i32
      %mul3A_233 = arith.muli %add3A_161, %mul3A_232 : i32
      %add3A_234 = arith.constant 96 : i32
      %add3A_235 = arith.addi %mul3A_233, %add3A_234 : i32
      %add3A_236 = arith.constant 28672 : i32
      %add3A_237 = arith.addi %add3A_236, %add3A_235 : i32
      %get3A_238 = arith.index_cast %add3A_237 : i32 to index
      %get3A_239 = tpu.vector_load %arg6[%get3A_238] {strides = array<i32>} : memref<32768xf32, #tpu.memory_space<vmem>>, vector<16xf32>,
      %swap3A_240 = arith.constant 7 : i32
      %swap3A_241 = arith.index_cast %swap3A_240 : i32 to index
      %swap3A_242 = arith.index_cast %add3A_235 : i32 to index
      %swap3A_243 = tpu.vector_load %arg7[%swap3A_241, %swap3A_242] {strides = array<i32>} : memref<8x4096xf32, #tpu.memory_space<vmem>>, vector<16xf32>,
      tpu.vector_store %arg7[%swap3A_241, %swap3A_242], %get3A_239 {strides = array<i32>} : memref<8x4096xf32, #tpu.memory_space<vmem>>, vector<16xf32>,
      %mul3A_244 = arith.constant 128 : i32
      %mul3A_245 = arith.muli %add3A_161, %mul3A_244 : i32
      %add3A_246 = arith.constant 112 : i32
      %add3A_247 = arith.addi %mul3A_245, %add3A_246 : i32
      %add3A_248 = arith.constant 28672 : i32
      %add3A_249 = arith.addi %add3A_248, %add3A_247 : i32
      %get3A_250 = arith.index_cast %add3A_249 : i32 to index
      %get3A_251 = tpu.vector_load %arg6[%get3A_250] {strides = array<i32>} : memref<32768xf32, #tpu.memory_space<vmem>>, vector<16xf32>,
      %swap3A_252 = arith.constant 7 : i32
      %swap3A_253 = arith.index_cast %swap3A_252 : i32 to index
      %swap3A_254 = arith.index_cast %add3A_247 : i32 to index
      %swap3A_255 = tpu.vector_load %arg7[%swap3A_253, %swap3A_254] {strides = array<i32>} : memref<8x4096xf32, #tpu.memory_space<vmem>>, vector<16xf32>,
      tpu.vector_store %arg7[%swap3A_253, %swap3A_254], %get3A_251 {strides = array<i32>} : memref<8x4096xf32, #tpu.memory_space<vmem>>, vector<16xf32>,
      %scan3A_256 = arith.constant 1 : i32
      %scan3A_257 = arith.addi %scan3A_157, %scan3A_256 : i32
      %mul3A_258 = arith.constant 1 : i32
      %mul3A_259 = arith.muli %scan3A_257, %mul3A_258 : i32
      %add3A_260 = arith.constant 0 : i32
      %add3A_261 = arith.addi %add3A_260, %mul3A_259 : i32
      %mul3A_262 = arith.constant 128 : i32
      %mul3A_263 = arith.muli %add3A_261, %mul3A_262 : i32
      %add3A_264 = arith.constant 0 : i32
      %add3A_265 = arith.addi %mul3A_263, %add3A_264 : i32
      %add3A_266 = arith.constant 28672 : i32
      %add3A_267 = arith.addi %add3A_266, %add3A_265 : i32
      %get3A_268 = arith.index_cast %add3A_267 : i32 to index
      %get3A_269 = tpu.vector_load %arg6[%get3A_268] {strides = array<i32>} : memref<32768xf32, #tpu.memory_space<vmem>>, vector<16xf32>,
      %swap3A_270 = arith.constant 7 : i32
      %swap3A_271 = arith.index_cast %swap3A_270 : i32 to index
      %swap3A_272 = arith.index_cast %add3A_265 : i32 to index
      %swap3A_273 = tpu.vector_load %arg7[%swap3A_271, %swap3A_272] {strides = array<i32>} : memref<8x4096xf32, #tpu.memory_space<vmem>>, vector<16xf32>,
      tpu.vector_store %arg7[%swap3A_271, %swap3A_272], %get3A_269 {strides = array<i32>} : memref<8x4096xf32, #tpu.memory_space<vmem>>, vector<16xf32>,
      %mul3A_274 = arith.constant 128 : i32
      %mul3A_275 = arith.muli %add3A_261, %mul3A_274 : i32
      %add3A_276 = arith.constant 16 : i32
      %add3A_277 = arith.addi %mul3A_275, %add3A_276 : i32
      %add3A_278 = arith.constant 28672 : i32
      %add3A_279 = arith.addi %add3A_278, %add3A_277 : i32
      %get3A_280 = arith.index_cast %add3A_279 : i32 to index
      %get3A_281 = tpu.vector_load %arg6[%get3A_280] {strides = array<i32>} : memref<32768xf32, #tpu.memory_space<vmem>>, vector<16xf32>,
      %swap3A_282 = arith.constant 7 : i32
      %swap3A_283 = arith.index_cast %swap3A_282 : i32 to index
      %swap3A_284 = arith.index_cast %add3A_277 : i32 to index
      %swap3A_285 = tpu.vector_load %arg7[%swap3A_283, %swap3A_284] {strides = array<i32>} : memref<8x4096xf32, #tpu.memory_space<vmem>>, vector<16xf32>,
      tpu.vector_store %arg7[%swap3A_283, %swap3A_284], %get3A_281 {strides = array<i32>} : memref<8x4096xf32, #tpu.memory_space<vmem>>, vector<16xf32>,
      %mul3A_286 = arith.constant 128 : i32
      %mul3A_287 = arith.muli %add3A_261, %mul3A_286 : i32
      %add3A_288 = arith.constant 32 : i32
      %add3A_289 = arith.addi %mul3A_287, %add3A_288 : i32
      %add3A_290 = arith.constant 28672 : i32
      %add3A_291 = arith.addi %add3A_290, %add3A_289 : i32
      %get3A_292 = arith.index_cast %add3A_291 : i32 to index
      %get3A_293 = tpu.vector_load %arg6[%get3A_292] {strides = array<i32>} : memref<32768xf32, #tpu.memory_space<vmem>>, vector<16xf32>,
      %swap3A_294 = arith.constant 7 : i32
      %swap3A_295 = arith.index_cast %swap3A_294 : i32 to index
      %swap3A_296 = arith.index_cast %add3A_289 : i32 to index
      %swap3A_297 = tpu.vector_load %arg7[%swap3A_295, %swap3A_296] {strides = array<i32>} : memref<8x4096xf32, #tpu.memory_space<vmem>>, vector<16xf32>,
      tpu.vector_store %arg7[%swap3A_295, %swap3A_296], %get3A_293 {strides = array<i32>} : memref<8x4096xf32, #tpu.memory_space<vmem>>, vector<16xf32>,
      %mul3A_298 = arith.constant 128 : i32
      %mul3A_299 = arith.muli %add3A_261, %mul3A_298 : i32
      %add3A_300 = arith.constant 48 : i32
      %add3A_301 = arith.addi %mul3A_299, %add3A_300 : i32
      %add3A_302 = arith.constant 28672 : i32
      %add3A_303 = arith.addi %add3A_302, %add3A_301 : i32
      %get3A_304 = arith.index_cast %add3A_303 : i32 to index
      %get3A_305 = tpu.vector_load %arg6[%get3A_304] {strides = array<i32>} : memref<32768xf32, #tpu.memory_space<vmem>>, vector<16xf32>,
      %swap3A_306 = arith.constant 7 : i32
      %swap3A_307 = arith.index_cast %swap3A_306 : i32 to index
      %swap3A_308 = arith.index_cast %add3A_301 : i32 to index
      %swap3A_309 = tpu.vector_load %arg7[%swap3A_307, %swap3A_308] {strides = array<i32>} : memref<8x4096xf32, #tpu.memory_space<vmem>>, vector<16xf32>,
      tpu.vector_store %arg7[%swap3A_307, %swap3A_308], %get3A_305 {strides = array<i32>} : memref<8x4096xf32, #tpu.memory_space<vmem>>, vector<16xf32>,
      %mul3A_310 = arith.constant 128 : i32
      %mul3A_311 = arith.muli %add3A_261, %mul3A_310 : i32
      %add3A_312 = arith.constant 64 : i32
      %add3A_313 = arith.addi %mul3A_311, %add3A_312 : i32
      %add3A_314 = arith.constant 28672 : i32
      %add3A_315 = arith.addi %add3A_314, %add3A_313 : i32
      %get3A_316 = arith.index_cast %add3A_315 : i32 to index
      %get3A_317 = tpu.vector_load %arg6[%get3A_316] {strides = array<i32>} : memref<32768xf32, #tpu.memory_space<vmem>>, vector<16xf32>,
      %swap3A_318 = arith.constant 7 : i32
      %swap3A_319 = arith.index_cast %swap3A_318 : i32 to index
      %swap3A_320 = arith.index_cast %add3A_313 : i32 to index
      %swap3A_321 = tpu.vector_load %arg7[%swap3A_319, %swap3A_320] {strides = array<i32>} : memref<8x4096xf32, #tpu.memory_space<vmem>>, vector<16xf32>,
      tpu.vector_store %arg7[%swap3A_319, %swap3A_320], %get3A_317 {strides = array<i32>} : memref<8x4096xf32, #tpu.memory_space<vmem>>, vector<16xf32>,
      %mul3A_322 = arith.constant 128 : i32
      %mul3A_323 = arith.muli %add3A_261, %mul3A_322 : i32
      %add3A_324 = arith.constant 80 : i32
      %add3A_325 = arith.addi %mul3A_323, %add3A_324 : i32
      %add3A_326 = arith.constant 28672 : i32
      %add3A_327 = arith.addi %add3A_326, %add3A_325 : i32
      %get3A_328 = arith.index_cast %add3A_327 : i32 to index
      %get3A_329 = tpu.vector_load %arg6[%get3A_328] {strides = array<i32>} : memref<32768xf32, #tpu.memory_space<vmem>>, vector<16xf32>,
      %swap3A_330 = arith.constant 7 : i32
      %swap3A_331 = arith.index_cast %swap3A_330 : i32 to index
      %swap3A_332 = arith.index_cast %add3A_325 : i32 to index
      %swap3A_333 = tpu.vector_load %arg7[%swap3A_331, %swap3A_332] {strides = array<i32>} : memref<8x4096xf32, #tpu.memory_space<vmem>>, vector<16xf32>,
      tpu.vector_store %arg7[%swap3A_331, %swap3A_332], %get3A_329 {strides = array<i32>} : memref<8x4096xf32, #tpu.memory_space<vmem>>, vector<16xf32>,
      %mul3A_334 = arith.constant 128 : i32
      %mul3A_335 = arith.muli %add3A_261, %mul3A_334 : i32
      %add3A_336 = arith.constant 96 : i32
      %add3A_337 = arith.addi %mul3A_335, %add3A_336 : i32
      %add3A_338 = arith.constant 28672 : i32
      %add3A_339 = arith.addi %add3A_338, %add3A_337 : i32
      %get3A_340 = arith.index_cast %add3A_339 : i32 to index
      %get3A_341 = tpu.vector_load %arg6[%get3A_340] {strides = array<i32>} : memref<32768xf32, #tpu.memory_space<vmem>>, vector<16xf32>,
      %swap3A_342 = arith.constant 7 : i32
      %swap3A_343 = arith.index_cast %swap3A_342 : i32 to index
      %swap3A_344 = arith.index_cast %add3A_337 : i32 to index
      %swap3A_345 = tpu.vector_load %arg7[%swap3A_343, %swap3A_344] {strides = array<i32>} : memref<8x4096xf32, #tpu.memory_space<vmem>>, vector<16xf32>,
      tpu.vector_store %arg7[%swap3A_343, %swap3A_344], %get3A_341 {strides = array<i32>} : memref<8x4096xf32, #tpu.memory_space<vmem>>, vector<16xf32>,
      %mul3A_346 = arith.constant 128 : i32
      %mul3A_347 = arith.muli %add3A_261, %mul3A_346 : i32
      %add3A_348 = arith.constant 112 : i32
      %add3A_349 = arith.addi %mul3A_347, %add3A_348 : i32
      %add3A_350 = arith.constant 28672 : i32
      %add3A_351 = arith.addi %add3A_350, %add3A_349 : i32
      %get3A_352 = arith.index_cast %add3A_351 : i32 to index
      %get3A_353 = tpu.vector_load %arg6[%get3A_352] {strides = array<i32>} : memref<32768xf32, #tpu.memory_space<vmem>>, vector<16xf32>,
      %swap3A_354 = arith.constant 7 : i32
      %swap3A_355 = arith.index_cast %swap3A_354 : i32 to index
      %swap3A_356 = arith.index_cast %add3A_349 : i32 to index
      %swap3A_357 = tpu.vector_load %arg7[%swap3A_355, %swap3A_356] {strides = array<i32>} : memref<8x4096xf32, #tpu.memory_space<vmem>>, vector<16xf32>,
      tpu.vector_store %arg7[%swap3A_355, %swap3A_356], %get3A_353 {strides = array<i32>} : memref<8x4096xf32, #tpu.memory_space<vmem>>, vector<16xf32>,
      %scan3A_358 = arith.constant 2 : i32
      %scan3A_359 = arith.addi %scan3A_157, %scan3A_358 : i32
      %mul3A_360 = arith.constant 1 : i32
      %mul3A_361 = arith.muli %scan3A_359, %mul3A_360 : i32
      %add3A_362 = arith.constant 0 : i32
      %add3A_363 = arith.addi %add3A_362, %mul3A_361 : i32
      %mul3A_364 = arith.constant 128 : i32
      %mul3A_365 = arith.muli %add3A_363, %mul3A_364 : i32
      %add3A_366 = arith.constant 0 : i32
      %add3A_367 = arith.addi %mul3A_365, %add3A_366 : i32
      %add3A_368 = arith.constant 28672 : i32
      %add3A_369 = arith.addi %add3A_368, %add3A_367 : i32
      %get3A_370 = arith.index_cast %add3A_369 : i32 to index
      %get3A_371 = tpu.vector_load %arg6[%get3A_370] {strides = array<i32>} : memref<32768xf32, #tpu.memory_space<vmem>>, vector<16xf32>,
      %swap3A_372 = arith.constant 7 : i32
      %swap3A_373 = arith.index_cast %swap3A_372 : i32 to index
      %swap3A_374 = arith.index_cast %add3A_367 : i32 to index
      %swap3A_375 = tpu.vector_load %arg7[%swap3A_373, %swap3A_374] {strides = array<i32>} : memref<8x4096xf32, #tpu.memory_space<vmem>>, vector<16xf32>,
      tpu.vector_store %arg7[%swap3A_373, %swap3A_374], %get3A_371 {strides = array<i32>} : memref<8x4096xf32, #tpu.memory_space<vmem>>, vector<16xf32>,
      %mul3A_376 = arith.constant 128 : i32
      %mul3A_377 = arith.muli %add3A_363, %mul3A_376 : i32
      %add3A_378 = arith.constant 16 : i32
      %add3A_379 = arith.addi %mul3A_377, %add3A_378 : i32
      %add3A_380 = arith.constant 28672 : i32
      %add3A_381 = arith.addi %add3A_380, %add3A_379 : i32
      %get3A_382 = arith.index_cast %add3A_381 : i32 to index
      %get3A_383 = tpu.vector_load %arg6[%get3A_382] {strides = array<i32>} : memref<32768xf32, #tpu.memory_space<vmem>>, vector<16xf32>,
      %swap3A_384 = arith.constant 7 : i32
      %swap3A_385 = arith.index_cast %swap3A_384 : i32 to index
      %swap3A_386 = arith.index_cast %add3A_379 : i32 to index
      %swap3A_387 = tpu.vector_load %arg7[%swap3A_385, %swap3A_386] {strides = array<i32>} : memref<8x4096xf32, #tpu.memory_space<vmem>>, vector<16xf32>,
      tpu.vector_store %arg7[%swap3A_385, %swap3A_386], %get3A_383 {strides = array<i32>} : memref<8x4096xf32, #tpu.memory_space<vmem>>, vector<16xf32>,
      %mul3A_388 = arith.constant 128 : i32
      %mul3A_389 = arith.muli %add3A_363, %mul3A_388 : i32
      %add3A_390 = arith.constant 32 : i32
      %add3A_391 = arith.addi %mul3A_389, %add3A_390 : i32
      %add3A_392 = arith.constant 28672 : i32
      %add3A_393 = arith.addi %add3A_392, %add3A_391 : i32
      %get3A_394 = arith.index_cast %add3A_393 : i32 to index
      %get3A_395 = tpu.vector_load %arg6[%get3A_394] {strides = array<i32>} : memref<32768xf32, #tpu.memory_space<vmem>>, vector<16xf32>,
      %swap3A_396 = arith.constant 7 : i32
      %swap3A_397 = arith.index_cast %swap3A_396 : i32 to index
      %swap3A_398 = arith.index_cast %add3A_391 : i32 to index
      %swap3A_399 = tpu.vector_load %arg7[%swap3A_397, %swap3A_398] {strides = array<i32>} : memref<8x4096xf32, #tpu.memory_space<vmem>>, vector<16xf32>,
      tpu.vector_store %arg7[%swap3A_397, %swap3A_398], %get3A_395 {strides = array<i32>} : memref<8x4096xf32, #tpu.memory_space<vmem>>, vector<16xf32>,
      %mul3A_400 = arith.constant 128 : i32
      %mul3A_401 = arith.muli %add3A_363, %mul3A_400 : i32
      %add3A_402 = arith.constant 48 : i32
      %add3A_403 = arith.addi %mul3A_401, %add3A_402 : i32
      %add3A_404 = arith.constant 28672 : i32
      %add3A_405 = arith.addi %add3A_404, %add3A_403 : i32
      %get3A_406 = arith.index_cast %add3A_405 : i32 to index
      %get3A_407 = tpu.vector_load %arg6[%get3A_406] {strides = array<i32>} : memref<32768xf32, #tpu.memory_space<vmem>>, vector<16xf32>,
      %swap3A_408 = arith.constant 7 : i32
      %swap3A_409 = arith.index_cast %swap3A_408 : i32 to index
      %swap3A_410 = arith.index_cast %add3A_403 : i32 to index
      %swap3A_411 = tpu.vector_load %arg7[%swap3A_409, %swap3A_410] {strides = array<i32>} : memref<8x4096xf32, #tpu.memory_space<vmem>>, vector<16xf32>,
      tpu.vector_store %arg7[%swap3A_409, %swap3A_410], %get3A_407 {strides = array<i32>} : memref<8x4096xf32, #tpu.memory_space<vmem>>, vector<16xf32>,
      %mul3A_412 = arith.constant 128 : i32
      %mul3A_413 = arith.muli %add3A_363, %mul3A_412 : i32
      %add3A_414 = arith.constant 64 : i32
      %add3A_415 = arith.addi %mul3A_413, %add3A_414 : i32
      %add3A_416 = arith.constant 28672 : i32
      %add3A_417 = arith.addi %add3A_416, %add3A_415 : i32
      %get3A_418 = arith.index_cast %add3A_417 : i32 to index
      %get3A_419 = tpu.vector_load %arg6[%get3A_418] {strides = array<i32>} : memref<32768xf32, #tpu.memory_space<vmem>>, vector<16xf32>,
      %swap3A_420 = arith.constant 7 : i32
      %swap3A_421 = arith.index_cast %swap3A_420 : i32 to index
      %swap3A_422 = arith.index_cast %add3A_415 : i32 to index
      %swap3A_423 = tpu.vector_load %arg7[%swap3A_421, %swap3A_422] {strides = array<i32>} : memref<8x4096xf32, #tpu.memory_space<vmem>>, vector<16xf32>,
      tpu.vector_store %arg7[%swap3A_421, %swap3A_422], %get3A_419 {strides = array<i32>} : memref<8x4096xf32, #tpu.memory_space<vmem>>, vector<16xf32>,
      %mul3A_424 = arith.constant 128 : i32
      %mul3A_425 = arith.muli %add3A_363, %mul3A_424 : i32
      %add3A_426 = arith.constant 80 : i32
      %add3A_427 = arith.addi %mul3A_425, %add3A_426 : i32
      %add3A_428 = arith.constant 28672 : i32
      %add3A_429 = arith.addi %add3A_428, %add3A_427 : i32
      %get3A_430 = arith.index_cast %add3A_429 : i32 to index
      %get3A_431 = tpu.vector_load %arg6[%get3A_430] {strides = array<i32>} : memref<32768xf32, #tpu.memory_space<vmem>>, vector<16xf32>,
      %swap3A_432 = arith.constant 7 : i32
      %swap3A_433 = arith.index_cast %swap3A_432 : i32 to index
      %swap3A_434 = arith.index_cast %add3A_427 : i32 to index
      %swap3A_435 = tpu.vector_load %arg7[%swap3A_433, %swap3A_434] {strides = array<i32>} : memref<8x4096xf32, #tpu.memory_space<vmem>>, vector<16xf32>,
      tpu.vector_store %arg7[%swap3A_433, %swap3A_434], %get3A_431 {strides = array<i32>} : memref<8x4096xf32, #tpu.memory_space<vmem>>, vector<16xf32>,
      %mul3A_436 = arith.constant 128 : i32
      %mul3A_437 = arith.muli %add3A_363, %mul3A_436 : i32
      %add3A_438 = arith.constant 96 : i32
      %add3A_439 = arith.addi %mul3A_437, %add3A_438 : i32
      %add3A_440 = arith.constant 28672 : i32
      %add3A_441 = arith.addi %add3A_440, %add3A_439 : i32
      %get3A_442 = arith.index_cast %add3A_441 : i32 to index
      %get3A_443 = tpu.vector_load %arg6[%get3A_442] {strides = array<i32>} : memref<32768xf32, #tpu.memory_space<vmem>>, vector<16xf32>,
      %swap3A_444 = arith.constant 7 : i32
      %swap3A_445 = arith.index_cast %swap3A_444 : i32 to index
      %swap3A_446 = arith.index_cast %add3A_439 : i32 to index
      %swap3A_447 = tpu.vector_load %arg7[%swap3A_445, %swap3A_446] {strides = array<i32>} : memref<8x4096xf32, #tpu.memory_space<vmem>>, vector<16xf32>,
      tpu.vector_store %arg7[%swap3A_445, %swap3A_446], %get3A_443 {strides = array<i32>} : memref<8x4096xf32, #tpu.memory_space<vmem>>, vector<16xf32>,
      %mul3A_448 = arith.constant 128 : i32
      %mul3A_449 = arith.muli %add3A_363, %mul3A_448 : i32
      %add3A_450 = arith.constant 112 : i32
      %add3A_451 = arith.addi %mul3A_449, %add3A_450 : i32
      %add3A_452 = arith.constant 28672 : i32
      %add3A_453 = arith.addi %add3A_452, %add3A_451 : i32
      %get3A_454 = arith.index_cast %add3A_453 : i32 to index
      %get3A_455 = tpu.vector_load %arg6[%get3A_454] {strides = array<i32>} : memref<32768xf32, #tpu.memory_space<vmem>>, vector<16xf32>,
      %swap3A_456 = arith.constant 7 : i32
      %swap3A_457 = arith.index_cast %swap3A_456 : i32 to index
      %swap3A_458 = arith.index_cast %add3A_451 : i32 to index
      %swap3A_459 = tpu.vector_load %arg7[%swap3A_457, %swap3A_458] {strides = array<i32>} : memref<8x4096xf32, #tpu.memory_space<vmem>>, vector<16xf32>,
      tpu.vector_store %arg7[%swap3A_457, %swap3A_458], %get3A_455 {strides = array<i32>} : memref<8x4096xf32, #tpu.memory_space<vmem>>, vector<16xf32>,
      %scan3A_460 = arith.constant 3 : i32
      %scan3A_461 = arith.addi %scan3A_157, %scan3A_460 : i32
      %mul3A_462 = arith.constant 1 : i32
      %mul3A_463 = arith.muli %scan3A_461, %mul3A_462 : i32
      %add3A_464 = arith.constant 0 : i32
      %add3A_465 = arith.addi %add3A_464, %mul3A_463 : i32
      %mul3A_466 = arith.constant 128 : i32
      %mul3A_467 = arith.muli %add3A_465, %mul3A_466 : i32
      %add3A_468 = arith.constant 0 : i32
      %add3A_469 = arith.addi %mul3A_467, %add3A_468 : i32
      %add3A_470 = arith.constant 28672 : i32
      %add3A_471 = arith.addi %add3A_470, %add3A_469 : i32
      %get3A_472 = arith.index_cast %add3A_471 : i32 to index
      %get3A_473 = tpu.vector_load %arg6[%get3A_472] {strides = array<i32>} : memref<32768xf32, #tpu.memory_space<vmem>>, vector<16xf32>,
      %swap3A_474 = arith.constant 7 : i32
      %swap3A_475 = arith.index_cast %swap3A_474 : i32 to index
      %swap3A_476 = arith.index_cast %add3A_469 : i32 to index
      %swap3A_477 = tpu.vector_load %arg7[%swap3A_475, %swap3A_476] {strides = array<i32>} : memref<8x4096xf32, #tpu.memory_space<vmem>>, vector<16xf32>,
      tpu.vector_store %arg7[%swap3A_475, %swap3A_476], %get3A_473 {strides = array<i32>} : memref<8x4096xf32, #tpu.memory_space<vmem>>, vector<16xf32>,
      %mul3A_478 = arith.constant 128 : i32
      %mul3A_479 = arith.muli %add3A_465, %mul3A_478 : i32
      %add3A_480 = arith.constant 16 : i32
      %add3A_481 = arith.addi %mul3A_479, %add3A_480 : i32
      %add3A_482 = arith.constant 28672 : i32
      %add3A_483 = arith.addi %add3A_482, %add3A_481 : i32
      %get3A_484 = arith.index_cast %add3A_483 : i32 to index
      %get3A_485 = tpu.vector_load %arg6[%get3A_484] {strides = array<i32>} : memref<32768xf32, #tpu.memory_space<vmem>>, vector<16xf32>,
      %swap3A_486 = arith.constant 7 : i32
      %swap3A_487 = arith.index_cast %swap3A_486 : i32 to index
      %swap3A_488 = arith.index_cast %add3A_481 : i32 to index
      %swap3A_489 = tpu.vector_load %arg7[%swap3A_487, %swap3A_488] {strides = array<i32>} : memref<8x4096xf32, #tpu.memory_space<vmem>>, vector<16xf32>,
      tpu.vector_store %arg7[%swap3A_487, %swap3A_488], %get3A_485 {strides = array<i32>} : memref<8x4096xf32, #tpu.memory_space<vmem>>, vector<16xf32>,
      %mul3A_490 = arith.constant 128 : i32
      %mul3A_491 = arith.muli %add3A_465, %mul3A_490 : i32
      %add3A_492 = arith.constant 32 : i32
      %add3A_493 = arith.addi %mul3A_491, %add3A_492 : i32
      %add3A_494 = arith.constant 28672 : i32
      %add3A_495 = arith.addi %add3A_494, %add3A_493 : i32
      %get3A_496 = arith.index_cast %add3A_495 : i32 to index
      %get3A_497 = tpu.vector_load %arg6[%get3A_496] {strides = array<i32>} : memref<32768xf32, #tpu.memory_space<vmem>>, vector<16xf32>,
      %swap3A_498 = arith.constant 7 : i32
      %swap3A_499 = arith.index_cast %swap3A_498 : i32 to index
      %swap3A_500 = arith.index_cast %add3A_493 : i32 to index
      %swap3A_501 = tpu.vector_load %arg7[%swap3A_499, %swap3A_500] {strides = array<i32>} : memref<8x4096xf32, #tpu.memory_space<vmem>>, vector<16xf32>,
      tpu.vector_store %arg7[%swap3A_499, %swap3A_500], %get3A_497 {strides = array<i32>} : memref<8x4096xf32, #tpu.memory_space<vmem>>, vector<16xf32>,
      %mul3A_502 = arith.constant 128 : i32
      %mul3A_503 = arith.muli %add3A_465, %mul3A_502 : i32
      %add3A_504 = arith.constant 48 : i32
      %add3A_505 = arith.addi %mul3A_503, %add3A_504 : i32
      %add3A_506 = arith.constant 28672 : i32
      %add3A_507 = arith.addi %add3A_506, %add3A_505 : i32
      %get3A_508 = arith.index_cast %add3A_507 : i32 to index
      %get3A_509 = tpu.vector_load %arg6[%get3A_508] {strides = array<i32>} : memref<32768xf32, #tpu.memory_space<vmem>>, vector<16xf32>,
      %swap3A_510 = arith.constant 7 : i32
      %swap3A_511 = arith.index_cast %swap3A_510 : i32 to index
      %swap3A_512 = arith.index_cast %add3A_505 : i32 to index
      %swap3A_513 = tpu.vector_load %arg7[%swap3A_511, %swap3A_512] {strides = array<i32>} : memref<8x4096xf32, #tpu.memory_space<vmem>>, vector<16xf32>,
      tpu.vector_store %arg7[%swap3A_511, %swap3A_512], %get3A_509 {strides = array<i32>} : memref<8x4096xf32, #tpu.memory_space<vmem>>, vector<16xf32>,
      %mul3A_514 = arith.constant 128 : i32
      %mul3A_515 = arith.muli %add3A_465, %mul3A_514 : i32
      %add3A_516 = arith.constant 64 : i32
      %add3A_517 = arith.addi %mul3A_515, %add3A_516 : i32
      %add3A_518 = arith.constant 28672 : i32
      %add3A_519 = arith.addi %add3A_518, %add3A_517 : i32
      %get3A_520 = arith.index_cast %add3A_519 : i32 to index
      %get3A_521 = tpu.vector_load %arg6[%get3A_520] {strides = array<i32>} : memref<32768xf32, #tpu.memory_space<vmem>>, vector<16xf32>,
      %swap3A_522 = arith.constant 7 : i32
      %swap3A_523 = arith.index_cast %swap3A_522 : i32 to index
      %swap3A_524 = arith.index_cast %add3A_517 : i32 to index
      %swap3A_525 = tpu.vector_load %arg7[%swap3A_523, %swap3A_524] {strides = array<i32>} : memref<8x4096xf32, #tpu.memory_space<vmem>>, vector<16xf32>,
      tpu.vector_store %arg7[%swap3A_523, %swap3A_524], %get3A_521 {strides = array<i32>} : memref<8x4096xf32, #tpu.memory_space<vmem>>, vector<16xf32>,
      %mul3A_526 = arith.constant 128 : i32
      %mul3A_527 = arith.muli %add3A_465, %mul3A_526 : i32
      %add3A_528 = arith.constant 80 : i32
      %add3A_529 = arith.addi %mul3A_527, %add3A_528 : i32
      %add3A_530 = arith.constant 28672 : i32
      %add3A_531 = arith.addi %add3A_530, %add3A_529 : i32
      %get3A_532 = arith.index_cast %add3A_531 : i32 to index
      %get3A_533 = tpu.vector_load %arg6[%get3A_532] {strides = array<i32>} : memref<32768xf32, #tpu.memory_space<vmem>>, vector<16xf32>,
      %swap3A_534 = arith.constant 7 : i32
      %swap3A_535 = arith.index_cast %swap3A_534 : i32 to index
      %swap3A_536 = arith.index_cast %add3A_529 : i32 to index
      %swap3A_537 = tpu.vector_load %arg7[%swap3A_535, %swap3A_536] {strides = array<i32>} : memref<8x4096xf32, #tpu.memory_space<vmem>>, vector<16xf32>,
      tpu.vector_store %arg7[%swap3A_535, %swap3A_536], %get3A_533 {strides = array<i32>} : memref<8x4096xf32, #tpu.memory_space<vmem>>, vector<16xf32>,
      %mul3A_538 = arith.constant 128 : i32
      %mul3A_539 = arith.muli %add3A_465, %mul3A_538 : i32
      %add3A_540 = arith.constant 96 : i32
      %add3A_541 = arith.addi %mul3A_539, %add3A_540 : i32
      %add3A_542 = arith.constant 28672 : i32
      %add3A_543 = arith.addi %add3A_542, %add3A_541 : i32
      %get3A_544 = arith.index_cast %add3A_543 : i32 to index
      %get3A_545 = tpu.vector_load %arg6[%get3A_544] {strides = array<i32>} : memref<32768xf32, #tpu.memory_space<vmem>>, vector<16xf32>,
      %swap3A_546 = arith.constant 7 : i32
      %swap3A_547 = arith.index_cast %swap3A_546 : i32 to index
      %swap3A_548 = arith.index_cast %add3A_541 : i32 to index
      %swap3A_549 = tpu.vector_load %arg7[%swap3A_547, %swap3A_548] {strides = array<i32>} : memref<8x4096xf32, #tpu.memory_space<vmem>>, vector<16xf32>,
      tpu.vector_store %arg7[%swap3A_547, %swap3A_548], %get3A_545 {strides = array<i32>} : memref<8x4096xf32, #tpu.memory_space<vmem>>, vector<16xf32>,
      %mul3A_550 = arith.constant 128 : i32
      %mul3A_551 = arith.muli %add3A_465, %mul3A_550 : i32
      %add3A_552 = arith.constant 112 : i32
      %add3A_553 = arith.addi %mul3A_551, %add3A_552 : i32
      %add3A_554 = arith.constant 28672 : i32
      %add3A_555 = arith.addi %add3A_554, %add3A_553 : i32
      %get3A_556 = arith.index_cast %add3A_555 : i32 to index
      %get3A_557 = tpu.vector_load %arg6[%get3A_556] {strides = array<i32>} : memref<32768xf32, #tpu.memory_space<vmem>>, vector<16xf32>,
      %swap3A_558 = arith.constant 7 : i32
      %swap3A_559 = arith.index_cast %swap3A_558 : i32 to index
      %swap3A_560 = arith.index_cast %add3A_553 : i32 to index
      %swap3A_561 = tpu.vector_load %arg7[%swap3A_559, %swap3A_560] {strides = array<i32>} : memref<8x4096xf32, #tpu.memory_space<vmem>>, vector<16xf32>,
      tpu.vector_store %arg7[%swap3A_559, %swap3A_560], %get3A_557 {strides = array<i32>} : memref<8x4096xf32, #tpu.memory_space<vmem>>, vector<16xf32>,
    }
    %scan3A_156 = arith.constant 32 : i32
    "tpu.region"() ({
      %run_scoped3A = tpu.sem_alloc : memref<!tpu.dma_semaphore, #tpu.memory_space<semaphore_mem>>
      %dma_start3A_157 = arith.constant 0 : i32
      %dma_start3A_158 = tpu.memref_slice %arg4[%select_n3A_30, %multiple_of3A, %dma_start3A_157] : memref<4x64x4096xf32, #tpu.memory_space<hbm>> -> memref<1x8x4096xf32, #tpu.memory_space<hbm>>
      %dma_start3A_159 = tpu.memref_squeeze %dma_start3A_158 : memref<1x8x4096xf32, #tpu.memory_space<hbm>> -> memref<8x4096xf32, #tpu.memory_space<hbm>>
      %dma_start3A_160 = arith.constant 0 : i32
      %dma_start3A_161 = tpu.memref_slice %arg4[%select_n3A_30, %multiple_of3A, %dma_start3A_160] : memref<4x64x4096xf32, #tpu.memory_space<hbm>> -> memref<1x8x4096xf32, #tpu.memory_space<hbm>>
      %dma_start3A_162 = tpu.memref_squeeze %dma_start3A_161 : memref<1x8x4096xf32, #tpu.memory_space<hbm>> -> memref<8x4096xf32, #tpu.memory_space<hbm>>
      tpu.enqueue_dma source(%arg7 : memref<8x4096xf32, #tpu.memory_space<vmem>>) target(%dma_start3A_162 : memref<8x4096xf32, #tpu.memory_space<hbm>>) target_semaphore(%run_scoped3A : memref<!tpu.dma_semaphore, #tpu.memory_space<semaphore_mem>>)
      %dma_wait3A = arith.constant 0 : i32
      %dma_wait3A_163 = tpu.memref_slice %arg4[%select_n3A_30, %multiple_of3A, %dma_wait3A] : memref<4x64x4096xf32, #tpu.memory_space<hbm>> -> memref<1x8x4096xf32, #tpu.memory_space<hbm>>
      %dma_wait3A_164 = tpu.memref_squeeze %dma_wait3A_163 : memref<1x8x4096xf32, #tpu.memory_space<hbm>> -> memref<8x4096xf32, #tpu.memory_space<hbm>>
      %dma_wait3A_165 = arith.constant 0 : i32
      %dma_wait3A_166 = tpu.memref_slice %arg4[%select_n3A_30, %multiple_of3A, %dma_wait3A_165] : memref<4x64x4096xf32, #tpu.memory_space<hbm>> -> memref<1x8x4096xf32, #tpu.memory_space<hbm>>
      %dma_wait3A_167 = tpu.memref_squeeze %dma_wait3A_166 : memref<1x8x4096xf32, #tpu.memory_space<hbm>> -> memref<8x4096xf32, #tpu.memory_space<hbm>>
      tpu.wait_dma2 semaphore(%run_scoped3A : memref<!tpu.dma_semaphore, #tpu.memory_space<semaphore_mem>>) src(%arg7 : memref<8x4096xf32, #tpu.memory_space<vmem>>) dst(%dma_wait3A_167 : memref<8x4096xf32, #tpu.memory_space<hbm>>)
      tpu.yield
    }) : () -> ()
    return
  }
}

module attributes {stable_mosaic.version = 14 : i64} {
  func.func @_mm_body(%arg0: memref<4x64x4096xf32, #tpu.memory_space<vmem>>, %arg1: memref<40x4096xf32, #tpu.memory_space<vmem>>, %arg2: memref<1x40xf32, #tpu.memory_space<vmem>>, %arg3: memref<64x40xf32, #tpu.memory_space<vmem>>) attributes {dimension_semantics = [], scalar_prefetch = 0 : i64, scratch_operands = 0 : i64, tpu.core_type = #tpu.core_type<tc>} {
    %get3A = arith.constant 0 : index
    %get3A_0 = arith.constant 0 : index
    %get3A_1 = arith.constant 0 : index
    %get3A_2 = vector.load %arg0[%get3A, %get3A_0, %get3A_1] : memref<4x64x4096xf32, #tpu.memory_space<vmem>>, vector<1x64x4096xf32>
    %get3A_3 = vector.shape_cast %get3A_2 : vector<1x64x4096xf32> to vector<64x4096xf32>
    %get3A_4 = arith.constant 1 : index
    %get3A_5 = arith.constant 0 : index
    %get3A_6 = arith.constant 0 : index
    %get3A_7 = vector.load %arg0[%get3A_4, %get3A_5, %get3A_6] : memref<4x64x4096xf32, #tpu.memory_space<vmem>>, vector<1x64x4096xf32>
    %get3A_8 = vector.shape_cast %get3A_7 : vector<1x64x4096xf32> to vector<64x4096xf32>
    %add3A = arith.addf %get3A_3, %get3A_8 : vector<64x4096xf32>
    %get3A_9 = arith.constant 2 : index
    %get3A_10 = arith.constant 0 : index
    %get3A_11 = arith.constant 0 : index
    %get3A_12 = vector.load %arg0[%get3A_9, %get3A_10, %get3A_11] : memref<4x64x4096xf32, #tpu.memory_space<vmem>>, vector<1x64x4096xf32>
    %get3A_13 = vector.shape_cast %get3A_12 : vector<1x64x4096xf32> to vector<64x4096xf32>
    %add3A_14 = arith.addf %add3A, %get3A_13 : vector<64x4096xf32>
    %get3A_15 = arith.constant 3 : index
    %get3A_16 = arith.constant 0 : index
    %get3A_17 = arith.constant 0 : index
    %get3A_18 = vector.load %arg0[%get3A_15, %get3A_16, %get3A_17] : memref<4x64x4096xf32, #tpu.memory_space<vmem>>, vector<1x64x4096xf32>
    %get3A_19 = vector.shape_cast %get3A_18 : vector<1x64x4096xf32> to vector<64x4096xf32>
    %add3A_20 = arith.addf %add3A_14, %get3A_19 : vector<64x4096xf32>
    %mul3A = arith.constant 9.99999974E-6 : f32
    %mul3A_21 = vector.broadcast %mul3A : f32 to vector<64x4096xf32>
    %mul3A_22 = arith.mulf %add3A_20, %mul3A_21 : vector<64x4096xf32>
    %get3A_23 = arith.constant 0 : index
    %get3A_24 = arith.constant 0 : index
    %get3A_25 = vector.load %arg1[%get3A_23, %get3A_24] : memref<40x4096xf32, #tpu.memory_space<vmem>>, vector<40x4096xf32>
    %dot_general3A = arith.constant dense<0.000000e+00> : vector<64x40xf32>
    %dot_general3A_26 = tpu.matmul %mul3A_22, %get3A_25, %dot_general3A {dimension_numbers = #tpu.dot_dimension_numbers<[1], [1], [0], [0], [0, 0, 1, 0], [], []>, precision = #tpu.contract_precision<fp32>, transpose_lhs_hint = false} : vector<64x4096xf32>, vector<40x4096xf32>, vector<64x40xf32> -> vector<64x40xf32>
    %get3A_27 = arith.constant 0 : index
    %get3A_28 = arith.constant 0 : index
    %get3A_29 = vector.load %arg2[%get3A_27, %get3A_28] : memref<1x40xf32, #tpu.memory_space<vmem>>, vector<1x40xf32>
    %add3A_30 = vector.broadcast %get3A_29 : vector<1x40xf32> to vector<64x40xf32>
    %add3A_31 = arith.addf %dot_general3A_26, %add3A_30 : vector<64x40xf32>
    %swap3A = arith.constant 0 : index
    %swap3A_32 = arith.constant 0 : index
    %swap3A_33 = vector.load %arg3[%swap3A, %swap3A_32] : memref<64x40xf32, #tpu.memory_space<vmem>>, vector<64x40xf32>
    tpu.vector_store %arg3[%swap3A, %swap3A_32], %add3A_31 {strides = array<i32>} : memref<64x40xf32, #tpu.memory_space<vmem>>, vector<64x40xf32>,
    return
  }
}

module attributes {stable_mosaic.version = 14 : i64} {
  func.func @_idx_body(%arg0: i32, %arg1: memref<3x8x100000xf32, #tpu.memory_space<vmem>>, %arg2: memref<8x49920xi32, #tpu.memory_space<vmem>>, %arg3: memref<8x256xi32, #tpu.memory_space<vmem>>) attributes {dimension_semantics = [#tpu.dimension_semantics<arbitrary>], iteration_bounds = array<i64: 8>, scalar_prefetch = 0 : i64, scratch_operands = 0 : i64, tpu.core_type = #tpu.core_type<tc>, window_params = [{transform_indices = @transform_0, window_bounds = array<i64: 3, 8, 100000>}, {transform_indices = @transform_1, window_bounds = array<i64: 8, 49920>}, {transform_indices = @transform_2, window_bounds = array<i64: 8, 256>}]} {
    %get3A = arith.constant 0 : index
    %get3A_0 = arith.constant 0 : index
    %get3A_1 = arith.constant 0 : index
    %get3A_2 = vector.load %arg1[%get3A, %get3A_0, %get3A_1] : memref<3x8x100000xf32, #tpu.memory_space<vmem>>, vector<3x8x100000xf32>
    %reduce_min3A = arith.constant dense<0x7F800000> : vector<3x8xf32>
    %reduce_min3A_3 = vector.multi_reduction <minimumf>, %get3A_2, %reduce_min3A [2] : vector<3x8x100000xf32> to vector<3x8xf32>
    %broadcast_in_dim3A = vector.shape_cast %reduce_min3A_3 : vector<3x8xf32> to vector<3x8x1xf32>
    %reduce_max3A = arith.constant dense<0xFF800000> : vector<3x8xf32>
    %reduce_max3A_4 = vector.multi_reduction <maximumf>, %get3A_2, %reduce_max3A [2] : vector<3x8x100000xf32> to vector<3x8xf32>
    %broadcast_in_dim3A_5 = vector.shape_cast %reduce_max3A_4 : vector<3x8xf32> to vector<3x8x1xf32>
    %sub3A = arith.subf %broadcast_in_dim3A_5, %broadcast_in_dim3A : vector<3x8x1xf32>
    %le3A = arith.constant 0.000000e+00 : f32
    %le3A_6 = vector.broadcast %le3A : f32 to vector<3x8x1xf32>
    %le3A_7 = arith.cmpf ole, %sub3A, %le3A_6 : vector<3x8x1xf32>
    %broadcast_in_dim3A_8 = arith.constant 1.000000e+00 : f32
    %broadcast_in_dim3A_9 = vector.broadcast %broadcast_in_dim3A_8 : f32 to vector<3x8x1xf32>
    %select_n3A = arith.select %le3A_7, %broadcast_in_dim3A_9, %sub3A : vector<3x8x1xi1>, vector<3x8x1xf32>
    %div3A = arith.constant 1.600000e+01 : f32
    %div3A_10 = vector.broadcast %div3A : f32 to vector<3x8x1xf32>
    %div3A_11 = arith.divf %div3A_10, %select_n3A : vector<3x8x1xf32>
    %sub3A_12 = vector.broadcast %broadcast_in_dim3A : vector<3x8x1xf32> to vector<3x8x100000xf32>
    %sub3A_13 = arith.subf %get3A_2, %sub3A_12 : vector<3x8x100000xf32>
    %mul3A = vector.broadcast %div3A_11 : vector<3x8x1xf32> to vector<3x8x100000xf32>
    %mul3A_14 = arith.mulf %sub3A_13, %mul3A : vector<3x8x100000xf32>
    %min3A = arith.constant 1.500000e+01 : f32
    %min3A_15 = vector.broadcast %min3A : f32 to vector<3x8x100000xf32>
    %min3A_16 = arith.minimumf %mul3A_14, %min3A_15 : vector<3x8x100000xf32>
    %convert_element_type3A = arith.fptosi %min3A_16 : vector<3x8x100000xf32> to vector<3x8x100000xi32>
    %slice3A = vector.extract_strided_slice %convert_element_type3A {offsets = [0, 0, 0], sizes = [1, 8, 100000], strides = [1, 1, 1]} : vector<3x8x100000xi32> to vector<1x8x100000xi32>
    %squeeze3A = vector.shape_cast %slice3A : vector<1x8x100000xi32> to vector<8x100000xi32>
    %shift_left3A = arith.constant 8 : i32
    %shift_left3A_17 = vector.broadcast %shift_left3A : i32 to vector<8x100000xi32>
    %shift_left3A_18 = arith.shli %squeeze3A, %shift_left3A_17 : vector<8x100000xi32>
    %slice3A_19 = vector.extract_strided_slice %convert_element_type3A {offsets = [1, 0, 0], sizes = [1, 8, 100000], strides = [1, 1, 1]} : vector<3x8x100000xi32> to vector<1x8x100000xi32>
    %squeeze3A_20 = vector.shape_cast %slice3A_19 : vector<1x8x100000xi32> to vector<8x100000xi32>
    %shift_left3A_21 = arith.constant 4 : i32
    %shift_left3A_22 = vector.broadcast %shift_left3A_21 : i32 to vector<8x100000xi32>
    %shift_left3A_23 = arith.shli %squeeze3A_20, %shift_left3A_22 : vector<8x100000xi32>
    %or3A = arith.ori %shift_left3A_18, %shift_left3A_23 : vector<8x100000xi32>
    %slice3A_24 = vector.extract_strided_slice %convert_element_type3A {offsets = [2, 0, 0], sizes = [1, 8, 100000], strides = [1, 1, 1]} : vector<3x8x100000xi32> to vector<1x8x100000xi32>
    %squeeze3A_25 = vector.shape_cast %slice3A_24 : vector<1x8x100000xi32> to vector<8x100000xi32>
    %or3A_26 = arith.ori %or3A, %squeeze3A_25 : vector<8x100000xi32>
    %slice3A_27 = vector.extract_strided_slice %or3A_26 {offsets = [0, 0], sizes = [8, 49920], strides = [1, 1]} : vector<8x100000xi32> to vector<8x49920xi32>
    %shift_left3A_28 = arith.constant 16 : i32
    %shift_left3A_29 = vector.broadcast %shift_left3A_28 : i32 to vector<8x49920xi32>
    %shift_left3A_30 = arith.shli %slice3A_27, %shift_left3A_29 : vector<8x49920xi32>
    %slice3A_31 = vector.extract_strided_slice %or3A_26 {offsets = [0, 49920], sizes = [8, 49920], strides = [1, 1]} : vector<8x100000xi32> to vector<8x49920xi32>
    %or3A_32 = arith.ori %shift_left3A_30, %slice3A_31 : vector<8x49920xi32>
    %swap3A = arith.constant 0 : index
    %swap3A_33 = arith.constant 0 : index
    %swap3A_34 = vector.load %arg2[%swap3A, %swap3A_33] : memref<8x49920xi32, #tpu.memory_space<vmem>>, vector<8x49920xi32>
    tpu.vector_store %arg2[%swap3A, %swap3A_33], %or3A_32 {strides = array<i32>} : memref<8x49920xi32, #tpu.memory_space<vmem>>, vector<8x49920xi32>,
    %slice3A_35 = vector.extract_strided_slice %or3A_26 {offsets = [0, 99840], sizes = [8, 160], strides = [1, 1]} : vector<8x100000xi32> to vector<8x160xi32>
    %broadcast_in_dim3A_36 = arith.constant 0 : i32
    %broadcast_in_dim3A_37 = vector.broadcast %broadcast_in_dim3A_36 : i32 to vector<8x96xi32>
    %concatenate3A = tpu.concatenate %slice3A_35, %broadcast_in_dim3A_37 in 1 : vector<8x160xi32>, vector<8x96xi32> -> vector<8x256xi32>
    %swap3A_38 = arith.constant 0 : index
    %swap3A_39 = arith.constant 0 : index
    %swap3A_40 = vector.load %arg3[%swap3A_38, %swap3A_39] : memref<8x256xi32, #tpu.memory_space<vmem>>, vector<8x256xi32>
    tpu.vector_store %arg3[%swap3A_38, %swap3A_39], %concatenate3A {strides = array<i32>} : memref<8x256xi32, #tpu.memory_space<vmem>>, vector<8x256xi32>,
    return
  }
  func.func @transform_0(%arg0: i32) -> (i32, i32, i32) {
    %c0_i32 = arith.constant 0 : i32
    %c0_i32_0 = arith.constant 0 : i32
    %c0_i32_1 = arith.constant 0 : i32
    return %c0_i32, %arg0, %c0_i32_0 : i32, i32, i32
  }
  func.func @transform_1(%arg0: i32) -> (i32, i32) {
    %c0_i32 = arith.constant 0 : i32
    %c0_i32_0 = arith.constant 0 : i32
    return %arg0, %c0_i32 : i32, i32
  }
  func.func @transform_2(%arg0: i32) -> (i32, i32) {
    %c0_i32 = arith.constant 0 : i32
    %c0_i32_0 = arith.constant 0 : i32
    return %arg0, %c0_i32 : i32, i32
  }
}

</mosaic_0001>

<sc_bundles>
// kernel: kernel.5.cloned.1.call-start
scs
__scs_entry_jumppad:
0x0: {  	(pc) =	sbr.rel $0x88, $3  }
0x1: {  	(tag) =	ssettag $0x0;
	lr =	simm.s32 $0x1  }
0x2: {  	[smem:$0x3F9E] =	sst lr;
	_ =	strace $0xD0000000  }
0x3: {  	_ = 	snop  }
0x4: {  	_ = 	snop  }
0x5: {  	_ = 	snop  }
0x6: {  	_ = 	snop  }
0x7: {  	_ = 	snop  }
__scs_overlays_trampoline_lowered:
0x8: {  	[smem:$0x3FAD] =	sst s0  }
0x9: {  	[smem:$0x3FAE] =	sst s1  }
0xa: {  	[smem:$0x3FAF] =	sst s2  }
0xb: {  	[smem:$0x3FB0] =	sst s3  }
0xc: {  	[smem:$0x3FB1] =	sst s4  }
0xd: {  	[smem:$0x3FB2] =	sst s5  }
0xe: {  	[smem:$0x3FB3] =	sst s6  }
0xf: {  	[smem:$0x3FB4] =	sst s7  }
0x10: {  	[smem:$0x3FB5] =	sst s8  }
0x11: {  	[smem:$0x3FB6] =	sst s9;
	s0 =	simm.s32 @!p0 $0x0  }
0x12: {  	s1 =	sld [smem:$0x3F9C];
	s0 =	simm.s32 @p0 $0x1  }
0x13: {  	[smem:$0x3FB7] =	sst s0;
	s0 =	simm.s32 @!p1 $0x0  }
0x14: {  	s2 =	sld [smem:$0x3F9B];
	s0 =	simm.s32 @p1 $0x1  }
0x15: {  	[smem:$0x3FB8] =	sst s0;
	s0 =	simm.s32 @!p2 $0x0  }
0x16: {  	s3 =	sld [smem:$0x3FDB];
	s0 =	simm.s32 @p2 $0x1  }
0x17: {  	s4 =	simm.s32 $0x1BF5;
	[smem:$0x3FBA] =	sst s0  }
0x18: {  	s0 =	sld [smem:$0x3F9D];
	_ =	swait.ge [sflag:s4], $0x0  }
0x19: {  	s7 =	sld [smem:$0x3F9E]  }
0x1a: {  	s8 =	sadd.s32 $0xFFFFE003, lr  }
0x1b: {  	s9 =	sadd.s32 $0xFFFFFEF7, lr;
	s5 =	simm.s32 $0xFFFFFFFF;
	p2 =	slt.u32 s8, $0xFFFFF086  }
0x1c: {  	p1 =	slt.u32 s9, $0xF7A;
	s5 =	simm.s32 @!p2 $0x0  }
0x1d: {  	s5 =	simm.s32 @p1 $0x1;
	p0 =	seq.s32 s7, s2  }
0x1e: {  	s7 =	smul.u32 @!p0 $0xF7A, s2;
	p2 =	seq.s32 @!p0 s5, $0x0  }
0x1f: {  	s9 =	smul.u32 $0xF7A, s1;
	s8 =	simm.s32 @!p0 $0x1BF5;
	p2 =	por !p2, p0  }
0x20: {  	[sflag:s8] =	ssyncset.s32 @!p0 $0xFFFFF086;
	s6 =	sadd.s32 @!p0 s3, s7;
	s7 =	simm.s32 @!p0 $0x108  }
0x21: {  	s3 =	sadd.s32 s3, s9;
	s6 =	sadd.s32 @!p0 $0x88, s6;
	s7 =	simm.s32 @p2 $0x1082  }
0x22: {  	[simem:s7], [sflag:s8] =	dma.local @!p0 [hbm:s6], $0xF7A  }
0x23: {  	s9 =	sor.u32 $0xD0000000, s2;
	s6 =	simm.s32 $0x108;
	_ =	swait.ge @!p0 [sflag:s8], $0x0  }
0x24: {  	s3 =	sadd.s32 $0x88, s3;
	s6 =	simm.s32 @!p1 $0x1082;
	[sflag:s4] =	ssyncset.s32 $0xFFFFF086  }
0x25: {  	[simem:s6], [sflag:s4] =	dma.local [hbm:s3], $0xF7A  }
0x26: {  	[smem:$0x3F9E] =	sst s1;
	(tag) =	ssettag s2;
	_ =	strace s9  }
0x27: {  	s1 =	sld [smem:$0x3FAE]  }
0x28: {  	s2 =	sld [smem:$0x3FAF]  }
0x29: {  	s4 =	sld [smem:$0x3FB1]  }
0x2a: {  	p0 =	seq.s32 s5, $0x0;
	s5 =	sld [smem:$0x3FB2]  }
0x2b: {  	s6 =	sld [smem:$0x3FB3]  }
0x2c: {  	s7 =	sld [smem:$0x3FB4]  }
0x2d: {  	s3 =	simm.s32 $0x108;
	s8 =	sld [smem:$0x3FB5]  }
0x2e: {  	s3 =	simm.s32 @!p0 $0x1082;
	s9 =	sld [smem:$0x3FB6]  }
0x2f: {  	lr =	sadd.s32 s0, s3;
	s0 =	sld [smem:$0x3FAD]  }
0x30: {  	s3 =	sld [smem:$0x3FB0]  }
0x31: {  	[smem:$0x3FB9] =	sst s10  }
0x32: {  	s10 =	sld [smem:$0x3FB7];
	_ =	sdelay $0x3  }
0x33: {  	p0 =	seq.s32 s10, $0x1;
	s10 =	sld [smem:$0x3FB9];
	_ =	sdelay $0x3  }
0x34: {  	[smem:$0x3FB9] =	sst s10  }
0x35: {  	s10 =	sld [smem:$0x3FB8];
	_ =	sdelay $0x3  }
0x36: {  	p1 =	seq.s32 s10, $0x1;
	s10 =	sld [smem:$0x3FB9];
	_ =	sdelay $0x3  }
0x37: {  	[smem:$0x3FB9] =	sst s10  }
0x38: {  	s10 =	sld [smem:$0x3FBA]  }
0x39: {  	_ = 	snop;
	(pc) =	sbr.ind lr, $3  }
0x3a: {  	_ = 	snop  }
0x3b: {  	_ = 	snop  }
0x3c: {  	p2 =	seq.s32 s10, $0x1;
	s10 =	sld [smem:$0x3FB9]  }
0x3d: {  	_ =	shalt  }
0x3e: {  	_ =	shalt  }
0x3f: {  	_ =	shalt  }
0x40: {  	_ =	shalt  }
0x41: {  	_ =	shalt  }
0x42: {  	_ =	shalt  }
0x43: {  	_ =	shalt  }
0x44: {  	_ =	shalt  }
0x45: {  	_ =	shalt  }
0x46: {  	_ =	shalt  }
0x47: {  	_ =	shalt  }
0x48: {  	_ =	shalt  }
0x49: {  	_ =	shalt  }
0x4a: {  	_ =	shalt  }
0x4b: {  	_ =	shalt  }
0x4c: {  	_ =	shalt  }
0x4d: {  	_ =	shalt  }
0x4e: {  	_ =	shalt  }
0x4f: {  	_ =	shalt  }
0x50: {  	_ =	shalt  }
0x51: {  	_ =	shalt  }
0x52: {  	_ =	shalt  }
0x53: {  	_ =	shalt  }
0x54: {  	_ =	shalt  }
0x55: {  	_ =	shalt  }
0x56: {  	_ =	shalt  }
0x57: {  	_ =	shalt  }
0x58: {  	_ =	shalt  }
0x59: {  	_ =	shalt  }
0x5a: {  	_ =	shalt  }
0x5b: {  	_ =	shalt  }
0x5c: {  	_ =	shalt  }
0x5d: {  	_ =	shalt  }
0x5e: {  	_ =	shalt  }
0x5f: {  	_ =	shalt  }
0x60: {  	_ =	shalt  }
0x61: {  	_ =	shalt  }
0x62: {  	_ =	shalt  }
0x63: {  	_ =	shalt  }
0x64: {  	_ =	shalt  }
0x65: {  	_ =	shalt  }
0x66: {  	_ =	shalt  }
0x67: {  	_ =	shalt  }
0x68: {  	_ =	shalt  }
0x69: {  	_ =	shalt  }
0x6a: {  	_ =	shalt  }
0x6b: {  	_ =	shalt  }
0x6c: {  	_ =	shalt  }
0x6d: {  	_ =	shalt  }
0x6e: {  	_ =	shalt  }
0x6f: {  	_ =	shalt  }
0x70: {  	_ =	shalt  }
0x71: {  	_ =	shalt  }
0x72: {  	_ =	shalt  }
0x73: {  	_ =	shalt  }
0x74: {  	_ =	shalt  }
0x75: {  	_ =	shalt  }
0x76: {  	_ =	shalt  }
0x77: {  	_ =	shalt  }
0x78: {  	_ =	shalt  }
0x79: {  	_ =	shalt  }
0x7a: {  	_ =	shalt  }
0x7b: {  	_ =	shalt  }
0x7c: {  	_ =	shalt  }
0x7d: {  	_ =	shalt  }
0x7e: {  	_ =	shalt  }
0x7f: {  	_ =	shalt  }
0x80: {  	_ =	shalt  }
0x81: {  	_ =	shalt  }
0x82: {  	_ =	shalt  }
0x83: {  	_ =	shalt  }
0x84: {  	_ =	shalt  }
0x85: {  	_ =	shalt  }
0x86: {  	_ =	shalt  }
0x87: {  	_ =	shalt  }
.Lfunc_end0:
.L_simem_size_0:
called_computation_lowered:
.L_overlay_start_0:
0x88: {  	s2 =	sld [smem:$0x3FD9]  }
0x89: {  	s3 =	sld [smem:$0x3FFE];
	_ =	sdelay $0x1  }
0x8a: {  	s1 =	srdreg.scid  }
0x8b: {  	s0 =	sand.u32 $0x1, s1  }
0x8c: {  	s16 =	sshll.u32 s0, $0xA;
	s2 =	sadd.s32 s3, s2  }
0x8d: {  	s2 =	sadd.s32 s2, s16  }
0x8e: {  	[smem:$0x3FC5] =	sst s2  }
0x8f: {  	_ = 	snop  }
0x90: {  	(tm) =	ssettm $0x1  }
0x91: {  	s17 =	sld [smem:$0x3FFB];
	_ =	sdelay $0x3  }
0x92: {  	_ =	strace s17  }
0x93: {  	s2 =	sld [smem:$0x3FFC];
	_ =	sdelay $0x3  }
0x94: {  	_ =	strace s2  }
0x95: {  	s2 =	sld [smem:$0x3FFD];
	_ =	sdelay $0x3  }
0x96: {  	_ =	strace s2  }
0x97: {  	_ =	strace $0x8FFFFFFF  }
0x98: {  	s18 =	sld [smem:$0x3FDB];
	_ =	sdelay $0x1  }
0x99: {  	s19 =	simm.s32 $_scs_section_size  }
0x9a: {  	s4 =	simm.s32 $_size__tile_overlayer_lowered;
	s5 =	simm.s32 $_tile_overlayer_lowered  }
0x9b: {  	s22 =	simm.s32 $0x1BFF;
	s21 =	sshll.u32 s5, $0x1;
	s2 =	sadd.s32 s19, s18  }
0x9c: {  	s6 =	simm.s32 $0x0;
	s20 =	sshll.u32 s4, $0x1;
	s4 =	sadd.s32 s21, s2  }
0x9d: {  	[timem:s6], [sflag:s22] =	dma.local [hbm:s4], s20  }
0x9e: {  	_ =	swait.ge [sflag:s22], s20  }
0x9f: {  	s3 =	ssub.s32 $0x0, s20;
	[sflag:s22] =	ssyncset.done $0x0  }
0xa0: {  	[sflag:s22] =	ssyncadd.s32 s3;
	_ =	sdelay $0x1  }
0xa1: {  	s23 =	simm.s32 $0x1B8B  }
0xa2: {  	_ =	swait.ge [sflag:s23], $0x1  }
0xa3: {  	[sflag:s23] =	ssyncset.done $0x0  }
0xa4: {  	s25 =	simm.s32 $0x1B8E;
	s24 =	sld [smem:$0x3FFE];
	[sflag:s23] =	ssyncadd.s32 $0xFFFFFFFF  }
0xa5: {  	s26 =	simm.s32 $execute0_lowered;
	[smem:$0x3FD2] =	sst s25  }
0xa6: {  	s4 =	sshll.u32 s26, $0x1;
	_ =	strace $0x80000046;
	[dreg:$0x1] =	wrdreg $0xFFFFFFFF  }
0xa7: {  	s28 =	simm.s32 $_size_execute0_lowered;
	s2 =	sadd.s32 s2, s4;
	[dreg:$0x0] =	wrdreg $0x0  }
0xa8: {  	s4 =	sshll.u32 s28, $0x1;
	[dreg:$0x2] =	wrdreg s2  }
0xa9: {  	[dreg:$0x3] =	wrdreg s4  }
0xaa: {  	[dreg:$0x4] =	wrdreg $0xC0  }
0xab: {  	_ =	task [dreg:s6], $0x5FFFF  }
0xac: {  	[dreg:$0x1] =	wrdreg $0xFFFFFFFF  }
0xad: {  	[dreg:$0x0] =	wrdreg $0x60  }
0xae: {  	[dreg:$0x2] =	wrdreg s24  }
0xaf: {  	[dreg:$0x3] =	wrdreg $0x9  }
0xb0: {  	_ =	task.clear_ibuf [dreg:s6], $0x4FFFF;
	_ =	strace $0x90000046  }
0xb1: {  	s29 =	simm.s32 $0x9;
	_ =	strace $0x80000048  }
0xb2: {  	_ =	swait.ge [sflag:s29], $0x1  }
0xb3: {  	[sflag:s29] =	ssyncadd.s32 $0xFFFFFFFF  }
0xb4: {  	_ =	strace $0x90000048  }
0xb5: {  	_ =	sfence  }
0xb6: {  	s30 =	sld [smem:$0x0];
	_ =	sdelay $0x2  }
0xb7: {  	s31 =	sshll.u32 s1, $0xD;
	s1 =	sshrl.u32 s1, $0x2  }
0xb8: {  	s3 =	sand.u32 $0x4000, s31;
	s1 =	sadd.s32 s1, s30  }
0xb9: {  	s0 =	sor.u32 s3, s0;
	s1 =	sshll.u32 s1, $0x11  }
0xba: {  	s0 =	sor.u32 s1, s0  }
0xbb: {  	s0 =	sadd.s32 $0x8F2B, s0  }
0xbc: {  	[sflag:s0] =	ssyncadd.remote.s32 $0x1  }
0xbd: {  	_ =	sfence.sel $0xFFFF  }
0xbe: {  	[dreg:$0x0] =	wrdreg $0xFFFFFFFF;
	(pc) =	sbr.abs _section_cstart, $3  }
0xbf: {  	[dreg:$0x1] =	wrdreg $0xFFFFFFFF  }
0xc0: {  	_ =	task.clear_ibuf [dreg:s6], $0x2FFFF;
	_ =	strace $0x9FFFFFFF  }
0xc1: {  	(tm) =	ssettm $0x7FFFFFFF  }
tec
execute0_lowered:
.L_overlay_start_1:
0x0: {  	(tag) =	ssettag $0x1  }
0x1: {  	s0 =	srdreg.scid;
	s2 =	stileid.u32  }
0x2: {  	s7 =	rddreg [dreg:$0x0];
	s4 =	simm.s32 $0x1;
	s3 =	simm.s32 $0x0  }
0x3: {  	s5 =	simm.s32 $0x1;
	s15 =	simm.s32 $0x6800;
	s16 =	simm.s32 $0x2  }
0x4: {  	s18 =	simm.s32 $0xD000;
	s19 =	simm.s32 $0xE000;
	s20 =	simm.s32 $0xF000  }
0x5: {  	s21 =	simm.s32 $0x10000;
	s22 =	simm.s32 $0x11000;
	s23 =	simm.s32 $0x12000  }
0x6: {  	s24 =	simm.s32 $0x13000;
	s25 =	simm.s32 $0x14000;
	s0 =	sand.u32 $0x1, s0  }
0x7: {  	s28 =	simm.s32 $0x0;
	[smem:$0x7FF] =	sst s3;
	s1 =	sshll.u32 s0, $0x4  }
0x8: {  	_ =	strace $0x80000047;
	s1 =	sor.u32 s2, s1;
	s2 =	sand.u32 $0x3, s2  }
0x9: {  	s0 =	ssub.s32 $0x2, s0;
	p0 =	seq.s32 s1, $0x0;
	p1 =	sne.s32 s2, $0x0  }
0xa: {  	s30 =	sshrl.u32 s0, $0x1;
	s1 =	sshrl.u32 s1, $0x2;
	p0 =	por !p1, !p0  }
0xb: {  	s9 =	sshll.u32 s2, $0x12;
	s29 =	smul.u32 $0x6800, s2;
	p0 =	por !p0, !p0  }
0xc: {  	s0 =	ssub.s32 s0, s30;
	s11 =	sor.u32 $0x4, s2;
	s4 =	simm.s32 @!p0 $0x0  }
0xd: {  	s14 =	smax.u32 s0, $0x1;
	p1 =	sne.s32 s2, $0x3;
	s1 =	ssub.s32 s1, s4  }
0xe: {  	p0 =	seq.s32 s2, $0x3;
	s6 =	sshll.u32 s1, $0x8;
	s10 =	sshll.u32 s1, $0xF  }
0xf: {  	s4 =	sadd.s32 $0x1000, s7;
	s8 =	sand.u32 $0x1FFFFF00, s6;
	s26 =	sadd.s32 s9, s10  }
0x10: {  	s6 =	smul.u32 $0x61800, s1;
	s12 =	sadd.s32 s8, s7;
	s1 =	sshrl.u32 s26, $0x3  }
0x11: {  	s8 =	simm.s32 $0x3;
	s1 =	sadd.s32 s1, s7;
	s7 =	simm.s32 $0x3  }
0x12: {  	s31 =	sadd.s32 s29, s6;
	s12 =	sadd.s32 $0x62800, s12;
	s7 =	simm.s32 @!p0 $0x4  }
0x13: {  	s9 =	sshrl.u32 s31, $0x3;
	s13 =	sadd.s32 $0x63000, s1;
	s17 =	sand.u32 $0x1, s7  }
0x14: {  	v0 =	vimm.f32 $0.0e+00;
	v1 =	vimm.f32 $1.000000000e+00;
	s9 =	sadd.s32 s4, s9;
	s10 =	sshrl.u32 s7, $0x1;
	p0 =	seq.s32 s17, $0x0  }
.LBB2_1:
0x15: {  	s0 =	simm.s32 $0xD200  }
0x16: {  	[tilespmem:s0+$0xFFFFFE00] =	vst v0  }
0x17: {  	[tilespmem:s0+$0x1F0] =	vst v0  }
0x18: {  	[tilespmem:s0+$0x1E0] =	vst v0  }
0x19: {  	[tilespmem:s0+$0x1D0] =	vst v0  }
0x1a: {  	[tilespmem:s0+$0x1C0] =	vst v0  }
0x1b: {  	[tilespmem:s0+$0x1B0] =	vst v0  }
0x1c: {  	[tilespmem:s0+$0x1A0] =	vst v0  }
0x1d: {  	[tilespmem:s0+$0x190] =	vst v0  }
0x1e: {  	[tilespmem:s0+$0x180] =	vst v0  }
0x1f: {  	[tilespmem:s0+$0x170] =	vst v0  }
0x20: {  	[tilespmem:s0+$0x160] =	vst v0  }
0x21: {  	[tilespmem:s0+$0x150] =	vst v0  }
0x22: {  	[tilespmem:s0+$0x140] =	vst v0  }
0x23: {  	[tilespmem:s0+$0x130] =	vst v0  }
0x24: {  	[tilespmem:s0+$0x120] =	vst v0  }
0x25: {  	[tilespmem:s0+$0x110] =	vst v0  }
0x26: {  	[tilespmem:s0+$0x100] =	vst v0  }
0x27: {  	[tilespmem:s0+$0xF0] =	vst v0  }
0x28: {  	[tilespmem:s0+$0xE0] =	vst v0  }
0x29: {  	[tilespmem:s0+$0xD0] =	vst v0  }
0x2a: {  	[tilespmem:s0+$0xC0] =	vst v0  }
0x2b: {  	[tilespmem:s0+$0xB0] =	vst v0  }
0x2c: {  	[tilespmem:s0+$0xA0] =	vst v0  }
0x2d: {  	[tilespmem:s0+$0x90] =	vst v0  }
0x2e: {  	[tilespmem:s0+$0x80] =	vst v0  }
0x2f: {  	[tilespmem:s0+$0x70] =	vst v0  }
0x30: {  	[tilespmem:s0+$0x60] =	vst v0  }
0x31: {  	[tilespmem:s0+$0x50] =	vst v0  }
0x32: {  	[tilespmem:s0+$0x40] =	vst v0  }
0x33: {  	[tilespmem:s0+$0x30] =	vst v0  }
0x34: {  	[tilespmem:s0+$0x20] =	vst v0  }
0x35: {  	[tilespmem:s0+$0x10] =	vst v0  }
0x36: {  	[tilespmem:s0+$0x0] =	vst v0  }
0x37: {  	[tilespmem:s0+$0xFFFFFFF0] =	vst v0  }
0x38: {  	[tilespmem:s0+$0xFFFFFFE0] =	vst v0  }
0x39: {  	[tilespmem:s0+$0xFFFFFFD0] =	vst v0  }
0x3a: {  	[tilespmem:s0+$0xFFFFFFC0] =	vst v0  }
0x3b: {  	[tilespmem:s0+$0xFFFFFFB0] =	vst v0  }
0x3c: {  	[tilespmem:s0+$0xFFFFFFA0] =	vst v0  }
0x3d: {  	[tilespmem:s0+$0xFFFFFF90] =	vst v0  }
0x3e: {  	[tilespmem:s0+$0xFFFFFF80] =	vst v0  }
0x3f: {  	[tilespmem:s0+$0xFFFFFF70] =	vst v0  }
0x40: {  	[tilespmem:s0+$0xFFFFFF60] =	vst v0  }
0x41: {  	[tilespmem:s0+$0xFFFFFF50] =	vst v0  }
0x42: {  	[tilespmem:s0+$0xFFFFFF40] =	vst v0  }
0x43: {  	[tilespmem:s0+$0xFFFFFF30] =	vst v0  }
0x44: {  	[tilespmem:s0+$0xFFFFFF20] =	vst v0  }
0x45: {  	[tilespmem:s0+$0xFFFFFF10] =	vst v0  }
0x46: {  	[tilespmem:s0+$0xFFFFFF00] =	vst v0  }
0x47: {  	[tilespmem:s0+$0xFFFFFEF0] =	vst v0  }
0x48: {  	[tilespmem:s0+$0xFFFFFEE0] =	vst v0  }
0x49: {  	[tilespmem:s0+$0xFFFFFED0] =	vst v0  }
0x4a: {  	[tilespmem:s0+$0xFFFFFEC0] =	vst v0  }
0x4b: {  	[tilespmem:s0+$0xFFFFFEB0] =	vst v0  }
0x4c: {  	[tilespmem:s0+$0xFFFFFEA0] =	vst v0  }
0x4d: {  	[tilespmem:s0+$0xFFFFFE90] =	vst v0  }
0x4e: {  	[tilespmem:s0+$0xFFFFFE80] =	vst v0  }
0x4f: {  	[tilespmem:s0+$0xFFFFFE70] =	vst v0  }
0x50: {  	[tilespmem:s0+$0xFFFFFE60] =	vst v0  }
0x51: {  	[tilespmem:s0+$0xFFFFFE50] =	vst v0  }
0x52: {  	[tilespmem:s0+$0xFFFFFE40] =	vst v0  }
0x53: {  	[tilespmem:s0+$0xFFFFFE30] =	vst v0  }
0x54: {  	s1 =	simm.s32 $0x0;
	[tilespmem:s0+$0xFFFFFE20] =	vst v0  }
.LBB2_2:
0x55: {  	s1 =	sadd.s32 $0x8, s1;
	[tilespmem:s0+$0xFFFFFE10] =	vst v0;
	s0 =	sadd.s32 $0x400, s0  }
0x56: {  	[tilespmem:s0+$0xFFFFFE00] =	vst v0;
	p2 =	slt.u32 s1, $0xF8  }
0x57: {  	[tilespmem:s0+$0x1F0] =	vst v0  }
0x58: {  	[tilespmem:s0+$0x1E0] =	vst v0  }
0x59: {  	[tilespmem:s0+$0x1D0] =	vst v0  }
0x5a: {  	[tilespmem:s0+$0x1C0] =	vst v0  }
0x5b: {  	[tilespmem:s0+$0x1B0] =	vst v0  }
0x5c: {  	[tilespmem:s0+$0x1A0] =	vst v0  }
0x5d: {  	[tilespmem:s0+$0x190] =	vst v0  }
0x5e: {  	[tilespmem:s0+$0x180] =	vst v0  }
0x5f: {  	[tilespmem:s0+$0x170] =	vst v0  }
0x60: {  	[tilespmem:s0+$0x160] =	vst v0  }
0x61: {  	[tilespmem:s0+$0x150] =	vst v0  }
0x62: {  	[tilespmem:s0+$0x140] =	vst v0  }
0x63: {  	[tilespmem:s0+$0x130] =	vst v0  }
0x64: {  	[tilespmem:s0+$0x120] =	vst v0  }
0x65: {  	[tilespmem:s0+$0x110] =	vst v0  }
0x66: {  	[tilespmem:s0+$0x100] =	vst v0  }
0x67: {  	[tilespmem:s0+$0xF0] =	vst v0  }
0x68: {  	[tilespmem:s0+$0xE0] =	vst v0  }
0x69: {  	[tilespmem:s0+$0xD0] =	vst v0  }
0x6a: {  	[tilespmem:s0+$0xC0] =	vst v0  }
0x6b: {  	[tilespmem:s0+$0xB0] =	vst v0  }
0x6c: {  	[tilespmem:s0+$0xA0] =	vst v0  }
0x6d: {  	[tilespmem:s0+$0x90] =	vst v0  }
0x6e: {  	[tilespmem:s0+$0x80] =	vst v0  }
0x6f: {  	[tilespmem:s0+$0x70] =	vst v0  }
0x70: {  	[tilespmem:s0+$0x60] =	vst v0  }
0x71: {  	[tilespmem:s0+$0x50] =	vst v0  }
0x72: {  	[tilespmem:s0+$0x40] =	vst v0  }
0x73: {  	[tilespmem:s0+$0x30] =	vst v0  }
0x74: {  	[tilespmem:s0+$0x20] =	vst v0  }
0x75: {  	[tilespmem:s0+$0x10] =	vst v0  }
0x76: {  	[tilespmem:s0+$0x0] =	vst v0  }
0x77: {  	[tilespmem:s0+$0xFFFFFFF0] =	vst v0  }
0x78: {  	[tilespmem:s0+$0xFFFFFFE0] =	vst v0  }
0x79: {  	[tilespmem:s0+$0xFFFFFFD0] =	vst v0  }
0x7a: {  	[tilespmem:s0+$0xFFFFFFC0] =	vst v0  }
0x7b: {  	[tilespmem:s0+$0xFFFFFFB0] =	vst v0  }
0x7c: {  	[tilespmem:s0+$0xFFFFFFA0] =	vst v0  }
0x7d: {  	[tilespmem:s0+$0xFFFFFF90] =	vst v0  }
0x7e: {  	[tilespmem:s0+$0xFFFFFF80] =	vst v0  }
0x7f: {  	[tilespmem:s0+$0xFFFFFF70] =	vst v0  }
0x80: {  	[tilespmem:s0+$0xFFFFFF60] =	vst v0  }
0x81: {  	[tilespmem:s0+$0xFFFFFF50] =	vst v0  }
0x82: {  	[tilespmem:s0+$0xFFFFFF40] =	vst v0  }
0x83: {  	[tilespmem:s0+$0xFFFFFF30] =	vst v0  }
0x84: {  	[tilespmem:s0+$0xFFFFFF20] =	vst v0  }
0x85: {  	[tilespmem:s0+$0xFFFFFF10] =	vst v0  }
0x86: {  	[tilespmem:s0+$0xFFFFFF00] =	vst v0  }
0x87: {  	[tilespmem:s0+$0xFFFFFEF0] =	vst v0  }
0x88: {  	[tilespmem:s0+$0xFFFFFEE0] =	vst v0  }
0x89: {  	[tilespmem:s0+$0xFFFFFED0] =	vst v0  }
0x8a: {  	[tilespmem:s0+$0xFFFFFEC0] =	vst v0  }
0x8b: {  	[tilespmem:s0+$0xFFFFFEB0] =	vst v0  }
0x8c: {  	[tilespmem:s0+$0xFFFFFEA0] =	vst v0  }
0x8d: {  	[tilespmem:s0+$0xFFFFFE90] =	vst v0  }
0x8e: {  	[tilespmem:s0+$0xFFFFFE80] =	vst v0  }
0x8f: {  	[tilespmem:s0+$0xFFFFFE70] =	vst v0  }
.Ltmp0:
0x90: {  	[tilespmem:s0+$0xFFFFFE60] =	vst v0;
	(pc) =	sbr.rel @p2 .LBB2_2-.Ltmp0, $4  }
0x91: {  	[tilespmem:s0+$0xFFFFFE50] =	vst v0  }
0x92: {  	[tilespmem:s0+$0xFFFFFE40] =	vst v0  }
0x93: {  	[tilespmem:s0+$0xFFFFFE30] =	vst v0  }
0x94: {  	[tilespmem:s0+$0xFFFFFE20] =	vst v0  }
0x95: {  	[tilespmem:s0+$0xFFFFFE10] =	vst v0;
	s0 =	simm.s32 $0x0;
	s1 =	simm.s32 $0x0  }
0x96: {  	[tilespmem:s0], [sflag:$0x1] =	stream.linear.gather [hbm4b:s9+s0], $0x6800, $0x38;
	[tilespmem:$0x1D800] =	vst v63  }
.LBB2_4:
0x97: {  	s17 =	sshll.u32 s1, $0x3  }
0x98: {  	s17 =	sor.u32 s11, s17  }
0x99: {  	s17 =	smul.u32 $0x6800, s17;
	_ =	sdelay $0x1  }
0x9a: {  	s17 =	sadd.s32 s6, s17  }
0x9b: {  	s17 =	sshrl.u32 s17, $0x3  }
0x9c: {  	s17 =	sadd.s32 s4, s17  }
0x9d: {  	[tilespmem:s15], [sflag:$0x2] =	stream.linear.gather [hbm4b:s17+s0], $0x6800, $0x38;
	[tilespmem:$0x1D800] =	vst v63  }
0x9e: {  	_ =	swait.ge [sflag:s5], $0x6800  }
0x9f: {  	[sflag:s5] =	ssyncset.done $0x0  }
0xa0: {  	s26 =	simm.s32 $0x40;
	s30 =	simm.s32 $0x0;
	[sflag:s5] =	ssyncadd.s32 $0xFFFF9800  }
.LBB2_5:
0xa1: {  	s17 =	sshll.u32 s30, $0xC  }
0xa2: {  	s17 =	sand.u32 $0x3FFFF000, s17  }
0xa3: {  	s29 =	smov.u32 s26;
	s31 =	sadd.s32 $0xD000, s17;
	s17 =	simm.s32 $0xFFFFFFFE  }
.LBB2_6:
0xa4: {  	v2 =	vld [tilespmem:s29+$0xFFFFFFC0];
	_ =	sdelay $0x1  }
0xa5: {  	v3 =	vld [tilespmem:s29+$0xFFFFFFD0];
	_ =	sdelay $0x1  }
0xa6: {  	v4 =	vld [tilespmem:s29+$0xFFFFFFE0]  }
0xa7: {  	v5 =	vshra.s32 v2, $0x10  }
0xa8: {  	v6 =	vld [tilespmem:s29+$0xFFFFFFF0];
	v2 =	vand.u32 $0xFFFF, v2  }
0xa9: {  	v7 =	vshra.s32 v3, $0x10  }
0xaa: {  	v3 =	vand.u32 $0xFFFF, v3  }
0xab: {  	v8 =	vshra.s32 v4, $0x10  }
0xac: {  	v4 =	vand.u32 $0xFFFF, v4;
	[tilespmem:v5+s31+$0x0] =	vst.idx.add.f32.msk $0xffff, v1  }
0xad: {  	v58 =	vshra.s32 v6, $0x10;
	[tilespmem:v2+s31+$0x0] =	vst.idx.add.f32.msk $0xffff, v1  }
0xae: {  	v2 =	vand.u32 $0xFFFF, v6;
	[tilespmem:v7+s31+$0x0] =	vst.idx.add.f32.msk $0xffff, v1  }
0xaf: {  	[tilespmem:v3+s31+$0x0] =	vst.idx.add.f32.msk $0xffff, v1  }
0xb0: {  	[tilespmem:v8+s31+$0x0] =	vst.idx.add.f32.msk $0xffff, v1  }
0xb1: {  	[tilespmem:v4+s31+$0x0] =	vst.idx.add.f32.msk $0xffff, v1  }
0xb2: {  	[tilespmem:v58+s31+$0x0] =	vst.idx.add.f32.msk $0xffff, v1  }
0xb3: {  	[tilespmem:v2+s31+$0x0] =	vst.idx.add.f32.msk $0xffff, v1  }
0xb4: {  	v2 =	vld [tilespmem:s29+$0x0];
	_ =	sdelay $0x1  }
0xb5: {  	v3 =	vld [tilespmem:s29+$0x10];
	_ =	sdelay $0x1  }
0xb6: {  	v4 =	vld [tilespmem:s29+$0x20]  }
0xb7: {  	v59 =	vshra.s32 v2, $0x10  }
0xb8: {  	v60 =	vld [tilespmem:s29+$0x30];
	v2 =	vand.u32 $0xFFFF, v2  }
0xb9: {  	v61 =	vshra.s32 v3, $0x10  }
0xba: {  	v3 =	vand.u32 $0xFFFF, v3  }
0xbb: {  	v62 =	vshra.s32 v4, $0x10  }
0xbc: {  	v4 =	vand.u32 $0xFFFF, v4;
	[tilespmem:v59+s31+$0x0] =	vst.idx.add.f32.msk $0xffff, v1  }
0xbd: {  	s17 =	sadd.s32 $0x2, s17;
	v63 =	vshra.s32 v60, $0x10;
	[tilespmem:v2+s31+$0x0] =	vst.idx.add.f32.msk $0xffff, v1  }
0xbe: {  	p2 =	slt.u32 s17, $0x32;
	v2 =	vand.u32 $0xFFFF, v60;
	[tilespmem:v61+s31+$0x0] =	vst.idx.add.f32.msk $0xffff, v1  }
.Ltmp1:
0xbf: {  	[tilespmem:v3+s31+$0x0] =	vst.idx.add.f32.msk $0xffff, v1;
	(pc) =	sbr.rel @p2 .LBB2_6-.Ltmp1, $4  }
0xc0: {  	[tilespmem:v62+s31+$0x0] =	vst.idx.add.f32.msk $0xffff, v1  }
0xc1: {  	[tilespmem:v4+s31+$0x0] =	vst.idx.add.f32.msk $0xffff, v1  }
0xc2: {  	[tilespmem:v63+s31+$0x0] =	vst.idx.add.f32.msk $0xffff, v1  }
0xc3: {  	s29 =	sadd.s32 $0x400, s29;
	[tilespmem:v2+s31+$0x0] =	vst.idx.add.f32.msk $0xffff, v1  }
0xc4: {  	s30 =	sadd.s32 $0x1, s30  }
0xc5: {  	p2 =	sne.s32 s30, $0x8  }
.Ltmp2:
0xc6: {  	_ = 	snop;
	(pc) =	sbr.rel @p2 .LBB2_5-.Ltmp2, $2  }
0xc7: {  	_ =	sdelay $0x2  }
0xc8: {  	s26 =	sadd.s32 $0x80, s26  }
0xc9: {  	s17 =	sshll.u32 s1, $0x1  }
0xca: {  	s17 =	sadd.s32 $0x2, s17  }
0xcb: {  	p2 =	sge.u32 s17, s7  }
0xcc: {  	s17 =	sshll.u32 @!p2 s17, $0x2  }
0xcd: {  	s17 =	sor.u32 @!p2 s2, s17  }
0xce: {  	s17 =	smul.u32 @!p2 $0x6800, s17;
	_ =	sdelay $0x1  }
0xcf: {  	s17 =	sadd.s32 @!p2 s6, s17  }
0xd0: {  	s17 =	sshrl.u32 @!p2 s17, $0x3  }
0xd1: {  	s26 =	simm.s32 @!p2 $0x0;
	s17 =	sadd.s32 @!p2 s4, s17  }
0xd2: {  	[tilespmem:s26], [sflag:$0x1] =	stream.linear.gather @!p2 [hbm4b:s17+s26], $0x6800, $0x38;
	[tilespmem:$0x1D800] =	vst v63  }
0xd3: {  	_ =	swait.ge [sflag:s16], $0x6800  }
0xd4: {  	[sflag:s16] =	ssyncset.done $0x0  }
0xd5: {  	s29 =	simm.s32 $0x0;
	s30 =	simm.s32 $0x6870;
	[sflag:s16] =	ssyncadd.s32 $0xFFFF9800  }
.LBB2_9:
0xd6: {  	s17 =	sshll.u32 s29, $0xC  }
0xd7: {  	s17 =	sand.u32 $0x3FFFF000, s17  }
0xd8: {  	s26 =	smov.u32 s30;
	s31 =	sadd.s32 $0xD000, s17;
	s17 =	simm.s32 $0xFFFFFFFE  }
.LBB2_10:
0xd9: {  	v2 =	vld [tilespmem:s26+$0xFFFFFF90];
	_ =	sdelay $0x1  }
0xda: {  	v3 =	vld [tilespmem:s26+$0xFFFFFFA0];
	_ =	sdelay $0x1  }
0xdb: {  	v4 =	vld [tilespmem:s26+$0xFFFFFFB0]  }
0xdc: {  	v5 =	vshra.s32 v2, $0x10  }
0xdd: {  	v6 =	vld [tilespmem:s26+$0xFFFFFFC0];
	v2 =	vand.u32 $0xFFFF, v2  }
0xde: {  	v7 =	vshra.s32 v3, $0x10  }
0xdf: {  	v3 =	vand.u32 $0xFFFF, v3  }
0xe0: {  	v8 =	vshra.s32 v4, $0x10  }
0xe1: {  	v4 =	vand.u32 $0xFFFF, v4;
	[tilespmem:v5+s31+$0x0] =	vst.idx.add.f32.msk $0xffff, v1  }
0xe2: {  	v58 =	vshra.s32 v6, $0x10;
	[tilespmem:v2+s31+$0x0] =	vst.idx.add.f32.msk $0xffff, v1  }
0xe3: {  	v2 =	vand.u32 $0xFFFF, v6;
	[tilespmem:v7+s31+$0x0] =	vst.idx.add.f32.msk $0xffff, v1  }
0xe4: {  	[tilespmem:v3+s31+$0x0] =	vst.idx.add.f32.msk $0xffff, v1  }
0xe5: {  	[tilespmem:v8+s31+$0x0] =	vst.idx.add.f32.msk $0xffff, v1  }
0xe6: {  	[tilespmem:v4+s31+$0x0] =	vst.idx.add.f32.msk $0xffff, v1  }
0xe7: {  	[tilespmem:v58+s31+$0x0] =	vst.idx.add.f32.msk $0xffff, v1  }
0xe8: {  	[tilespmem:v2+s31+$0x0] =	vst.idx.add.f32.msk $0xffff, v1  }
0xe9: {  	v2 =	vld [tilespmem:s26+$0xFFFFFFD0];
	_ =	sdelay $0x1  }
0xea: {  	v3 =	vld [tilespmem:s26+$0xFFFFFFE0];
	_ =	sdelay $0x1  }
0xeb: {  	v4 =	vld [tilespmem:s26+$0xFFFFFFF0]  }
0xec: {  	v59 =	vshra.s32 v2, $0x10  }
0xed: {  	v60 =	vld [tilespmem:s26+$0x0];
	v2 =	vand.u32 $0xFFFF, v2  }
0xee: {  	v61 =	vshra.s32 v3, $0x10  }
0xef: {  	v3 =	vand.u32 $0xFFFF, v3  }
0xf0: {  	v62 =	vshra.s32 v4, $0x10  }
0xf1: {  	v4 =	vand.u32 $0xFFFF, v4;
	[tilespmem:v59+s31+$0x0] =	vst.idx.add.f32.msk $0xffff, v1  }
0xf2: {  	s17 =	sadd.s32 $0x2, s17;
	v63 =	vshra.s32 v60, $0x10;
	[tilespmem:v2+s31+$0x0] =	vst.idx.add.f32.msk $0xffff, v1  }
0xf3: {  	p2 =	slt.u32 s17, $0x32;
	v2 =	vand.u32 $0xFFFF, v60;
	[tilespmem:v61+s31+$0x0] =	vst.idx.add.f32.msk $0xffff, v1  }
.Ltmp3:
0xf4: {  	[tilespmem:v3+s31+$0x0] =	vst.idx.add.f32.msk $0xffff, v1;
	(pc) =	sbr.rel @p2 .LBB2_10-.Ltmp3, $4  }
0xf5: {  	[tilespmem:v62+s31+$0x0] =	vst.idx.add.f32.msk $0xffff, v1  }
0xf6: {  	[tilespmem:v4+s31+$0x0] =	vst.idx.add.f32.msk $0xffff, v1  }
0xf7: {  	[tilespmem:v63+s31+$0x0] =	vst.idx.add.f32.msk $0xffff, v1  }
0xf8: {  	s26 =	sadd.s32 $0x400, s26;
	[tilespmem:v2+s31+$0x0] =	vst.idx.add.f32.msk $0xffff, v1  }
0xf9: {  	s29 =	sadd.s32 $0x1, s29  }
0xfa: {  	p2 =	sne.s32 s29, $0x8  }
.Ltmp4:
0xfb: {  	_ = 	snop;
	(pc) =	sbr.rel @p2 .LBB2_9-.Ltmp4, $2  }
0xfc: {  	_ =	sdelay $0x2  }
0xfd: {  	s30 =	sadd.s32 $0x80, s30  }
0xfe: {  	s1 =	sadd.s32 $0x1, s1  }
0xff: {  	p2 =	sne.s32 s1, s10  }
.Ltmp5:
0x100: {  	_ = 	snop;
	(pc) =	sbr.rel @p2 .LBB2_4-.Ltmp5, $1  }
0x101: {  	_ =	sdelay $0x3  }
.Ltmp6:
0x102: {  	(pc) =	sbr.rel @p0 .LBB2_18-.Ltmp6, $1  }
0x103: {  	_ =	sdelay $0x3  }
0x104: {  	_ =	swait.ge [sflag:s5], $0x6800  }
0x105: {  	[sflag:s5] =	ssyncset.done $0x0  }
0x106: {  	s0 =	simm.s32 $0x0;
	s1 =	simm.s32 $0x40;
	[sflag:s5] =	ssyncadd.s32 $0xFFFF9800  }
.LBB2_15:
0x107: {  	s17 =	sshll.u32 s0, $0xC  }
0x108: {  	s17 =	sand.u32 $0x3FFFF000, s17  }
0x109: {  	s26 =	smov.u32 s1;
	s29 =	sadd.s32 $0xD000, s17;
	s17 =	simm.s32 $0xFFFFFFFE  }
.LBB2_16:
0x10a: {  	v2 =	vld [tilespmem:s26+$0xFFFFFFC0];
	_ =	sdelay $0x1  }
0x10b: {  	v3 =	vld [tilespmem:s26+$0xFFFFFFD0];
	_ =	sdelay $0x1  }
0x10c: {  	v4 =	vld [tilespmem:s26+$0xFFFFFFE0]  }
0x10d: {  	v5 =	vshra.s32 v2, $0x10  }
0x10e: {  	v6 =	vld [tilespmem:s26+$0xFFFFFFF0];
	v2 =	vand.u32 $0xFFFF, v2  }
0x10f: {  	v7 =	vshra.s32 v3, $0x10  }
0x110: {  	v3 =	vand.u32 $0xFFFF, v3  }
0x111: {  	v8 =	vshra.s32 v4, $0x10  }
0x112: {  	v4 =	vand.u32 $0xFFFF, v4;
	[tilespmem:v5+s29+$0x0] =	vst.idx.add.f32.msk $0xffff, v1  }
0x113: {  	v58 =	vshra.s32 v6, $0x10;
	[tilespmem:v2+s29+$0x0] =	vst.idx.add.f32.msk $0xffff, v1  }
0x114: {  	v2 =	vand.u32 $0xFFFF, v6;
	[tilespmem:v7+s29+$0x0] =	vst.idx.add.f32.msk $0xffff, v1  }
0x115: {  	[tilespmem:v3+s29+$0x0] =	vst.idx.add.f32.msk $0xffff, v1  }
0x116: {  	[tilespmem:v8+s29+$0x0] =	vst.idx.add.f32.msk $0xffff, v1  }
0x117: {  	[tilespmem:v4+s29+$0x0] =	vst.idx.add.f32.msk $0xffff, v1  }
0x118: {  	[tilespmem:v58+s29+$0x0] =	vst.idx.add.f32.msk $0xffff, v1  }
0x119: {  	[tilespmem:v2+s29+$0x0] =	vst.idx.add.f32.msk $0xffff, v1  }
0x11a: {  	v2 =	vld [tilespmem:s26+$0x0];
	_ =	sdelay $0x1  }
0x11b: {  	v3 =	vld [tilespmem:s26+$0x10];
	_ =	sdelay $0x1  }
0x11c: {  	v4 =	vld [tilespmem:s26+$0x20]  }
0x11d: {  	v59 =	vshra.s32 v2, $0x10  }
0x11e: {  	v60 =	vld [tilespmem:s26+$0x30];
	v2 =	vand.u32 $0xFFFF, v2  }
0x11f: {  	v61 =	vshra.s32 v3, $0x10  }
0x120: {  	v3 =	vand.u32 $0xFFFF, v3  }
0x121: {  	v62 =	vshra.s32 v4, $0x10  }
0x122: {  	v4 =	vand.u32 $0xFFFF, v4;
	[tilespmem:v59+s29+$0x0] =	vst.idx.add.f32.msk $0xffff, v1  }
0x123: {  	s17 =	sadd.s32 $0x2, s17;
	v63 =	vshra.s32 v60, $0x10;
	[tilespmem:v2+s29+$0x0] =	vst.idx.add.f32.msk $0xffff, v1  }
0x124: {  	p2 =	slt.u32 s17, $0x32;
	v2 =	vand.u32 $0xFFFF, v60;
	[tilespmem:v61+s29+$0x0] =	vst.idx.add.f32.msk $0xffff, v1  }
.Ltmp7:
0x125: {  	[tilespmem:v3+s29+$0x0] =	vst.idx.add.f32.msk $0xffff, v1;
	(pc) =	sbr.rel @p2 .LBB2_16-.Ltmp7, $4  }
0x126: {  	[tilespmem:v62+s29+$0x0] =	vst.idx.add.f32.msk $0xffff, v1  }
0x127: {  	[tilespmem:v4+s29+$0x0] =	vst.idx.add.f32.msk $0xffff, v1  }
0x128: {  	[tilespmem:v63+s29+$0x0] =	vst.idx.add.f32.msk $0xffff, v1  }
0x129: {  	s26 =	sadd.s32 $0x400, s26;
	[tilespmem:v2+s29+$0x0] =	vst.idx.add.f32.msk $0xffff, v1  }
0x12a: {  	s0 =	sadd.s32 $0x1, s0  }
0x12b: {  	p2 =	sne.s32 s0, $0x8  }
.Ltmp8:
0x12c: {  	_ = 	snop;
	(pc) =	sbr.rel @p2 .LBB2_15-.Ltmp8, $2  }
0x12d: {  	_ =	sdelay $0x2  }
0x12e: {  	s1 =	sadd.s32 $0x80, s1  }
.LBB2_18:
.Ltmp9:
0x12f: {  	(pc) =	sbr.rel @p1 .LBB2_20-.Ltmp9, $1  }
0x130: {  	_ =	sdelay $0x3  }
0x131: {  	s0 =	simm.s32 $0x1D000  }
0x132: {  	[tilespmem:s0], [sflag:$0x3] =	stream.linear.gather [hbm4b:s12+s3], $0x800, $0x38;
	[tilespmem:$0x1D800] =	vst v63  }
0x133: {  	_ =	swait.ge [sflag:s8], $0x800  }
0x134: {  	[sflag:s8] =	ssyncset.done $0x0  }
0x135: {  	[sflag:s8] =	ssyncadd.s32 $0xFFFFF800  }
0x136: {  	v2 =	vld [tilespmem:$0x1D000];
	_ =	sdelay $0x7  }
0x137: {  	[tilespmem:v2+s18+$0x0] =	vst.idx.add.f32.msk $0xffff, v1  }
0x138: {  	v2 =	vld [tilespmem:$0x1D010];
	_ =	sdelay $0x7  }
0x139: {  	[tilespmem:v2+s18+$0x0] =	vst.idx.add.f32.msk $0xffff, v1  }
0x13a: {  	v2 =	vld [tilespmem:$0x1D020];
	_ =	sdelay $0x7  }
0x13b: {  	[tilespmem:v2+s18+$0x0] =	vst.idx.add.f32.msk $0xffff, v1  }
0x13c: {  	v2 =	vld [tilespmem:$0x1D030];
	_ =	sdelay $0x7  }
0x13d: {  	[tilespmem:v2+s18+$0x0] =	vst.idx.add.f32.msk $0xffff, v1  }
0x13e: {  	v2 =	vld [tilespmem:$0x1D040];
	_ =	sdelay $0x7  }
0x13f: {  	[tilespmem:v2+s18+$0x0] =	vst.idx.add.f32.msk $0xffff, v1  }
0x140: {  	v2 =	vld [tilespmem:$0x1D050];
	_ =	sdelay $0x7  }
0x141: {  	[tilespmem:v2+s18+$0x0] =	vst.idx.add.f32.msk $0xffff, v1  }
0x142: {  	v2 =	vld [tilespmem:$0x1D060];
	_ =	sdelay $0x7  }
0x143: {  	[tilespmem:v2+s18+$0x0] =	vst.idx.add.f32.msk $0xffff, v1  }
0x144: {  	v2 =	vld [tilespmem:$0x1D070];
	_ =	sdelay $0x7  }
0x145: {  	[tilespmem:v2+s18+$0x0] =	vst.idx.add.f32.msk $0xffff, v1  }
0x146: {  	v2 =	vld [tilespmem:$0x1D400];
	_ =	sdelay $0x7  }
0x147: {  	[tilespmem:v2+s18+$0x0] =	vst.idx.add.f32.msk $0xffff, v1  }
0x148: {  	v2 =	vld [tilespmem:$0x1D410];
	_ =	sdelay $0x7  }
0x149: {  	[tilespmem:v2+s18+$0x0] =	vst.idx.add.f32.msk $0xffff, v1  }
0x14a: {  	v2 =	vld [tilespmem:$0x1D080];
	_ =	sdelay $0x7  }
0x14b: {  	[tilespmem:v2+s19+$0x0] =	vst.idx.add.f32.msk $0xffff, v1  }
0x14c: {  	v2 =	vld [tilespmem:$0x1D090];
	_ =	sdelay $0x7  }
0x14d: {  	[tilespmem:v2+s19+$0x0] =	vst.idx.add.f32.msk $0xffff, v1  }
0x14e: {  	v2 =	vld [tilespmem:$0x1D0A0];
	_ =	sdelay $0x7  }
0x14f: {  	[tilespmem:v2+s19+$0x0] =	vst.idx.add.f32.msk $0xffff, v1  }
0x150: {  	v2 =	vld [tilespmem:$0x1D0B0];
	_ =	sdelay $0x7  }
0x151: {  	[tilespmem:v2+s19+$0x0] =	vst.idx.add.f32.msk $0xffff, v1  }
0x152: {  	v2 =	vld [tilespmem:$0x1D0C0];
	_ =	sdelay $0x7  }
0x153: {  	[tilespmem:v2+s19+$0x0] =	vst.idx.add.f32.msk $0xffff, v1  }
0x154: {  	v2 =	vld [tilespmem:$0x1D0D0];
	_ =	sdelay $0x7  }
0x155: {  	[tilespmem:v2+s19+$0x0] =	vst.idx.add.f32.msk $0xffff, v1  }
0x156: {  	v2 =	vld [tilespmem:$0x1D0E0];
	_ =	sdelay $0x7  }
0x157: {  	[tilespmem:v2+s19+$0x0] =	vst.idx.add.f32.msk $0xffff, v1  }
0x158: {  	v2 =	vld [tilespmem:$0x1D0F0];
	_ =	sdelay $0x7  }
0x159: {  	[tilespmem:v2+s19+$0x0] =	vst.idx.add.f32.msk $0xffff, v1  }
0x15a: {  	v2 =	vld [tilespmem:$0x1D480];
	_ =	sdelay $0x7  }
0x15b: {  	[tilespmem:v2+s19+$0x0] =	vst.idx.add.f32.msk $0xffff, v1  }
0x15c: {  	v2 =	vld [tilespmem:$0x1D490];
	_ =	sdelay $0x7  }
0x15d: {  	[tilespmem:v2+s19+$0x0] =	vst.idx.add.f32.msk $0xffff, v1  }
0x15e: {  	v2 =	vld [tilespmem:$0x1D100];
	_ =	sdelay $0x7  }
0x15f: {  	[tilespmem:v2+s20+$0x0] =	vst.idx.add.f32.msk $0xffff, v1  }
0x160: {  	v2 =	vld [tilespmem:$0x1D110];
	_ =	sdelay $0x7  }
0x161: {  	[tilespmem:v2+s20+$0x0] =	vst.idx.add.f32.msk $0xffff, v1  }
0x162: {  	v2 =	vld [tilespmem:$0x1D120];
	_ =	sdelay $0x7  }
0x163: {  	[tilespmem:v2+s20+$0x0] =	vst.idx.add.f32.msk $0xffff, v1  }
0x164: {  	v2 =	vld [tilespmem:$0x1D130];
	_ =	sdelay $0x7  }
0x165: {  	[tilespmem:v2+s20+$0x0] =	vst.idx.add.f32.msk $0xffff, v1  }
0x166: {  	v2 =	vld [tilespmem:$0x1D140];
	_ =	sdelay $0x7  }
0x167: {  	[tilespmem:v2+s20+$0x0] =	vst.idx.add.f32.msk $0xffff, v1  }
0x168: {  	v2 =	vld [tilespmem:$0x1D150];
	_ =	sdelay $0x7  }
0x169: {  	[tilespmem:v2+s20+$0x0] =	vst.idx.add.f32.msk $0xffff, v1  }
0x16a: {  	v2 =	vld [tilespmem:$0x1D160];
	_ =	sdelay $0x7  }
0x16b: {  	[tilespmem:v2+s20+$0x0] =	vst.idx.add.f32.msk $0xffff, v1  }
0x16c: {  	v2 =	vld [tilespmem:$0x1D170];
	_ =	sdelay $0x7  }
0x16d: {  	[tilespmem:v2+s20+$0x0] =	vst.idx.add.f32.msk $0xffff, v1  }
0x16e: {  	v2 =	vld [tilespmem:$0x1D500];
	_ =	sdelay $0x7  }
0x16f: {  	[tilespmem:v2+s20+$0x0] =	vst.idx.add.f32.msk $0xffff, v1  }
0x170: {  	v2 =	vld [tilespmem:$0x1D510];
	_ =	sdelay $0x7  }
0x171: {  	[tilespmem:v2+s20+$0x0] =	vst.idx.add.f32.msk $0xffff, v1  }
0x172: {  	v2 =	vld [tilespmem:$0x1D180];
	_ =	sdelay $0x7  }
0x173: {  	[tilespmem:v2+s21+$0x0] =	vst.idx.add.f32.msk $0xffff, v1  }
0x174: {  	v2 =	vld [tilespmem:$0x1D190];
	_ =	sdelay $0x7  }
0x175: {  	[tilespmem:v2+s21+$0x0] =	vst.idx.add.f32.msk $0xffff, v1  }
0x176: {  	v2 =	vld [tilespmem:$0x1D1A0];
	_ =	sdelay $0x7  }
0x177: {  	[tilespmem:v2+s21+$0x0] =	vst.idx.add.f32.msk $0xffff, v1  }
0x178: {  	v2 =	vld [tilespmem:$0x1D1B0];
	_ =	sdelay $0x7  }
0x179: {  	[tilespmem:v2+s21+$0x0] =	vst.idx.add.f32.msk $0xffff, v1  }
0x17a: {  	v2 =	vld [tilespmem:$0x1D1C0];
	_ =	sdelay $0x7  }
0x17b: {  	[tilespmem:v2+s21+$0x0] =	vst.idx.add.f32.msk $0xffff, v1  }
0x17c: {  	v2 =	vld [tilespmem:$0x1D1D0];
	_ =	sdelay $0x7  }
0x17d: {  	[tilespmem:v2+s21+$0x0] =	vst.idx.add.f32.msk $0xffff, v1  }
0x17e: {  	v2 =	vld [tilespmem:$0x1D1E0];
	_ =	sdelay $0x7  }
0x17f: {  	[tilespmem:v2+s21+$0x0] =	vst.idx.add.f32.msk $0xffff, v1  }
0x180: {  	v2 =	vld [tilespmem:$0x1D1F0];
	_ =	sdelay $0x7  }
0x181: {  	[tilespmem:v2+s21+$0x0] =	vst.idx.add.f32.msk $0xffff, v1  }
0x182: {  	v2 =	vld [tilespmem:$0x1D580];
	_ =	sdelay $0x7  }
0x183: {  	[tilespmem:v2+s21+$0x0] =	vst.idx.add.f32.msk $0xffff, v1  }
0x184: {  	v2 =	vld [tilespmem:$0x1D590];
	_ =	sdelay $0x7  }
0x185: {  	[tilespmem:v2+s21+$0x0] =	vst.idx.add.f32.msk $0xffff, v1  }
0x186: {  	v2 =	vld [tilespmem:$0x1D200];
	_ =	sdelay $0x7  }
0x187: {  	[tilespmem:v2+s22+$0x0] =	vst.idx.add.f32.msk $0xffff, v1  }
0x188: {  	v2 =	vld [tilespmem:$0x1D210];
	_ =	sdelay $0x7  }
0x189: {  	[tilespmem:v2+s22+$0x0] =	vst.idx.add.f32.msk $0xffff, v1  }
0x18a: {  	v2 =	vld [tilespmem:$0x1D220];
	_ =	sdelay $0x7  }
0x18b: {  	[tilespmem:v2+s22+$0x0] =	vst.idx.add.f32.msk $0xffff, v1  }
0x18c: {  	v2 =	vld [tilespmem:$0x1D230];
	_ =	sdelay $0x7  }
0x18d: {  	[tilespmem:v2+s22+$0x0] =	vst.idx.add.f32.msk $0xffff, v1  }
0x18e: {  	v2 =	vld [tilespmem:$0x1D240];
	_ =	sdelay $0x7  }
0x18f: {  	[tilespmem:v2+s22+$0x0] =	vst.idx.add.f32.msk $0xffff, v1  }
0x190: {  	v2 =	vld [tilespmem:$0x1D250];
	_ =	sdelay $0x7  }
0x191: {  	[tilespmem:v2+s22+$0x0] =	vst.idx.add.f32.msk $0xffff, v1  }
0x192: {  	v2 =	vld [tilespmem:$0x1D260];
	_ =	sdelay $0x7  }
0x193: {  	[tilespmem:v2+s22+$0x0] =	vst.idx.add.f32.msk $0xffff, v1  }
0x194: {  	v2 =	vld [tilespmem:$0x1D270];
	_ =	sdelay $0x7  }
0x195: {  	[tilespmem:v2+s22+$0x0] =	vst.idx.add.f32.msk $0xffff, v1  }
0x196: {  	v2 =	vld [tilespmem:$0x1D600];
	_ =	sdelay $0x7  }
0x197: {  	[tilespmem:v2+s22+$0x0] =	vst.idx.add.f32.msk $0xffff, v1  }
0x198: {  	v2 =	vld [tilespmem:$0x1D610];
	_ =	sdelay $0x7  }
0x199: {  	[tilespmem:v2+s22+$0x0] =	vst.idx.add.f32.msk $0xffff, v1  }
0x19a: {  	v2 =	vld [tilespmem:$0x1D280];
	_ =	sdelay $0x7  }
0x19b: {  	[tilespmem:v2+s23+$0x0] =	vst.idx.add.f32.msk $0xffff, v1  }
0x19c: {  	v2 =	vld [tilespmem:$0x1D290];
	_ =	sdelay $0x7  }
0x19d: {  	[tilespmem:v2+s23+$0x0] =	vst.idx.add.f32.msk $0xffff, v1  }
0x19e: {  	v2 =	vld [tilespmem:$0x1D2A0];
	_ =	sdelay $0x7  }
0x19f: {  	[tilespmem:v2+s23+$0x0] =	vst.idx.add.f32.msk $0xffff, v1  }
0x1a0: {  	v2 =	vld [tilespmem:$0x1D2B0];
	_ =	sdelay $0x7  }
0x1a1: {  	[tilespmem:v2+s23+$0x0] =	vst.idx.add.f32.msk $0xffff, v1  }
0x1a2: {  	v2 =	vld [tilespmem:$0x1D2C0];
	_ =	sdelay $0x7  }
0x1a3: {  	[tilespmem:v2+s23+$0x0] =	vst.idx.add.f32.msk $0xffff, v1  }
0x1a4: {  	v2 =	vld [tilespmem:$0x1D2D0];
	_ =	sdelay $0x7  }
0x1a5: {  	[tilespmem:v2+s23+$0x0] =	vst.idx.add.f32.msk $0xffff, v1  }
0x1a6: {  	v2 =	vld [tilespmem:$0x1D2E0];
	_ =	sdelay $0x7  }
0x1a7: {  	[tilespmem:v2+s23+$0x0] =	vst.idx.add.f32.msk $0xffff, v1  }
0x1a8: {  	v2 =	vld [tilespmem:$0x1D2F0];
	_ =	sdelay $0x7  }
0x1a9: {  	[tilespmem:v2+s23+$0x0] =	vst.idx.add.f32.msk $0xffff, v1  }
0x1aa: {  	v2 =	vld [tilespmem:$0x1D680];
	_ =	sdelay $0x7  }
0x1ab: {  	[tilespmem:v2+s23+$0x0] =	vst.idx.add.f32.msk $0xffff, v1  }
0x1ac: {  	v2 =	vld [tilespmem:$0x1D690];
	_ =	sdelay $0x7  }
0x1ad: {  	[tilespmem:v2+s23+$0x0] =	vst.idx.add.f32.msk $0xffff, v1  }
0x1ae: {  	v2 =	vld [tilespmem:$0x1D300];
	_ =	sdelay $0x7  }
0x1af: {  	[tilespmem:v2+s24+$0x0] =	vst.idx.add.f32.msk $0xffff, v1  }
0x1b0: {  	v2 =	vld [tilespmem:$0x1D310];
	_ =	sdelay $0x7  }
0x1b1: {  	[tilespmem:v2+s24+$0x0] =	vst.idx.add.f32.msk $0xffff, v1  }
0x1b2: {  	v2 =	vld [tilespmem:$0x1D320];
	_ =	sdelay $0x7  }
0x1b3: {  	[tilespmem:v2+s24+$0x0] =	vst.idx.add.f32.msk $0xffff, v1  }
0x1b4: {  	v2 =	vld [tilespmem:$0x1D330];
	_ =	sdelay $0x7  }
0x1b5: {  	[tilespmem:v2+s24+$0x0] =	vst.idx.add.f32.msk $0xffff, v1  }
0x1b6: {  	v2 =	vld [tilespmem:$0x1D340];
	_ =	sdelay $0x7  }
0x1b7: {  	[tilespmem:v2+s24+$0x0] =	vst.idx.add.f32.msk $0xffff, v1  }
0x1b8: {  	v2 =	vld [tilespmem:$0x1D350];
	_ =	sdelay $0x7  }
0x1b9: {  	[tilespmem:v2+s24+$0x0] =	vst.idx.add.f32.msk $0xffff, v1  }
0x1ba: {  	v2 =	vld [tilespmem:$0x1D360];
	_ =	sdelay $0x7  }
0x1bb: {  	[tilespmem:v2+s24+$0x0] =	vst.idx.add.f32.msk $0xffff, v1  }
0x1bc: {  	v2 =	vld [tilespmem:$0x1D370];
	_ =	sdelay $0x7  }
0x1bd: {  	[tilespmem:v2+s24+$0x0] =	vst.idx.add.f32.msk $0xffff, v1  }
0x1be: {  	v2 =	vld [tilespmem:$0x1D700];
	_ =	sdelay $0x7  }
0x1bf: {  	[tilespmem:v2+s24+$0x0] =	vst.idx.add.f32.msk $0xffff, v1  }
0x1c0: {  	v2 =	vld [tilespmem:$0x1D710];
	_ =	sdelay $0x7  }
0x1c1: {  	[tilespmem:v2+s24+$0x0] =	vst.idx.add.f32.msk $0xffff, v1  }
0x1c2: {  	v2 =	vld [tilespmem:$0x1D380];
	_ =	sdelay $0x7  }
0x1c3: {  	[tilespmem:v2+s25+$0x0] =	vst.idx.add.f32.msk $0xffff, v1  }
0x1c4: {  	v2 =	vld [tilespmem:$0x1D390];
	_ =	sdelay $0x7  }
0x1c5: {  	[tilespmem:v2+s25+$0x0] =	vst.idx.add.f32.msk $0xffff, v1  }
0x1c6: {  	v2 =	vld [tilespmem:$0x1D3A0];
	_ =	sdelay $0x7  }
0x1c7: {  	[tilespmem:v2+s25+$0x0] =	vst.idx.add.f32.msk $0xffff, v1  }
0x1c8: {  	v2 =	vld [tilespmem:$0x1D3B0];
	_ =	sdelay $0x7  }
0x1c9: {  	[tilespmem:v2+s25+$0x0] =	vst.idx.add.f32.msk $0xffff, v1  }
0x1ca: {  	v2 =	vld [tilespmem:$0x1D3C0];
	_ =	sdelay $0x7  }
0x1cb: {  	[tilespmem:v2+s25+$0x0] =	vst.idx.add.f32.msk $0xffff, v1  }
0x1cc: {  	v2 =	vld [tilespmem:$0x1D3D0];
	_ =	sdelay $0x7  }
0x1cd: {  	[tilespmem:v2+s25+$0x0] =	vst.idx.add.f32.msk $0xffff, v1  }
0x1ce: {  	v2 =	vld [tilespmem:$0x1D3E0];
	_ =	sdelay $0x7  }
0x1cf: {  	[tilespmem:v2+s25+$0x0] =	vst.idx.add.f32.msk $0xffff, v1  }
0x1d0: {  	v2 =	vld [tilespmem:$0x1D3F0];
	_ =	sdelay $0x7  }
0x1d1: {  	[tilespmem:v2+s25+$0x0] =	vst.idx.add.f32.msk $0xffff, v1  }
0x1d2: {  	v2 =	vld [tilespmem:$0x1D780];
	_ =	sdelay $0x7  }
0x1d3: {  	[tilespmem:v2+s25+$0x0] =	vst.idx.add.f32.msk $0xffff, v1  }
0x1d4: {  	v2 =	vld [tilespmem:$0x1D790];
	_ =	sdelay $0x7  }
0x1d5: {  	[tilespmem:v2+s25+$0x0] =	vst.idx.add.f32.msk $0xffff, v1  }
.LBB2_20:
0x1d6: {  	s0 =	simm.s32 $0xD100  }
0x1d7: {  	v2 =	vld [tilespmem:s0+$0xFFFFFF00];
	_ =	sdelay $0x3  }
0x1d8: {  	s29 =	simm.s32 $0x15800  }
0x1d9: {  	[tilespmem:s29+$0xFFFFF800] =	vst v2  }
0x1da: {  	v2 =	vld [tilespmem:s0+$0xFFFFFF10];
	_ =	sdelay $0x4  }
0x1db: {  	[tilespmem:s29+$0xFFFFF810] =	vst v2  }
0x1dc: {  	v2 =	vld [tilespmem:s0+$0xFFFFFF20];
	_ =	sdelay $0x4  }
0x1dd: {  	[tilespmem:s29+$0xFFFFF820] =	vst v2  }
0x1de: {  	v2 =	vld [tilespmem:s0+$0xFFFFFF30];
	_ =	sdelay $0x4  }
0x1df: {  	[tilespmem:s29+$0xFFFFF830] =	vst v2  }
0x1e0: {  	v2 =	vld [tilespmem:s0+$0xFFFFFF40];
	_ =	sdelay $0x4  }
0x1e1: {  	[tilespmem:s29+$0xFFFFF840] =	vst v2  }
0x1e2: {  	v2 =	vld [tilespmem:s0+$0xFFFFFF50];
	_ =	sdelay $0x4  }
0x1e3: {  	[tilespmem:s29+$0xFFFFF850] =	vst v2  }
0x1e4: {  	v2 =	vld [tilespmem:s0+$0xFFFFFF60];
	_ =	sdelay $0x4  }
0x1e5: {  	[tilespmem:s29+$0xFFFFF860] =	vst v2  }
0x1e6: {  	v2 =	vld [tilespmem:s0+$0xFFFFFF70];
	_ =	sdelay $0x4  }
0x1e7: {  	[tilespmem:s29+$0xFFFFF870] =	vst v2  }
0x1e8: {  	v2 =	vld [tilespmem:s0+$0xFFFFFF80];
	_ =	sdelay $0x4  }
0x1e9: {  	[tilespmem:s29+$0xFFFFFC00] =	vst v2  }
0x1ea: {  	v2 =	vld [tilespmem:s0+$0xFFFFFF90];
	_ =	sdelay $0x4  }
0x1eb: {  	[tilespmem:s29+$0xFFFFFC10] =	vst v2  }
0x1ec: {  	v2 =	vld [tilespmem:s0+$0xFFFFFFA0];
	_ =	sdelay $0x4  }
0x1ed: {  	[tilespmem:s29+$0xFFFFFC20] =	vst v2  }
0x1ee: {  	v2 =	vld [tilespmem:s0+$0xFFFFFFB0];
	_ =	sdelay $0x4  }
0x1ef: {  	[tilespmem:s29+$0xFFFFFC30] =	vst v2  }
0x1f0: {  	v2 =	vld [tilespmem:s0+$0xFFFFFFC0];
	_ =	sdelay $0x4  }
0x1f1: {  	[tilespmem:s29+$0xFFFFFC40] =	vst v2  }
0x1f2: {  	v2 =	vld [tilespmem:s0+$0xFFFFFFD0];
	_ =	sdelay $0x4  }
0x1f3: {  	[tilespmem:s29+$0xFFFFFC50] =	vst v2  }
0x1f4: {  	v2 =	vld [tilespmem:s0+$0xFFFFFFE0];
	_ =	sdelay $0x4  }
0x1f5: {  	[tilespmem:s29+$0xFFFFFC60] =	vst v2  }
0x1f6: {  	v2 =	vld [tilespmem:s0+$0xFFFFFFF0];
	_ =	sdelay $0x4  }
0x1f7: {  	[tilespmem:s29+$0xFFFFFC70] =	vst v2  }
0x1f8: {  	v2 =	vld [tilespmem:s0+$0x0];
	_ =	sdelay $0x4  }
0x1f9: {  	[tilespmem:s29+$0x0] =	vst v2  }
0x1fa: {  	v2 =	vld [tilespmem:s0+$0x10];
	_ =	sdelay $0x4  }
0x1fb: {  	[tilespmem:s29+$0x10] =	vst v2  }
0x1fc: {  	v2 =	vld [tilespmem:s0+$0x20];
	_ =	sdelay $0x4  }
0x1fd: {  	[tilespmem:s29+$0x20] =	vst v2  }
0x1fe: {  	v2 =	vld [tilespmem:s0+$0x30];
	_ =	sdelay $0x4  }
0x1ff: {  	[tilespmem:s29+$0x30] =	vst v2  }
0x200: {  	v2 =	vld [tilespmem:s0+$0x40];
	_ =	sdelay $0x4  }
0x201: {  	[tilespmem:s29+$0x40] =	vst v2  }
0x202: {  	v2 =	vld [tilespmem:s0+$0x50];
	_ =	sdelay $0x4  }
0x203: {  	[tilespmem:s29+$0x50] =	vst v2  }
0x204: {  	v2 =	vld [tilespmem:s0+$0x60];
	_ =	sdelay $0x4  }
0x205: {  	[tilespmem:s29+$0x60] =	vst v2  }
0x206: {  	v2 =	vld [tilespmem:s0+$0x70];
	_ =	sdelay $0x4  }
0x207: {  	[tilespmem:s29+$0x70] =	vst v2  }
0x208: {  	v2 =	vld [tilespmem:s0+$0x80];
	_ =	sdelay $0x4  }
0x209: {  	[tilespmem:s29+$0x400] =	vst v2  }
0x20a: {  	v2 =	vld [tilespmem:s0+$0x90];
	_ =	sdelay $0x4  }
0x20b: {  	[tilespmem:s29+$0x410] =	vst v2  }
0x20c: {  	v2 =	vld [tilespmem:s0+$0xA0];
	_ =	sdelay $0x4  }
0x20d: {  	[tilespmem:s29+$0x420] =	vst v2  }
0x20e: {  	v2 =	vld [tilespmem:s0+$0xB0];
	_ =	sdelay $0x4  }
0x20f: {  	[tilespmem:s29+$0x430] =	vst v2  }
0x210: {  	v2 =	vld [tilespmem:s0+$0xC0];
	_ =	sdelay $0x4  }
0x211: {  	[tilespmem:s29+$0x440] =	vst v2  }
0x212: {  	v2 =	vld [tilespmem:s0+$0xD0];
	_ =	sdelay $0x4  }
0x213: {  	[tilespmem:s29+$0x450] =	vst v2  }
0x214: {  	v2 =	vld [tilespmem:s0+$0xE0];
	_ =	sdelay $0x4  }
0x215: {  	[tilespmem:s29+$0x460] =	vst v2  }
0x216: {  	v2 =	vld [tilespmem:s0+$0xF0];
	_ =	sdelay $0x3  }
0x217: {  	s1 =	simm.s32 $0x0  }
0x218: {  	s31 =	simm.s32 $0xE1F0;
	s30 =	simm.s32 $0x15880;
	s0 =	simm.s32 $0xD300;
	[tilespmem:s29+$0x470] =	vst v2  }
.LBB2_21:
0x219: {  	v2 =	vld [tilespmem:s0+$0xFFFFFF00];
	s1 =	sadd.s32 $0x4, s1  }
0x21a: {  	p2 =	slt.u32 s1, $0x1C;
	_ =	sdelay $0x2  }
0x21b: {  	s29 =	sadd.s32 $0x1000, s29  }
0x21c: {  	[tilespmem:s29+$0xFFFFF800] =	vst v2  }
0x21d: {  	v2 =	vld [tilespmem:s0+$0xFFFFFF10];
	_ =	sdelay $0x4  }
0x21e: {  	[tilespmem:s29+$0xFFFFF810] =	vst v2  }
0x21f: {  	v2 =	vld [tilespmem:s0+$0xFFFFFF20];
	_ =	sdelay $0x4  }
0x220: {  	[tilespmem:s29+$0xFFFFF820] =	vst v2  }
0x221: {  	v2 =	vld [tilespmem:s0+$0xFFFFFF30];
	_ =	sdelay $0x4  }
0x222: {  	[tilespmem:s29+$0xFFFFF830] =	vst v2  }
0x223: {  	v2 =	vld [tilespmem:s0+$0xFFFFFF40];
	_ =	sdelay $0x4  }
0x224: {  	[tilespmem:s29+$0xFFFFF840] =	vst v2  }
0x225: {  	v2 =	vld [tilespmem:s0+$0xFFFFFF50];
	_ =	sdelay $0x4  }
0x226: {  	[tilespmem:s29+$0xFFFFF850] =	vst v2  }
0x227: {  	v2 =	vld [tilespmem:s0+$0xFFFFFF60];
	_ =	sdelay $0x4  }
0x228: {  	[tilespmem:s29+$0xFFFFF860] =	vst v2  }
0x229: {  	v2 =	vld [tilespmem:s0+$0xFFFFFF70];
	_ =	sdelay $0x4  }
0x22a: {  	[tilespmem:s29+$0xFFFFF870] =	vst v2  }
0x22b: {  	v2 =	vld [tilespmem:s0+$0xFFFFFF80];
	_ =	sdelay $0x4  }
0x22c: {  	[tilespmem:s29+$0xFFFFFC00] =	vst v2  }
0x22d: {  	v2 =	vld [tilespmem:s0+$0xFFFFFF90];
	_ =	sdelay $0x4  }
0x22e: {  	[tilespmem:s29+$0xFFFFFC10] =	vst v2  }
0x22f: {  	v2 =	vld [tilespmem:s0+$0xFFFFFFA0];
	_ =	sdelay $0x4  }
0x230: {  	[tilespmem:s29+$0xFFFFFC20] =	vst v2  }
0x231: {  	v2 =	vld [tilespmem:s0+$0xFFFFFFB0];
	_ =	sdelay $0x4  }
0x232: {  	[tilespmem:s29+$0xFFFFFC30] =	vst v2  }
0x233: {  	v2 =	vld [tilespmem:s0+$0xFFFFFFC0];
	_ =	sdelay $0x4  }
0x234: {  	[tilespmem:s29+$0xFFFFFC40] =	vst v2  }
0x235: {  	v2 =	vld [tilespmem:s0+$0xFFFFFFD0];
	_ =	sdelay $0x4  }
0x236: {  	[tilespmem:s29+$0xFFFFFC50] =	vst v2  }
0x237: {  	v2 =	vld [tilespmem:s0+$0xFFFFFFE0];
	_ =	sdelay $0x4  }
0x238: {  	[tilespmem:s29+$0xFFFFFC60] =	vst v2  }
0x239: {  	v2 =	vld [tilespmem:s0+$0xFFFFFFF0];
	_ =	sdelay $0x4  }
0x23a: {  	[tilespmem:s29+$0xFFFFFC70] =	vst v2  }
0x23b: {  	v2 =	vld [tilespmem:s0+$0x0];
	_ =	sdelay $0x4  }
0x23c: {  	[tilespmem:s29+$0x0] =	vst v2  }
0x23d: {  	v2 =	vld [tilespmem:s0+$0x10];
	_ =	sdelay $0x4  }
0x23e: {  	[tilespmem:s29+$0x10] =	vst v2  }
0x23f: {  	v2 =	vld [tilespmem:s0+$0x20];
	_ =	sdelay $0x4  }
0x240: {  	[tilespmem:s29+$0x20] =	vst v2  }
0x241: {  	v2 =	vld [tilespmem:s0+$0x30];
	_ =	sdelay $0x4  }
0x242: {  	[tilespmem:s29+$0x30] =	vst v2  }
0x243: {  	v2 =	vld [tilespmem:s0+$0x40];
	_ =	sdelay $0x4  }
0x244: {  	[tilespmem:s29+$0x40] =	vst v2  }
0x245: {  	v2 =	vld [tilespmem:s0+$0x50];
	_ =	sdelay $0x4  }
0x246: {  	[tilespmem:s29+$0x50] =	vst v2  }
0x247: {  	v2 =	vld [tilespmem:s0+$0x60];
	_ =	sdelay $0x4  }
0x248: {  	[tilespmem:s29+$0x60] =	vst v2  }
0x249: {  	v2 =	vld [tilespmem:s0+$0x70];
	_ =	sdelay $0x4  }
0x24a: {  	[tilespmem:s29+$0x70] =	vst v2  }
0x24b: {  	v2 =	vld [tilespmem:s0+$0x80];
	_ =	sdelay $0x4  }
0x24c: {  	[tilespmem:s29+$0x400] =	vst v2  }
0x24d: {  	v2 =	vld [tilespmem:s0+$0x90];
	_ =	sdelay $0x4  }
0x24e: {  	[tilespmem:s29+$0x410] =	vst v2  }
0x24f: {  	v2 =	vld [tilespmem:s0+$0xA0];
	_ =	sdelay $0x4  }
0x250: {  	[tilespmem:s29+$0x420] =	vst v2  }
0x251: {  	v2 =	vld [tilespmem:s0+$0xB0];
	_ =	sdelay $0x4  }
0x252: {  	[tilespmem:s29+$0x430] =	vst v2  }
0x253: {  	v2 =	vld [tilespmem:s0+$0xC0];
	_ =	sdelay $0x4  }
0x254: {  	[tilespmem:s29+$0x440] =	vst v2  }
0x255: {  	v2 =	vld [tilespmem:s0+$0xD0];
	_ =	sdelay $0x4  }
0x256: {  	[tilespmem:s29+$0x450] =	vst v2  }
0x257: {  	v2 =	vld [tilespmem:s0+$0xE0];
	_ =	sdelay $0x4  }
0x258: {  	[tilespmem:s29+$0x460] =	vst v2  }
0x259: {  	v2 =	vld [tilespmem:s0+$0xF0]  }
.Ltmp10:
0x25a: {  	(pc) =	sbr.rel @p2 .LBB2_21-.Ltmp10, $2  }
0x25b: {  	_ =	sdelay $0x2  }
0x25c: {  	s0 =	sadd.s32 $0x200, s0;
	[tilespmem:s29+$0x470] =	vst v2  }
0x25d: {  	v2 =	vld [tilespmem:s31+$0xFFFFFE10];
	_ =	sdelay $0x4  }
0x25e: {  	[tilespmem:s30+$0xFFFFF800] =	vst v2  }
0x25f: {  	v2 =	vld [tilespmem:s31+$0xFFFFFE20];
	_ =	sdelay $0x4  }
0x260: {  	[tilespmem:s30+$0xFFFFF810] =	vst v2  }
0x261: {  	v2 =	vld [tilespmem:s31+$0xFFFFFE30];
	_ =	sdelay $0x4  }
0x262: {  	[tilespmem:s30+$0xFFFFF820] =	vst v2  }
0x263: {  	v2 =	vld [tilespmem:s31+$0xFFFFFE40];
	_ =	sdelay $0x4  }
0x264: {  	[tilespmem:s30+$0xFFFFF830] =	vst v2  }
0x265: {  	v2 =	vld [tilespmem:s31+$0xFFFFFE50];
	_ =	sdelay $0x4  }
0x266: {  	[tilespmem:s30+$0xFFFFF840] =	vst v2  }
0x267: {  	v2 =	vld [tilespmem:s31+$0xFFFFFE60];
	_ =	sdelay $0x4  }
0x268: {  	[tilespmem:s30+$0xFFFFF850] =	vst v2  }
0x269: {  	v2 =	vld [tilespmem:s31+$0xFFFFFE70];
	_ =	sdelay $0x4  }
0x26a: {  	[tilespmem:s30+$0xFFFFF860] =	vst v2  }
0x26b: {  	v2 =	vld [tilespmem:s31+$0xFFFFFE80];
	_ =	sdelay $0x4  }
0x26c: {  	[tilespmem:s30+$0xFFFFF870] =	vst v2  }
0x26d: {  	v2 =	vld [tilespmem:s31+$0xFFFFFE90];
	_ =	sdelay $0x4  }
0x26e: {  	[tilespmem:s30+$0xFFFFFC00] =	vst v2  }
0x26f: {  	v2 =	vld [tilespmem:s31+$0xFFFFFEA0];
	_ =	sdelay $0x4  }
0x270: {  	[tilespmem:s30+$0xFFFFFC10] =	vst v2  }
0x271: {  	v2 =	vld [tilespmem:s31+$0xFFFFFEB0];
	_ =	sdelay $0x4  }
0x272: {  	[tilespmem:s30+$0xFFFFFC20] =	vst v2  }
0x273: {  	v2 =	vld [tilespmem:s31+$0xFFFFFEC0];
	_ =	sdelay $0x4  }
0x274: {  	[tilespmem:s30+$0xFFFFFC30] =	vst v2  }
0x275: {  	v2 =	vld [tilespmem:s31+$0xFFFFFED0];
	_ =	sdelay $0x4  }
0x276: {  	[tilespmem:s30+$0xFFFFFC40] =	vst v2  }
0x277: {  	v2 =	vld [tilespmem:s31+$0xFFFFFEE0];
	_ =	sdelay $0x4  }
0x278: {  	[tilespmem:s30+$0xFFFFFC50] =	vst v2  }
0x279: {  	v2 =	vld [tilespmem:s31+$0xFFFFFEF0];
	_ =	sdelay $0x4  }
0x27a: {  	[tilespmem:s30+$0xFFFFFC60] =	vst v2  }
0x27b: {  	v2 =	vld [tilespmem:s31+$0xFFFFFF00];
	_ =	sdelay $0x4  }
0x27c: {  	[tilespmem:s30+$0xFFFFFC70] =	vst v2  }
0x27d: {  	v2 =	vld [tilespmem:s31+$0xFFFFFF10];
	_ =	sdelay $0x4  }
0x27e: {  	[tilespmem:s30+$0x0] =	vst v2  }
0x27f: {  	v2 =	vld [tilespmem:s31+$0xFFFFFF20];
	_ =	sdelay $0x4  }
0x280: {  	[tilespmem:s30+$0x10] =	vst v2  }
0x281: {  	v2 =	vld [tilespmem:s31+$0xFFFFFF30];
	_ =	sdelay $0x4  }
0x282: {  	[tilespmem:s30+$0x20] =	vst v2  }
0x283: {  	v2 =	vld [tilespmem:s31+$0xFFFFFF40];
	_ =	sdelay $0x4  }
0x284: {  	[tilespmem:s30+$0x30] =	vst v2  }
0x285: {  	v2 =	vld [tilespmem:s31+$0xFFFFFF50];
	_ =	sdelay $0x4  }
0x286: {  	[tilespmem:s30+$0x40] =	vst v2  }
0x287: {  	v2 =	vld [tilespmem:s31+$0xFFFFFF60];
	_ =	sdelay $0x4  }
0x288: {  	[tilespmem:s30+$0x50] =	vst v2  }
0x289: {  	v2 =	vld [tilespmem:s31+$0xFFFFFF70];
	_ =	sdelay $0x4  }
0x28a: {  	[tilespmem:s30+$0x60] =	vst v2  }
0x28b: {  	v2 =	vld [tilespmem:s31+$0xFFFFFF80];
	_ =	sdelay $0x4  }
0x28c: {  	[tilespmem:s30+$0x70] =	vst v2  }
0x28d: {  	v2 =	vld [tilespmem:s31+$0xFFFFFF90];
	_ =	sdelay $0x4  }
0x28e: {  	[tilespmem:s30+$0x400] =	vst v2  }
0x28f: {  	v2 =	vld [tilespmem:s31+$0xFFFFFFA0];
	_ =	sdelay $0x4  }
0x290: {  	[tilespmem:s30+$0x410] =	vst v2  }
0x291: {  	v2 =	vld [tilespmem:s31+$0xFFFFFFB0];
	_ =	sdelay $0x4  }
0x292: {  	[tilespmem:s30+$0x420] =	vst v2  }
0x293: {  	v2 =	vld [tilespmem:s31+$0xFFFFFFC0];
	_ =	sdelay $0x4  }
0x294: {  	[tilespmem:s30+$0x430] =	vst v2  }
0x295: {  	v2 =	vld [tilespmem:s31+$0xFFFFFFD0];
	_ =	sdelay $0x4  }
0x296: {  	[tilespmem:s30+$0x440] =	vst v2  }
0x297: {  	v2 =	vld [tilespmem:s31+$0xFFFFFFE0];
	_ =	sdelay $0x4  }
0x298: {  	[tilespmem:s30+$0x450] =	vst v2  }
0x299: {  	v2 =	vld [tilespmem:s31+$0xFFFFFFF0];
	_ =	sdelay $0x4  }
0x29a: {  	[tilespmem:s30+$0x460] =	vst v2  }
0x29b: {  	v2 =	vld [tilespmem:s31+$0x0];
	_ =	sdelay $0x3  }
0x29c: {  	s1 =	simm.s32 $0x0  }
0x29d: {  	s29 =	simm.s32 $0x15900;
	s0 =	simm.s32 $0xE3F0;
	s31 =	simm.s32 $0xF1F0;
	[tilespmem:s30+$0x470] =	vst v2  }
.LBB2_23:
0x29e: {  	v2 =	vld [tilespmem:s0+$0xFFFFFE10];
	s1 =	sadd.s32 $0x4, s1  }
0x29f: {  	p2 =	slt.u32 s1, $0x1C;
	_ =	sdelay $0x2  }
0x2a0: {  	s30 =	sadd.s32 $0x1000, s30  }
0x2a1: {  	[tilespmem:s30+$0xFFFFF800] =	vst v2  }
0x2a2: {  	v2 =	vld [tilespmem:s0+$0xFFFFFE20];
	_ =	sdelay $0x4  }
0x2a3: {  	[tilespmem:s30+$0xFFFFF810] =	vst v2  }
0x2a4: {  	v2 =	vld [tilespmem:s0+$0xFFFFFE30];
	_ =	sdelay $0x4  }
0x2a5: {  	[tilespmem:s30+$0xFFFFF820] =	vst v2  }
0x2a6: {  	v2 =	vld [tilespmem:s0+$0xFFFFFE40];
	_ =	sdelay $0x4  }
0x2a7: {  	[tilespmem:s30+$0xFFFFF830] =	vst v2  }
0x2a8: {  	v2 =	vld [tilespmem:s0+$0xFFFFFE50];
	_ =	sdelay $0x4  }
0x2a9: {  	[tilespmem:s30+$0xFFFFF840] =	vst v2  }
0x2aa: {  	v2 =	vld [tilespmem:s0+$0xFFFFFE60];
	_ =	sdelay $0x4  }
0x2ab: {  	[tilespmem:s30+$0xFFFFF850] =	vst v2  }
0x2ac: {  	v2 =	vld [tilespmem:s0+$0xFFFFFE70];
	_ =	sdelay $0x4  }
0x2ad: {  	[tilespmem:s30+$0xFFFFF860] =	vst v2  }
0x2ae: {  	v2 =	vld [tilespmem:s0+$0xFFFFFE80];
	_ =	sdelay $0x4  }
0x2af: {  	[tilespmem:s30+$0xFFFFF870] =	vst v2  }
0x2b0: {  	v2 =	vld [tilespmem:s0+$0xFFFFFE90];
	_ =	sdelay $0x4  }
0x2b1: {  	[tilespmem:s30+$0xFFFFFC00] =	vst v2  }
0x2b2: {  	v2 =	vld [tilespmem:s0+$0xFFFFFEA0];
	_ =	sdelay $0x4  }
0x2b3: {  	[tilespmem:s30+$0xFFFFFC10] =	vst v2  }
0x2b4: {  	v2 =	vld [tilespmem:s0+$0xFFFFFEB0];
	_ =	sdelay $0x4  }
0x2b5: {  	[tilespmem:s30+$0xFFFFFC20] =	vst v2  }
0x2b6: {  	v2 =	vld [tilespmem:s0+$0xFFFFFEC0];
	_ =	sdelay $0x4  }
0x2b7: {  	[tilespmem:s30+$0xFFFFFC30] =	vst v2  }
0x2b8: {  	v2 =	vld [tilespmem:s0+$0xFFFFFED0];
	_ =	sdelay $0x4  }
0x2b9: {  	[tilespmem:s30+$0xFFFFFC40] =	vst v2  }
0x2ba: {  	v2 =	vld [tilespmem:s0+$0xFFFFFEE0];
	_ =	sdelay $0x4  }
0x2bb: {  	[tilespmem:s30+$0xFFFFFC50] =	vst v2  }
0x2bc: {  	v2 =	vld [tilespmem:s0+$0xFFFFFEF0];
	_ =	sdelay $0x4  }
0x2bd: {  	[tilespmem:s30+$0xFFFFFC60] =	vst v2  }
0x2be: {  	v2 =	vld [tilespmem:s0+$0xFFFFFF00];
	_ =	sdelay $0x4  }
0x2bf: {  	[tilespmem:s30+$0xFFFFFC70] =	vst v2  }
0x2c0: {  	v2 =	vld [tilespmem:s0+$0xFFFFFF10];
	_ =	sdelay $0x4  }
0x2c1: {  	[tilespmem:s30+$0x0] =	vst v2  }
0x2c2: {  	v2 =	vld [tilespmem:s0+$0xFFFFFF20];
	_ =	sdelay $0x4  }
0x2c3: {  	[tilespmem:s30+$0x10] =	vst v2  }
0x2c4: {  	v2 =	vld [tilespmem:s0+$0xFFFFFF30];
	_ =	sdelay $0x4  }
0x2c5: {  	[tilespmem:s30+$0x20] =	vst v2  }
0x2c6: {  	v2 =	vld [tilespmem:s0+$0xFFFFFF40];
	_ =	sdelay $0x4  }
0x2c7: {  	[tilespmem:s30+$0x30] =	vst v2  }
0x2c8: {  	v2 =	vld [tilespmem:s0+$0xFFFFFF50];
	_ =	sdelay $0x4  }
0x2c9: {  	[tilespmem:s30+$0x40] =	vst v2  }
0x2ca: {  	v2 =	vld [tilespmem:s0+$0xFFFFFF60];
	_ =	sdelay $0x4  }
0x2cb: {  	[tilespmem:s30+$0x50] =	vst v2  }
0x2cc: {  	v2 =	vld [tilespmem:s0+$0xFFFFFF70];
	_ =	sdelay $0x4  }
0x2cd: {  	[tilespmem:s30+$0x60] =	vst v2  }
0x2ce: {  	v2 =	vld [tilespmem:s0+$0xFFFFFF80];
	_ =	sdelay $0x4  }
0x2cf: {  	[tilespmem:s30+$0x70] =	vst v2  }
0x2d0: {  	v2 =	vld [tilespmem:s0+$0xFFFFFF90];
	_ =	sdelay $0x4  }
0x2d1: {  	[tilespmem:s30+$0x400] =	vst v2  }
0x2d2: {  	v2 =	vld [tilespmem:s0+$0xFFFFFFA0];
	_ =	sdelay $0x4  }
0x2d3: {  	[tilespmem:s30+$0x410] =	vst v2  }
0x2d4: {  	v2 =	vld [tilespmem:s0+$0xFFFFFFB0];
	_ =	sdelay $0x4  }
0x2d5: {  	[tilespmem:s30+$0x420] =	vst v2  }
0x2d6: {  	v2 =	vld [tilespmem:s0+$0xFFFFFFC0];
	_ =	sdelay $0x4  }
0x2d7: {  	[tilespmem:s30+$0x430] =	vst v2  }
0x2d8: {  	v2 =	vld [tilespmem:s0+$0xFFFFFFD0];
	_ =	sdelay $0x4  }
0x2d9: {  	[tilespmem:s30+$0x440] =	vst v2  }
0x2da: {  	v2 =	vld [tilespmem:s0+$0xFFFFFFE0];
	_ =	sdelay $0x4  }
0x2db: {  	[tilespmem:s30+$0x450] =	vst v2  }
0x2dc: {  	v2 =	vld [tilespmem:s0+$0xFFFFFFF0];
	_ =	sdelay $0x4  }
0x2dd: {  	[tilespmem:s30+$0x460] =	vst v2  }
0x2de: {  	v2 =	vld [tilespmem:s0+$0x0]  }
.Ltmp11:
0x2df: {  	(pc) =	sbr.rel @p2 .LBB2_23-.Ltmp11, $2  }
0x2e0: {  	_ =	sdelay $0x2  }
0x2e1: {  	s0 =	sadd.s32 $0x200, s0;
	[tilespmem:s30+$0x470] =	vst v2  }
0x2e2: {  	v2 =	vld [tilespmem:s31+$0xFFFFFE10];
	_ =	sdelay $0x4  }
0x2e3: {  	[tilespmem:s29+$0xFFFFF800] =	vst v2  }
0x2e4: {  	v2 =	vld [tilespmem:s31+$0xFFFFFE20];
	_ =	sdelay $0x4  }
0x2e5: {  	[tilespmem:s29+$0xFFFFF810] =	vst v2  }
0x2e6: {  	v2 =	vld [tilespmem:s31+$0xFFFFFE30];
	_ =	sdelay $0x4  }
0x2e7: {  	[tilespmem:s29+$0xFFFFF820] =	vst v2  }
0x2e8: {  	v2 =	vld [tilespmem:s31+$0xFFFFFE40];
	_ =	sdelay $0x4  }
0x2e9: {  	[tilespmem:s29+$0xFFFFF830] =	vst v2  }
0x2ea: {  	v2 =	vld [tilespmem:s31+$0xFFFFFE50];
	_ =	sdelay $0x4  }
0x2eb: {  	[tilespmem:s29+$0xFFFFF840] =	vst v2  }
0x2ec: {  	v2 =	vld [tilespmem:s31+$0xFFFFFE60];
	_ =	sdelay $0x4  }
0x2ed: {  	[tilespmem:s29+$0xFFFFF850] =	vst v2  }
0x2ee: {  	v2 =	vld [tilespmem:s31+$0xFFFFFE70];
	_ =	sdelay $0x4  }
0x2ef: {  	[tilespmem:s29+$0xFFFFF860] =	vst v2  }
0x2f0: {  	v2 =	vld [tilespmem:s31+$0xFFFFFE80];
	_ =	sdelay $0x4  }
0x2f1: {  	[tilespmem:s29+$0xFFFFF870] =	vst v2  }
0x2f2: {  	v2 =	vld [tilespmem:s31+$0xFFFFFE90];
	_ =	sdelay $0x4  }
0x2f3: {  	[tilespmem:s29+$0xFFFFFC00] =	vst v2  }
0x2f4: {  	v2 =	vld [tilespmem:s31+$0xFFFFFEA0];
	_ =	sdelay $0x4  }
0x2f5: {  	[tilespmem:s29+$0xFFFFFC10] =	vst v2  }
0x2f6: {  	v2 =	vld [tilespmem:s31+$0xFFFFFEB0];
	_ =	sdelay $0x4  }
0x2f7: {  	[tilespmem:s29+$0xFFFFFC20] =	vst v2  }
0x2f8: {  	v2 =	vld [tilespmem:s31+$0xFFFFFEC0];
	_ =	sdelay $0x4  }
0x2f9: {  	[tilespmem:s29+$0xFFFFFC30] =	vst v2  }
0x2fa: {  	v2 =	vld [tilespmem:s31+$0xFFFFFED0];
	_ =	sdelay $0x4  }
0x2fb: {  	[tilespmem:s29+$0xFFFFFC40] =	vst v2  }
0x2fc: {  	v2 =	vld [tilespmem:s31+$0xFFFFFEE0];
	_ =	sdelay $0x4  }
0x2fd: {  	[tilespmem:s29+$0xFFFFFC50] =	vst v2  }
0x2fe: {  	v2 =	vld [tilespmem:s31+$0xFFFFFEF0];
	_ =	sdelay $0x4  }
0x2ff: {  	[tilespmem:s29+$0xFFFFFC60] =	vst v2  }
0x300: {  	v2 =	vld [tilespmem:s31+$0xFFFFFF00];
	_ =	sdelay $0x4  }
0x301: {  	[tilespmem:s29+$0xFFFFFC70] =	vst v2  }
0x302: {  	v2 =	vld [tilespmem:s31+$0xFFFFFF10];
	_ =	sdelay $0x4  }
0x303: {  	[tilespmem:s29+$0x0] =	vst v2  }
0x304: {  	v2 =	vld [tilespmem:s31+$0xFFFFFF20];
	_ =	sdelay $0x4  }
0x305: {  	[tilespmem:s29+$0x10] =	vst v2  }
0x306: {  	v2 =	vld [tilespmem:s31+$0xFFFFFF30];
	_ =	sdelay $0x4  }
0x307: {  	[tilespmem:s29+$0x20] =	vst v2  }
0x308: {  	v2 =	vld [tilespmem:s31+$0xFFFFFF40];
	_ =	sdelay $0x4  }
0x309: {  	[tilespmem:s29+$0x30] =	vst v2  }
0x30a: {  	v2 =	vld [tilespmem:s31+$0xFFFFFF50];
	_ =	sdelay $0x4  }
0x30b: {  	[tilespmem:s29+$0x40] =	vst v2  }
0x30c: {  	v2 =	vld [tilespmem:s31+$0xFFFFFF60];
	_ =	sdelay $0x4  }
0x30d: {  	[tilespmem:s29+$0x50] =	vst v2  }
0x30e: {  	v2 =	vld [tilespmem:s31+$0xFFFFFF70];
	_ =	sdelay $0x4  }
0x30f: {  	[tilespmem:s29+$0x60] =	vst v2  }
0x310: {  	v2 =	vld [tilespmem:s31+$0xFFFFFF80];
	_ =	sdelay $0x4  }
0x311: {  	[tilespmem:s29+$0x70] =	vst v2  }
0x312: {  	v2 =	vld [tilespmem:s31+$0xFFFFFF90];
	_ =	sdelay $0x4  }
0x313: {  	[tilespmem:s29+$0x400] =	vst v2  }
0x314: {  	v2 =	vld [tilespmem:s31+$0xFFFFFFA0];
	_ =	sdelay $0x4  }
0x315: {  	[tilespmem:s29+$0x410] =	vst v2  }
0x316: {  	v2 =	vld [tilespmem:s31+$0xFFFFFFB0];
	_ =	sdelay $0x4  }
0x317: {  	[tilespmem:s29+$0x420] =	vst v2  }
0x318: {  	v2 =	vld [tilespmem:s31+$0xFFFFFFC0];
	_ =	sdelay $0x4  }
0x319: {  	[tilespmem:s29+$0x430] =	vst v2  }
0x31a: {  	v2 =	vld [tilespmem:s31+$0xFFFFFFD0];
	_ =	sdelay $0x4  }
0x31b: {  	[tilespmem:s29+$0x440] =	vst v2  }
0x31c: {  	v2 =	vld [tilespmem:s31+$0xFFFFFFE0];
	_ =	sdelay $0x4  }
0x31d: {  	[tilespmem:s29+$0x450] =	vst v2  }
0x31e: {  	v2 =	vld [tilespmem:s31+$0xFFFFFFF0];
	_ =	sdelay $0x4  }
0x31f: {  	[tilespmem:s29+$0x460] =	vst v2  }
0x320: {  	v2 =	vld [tilespmem:s31+$0x0];
	_ =	sdelay $0x3  }
0x321: {  	s1 =	simm.s32 $0x0  }
0x322: {  	s0 =	simm.s32 $0xF3F0;
	s30 =	simm.s32 $0x15980;
	s31 =	simm.s32 $0x101F0;
	[tilespmem:s29+$0x470] =	vst v2  }
.LBB2_25:
0x323: {  	v2 =	vld [tilespmem:s0+$0xFFFFFE10];
	s1 =	sadd.s32 $0x4, s1  }
0x324: {  	p2 =	slt.u32 s1, $0x1C;
	_ =	sdelay $0x2  }
0x325: {  	s29 =	sadd.s32 $0x1000, s29  }
0x326: {  	[tilespmem:s29+$0xFFFFF800] =	vst v2  }
0x327: {  	v2 =	vld [tilespmem:s0+$0xFFFFFE20];
	_ =	sdelay $0x4  }
0x328: {  	[tilespmem:s29+$0xFFFFF810] =	vst v2  }
0x329: {  	v2 =	vld [tilespmem:s0+$0xFFFFFE30];
	_ =	sdelay $0x4  }
0x32a: {  	[tilespmem:s29+$0xFFFFF820] =	vst v2  }
0x32b: {  	v2 =	vld [tilespmem:s0+$0xFFFFFE40];
	_ =	sdelay $0x4  }
0x32c: {  	[tilespmem:s29+$0xFFFFF830] =	vst v2  }
0x32d: {  	v2 =	vld [tilespmem:s0+$0xFFFFFE50];
	_ =	sdelay $0x4  }
0x32e: {  	[tilespmem:s29+$0xFFFFF840] =	vst v2  }
0x32f: {  	v2 =	vld [tilespmem:s0+$0xFFFFFE60];
	_ =	sdelay $0x4  }
0x330: {  	[tilespmem:s29+$0xFFFFF850] =	vst v2  }
0x331: {  	v2 =	vld [tilespmem:s0+$0xFFFFFE70];
	_ =	sdelay $0x4  }
0x332: {  	[tilespmem:s29+$0xFFFFF860] =	vst v2  }
0x333: {  	v2 =	vld [tilespmem:s0+$0xFFFFFE80];
	_ =	sdelay $0x4  }
0x334: {  	[tilespmem:s29+$0xFFFFF870] =	vst v2  }
0x335: {  	v2 =	vld [tilespmem:s0+$0xFFFFFE90];
	_ =	sdelay $0x4  }
0x336: {  	[tilespmem:s29+$0xFFFFFC00] =	vst v2  }
0x337: {  	v2 =	vld [tilespmem:s0+$0xFFFFFEA0];
	_ =	sdelay $0x4  }
0x338: {  	[tilespmem:s29+$0xFFFFFC10] =	vst v2  }
0x339: {  	v2 =	vld [tilespmem:s0+$0xFFFFFEB0];
	_ =	sdelay $0x4  }
0x33a: {  	[tilespmem:s29+$0xFFFFFC20] =	vst v2  }
0x33b: {  	v2 =	vld [tilespmem:s0+$0xFFFFFEC0];
	_ =	sdelay $0x4  }
0x33c: {  	[tilespmem:s29+$0xFFFFFC30] =	vst v2  }
0x33d: {  	v2 =	vld [tilespmem:s0+$0xFFFFFED0];
	_ =	sdelay $0x4  }
0x33e: {  	[tilespmem:s29+$0xFFFFFC40] =	vst v2  }
0x33f: {  	v2 =	vld [tilespmem:s0+$0xFFFFFEE0];
	_ =	sdelay $0x4  }
0x340: {  	[tilespmem:s29+$0xFFFFFC50] =	vst v2  }
0x341: {  	v2 =	vld [tilespmem:s0+$0xFFFFFEF0];
	_ =	sdelay $0x4  }
0x342: {  	[tilespmem:s29+$0xFFFFFC60] =	vst v2  }
0x343: {  	v2 =	vld [tilespmem:s0+$0xFFFFFF00];
	_ =	sdelay $0x4  }
0x344: {  	[tilespmem:s29+$0xFFFFFC70] =	vst v2  }
0x345: {  	v2 =	vld [tilespmem:s0+$0xFFFFFF10];
	_ =	sdelay $0x4  }
0x346: {  	[tilespmem:s29+$0x0] =	vst v2  }
0x347: {  	v2 =	vld [tilespmem:s0+$0xFFFFFF20];
	_ =	sdelay $0x4  }
0x348: {  	[tilespmem:s29+$0x10] =	vst v2  }
0x349: {  	v2 =	vld [tilespmem:s0+$0xFFFFFF30];
	_ =	sdelay $0x4  }
0x34a: {  	[tilespmem:s29+$0x20] =	vst v2  }
0x34b: {  	v2 =	vld [tilespmem:s0+$0xFFFFFF40];
	_ =	sdelay $0x4  }
0x34c: {  	[tilespmem:s29+$0x30] =	vst v2  }
0x34d: {  	v2 =	vld [tilespmem:s0+$0xFFFFFF50];
	_ =	sdelay $0x4  }
0x34e: {  	[tilespmem:s29+$0x40] =	vst v2  }
0x34f: {  	v2 =	vld [tilespmem:s0+$0xFFFFFF60];
	_ =	sdelay $0x4  }
0x350: {  	[tilespmem:s29+$0x50] =	vst v2  }
0x351: {  	v2 =	vld [tilespmem:s0+$0xFFFFFF70];
	_ =	sdelay $0x4  }
0x352: {  	[tilespmem:s29+$0x60] =	vst v2  }
0x353: {  	v2 =	vld [tilespmem:s0+$0xFFFFFF80];
	_ =	sdelay $0x4  }
0x354: {  	[tilespmem:s29+$0x70] =	vst v2  }
0x355: {  	v2 =	vld [tilespmem:s0+$0xFFFFFF90];
	_ =	sdelay $0x4  }
0x356: {  	[tilespmem:s29+$0x400] =	vst v2  }
0x357: {  	v2 =	vld [tilespmem:s0+$0xFFFFFFA0];
	_ =	sdelay $0x4  }
0x358: {  	[tilespmem:s29+$0x410] =	vst v2  }
0x359: {  	v2 =	vld [tilespmem:s0+$0xFFFFFFB0];
	_ =	sdelay $0x4  }
0x35a: {  	[tilespmem:s29+$0x420] =	vst v2  }
0x35b: {  	v2 =	vld [tilespmem:s0+$0xFFFFFFC0];
	_ =	sdelay $0x4  }
0x35c: {  	[tilespmem:s29+$0x430] =	vst v2  }
0x35d: {  	v2 =	vld [tilespmem:s0+$0xFFFFFFD0];
	_ =	sdelay $0x4  }
0x35e: {  	[tilespmem:s29+$0x440] =	vst v2  }
0x35f: {  	v2 =	vld [tilespmem:s0+$0xFFFFFFE0];
	_ =	sdelay $0x4  }
0x360: {  	[tilespmem:s29+$0x450] =	vst v2  }
0x361: {  	v2 =	vld [tilespmem:s0+$0xFFFFFFF0];
	_ =	sdelay $0x4  }
0x362: {  	[tilespmem:s29+$0x460] =	vst v2  }
0x363: {  	v2 =	vld [tilespmem:s0+$0x0]  }
.Ltmp12:
0x364: {  	(pc) =	sbr.rel @p2 .LBB2_25-.Ltmp12, $2  }
0x365: {  	_ =	sdelay $0x2  }
0x366: {  	s0 =	sadd.s32 $0x200, s0;
	[tilespmem:s29+$0x470] =	vst v2  }
0x367: {  	v2 =	vld [tilespmem:s31+$0xFFFFFE10];
	_ =	sdelay $0x4  }
0x368: {  	[tilespmem:s30+$0xFFFFF800] =	vst v2  }
0x369: {  	v2 =	vld [tilespmem:s31+$0xFFFFFE20];
	_ =	sdelay $0x4  }
0x36a: {  	[tilespmem:s30+$0xFFFFF810] =	vst v2  }
0x36b: {  	v2 =	vld [tilespmem:s31+$0xFFFFFE30];
	_ =	sdelay $0x4  }
0x36c: {  	[tilespmem:s30+$0xFFFFF820] =	vst v2  }
0x36d: {  	v2 =	vld [tilespmem:s31+$0xFFFFFE40];
	_ =	sdelay $0x4  }
0x36e: {  	[tilespmem:s30+$0xFFFFF830] =	vst v2  }
0x36f: {  	v2 =	vld [tilespmem:s31+$0xFFFFFE50];
	_ =	sdelay $0x4  }
0x370: {  	[tilespmem:s30+$0xFFFFF840] =	vst v2  }
0x371: {  	v2 =	vld [tilespmem:s31+$0xFFFFFE60];
	_ =	sdelay $0x4  }
0x372: {  	[tilespmem:s30+$0xFFFFF850] =	vst v2  }
0x373: {  	v2 =	vld [tilespmem:s31+$0xFFFFFE70];
	_ =	sdelay $0x4  }
0x374: {  	[tilespmem:s30+$0xFFFFF860] =	vst v2  }
0x375: {  	v2 =	vld [tilespmem:s31+$0xFFFFFE80];
	_ =	sdelay $0x4  }
0x376: {  	[tilespmem:s30+$0xFFFFF870] =	vst v2  }
0x377: {  	v2 =	vld [tilespmem:s31+$0xFFFFFE90];
	_ =	sdelay $0x4  }
0x378: {  	[tilespmem:s30+$0xFFFFFC00] =	vst v2  }
0x379: {  	v2 =	vld [tilespmem:s31+$0xFFFFFEA0];
	_ =	sdelay $0x4  }
0x37a: {  	[tilespmem:s30+$0xFFFFFC10] =	vst v2  }
0x37b: {  	v2 =	vld [tilespmem:s31+$0xFFFFFEB0];
	_ =	sdelay $0x4  }
0x37c: {  	[tilespmem:s30+$0xFFFFFC20] =	vst v2  }
0x37d: {  	v2 =	vld [tilespmem:s31+$0xFFFFFEC0];
	_ =	sdelay $0x4  }
0x37e: {  	[tilespmem:s30+$0xFFFFFC30] =	vst v2  }
0x37f: {  	v2 =	vld [tilespmem:s31+$0xFFFFFED0];
	_ =	sdelay $0x4  }
0x380: {  	[tilespmem:s30+$0xFFFFFC40] =	vst v2  }
0x381: {  	v2 =	vld [tilespmem:s31+$0xFFFFFEE0];
	_ =	sdelay $0x4  }
0x382: {  	[tilespmem:s30+$0xFFFFFC50] =	vst v2  }
0x383: {  	v2 =	vld [tilespmem:s31+$0xFFFFFEF0];
	_ =	sdelay $0x4  }
0x384: {  	[tilespmem:s30+$0xFFFFFC60] =	vst v2  }
0x385: {  	v2 =	vld [tilespmem:s31+$0xFFFFFF00];
	_ =	sdelay $0x4  }
0x386: {  	[tilespmem:s30+$0xFFFFFC70] =	vst v2  }
0x387: {  	v2 =	vld [tilespmem:s31+$0xFFFFFF10];
	_ =	sdelay $0x4  }
0x388: {  	[tilespmem:s30+$0x0] =	vst v2  }
0x389: {  	v2 =	vld [tilespmem:s31+$0xFFFFFF20];
	_ =	sdelay $0x4  }
0x38a: {  	[tilespmem:s30+$0x10] =	vst v2  }
0x38b: {  	v2 =	vld [tilespmem:s31+$0xFFFFFF30];
	_ =	sdelay $0x4  }
0x38c: {  	[tilespmem:s30+$0x20] =	vst v2  }
0x38d: {  	v2 =	vld [tilespmem:s31+$0xFFFFFF40];
	_ =	sdelay $0x4  }
0x38e: {  	[tilespmem:s30+$0x30] =	vst v2  }
0x38f: {  	v2 =	vld [tilespmem:s31+$0xFFFFFF50];
	_ =	sdelay $0x4  }
0x390: {  	[tilespmem:s30+$0x40] =	vst v2  }
0x391: {  	v2 =	vld [tilespmem:s31+$0xFFFFFF60];
	_ =	sdelay $0x4  }
0x392: {  	[tilespmem:s30+$0x50] =	vst v2  }
0x393: {  	v2 =	vld [tilespmem:s31+$0xFFFFFF70];
	_ =	sdelay $0x4  }
0x394: {  	[tilespmem:s30+$0x60] =	vst v2  }
0x395: {  	v2 =	vld [tilespmem:s31+$0xFFFFFF80];
	_ =	sdelay $0x4  }
0x396: {  	[tilespmem:s30+$0x70] =	vst v2  }
0x397: {  	v2 =	vld [tilespmem:s31+$0xFFFFFF90];
	_ =	sdelay $0x4  }
0x398: {  	[tilespmem:s30+$0x400] =	vst v2  }
0x399: {  	v2 =	vld [tilespmem:s31+$0xFFFFFFA0];
	_ =	sdelay $0x4  }
0x39a: {  	[tilespmem:s30+$0x410] =	vst v2  }
0x39b: {  	v2 =	vld [tilespmem:s31+$0xFFFFFFB0];
	_ =	sdelay $0x4  }
0x39c: {  	[tilespmem:s30+$0x420] =	vst v2  }
0x39d: {  	v2 =	vld [tilespmem:s31+$0xFFFFFFC0];
	_ =	sdelay $0x4  }
0x39e: {  	[tilespmem:s30+$0x430] =	vst v2  }
0x39f: {  	v2 =	vld [tilespmem:s31+$0xFFFFFFD0];
	_ =	sdelay $0x4  }
0x3a0: {  	[tilespmem:s30+$0x440] =	vst v2  }
0x3a1: {  	v2 =	vld [tilespmem:s31+$0xFFFFFFE0];
	_ =	sdelay $0x4  }
0x3a2: {  	[tilespmem:s30+$0x450] =	vst v2  }
0x3a3: {  	v2 =	vld [tilespmem:s31+$0xFFFFFFF0];
	_ =	sdelay $0x4  }
0x3a4: {  	[tilespmem:s30+$0x460] =	vst v2  }
0x3a5: {  	v2 =	vld [tilespmem:s31+$0x0];
	_ =	sdelay $0x4  }
0x3a6: {  	s1 =	simm.s32 $0x0;
	s29 =	simm.s32 $0x15A00;
	s0 =	simm.s32 $0x103F0;
	[tilespmem:s30+$0x470] =	vst v2  }
.LBB2_27:
0x3a7: {  	v2 =	vld [tilespmem:s0+$0xFFFFFE10];
	s1 =	sadd.s32 $0x4, s1  }
0x3a8: {  	p2 =	slt.u32 s1, $0x1C;
	_ =	sdelay $0x2  }
0x3a9: {  	s30 =	sadd.s32 $0x1000, s30  }
0x3aa: {  	[tilespmem:s30+$0xFFFFF800] =	vst v2  }
0x3ab: {  	v2 =	vld [tilespmem:s0+$0xFFFFFE20];
	_ =	sdelay $0x4  }
0x3ac: {  	[tilespmem:s30+$0xFFFFF810] =	vst v2  }
0x3ad: {  	v2 =	vld [tilespmem:s0+$0xFFFFFE30];
	_ =	sdelay $0x4  }
0x3ae: {  	[tilespmem:s30+$0xFFFFF820] =	vst v2  }
0x3af: {  	v2 =	vld [tilespmem:s0+$0xFFFFFE40];
	_ =	sdelay $0x4  }
0x3b0: {  	[tilespmem:s30+$0xFFFFF830] =	vst v2  }
0x3b1: {  	v2 =	vld [tilespmem:s0+$0xFFFFFE50];
	_ =	sdelay $0x4  }
0x3b2: {  	[tilespmem:s30+$0xFFFFF840] =	vst v2  }
0x3b3: {  	v2 =	vld [tilespmem:s0+$0xFFFFFE60];
	_ =	sdelay $0x4  }
0x3b4: {  	[tilespmem:s30+$0xFFFFF850] =	vst v2  }
0x3b5: {  	v2 =	vld [tilespmem:s0+$0xFFFFFE70];
	_ =	sdelay $0x4  }
0x3b6: {  	[tilespmem:s30+$0xFFFFF860] =	vst v2  }
0x3b7: {  	v2 =	vld [tilespmem:s0+$0xFFFFFE80];
	_ =	sdelay $0x4  }
0x3b8: {  	[tilespmem:s30+$0xFFFFF870] =	vst v2  }
0x3b9: {  	v2 =	vld [tilespmem:s0+$0xFFFFFE90];
	_ =	sdelay $0x4  }
0x3ba: {  	[tilespmem:s30+$0xFFFFFC00] =	vst v2  }
0x3bb: {  	v2 =	vld [tilespmem:s0+$0xFFFFFEA0];
	_ =	sdelay $0x4  }
0x3bc: {  	[tilespmem:s30+$0xFFFFFC10] =	vst v2  }
0x3bd: {  	v2 =	vld [tilespmem:s0+$0xFFFFFEB0];
	_ =	sdelay $0x4  }
0x3be: {  	[tilespmem:s30+$0xFFFFFC20] =	vst v2  }
0x3bf: {  	v2 =	vld [tilespmem:s0+$0xFFFFFEC0];
	_ =	sdelay $0x4  }
0x3c0: {  	[tilespmem:s30+$0xFFFFFC30] =	vst v2  }
0x3c1: {  	v2 =	vld [tilespmem:s0+$0xFFFFFED0];
	_ =	sdelay $0x4  }
0x3c2: {  	[tilespmem:s30+$0xFFFFFC40] =	vst v2  }
0x3c3: {  	v2 =	vld [tilespmem:s0+$0xFFFFFEE0];
	_ =	sdelay $0x4  }
0x3c4: {  	[tilespmem:s30+$0xFFFFFC50] =	vst v2  }
0x3c5: {  	v2 =	vld [tilespmem:s0+$0xFFFFFEF0];
	_ =	sdelay $0x4  }
0x3c6: {  	[tilespmem:s30+$0xFFFFFC60] =	vst v2  }
0x3c7: {  	v2 =	vld [tilespmem:s0+$0xFFFFFF00];
	_ =	sdelay $0x4  }
0x3c8: {  	[tilespmem:s30+$0xFFFFFC70] =	vst v2  }
0x3c9: {  	v2 =	vld [tilespmem:s0+$0xFFFFFF10];
	_ =	sdelay $0x4  }
0x3ca: {  	[tilespmem:s30+$0x0] =	vst v2  }
0x3cb: {  	v2 =	vld [tilespmem:s0+$0xFFFFFF20];
	_ =	sdelay $0x4  }
0x3cc: {  	[tilespmem:s30+$0x10] =	vst v2  }
0x3cd: {  	v2 =	vld [tilespmem:s0+$0xFFFFFF30];
	_ =	sdelay $0x4  }
0x3ce: {  	[tilespmem:s30+$0x20] =	vst v2  }
0x3cf: {  	v2 =	vld [tilespmem:s0+$0xFFFFFF40];
	_ =	sdelay $0x4  }
0x3d0: {  	[tilespmem:s30+$0x30] =	vst v2  }
0x3d1: {  	v2 =	vld [tilespmem:s0+$0xFFFFFF50];
	_ =	sdelay $0x4  }
0x3d2: {  	[tilespmem:s30+$0x40] =	vst v2  }
0x3d3: {  	v2 =	vld [tilespmem:s0+$0xFFFFFF60];
	_ =	sdelay $0x4  }
0x3d4: {  	[tilespmem:s30+$0x50] =	vst v2  }
0x3d5: {  	v2 =	vld [tilespmem:s0+$0xFFFFFF70];
	_ =	sdelay $0x4  }
0x3d6: {  	[tilespmem:s30+$0x60] =	vst v2  }
0x3d7: {  	v2 =	vld [tilespmem:s0+$0xFFFFFF80];
	_ =	sdelay $0x4  }
0x3d8: {  	[tilespmem:s30+$0x70] =	vst v2  }
0x3d9: {  	v2 =	vld [tilespmem:s0+$0xFFFFFF90];
	_ =	sdelay $0x4  }
0x3da: {  	[tilespmem:s30+$0x400] =	vst v2  }
0x3db: {  	v2 =	vld [tilespmem:s0+$0xFFFFFFA0];
	_ =	sdelay $0x4  }
0x3dc: {  	[tilespmem:s30+$0x410] =	vst v2  }
0x3dd: {  	v2 =	vld [tilespmem:s0+$0xFFFFFFB0];
	_ =	sdelay $0x4  }
0x3de: {  	[tilespmem:s30+$0x420] =	vst v2  }
0x3df: {  	v2 =	vld [tilespmem:s0+$0xFFFFFFC0];
	_ =	sdelay $0x4  }
0x3e0: {  	[tilespmem:s30+$0x430] =	vst v2  }
0x3e1: {  	v2 =	vld [tilespmem:s0+$0xFFFFFFD0];
	_ =	sdelay $0x4  }
0x3e2: {  	[tilespmem:s30+$0x440] =	vst v2  }
0x3e3: {  	v2 =	vld [tilespmem:s0+$0xFFFFFFE0];
	_ =	sdelay $0x4  }
0x3e4: {  	[tilespmem:s30+$0x450] =	vst v2  }
0x3e5: {  	v2 =	vld [tilespmem:s0+$0xFFFFFFF0];
	_ =	sdelay $0x4  }
0x3e6: {  	[tilespmem:s30+$0x460] =	vst v2  }
0x3e7: {  	v2 =	vld [tilespmem:s0+$0x0]  }
.Ltmp13:
0x3e8: {  	(pc) =	sbr.rel @p2 .LBB2_27-.Ltmp13, $2  }
0x3e9: {  	_ =	sdelay $0x2  }
0x3ea: {  	s31 =	simm.s32 $0x11000;
	s0 =	sadd.s32 $0x200, s0;
	[tilespmem:s30+$0x470] =	vst v2  }
0x3eb: {  	v2 =	vld [tilespmem:s31+$0x0];
	_ =	sdelay $0x4  }
0x3ec: {  	[tilespmem:s29+$0xFFFFF800] =	vst v2  }
0x3ed: {  	v2 =	vld [tilespmem:s31+$0x10];
	_ =	sdelay $0x4  }
0x3ee: {  	[tilespmem:s29+$0xFFFFF810] =	vst v2  }
0x3ef: {  	v2 =	vld [tilespmem:s31+$0x20];
	_ =	sdelay $0x4  }
0x3f0: {  	[tilespmem:s29+$0xFFFFF820] =	vst v2  }
0x3f1: {  	v2 =	vld [tilespmem:s31+$0x30];
	_ =	sdelay $0x4  }
0x3f2: {  	[tilespmem:s29+$0xFFFFF830] =	vst v2  }
0x3f3: {  	v2 =	vld [tilespmem:s31+$0x40];
	_ =	sdelay $0x4  }
0x3f4: {  	[tilespmem:s29+$0xFFFFF840] =	vst v2  }
0x3f5: {  	v2 =	vld [tilespmem:s31+$0x50];
	_ =	sdelay $0x4  }
0x3f6: {  	[tilespmem:s29+$0xFFFFF850] =	vst v2  }
0x3f7: {  	v2 =	vld [tilespmem:s31+$0x60];
	_ =	sdelay $0x4  }
0x3f8: {  	[tilespmem:s29+$0xFFFFF860] =	vst v2  }
0x3f9: {  	v2 =	vld [tilespmem:s31+$0x70];
	_ =	sdelay $0x4  }
0x3fa: {  	[tilespmem:s29+$0xFFFFF870] =	vst v2  }
0x3fb: {  	v2 =	vld [tilespmem:s31+$0x80];
	_ =	sdelay $0x4  }
0x3fc: {  	[tilespmem:s29+$0xFFFFFC00] =	vst v2  }
0x3fd: {  	v2 =	vld [tilespmem:s31+$0x90];
	_ =	sdelay $0x4  }
0x3fe: {  	[tilespmem:s29+$0xFFFFFC10] =	vst v2  }
0x3ff: {  	v2 =	vld [tilespmem:s31+$0xA0];
	_ =	sdelay $0x4  }
0x400: {  	[tilespmem:s29+$0xFFFFFC20] =	vst v2  }
0x401: {  	v2 =	vld [tilespmem:s31+$0xB0];
	_ =	sdelay $0x4  }
0x402: {  	[tilespmem:s29+$0xFFFFFC30] =	vst v2  }
0x403: {  	v2 =	vld [tilespmem:s31+$0xC0];
	_ =	sdelay $0x4  }
0x404: {  	[tilespmem:s29+$0xFFFFFC40] =	vst v2  }
0x405: {  	v2 =	vld [tilespmem:s31+$0xD0];
	_ =	sdelay $0x4  }
0x406: {  	[tilespmem:s29+$0xFFFFFC50] =	vst v2  }
0x407: {  	v2 =	vld [tilespmem:s31+$0xE0];
	_ =	sdelay $0x4  }
0x408: {  	[tilespmem:s29+$0xFFFFFC60] =	vst v2  }
0x409: {  	v2 =	vld [tilespmem:s31+$0xF0];
	_ =	sdelay $0x4  }
0x40a: {  	[tilespmem:s29+$0xFFFFFC70] =	vst v2  }
0x40b: {  	v2 =	vld [tilespmem:s31+$0x100];
	_ =	sdelay $0x4  }
0x40c: {  	[tilespmem:s29+$0x0] =	vst v2  }
0x40d: {  	v2 =	vld [tilespmem:s31+$0x110];
	_ =	sdelay $0x4  }
0x40e: {  	[tilespmem:s29+$0x10] =	vst v2  }
0x40f: {  	v2 =	vld [tilespmem:s31+$0x120];
	_ =	sdelay $0x4  }
0x410: {  	[tilespmem:s29+$0x20] =	vst v2  }
0x411: {  	v2 =	vld [tilespmem:s31+$0x130];
	_ =	sdelay $0x4  }
0x412: {  	[tilespmem:s29+$0x30] =	vst v2  }
0x413: {  	v2 =	vld [tilespmem:s31+$0x140];
	_ =	sdelay $0x4  }
0x414: {  	[tilespmem:s29+$0x40] =	vst v2  }
0x415: {  	v2 =	vld [tilespmem:s31+$0x150];
	_ =	sdelay $0x4  }
0x416: {  	[tilespmem:s29+$0x50] =	vst v2  }
0x417: {  	v2 =	vld [tilespmem:s31+$0x160];
	_ =	sdelay $0x4  }
0x418: {  	[tilespmem:s29+$0x60] =	vst v2  }
0x419: {  	v2 =	vld [tilespmem:s31+$0x170];
	_ =	sdelay $0x4  }
0x41a: {  	[tilespmem:s29+$0x70] =	vst v2  }
0x41b: {  	v2 =	vld [tilespmem:s31+$0x180];
	_ =	sdelay $0x4  }
0x41c: {  	[tilespmem:s29+$0x400] =	vst v2  }
0x41d: {  	v2 =	vld [tilespmem:s31+$0x190];
	_ =	sdelay $0x4  }
0x41e: {  	[tilespmem:s29+$0x410] =	vst v2  }
0x41f: {  	v2 =	vld [tilespmem:s31+$0x1A0];
	_ =	sdelay $0x4  }
0x420: {  	[tilespmem:s29+$0x420] =	vst v2  }
0x421: {  	v2 =	vld [tilespmem:s31+$0x1B0];
	_ =	sdelay $0x4  }
0x422: {  	[tilespmem:s29+$0x430] =	vst v2  }
0x423: {  	v2 =	vld [tilespmem:s31+$0x1C0];
	_ =	sdelay $0x4  }
0x424: {  	[tilespmem:s29+$0x440] =	vst v2  }
0x425: {  	v2 =	vld [tilespmem:s31+$0x1D0];
	_ =	sdelay $0x4  }
0x426: {  	[tilespmem:s29+$0x450] =	vst v2  }
0x427: {  	v2 =	vld [tilespmem:s31+$0x1E0];
	_ =	sdelay $0x4  }
0x428: {  	[tilespmem:s29+$0x460] =	vst v2  }
0x429: {  	v2 =	vld [tilespmem:s31+$0x1F0];
	_ =	sdelay $0x4  }
0x42a: {  	s1 =	simm.s32 $0x0;
	s0 =	simm.s32 $0x11200;
	s30 =	simm.s32 $0x15A80;
	[tilespmem:s29+$0x470] =	vst v2  }
.LBB2_29:
0x42b: {  	v2 =	vld [tilespmem:s0+$0x0];
	s1 =	sadd.s32 $0x4, s1  }
0x42c: {  	p2 =	slt.u32 s1, $0x1C;
	_ =	sdelay $0x2  }
0x42d: {  	s29 =	sadd.s32 $0x1000, s29  }
0x42e: {  	[tilespmem:s29+$0xFFFFF800] =	vst v2  }
0x42f: {  	v2 =	vld [tilespmem:s0+$0x10];
	_ =	sdelay $0x4  }
0x430: {  	[tilespmem:s29+$0xFFFFF810] =	vst v2  }
0x431: {  	v2 =	vld [tilespmem:s0+$0x20];
	_ =	sdelay $0x4  }
0x432: {  	[tilespmem:s29+$0xFFFFF820] =	vst v2  }
0x433: {  	v2 =	vld [tilespmem:s0+$0x30];
	_ =	sdelay $0x4  }
0x434: {  	[tilespmem:s29+$0xFFFFF830] =	vst v2  }
0x435: {  	v2 =	vld [tilespmem:s0+$0x40];
	_ =	sdelay $0x4  }
0x436: {  	[tilespmem:s29+$0xFFFFF840] =	vst v2  }
0x437: {  	v2 =	vld [tilespmem:s0+$0x50];
	_ =	sdelay $0x4  }
0x438: {  	[tilespmem:s29+$0xFFFFF850] =	vst v2  }
0x439: {  	v2 =	vld [tilespmem:s0+$0x60];
	_ =	sdelay $0x4  }
0x43a: {  	[tilespmem:s29+$0xFFFFF860] =	vst v2  }
0x43b: {  	v2 =	vld [tilespmem:s0+$0x70];
	_ =	sdelay $0x4  }
0x43c: {  	[tilespmem:s29+$0xFFFFF870] =	vst v2  }
0x43d: {  	v2 =	vld [tilespmem:s0+$0x80];
	_ =	sdelay $0x4  }
0x43e: {  	[tilespmem:s29+$0xFFFFFC00] =	vst v2  }
0x43f: {  	v2 =	vld [tilespmem:s0+$0x90];
	_ =	sdelay $0x4  }
0x440: {  	[tilespmem:s29+$0xFFFFFC10] =	vst v2  }
0x441: {  	v2 =	vld [tilespmem:s0+$0xA0];
	_ =	sdelay $0x4  }
0x442: {  	[tilespmem:s29+$0xFFFFFC20] =	vst v2  }
0x443: {  	v2 =	vld [tilespmem:s0+$0xB0];
	_ =	sdelay $0x4  }
0x444: {  	[tilespmem:s29+$0xFFFFFC30] =	vst v2  }
0x445: {  	v2 =	vld [tilespmem:s0+$0xC0];
	_ =	sdelay $0x4  }
0x446: {  	[tilespmem:s29+$0xFFFFFC40] =	vst v2  }
0x447: {  	v2 =	vld [tilespmem:s0+$0xD0];
	_ =	sdelay $0x4  }
0x448: {  	[tilespmem:s29+$0xFFFFFC50] =	vst v2  }
0x449: {  	v2 =	vld [tilespmem:s0+$0xE0];
	_ =	sdelay $0x4  }
0x44a: {  	[tilespmem:s29+$0xFFFFFC60] =	vst v2  }
0x44b: {  	v2 =	vld [tilespmem:s0+$0xF0];
	_ =	sdelay $0x4  }
0x44c: {  	[tilespmem:s29+$0xFFFFFC70] =	vst v2  }
0x44d: {  	v2 =	vld [tilespmem:s0+$0x100];
	_ =	sdelay $0x4  }
0x44e: {  	[tilespmem:s29+$0x0] =	vst v2  }
0x44f: {  	v2 =	vld [tilespmem:s0+$0x110];
	_ =	sdelay $0x4  }
0x450: {  	[tilespmem:s29+$0x10] =	vst v2  }
0x451: {  	v2 =	vld [tilespmem:s0+$0x120];
	_ =	sdelay $0x4  }
0x452: {  	[tilespmem:s29+$0x20] =	vst v2  }
0x453: {  	v2 =	vld [tilespmem:s0+$0x130];
	_ =	sdelay $0x4  }
0x454: {  	[tilespmem:s29+$0x30] =	vst v2  }
0x455: {  	v2 =	vld [tilespmem:s0+$0x140];
	_ =	sdelay $0x4  }
0x456: {  	[tilespmem:s29+$0x40] =	vst v2  }
0x457: {  	v2 =	vld [tilespmem:s0+$0x150];
	_ =	sdelay $0x4  }
0x458: {  	[tilespmem:s29+$0x50] =	vst v2  }
0x459: {  	v2 =	vld [tilespmem:s0+$0x160];
	_ =	sdelay $0x4  }
0x45a: {  	[tilespmem:s29+$0x60] =	vst v2  }
0x45b: {  	v2 =	vld [tilespmem:s0+$0x170];
	_ =	sdelay $0x4  }
0x45c: {  	[tilespmem:s29+$0x70] =	vst v2  }
0x45d: {  	v2 =	vld [tilespmem:s0+$0x180];
	_ =	sdelay $0x4  }
0x45e: {  	[tilespmem:s29+$0x400] =	vst v2  }
0x45f: {  	v2 =	vld [tilespmem:s0+$0x190];
	_ =	sdelay $0x4  }
0x460: {  	[tilespmem:s29+$0x410] =	vst v2  }
0x461: {  	v2 =	vld [tilespmem:s0+$0x1A0];
	_ =	sdelay $0x4  }
0x462: {  	[tilespmem:s29+$0x420] =	vst v2  }
0x463: {  	v2 =	vld [tilespmem:s0+$0x1B0];
	_ =	sdelay $0x4  }
0x464: {  	[tilespmem:s29+$0x430] =	vst v2  }
0x465: {  	v2 =	vld [tilespmem:s0+$0x1C0];
	_ =	sdelay $0x4  }
0x466: {  	[tilespmem:s29+$0x440] =	vst v2  }
0x467: {  	v2 =	vld [tilespmem:s0+$0x1D0];
	_ =	sdelay $0x4  }
0x468: {  	[tilespmem:s29+$0x450] =	vst v2  }
0x469: {  	v2 =	vld [tilespmem:s0+$0x1E0];
	_ =	sdelay $0x4  }
0x46a: {  	[tilespmem:s29+$0x460] =	vst v2  }
0x46b: {  	v2 =	vld [tilespmem:s0+$0x1F0]  }
.Ltmp14:
0x46c: {  	(pc) =	sbr.rel @p2 .LBB2_29-.Ltmp14, $2  }
0x46d: {  	_ =	sdelay $0x2  }
0x46e: {  	s31 =	simm.s32 $0x12000;
	s0 =	sadd.s32 $0x200, s0;
	[tilespmem:s29+$0x470] =	vst v2  }
0x46f: {  	v2 =	vld [tilespmem:s31+$0x0];
	_ =	sdelay $0x4  }
0x470: {  	[tilespmem:s30+$0xFFFFF800] =	vst v2  }
0x471: {  	v2 =	vld [tilespmem:s31+$0x10];
	_ =	sdelay $0x4  }
0x472: {  	[tilespmem:s30+$0xFFFFF810] =	vst v2  }
0x473: {  	v2 =	vld [tilespmem:s31+$0x20];
	_ =	sdelay $0x4  }
0x474: {  	[tilespmem:s30+$0xFFFFF820] =	vst v2  }
0x475: {  	v2 =	vld [tilespmem:s31+$0x30];
	_ =	sdelay $0x4  }
0x476: {  	[tilespmem:s30+$0xFFFFF830] =	vst v2  }
0x477: {  	v2 =	vld [tilespmem:s31+$0x40];
	_ =	sdelay $0x4  }
0x478: {  	[tilespmem:s30+$0xFFFFF840] =	vst v2  }
0x479: {  	v2 =	vld [tilespmem:s31+$0x50];
	_ =	sdelay $0x4  }
0x47a: {  	[tilespmem:s30+$0xFFFFF850] =	vst v2  }
0x47b: {  	v2 =	vld [tilespmem:s31+$0x60];
	_ =	sdelay $0x4  }
0x47c: {  	[tilespmem:s30+$0xFFFFF860] =	vst v2  }
0x47d: {  	v2 =	vld [tilespmem:s31+$0x70];
	_ =	sdelay $0x4  }
0x47e: {  	[tilespmem:s30+$0xFFFFF870] =	vst v2  }
0x47f: {  	v2 =	vld [tilespmem:s31+$0x80];
	_ =	sdelay $0x4  }
0x480: {  	[tilespmem:s30+$0xFFFFFC00] =	vst v2  }
0x481: {  	v2 =	vld [tilespmem:s31+$0x90];
	_ =	sdelay $0x4  }
0x482: {  	[tilespmem:s30+$0xFFFFFC10] =	vst v2  }
0x483: {  	v2 =	vld [tilespmem:s31+$0xA0];
	_ =	sdelay $0x4  }
0x484: {  	[tilespmem:s30+$0xFFFFFC20] =	vst v2  }
0x485: {  	v2 =	vld [tilespmem:s31+$0xB0];
	_ =	sdelay $0x4  }
0x486: {  	[tilespmem:s30+$0xFFFFFC30] =	vst v2  }
0x487: {  	v2 =	vld [tilespmem:s31+$0xC0];
	_ =	sdelay $0x4  }
0x488: {  	[tilespmem:s30+$0xFFFFFC40] =	vst v2  }
0x489: {  	v2 =	vld [tilespmem:s31+$0xD0];
	_ =	sdelay $0x4  }
0x48a: {  	[tilespmem:s30+$0xFFFFFC50] =	vst v2  }
0x48b: {  	v2 =	vld [tilespmem:s31+$0xE0];
	_ =	sdelay $0x4  }
0x48c: {  	[tilespmem:s30+$0xFFFFFC60] =	vst v2  }
0x48d: {  	v2 =	vld [tilespmem:s31+$0xF0];
	_ =	sdelay $0x4  }
0x48e: {  	[tilespmem:s30+$0xFFFFFC70] =	vst v2  }
0x48f: {  	v2 =	vld [tilespmem:s31+$0x100];
	_ =	sdelay $0x4  }
0x490: {  	[tilespmem:s30+$0x0] =	vst v2  }
0x491: {  	v2 =	vld [tilespmem:s31+$0x110];
	_ =	sdelay $0x4  }
0x492: {  	[tilespmem:s30+$0x10] =	vst v2  }
0x493: {  	v2 =	vld [tilespmem:s31+$0x120];
	_ =	sdelay $0x4  }
0x494: {  	[tilespmem:s30+$0x20] =	vst v2  }
0x495: {  	v2 =	vld [tilespmem:s31+$0x130];
	_ =	sdelay $0x4  }
0x496: {  	[tilespmem:s30+$0x30] =	vst v2  }
0x497: {  	v2 =	vld [tilespmem:s31+$0x140];
	_ =	sdelay $0x4  }
0x498: {  	[tilespmem:s30+$0x40] =	vst v2  }
0x499: {  	v2 =	vld [tilespmem:s31+$0x150];
	_ =	sdelay $0x4  }
0x49a: {  	[tilespmem:s30+$0x50] =	vst v2  }
0x49b: {  	v2 =	vld [tilespmem:s31+$0x160];
	_ =	sdelay $0x4  }
0x49c: {  	[tilespmem:s30+$0x60] =	vst v2  }
0x49d: {  	v2 =	vld [tilespmem:s31+$0x170];
	_ =	sdelay $0x4  }
0x49e: {  	[tilespmem:s30+$0x70] =	vst v2  }
0x49f: {  	v2 =	vld [tilespmem:s31+$0x180];
	_ =	sdelay $0x4  }
0x4a0: {  	[tilespmem:s30+$0x400] =	vst v2  }
0x4a1: {  	v2 =	vld [tilespmem:s31+$0x190];
	_ =	sdelay $0x4  }
0x4a2: {  	[tilespmem:s30+$0x410] =	vst v2  }
0x4a3: {  	v2 =	vld [tilespmem:s31+$0x1A0];
	_ =	sdelay $0x4  }
0x4a4: {  	[tilespmem:s30+$0x420] =	vst v2  }
0x4a5: {  	v2 =	vld [tilespmem:s31+$0x1B0];
	_ =	sdelay $0x4  }
0x4a6: {  	[tilespmem:s30+$0x430] =	vst v2  }
0x4a7: {  	v2 =	vld [tilespmem:s31+$0x1C0];
	_ =	sdelay $0x4  }
0x4a8: {  	[tilespmem:s30+$0x440] =	vst v2  }
0x4a9: {  	v2 =	vld [tilespmem:s31+$0x1D0];
	_ =	sdelay $0x4  }
0x4aa: {  	[tilespmem:s30+$0x450] =	vst v2  }
0x4ab: {  	v2 =	vld [tilespmem:s31+$0x1E0];
	_ =	sdelay $0x4  }
0x4ac: {  	[tilespmem:s30+$0x460] =	vst v2  }
0x4ad: {  	v2 =	vld [tilespmem:s31+$0x1F0];
	_ =	sdelay $0x4  }
0x4ae: {  	s1 =	simm.s32 $0x0;
	s29 =	simm.s32 $0x15B00;
	s0 =	simm.s32 $0x12200;
	[tilespmem:s30+$0x470] =	vst v2  }
.LBB2_31:
0x4af: {  	v2 =	vld [tilespmem:s0+$0x0];
	s1 =	sadd.s32 $0x4, s1  }
0x4b0: {  	p2 =	slt.u32 s1, $0x1C;
	_ =	sdelay $0x2  }
0x4b1: {  	s30 =	sadd.s32 $0x1000, s30  }
0x4b2: {  	[tilespmem:s30+$0xFFFFF800] =	vst v2  }
0x4b3: {  	v2 =	vld [tilespmem:s0+$0x10];
	_ =	sdelay $0x4  }
0x4b4: {  	[tilespmem:s30+$0xFFFFF810] =	vst v2  }
0x4b5: {  	v2 =	vld [tilespmem:s0+$0x20];
	_ =	sdelay $0x4  }
0x4b6: {  	[tilespmem:s30+$0xFFFFF820] =	vst v2  }
0x4b7: {  	v2 =	vld [tilespmem:s0+$0x30];
	_ =	sdelay $0x4  }
0x4b8: {  	[tilespmem:s30+$0xFFFFF830] =	vst v2  }
0x4b9: {  	v2 =	vld [tilespmem:s0+$0x40];
	_ =	sdelay $0x4  }
0x4ba: {  	[tilespmem:s30+$0xFFFFF840] =	vst v2  }
0x4bb: {  	v2 =	vld [tilespmem:s0+$0x50];
	_ =	sdelay $0x4  }
0x4bc: {  	[tilespmem:s30+$0xFFFFF850] =	vst v2  }
0x4bd: {  	v2 =	vld [tilespmem:s0+$0x60];
	_ =	sdelay $0x4  }
0x4be: {  	[tilespmem:s30+$0xFFFFF860] =	vst v2  }
0x4bf: {  	v2 =	vld [tilespmem:s0+$0x70];
	_ =	sdelay $0x4  }
0x4c0: {  	[tilespmem:s30+$0xFFFFF870] =	vst v2  }
0x4c1: {  	v2 =	vld [tilespmem:s0+$0x80];
	_ =	sdelay $0x4  }
0x4c2: {  	[tilespmem:s30+$0xFFFFFC00] =	vst v2  }
0x4c3: {  	v2 =	vld [tilespmem:s0+$0x90];
	_ =	sdelay $0x4  }
0x4c4: {  	[tilespmem:s30+$0xFFFFFC10] =	vst v2  }
0x4c5: {  	v2 =	vld [tilespmem:s0+$0xA0];
	_ =	sdelay $0x4  }
0x4c6: {  	[tilespmem:s30+$0xFFFFFC20] =	vst v2  }
0x4c7: {  	v2 =	vld [tilespmem:s0+$0xB0];
	_ =	sdelay $0x4  }
0x4c8: {  	[tilespmem:s30+$0xFFFFFC30] =	vst v2  }
0x4c9: {  	v2 =	vld [tilespmem:s0+$0xC0];
	_ =	sdelay $0x4  }
0x4ca: {  	[tilespmem:s30+$0xFFFFFC40] =	vst v2  }
0x4cb: {  	v2 =	vld [tilespmem:s0+$0xD0];
	_ =	sdelay $0x4  }
0x4cc: {  	[tilespmem:s30+$0xFFFFFC50] =	vst v2  }
0x4cd: {  	v2 =	vld [tilespmem:s0+$0xE0];
	_ =	sdelay $0x4  }
0x4ce: {  	[tilespmem:s30+$0xFFFFFC60] =	vst v2  }
0x4cf: {  	v2 =	vld [tilespmem:s0+$0xF0];
	_ =	sdelay $0x4  }
0x4d0: {  	[tilespmem:s30+$0xFFFFFC70] =	vst v2  }
0x4d1: {  	v2 =	vld [tilespmem:s0+$0x100];
	_ =	sdelay $0x4  }
0x4d2: {  	[tilespmem:s30+$0x0] =	vst v2  }
0x4d3: {  	v2 =	vld [tilespmem:s0+$0x110];
	_ =	sdelay $0x4  }
0x4d4: {  	[tilespmem:s30+$0x10] =	vst v2  }
0x4d5: {  	v2 =	vld [tilespmem:s0+$0x120];
	_ =	sdelay $0x4  }
0x4d6: {  	[tilespmem:s30+$0x20] =	vst v2  }
0x4d7: {  	v2 =	vld [tilespmem:s0+$0x130];
	_ =	sdelay $0x4  }
0x4d8: {  	[tilespmem:s30+$0x30] =	vst v2  }
0x4d9: {  	v2 =	vld [tilespmem:s0+$0x140];
	_ =	sdelay $0x4  }
0x4da: {  	[tilespmem:s30+$0x40] =	vst v2  }
0x4db: {  	v2 =	vld [tilespmem:s0+$0x150];
	_ =	sdelay $0x4  }
0x4dc: {  	[tilespmem:s30+$0x50] =	vst v2  }
0x4dd: {  	v2 =	vld [tilespmem:s0+$0x160];
	_ =	sdelay $0x4  }
0x4de: {  	[tilespmem:s30+$0x60] =	vst v2  }
0x4df: {  	v2 =	vld [tilespmem:s0+$0x170];
	_ =	sdelay $0x4  }
0x4e0: {  	[tilespmem:s30+$0x70] =	vst v2  }
0x4e1: {  	v2 =	vld [tilespmem:s0+$0x180];
	_ =	sdelay $0x4  }
0x4e2: {  	[tilespmem:s30+$0x400] =	vst v2  }
0x4e3: {  	v2 =	vld [tilespmem:s0+$0x190];
	_ =	sdelay $0x4  }
0x4e4: {  	[tilespmem:s30+$0x410] =	vst v2  }
0x4e5: {  	v2 =	vld [tilespmem:s0+$0x1A0];
	_ =	sdelay $0x4  }
0x4e6: {  	[tilespmem:s30+$0x420] =	vst v2  }
0x4e7: {  	v2 =	vld [tilespmem:s0+$0x1B0];
	_ =	sdelay $0x4  }
0x4e8: {  	[tilespmem:s30+$0x430] =	vst v2  }
0x4e9: {  	v2 =	vld [tilespmem:s0+$0x1C0];
	_ =	sdelay $0x4  }
0x4ea: {  	[tilespmem:s30+$0x440] =	vst v2  }
0x4eb: {  	v2 =	vld [tilespmem:s0+$0x1D0];
	_ =	sdelay $0x4  }
0x4ec: {  	[tilespmem:s30+$0x450] =	vst v2  }
0x4ed: {  	v2 =	vld [tilespmem:s0+$0x1E0];
	_ =	sdelay $0x4  }
0x4ee: {  	[tilespmem:s30+$0x460] =	vst v2  }
0x4ef: {  	v2 =	vld [tilespmem:s0+$0x1F0]  }
.Ltmp15:
0x4f0: {  	(pc) =	sbr.rel @p2 .LBB2_31-.Ltmp15, $2  }
0x4f1: {  	_ =	sdelay $0x2  }
0x4f2: {  	s31 =	simm.s32 $0x13000;
	s0 =	sadd.s32 $0x200, s0;
	[tilespmem:s30+$0x470] =	vst v2  }
0x4f3: {  	v2 =	vld [tilespmem:s31+$0x0];
	_ =	sdelay $0x4  }
0x4f4: {  	[tilespmem:s29+$0xFFFFF800] =	vst v2  }
0x4f5: {  	v2 =	vld [tilespmem:s31+$0x10];
	_ =	sdelay $0x4  }
0x4f6: {  	[tilespmem:s29+$0xFFFFF810] =	vst v2  }
0x4f7: {  	v2 =	vld [tilespmem:s31+$0x20];
	_ =	sdelay $0x4  }
0x4f8: {  	[tilespmem:s29+$0xFFFFF820] =	vst v2  }
0x4f9: {  	v2 =	vld [tilespmem:s31+$0x30];
	_ =	sdelay $0x4  }
0x4fa: {  	[tilespmem:s29+$0xFFFFF830] =	vst v2  }
0x4fb: {  	v2 =	vld [tilespmem:s31+$0x40];
	_ =	sdelay $0x4  }
0x4fc: {  	[tilespmem:s29+$0xFFFFF840] =	vst v2  }
0x4fd: {  	v2 =	vld [tilespmem:s31+$0x50];
	_ =	sdelay $0x4  }
0x4fe: {  	[tilespmem:s29+$0xFFFFF850] =	vst v2  }
0x4ff: {  	v2 =	vld [tilespmem:s31+$0x60];
	_ =	sdelay $0x4  }
0x500: {  	[tilespmem:s29+$0xFFFFF860] =	vst v2  }
0x501: {  	v2 =	vld [tilespmem:s31+$0x70];
	_ =	sdelay $0x4  }
0x502: {  	[tilespmem:s29+$0xFFFFF870] =	vst v2  }
0x503: {  	v2 =	vld [tilespmem:s31+$0x80];
	_ =	sdelay $0x4  }
0x504: {  	[tilespmem:s29+$0xFFFFFC00] =	vst v2  }
0x505: {  	v2 =	vld [tilespmem:s31+$0x90];
	_ =	sdelay $0x4  }
0x506: {  	[tilespmem:s29+$0xFFFFFC10] =	vst v2  }
0x507: {  	v2 =	vld [tilespmem:s31+$0xA0];
	_ =	sdelay $0x4  }
0x508: {  	[tilespmem:s29+$0xFFFFFC20] =	vst v2  }
0x509: {  	v2 =	vld [tilespmem:s31+$0xB0];
	_ =	sdelay $0x4  }
0x50a: {  	[tilespmem:s29+$0xFFFFFC30] =	vst v2  }
0x50b: {  	v2 =	vld [tilespmem:s31+$0xC0];
	_ =	sdelay $0x4  }
0x50c: {  	[tilespmem:s29+$0xFFFFFC40] =	vst v2  }
0x50d: {  	v2 =	vld [tilespmem:s31+$0xD0];
	_ =	sdelay $0x4  }
0x50e: {  	[tilespmem:s29+$0xFFFFFC50] =	vst v2  }
0x50f: {  	v2 =	vld [tilespmem:s31+$0xE0];
	_ =	sdelay $0x4  }
0x510: {  	[tilespmem:s29+$0xFFFFFC60] =	vst v2  }
0x511: {  	v2 =	vld [tilespmem:s31+$0xF0];
	_ =	sdelay $0x4  }
0x512: {  	[tilespmem:s29+$0xFFFFFC70] =	vst v2  }
0x513: {  	v2 =	vld [tilespmem:s31+$0x100];
	_ =	sdelay $0x4  }
0x514: {  	[tilespmem:s29+$0x0] =	vst v2  }
0x515: {  	v2 =	vld [tilespmem:s31+$0x110];
	_ =	sdelay $0x4  }
0x516: {  	[tilespmem:s29+$0x10] =	vst v2  }
0x517: {  	v2 =	vld [tilespmem:s31+$0x120];
	_ =	sdelay $0x4  }
0x518: {  	[tilespmem:s29+$0x20] =	vst v2  }
0x519: {  	v2 =	vld [tilespmem:s31+$0x130];
	_ =	sdelay $0x4  }
0x51a: {  	[tilespmem:s29+$0x30] =	vst v2  }
0x51b: {  	v2 =	vld [tilespmem:s31+$0x140];
	_ =	sdelay $0x4  }
0x51c: {  	[tilespmem:s29+$0x40] =	vst v2  }
0x51d: {  	v2 =	vld [tilespmem:s31+$0x150];
	_ =	sdelay $0x4  }
0x51e: {  	[tilespmem:s29+$0x50] =	vst v2  }
0x51f: {  	v2 =	vld [tilespmem:s31+$0x160];
	_ =	sdelay $0x4  }
0x520: {  	[tilespmem:s29+$0x60] =	vst v2  }
0x521: {  	v2 =	vld [tilespmem:s31+$0x170];
	_ =	sdelay $0x4  }
0x522: {  	[tilespmem:s29+$0x70] =	vst v2  }
0x523: {  	v2 =	vld [tilespmem:s31+$0x180];
	_ =	sdelay $0x4  }
0x524: {  	[tilespmem:s29+$0x400] =	vst v2  }
0x525: {  	v2 =	vld [tilespmem:s31+$0x190];
	_ =	sdelay $0x4  }
0x526: {  	[tilespmem:s29+$0x410] =	vst v2  }
0x527: {  	v2 =	vld [tilespmem:s31+$0x1A0];
	_ =	sdelay $0x4  }
0x528: {  	[tilespmem:s29+$0x420] =	vst v2  }
0x529: {  	v2 =	vld [tilespmem:s31+$0x1B0];
	_ =	sdelay $0x4  }
0x52a: {  	[tilespmem:s29+$0x430] =	vst v2  }
0x52b: {  	v2 =	vld [tilespmem:s31+$0x1C0];
	_ =	sdelay $0x4  }
0x52c: {  	[tilespmem:s29+$0x440] =	vst v2  }
0x52d: {  	v2 =	vld [tilespmem:s31+$0x1D0];
	_ =	sdelay $0x4  }
0x52e: {  	[tilespmem:s29+$0x450] =	vst v2  }
0x52f: {  	v2 =	vld [tilespmem:s31+$0x1E0];
	_ =	sdelay $0x4  }
0x530: {  	[tilespmem:s29+$0x460] =	vst v2  }
0x531: {  	v2 =	vld [tilespmem:s31+$0x1F0];
	_ =	sdelay $0x4  }
0x532: {  	s1 =	simm.s32 $0x0;
	s0 =	simm.s32 $0x13200;
	s30 =	simm.s32 $0x15B80;
	[tilespmem:s29+$0x470] =	vst v2  }
.LBB2_33:
0x533: {  	v2 =	vld [tilespmem:s0+$0x0];
	s1 =	sadd.s32 $0x4, s1  }
0x534: {  	p2 =	slt.u32 s1, $0x1C;
	_ =	sdelay $0x2  }
0x535: {  	s29 =	sadd.s32 $0x1000, s29  }
0x536: {  	[tilespmem:s29+$0xFFFFF800] =	vst v2  }
0x537: {  	v2 =	vld [tilespmem:s0+$0x10];
	_ =	sdelay $0x4  }
0x538: {  	[tilespmem:s29+$0xFFFFF810] =	vst v2  }
0x539: {  	v2 =	vld [tilespmem:s0+$0x20];
	_ =	sdelay $0x4  }
0x53a: {  	[tilespmem:s29+$0xFFFFF820] =	vst v2  }
0x53b: {  	v2 =	vld [tilespmem:s0+$0x30];
	_ =	sdelay $0x4  }
0x53c: {  	[tilespmem:s29+$0xFFFFF830] =	vst v2  }
0x53d: {  	v2 =	vld [tilespmem:s0+$0x40];
	_ =	sdelay $0x4  }
0x53e: {  	[tilespmem:s29+$0xFFFFF840] =	vst v2  }
0x53f: {  	v2 =	vld [tilespmem:s0+$0x50];
	_ =	sdelay $0x4  }
0x540: {  	[tilespmem:s29+$0xFFFFF850] =	vst v2  }
0x541: {  	v2 =	vld [tilespmem:s0+$0x60];
	_ =	sdelay $0x4  }
0x542: {  	[tilespmem:s29+$0xFFFFF860] =	vst v2  }
0x543: {  	v2 =	vld [tilespmem:s0+$0x70];
	_ =	sdelay $0x4  }
0x544: {  	[tilespmem:s29+$0xFFFFF870] =	vst v2  }
0x545: {  	v2 =	vld [tilespmem:s0+$0x80];
	_ =	sdelay $0x4  }
0x546: {  	[tilespmem:s29+$0xFFFFFC00] =	vst v2  }
0x547: {  	v2 =	vld [tilespmem:s0+$0x90];
	_ =	sdelay $0x4  }
0x548: {  	[tilespmem:s29+$0xFFFFFC10] =	vst v2  }
0x549: {  	v2 =	vld [tilespmem:s0+$0xA0];
	_ =	sdelay $0x4  }
0x54a: {  	[tilespmem:s29+$0xFFFFFC20] =	vst v2  }
0x54b: {  	v2 =	vld [tilespmem:s0+$0xB0];
	_ =	sdelay $0x4  }
0x54c: {  	[tilespmem:s29+$0xFFFFFC30] =	vst v2  }
0x54d: {  	v2 =	vld [tilespmem:s0+$0xC0];
	_ =	sdelay $0x4  }
0x54e: {  	[tilespmem:s29+$0xFFFFFC40] =	vst v2  }
0x54f: {  	v2 =	vld [tilespmem:s0+$0xD0];
	_ =	sdelay $0x4  }
0x550: {  	[tilespmem:s29+$0xFFFFFC50] =	vst v2  }
0x551: {  	v2 =	vld [tilespmem:s0+$0xE0];
	_ =	sdelay $0x4  }
0x552: {  	[tilespmem:s29+$0xFFFFFC60] =	vst v2  }
0x553: {  	v2 =	vld [tilespmem:s0+$0xF0];
	_ =	sdelay $0x4  }
0x554: {  	[tilespmem:s29+$0xFFFFFC70] =	vst v2  }
0x555: {  	v2 =	vld [tilespmem:s0+$0x100];
	_ =	sdelay $0x4  }
0x556: {  	[tilespmem:s29+$0x0] =	vst v2  }
0x557: {  	v2 =	vld [tilespmem:s0+$0x110];
	_ =	sdelay $0x4  }
0x558: {  	[tilespmem:s29+$0x10] =	vst v2  }
0x559: {  	v2 =	vld [tilespmem:s0+$0x120];
	_ =	sdelay $0x4  }
0x55a: {  	[tilespmem:s29+$0x20] =	vst v2  }
0x55b: {  	v2 =	vld [tilespmem:s0+$0x130];
	_ =	sdelay $0x4  }
0x55c: {  	[tilespmem:s29+$0x30] =	vst v2  }
0x55d: {  	v2 =	vld [tilespmem:s0+$0x140];
	_ =	sdelay $0x4  }
0x55e: {  	[tilespmem:s29+$0x40] =	vst v2  }
0x55f: {  	v2 =	vld [tilespmem:s0+$0x150];
	_ =	sdelay $0x4  }
0x560: {  	[tilespmem:s29+$0x50] =	vst v2  }
0x561: {  	v2 =	vld [tilespmem:s0+$0x160];
	_ =	sdelay $0x4  }
0x562: {  	[tilespmem:s29+$0x60] =	vst v2  }
0x563: {  	v2 =	vld [tilespmem:s0+$0x170];
	_ =	sdelay $0x4  }
0x564: {  	[tilespmem:s29+$0x70] =	vst v2  }
0x565: {  	v2 =	vld [tilespmem:s0+$0x180];
	_ =	sdelay $0x4  }
0x566: {  	[tilespmem:s29+$0x400] =	vst v2  }
0x567: {  	v2 =	vld [tilespmem:s0+$0x190];
	_ =	sdelay $0x4  }
0x568: {  	[tilespmem:s29+$0x410] =	vst v2  }
0x569: {  	v2 =	vld [tilespmem:s0+$0x1A0];
	_ =	sdelay $0x4  }
0x56a: {  	[tilespmem:s29+$0x420] =	vst v2  }
0x56b: {  	v2 =	vld [tilespmem:s0+$0x1B0];
	_ =	sdelay $0x4  }
0x56c: {  	[tilespmem:s29+$0x430] =	vst v2  }
0x56d: {  	v2 =	vld [tilespmem:s0+$0x1C0];
	_ =	sdelay $0x4  }
0x56e: {  	[tilespmem:s29+$0x440] =	vst v2  }
0x56f: {  	v2 =	vld [tilespmem:s0+$0x1D0];
	_ =	sdelay $0x4  }
0x570: {  	[tilespmem:s29+$0x450] =	vst v2  }
0x571: {  	v2 =	vld [tilespmem:s0+$0x1E0];
	_ =	sdelay $0x4  }
0x572: {  	[tilespmem:s29+$0x460] =	vst v2  }
0x573: {  	v2 =	vld [tilespmem:s0+$0x1F0]  }
.Ltmp16:
0x574: {  	(pc) =	sbr.rel @p2 .LBB2_33-.Ltmp16, $2  }
0x575: {  	_ =	sdelay $0x2  }
0x576: {  	s31 =	simm.s32 $0x14000;
	s0 =	sadd.s32 $0x200, s0;
	[tilespmem:s29+$0x470] =	vst v2  }
0x577: {  	v2 =	vld [tilespmem:s31+$0x0];
	_ =	sdelay $0x4  }
0x578: {  	[tilespmem:s30+$0xFFFFF800] =	vst v2  }
0x579: {  	v2 =	vld [tilespmem:s31+$0x10];
	_ =	sdelay $0x4  }
0x57a: {  	[tilespmem:s30+$0xFFFFF810] =	vst v2  }
0x57b: {  	v2 =	vld [tilespmem:s31+$0x20];
	_ =	sdelay $0x4  }
0x57c: {  	[tilespmem:s30+$0xFFFFF820] =	vst v2  }
0x57d: {  	v2 =	vld [tilespmem:s31+$0x30];
	_ =	sdelay $0x4  }
0x57e: {  	[tilespmem:s30+$0xFFFFF830] =	vst v2  }
0x57f: {  	v2 =	vld [tilespmem:s31+$0x40];
	_ =	sdelay $0x4  }
0x580: {  	[tilespmem:s30+$0xFFFFF840] =	vst v2  }
0x581: {  	v2 =	vld [tilespmem:s31+$0x50];
	_ =	sdelay $0x4  }
0x582: {  	[tilespmem:s30+$0xFFFFF850] =	vst v2  }
0x583: {  	v2 =	vld [tilespmem:s31+$0x60];
	_ =	sdelay $0x4  }
0x584: {  	[tilespmem:s30+$0xFFFFF860] =	vst v2  }
0x585: {  	v2 =	vld [tilespmem:s31+$0x70];
	_ =	sdelay $0x4  }
0x586: {  	[tilespmem:s30+$0xFFFFF870] =	vst v2  }
0x587: {  	v2 =	vld [tilespmem:s31+$0x80];
	_ =	sdelay $0x4  }
0x588: {  	[tilespmem:s30+$0xFFFFFC00] =	vst v2  }
0x589: {  	v2 =	vld [tilespmem:s31+$0x90];
	_ =	sdelay $0x4  }
0x58a: {  	[tilespmem:s30+$0xFFFFFC10] =	vst v2  }
0x58b: {  	v2 =	vld [tilespmem:s31+$0xA0];
	_ =	sdelay $0x4  }
0x58c: {  	[tilespmem:s30+$0xFFFFFC20] =	vst v2  }
0x58d: {  	v2 =	vld [tilespmem:s31+$0xB0];
	_ =	sdelay $0x4  }
0x58e: {  	[tilespmem:s30+$0xFFFFFC30] =	vst v2  }
0x58f: {  	v2 =	vld [tilespmem:s31+$0xC0];
	_ =	sdelay $0x4  }
0x590: {  	[tilespmem:s30+$0xFFFFFC40] =	vst v2  }
0x591: {  	v2 =	vld [tilespmem:s31+$0xD0];
	_ =	sdelay $0x4  }
0x592: {  	[tilespmem:s30+$0xFFFFFC50] =	vst v2  }
0x593: {  	v2 =	vld [tilespmem:s31+$0xE0];
	_ =	sdelay $0x4  }
0x594: {  	[tilespmem:s30+$0xFFFFFC60] =	vst v2  }
0x595: {  	v2 =	vld [tilespmem:s31+$0xF0];
	_ =	sdelay $0x4  }
0x596: {  	[tilespmem:s30+$0xFFFFFC70] =	vst v2  }
0x597: {  	v2 =	vld [tilespmem:s31+$0x100];
	_ =	sdelay $0x4  }
0x598: {  	[tilespmem:s30+$0x0] =	vst v2  }
0x599: {  	v2 =	vld [tilespmem:s31+$0x110];
	_ =	sdelay $0x4  }
0x59a: {  	[tilespmem:s30+$0x10] =	vst v2  }
0x59b: {  	v2 =	vld [tilespmem:s31+$0x120];
	_ =	sdelay $0x4  }
0x59c: {  	[tilespmem:s30+$0x20] =	vst v2  }
0x59d: {  	v2 =	vld [tilespmem:s31+$0x130];
	_ =	sdelay $0x4  }
0x59e: {  	[tilespmem:s30+$0x30] =	vst v2  }
0x59f: {  	v2 =	vld [tilespmem:s31+$0x140];
	_ =	sdelay $0x4  }
0x5a0: {  	[tilespmem:s30+$0x40] =	vst v2  }
0x5a1: {  	v2 =	vld [tilespmem:s31+$0x150];
	_ =	sdelay $0x4  }
0x5a2: {  	[tilespmem:s30+$0x50] =	vst v2  }
0x5a3: {  	v2 =	vld [tilespmem:s31+$0x160];
	_ =	sdelay $0x4  }
0x5a4: {  	[tilespmem:s30+$0x60] =	vst v2  }
0x5a5: {  	v2 =	vld [tilespmem:s31+$0x170];
	_ =	sdelay $0x4  }
0x5a6: {  	[tilespmem:s30+$0x70] =	vst v2  }
0x5a7: {  	v2 =	vld [tilespmem:s31+$0x180];
	_ =	sdelay $0x4  }
0x5a8: {  	[tilespmem:s30+$0x400] =	vst v2  }
0x5a9: {  	v2 =	vld [tilespmem:s31+$0x190];
	_ =	sdelay $0x4  }
0x5aa: {  	[tilespmem:s30+$0x410] =	vst v2  }
0x5ab: {  	v2 =	vld [tilespmem:s31+$0x1A0];
	_ =	sdelay $0x4  }
0x5ac: {  	[tilespmem:s30+$0x420] =	vst v2  }
0x5ad: {  	v2 =	vld [tilespmem:s31+$0x1B0];
	_ =	sdelay $0x4  }
0x5ae: {  	[tilespmem:s30+$0x430] =	vst v2  }
0x5af: {  	v2 =	vld [tilespmem:s31+$0x1C0];
	_ =	sdelay $0x4  }
0x5b0: {  	[tilespmem:s30+$0x440] =	vst v2  }
0x5b1: {  	v2 =	vld [tilespmem:s31+$0x1D0];
	_ =	sdelay $0x4  }
0x5b2: {  	[tilespmem:s30+$0x450] =	vst v2  }
0x5b3: {  	v2 =	vld [tilespmem:s31+$0x1E0];
	_ =	sdelay $0x4  }
0x5b4: {  	[tilespmem:s30+$0x460] =	vst v2  }
0x5b5: {  	v2 =	vld [tilespmem:s31+$0x1F0];
	_ =	sdelay $0x4  }
0x5b6: {  	s0 =	simm.s32 $0x0;
	s1 =	simm.s32 $0x14200;
	[tilespmem:s30+$0x470] =	vst v2  }
.LBB2_35:
0x5b7: {  	v2 =	vld [tilespmem:s1+$0x0];
	s0 =	sadd.s32 $0x4, s0  }
0x5b8: {  	p2 =	slt.u32 s0, $0x1C;
	_ =	sdelay $0x2  }
0x5b9: {  	s30 =	sadd.s32 $0x1000, s30  }
0x5ba: {  	[tilespmem:s30+$0xFFFFF800] =	vst v2  }
0x5bb: {  	v2 =	vld [tilespmem:s1+$0x10];
	_ =	sdelay $0x4  }
0x5bc: {  	[tilespmem:s30+$0xFFFFF810] =	vst v2  }
0x5bd: {  	v2 =	vld [tilespmem:s1+$0x20];
	_ =	sdelay $0x4  }
0x5be: {  	[tilespmem:s30+$0xFFFFF820] =	vst v2  }
0x5bf: {  	v2 =	vld [tilespmem:s1+$0x30];
	_ =	sdelay $0x4  }
0x5c0: {  	[tilespmem:s30+$0xFFFFF830] =	vst v2  }
0x5c1: {  	v2 =	vld [tilespmem:s1+$0x40];
	_ =	sdelay $0x4  }
0x5c2: {  	[tilespmem:s30+$0xFFFFF840] =	vst v2  }
0x5c3: {  	v2 =	vld [tilespmem:s1+$0x50];
	_ =	sdelay $0x4  }
0x5c4: {  	[tilespmem:s30+$0xFFFFF850] =	vst v2  }
0x5c5: {  	v2 =	vld [tilespmem:s1+$0x60];
	_ =	sdelay $0x4  }
0x5c6: {  	[tilespmem:s30+$0xFFFFF860] =	vst v2  }
0x5c7: {  	v2 =	vld [tilespmem:s1+$0x70];
	_ =	sdelay $0x4  }
0x5c8: {  	[tilespmem:s30+$0xFFFFF870] =	vst v2  }
0x5c9: {  	v2 =	vld [tilespmem:s1+$0x80];
	_ =	sdelay $0x4  }
0x5ca: {  	[tilespmem:s30+$0xFFFFFC00] =	vst v2  }
0x5cb: {  	v2 =	vld [tilespmem:s1+$0x90];
	_ =	sdelay $0x4  }
0x5cc: {  	[tilespmem:s30+$0xFFFFFC10] =	vst v2  }
0x5cd: {  	v2 =	vld [tilespmem:s1+$0xA0];
	_ =	sdelay $0x4  }
0x5ce: {  	[tilespmem:s30+$0xFFFFFC20] =	vst v2  }
0x5cf: {  	v2 =	vld [tilespmem:s1+$0xB0];
	_ =	sdelay $0x4  }
0x5d0: {  	[tilespmem:s30+$0xFFFFFC30] =	vst v2  }
0x5d1: {  	v2 =	vld [tilespmem:s1+$0xC0];
	_ =	sdelay $0x4  }
0x5d2: {  	[tilespmem:s30+$0xFFFFFC40] =	vst v2  }
0x5d3: {  	v2 =	vld [tilespmem:s1+$0xD0];
	_ =	sdelay $0x4  }
0x5d4: {  	[tilespmem:s30+$0xFFFFFC50] =	vst v2  }
0x5d5: {  	v2 =	vld [tilespmem:s1+$0xE0];
	_ =	sdelay $0x4  }
0x5d6: {  	[tilespmem:s30+$0xFFFFFC60] =	vst v2  }
0x5d7: {  	v2 =	vld [tilespmem:s1+$0xF0];
	_ =	sdelay $0x4  }
0x5d8: {  	[tilespmem:s30+$0xFFFFFC70] =	vst v2  }
0x5d9: {  	v2 =	vld [tilespmem:s1+$0x100];
	_ =	sdelay $0x4  }
0x5da: {  	[tilespmem:s30+$0x0] =	vst v2  }
0x5db: {  	v2 =	vld [tilespmem:s1+$0x110];
	_ =	sdelay $0x4  }
0x5dc: {  	[tilespmem:s30+$0x10] =	vst v2  }
0x5dd: {  	v2 =	vld [tilespmem:s1+$0x120];
	_ =	sdelay $0x4  }
0x5de: {  	[tilespmem:s30+$0x20] =	vst v2  }
0x5df: {  	v2 =	vld [tilespmem:s1+$0x130];
	_ =	sdelay $0x4  }
0x5e0: {  	[tilespmem:s30+$0x30] =	vst v2  }
0x5e1: {  	v2 =	vld [tilespmem:s1+$0x140];
	_ =	sdelay $0x4  }
0x5e2: {  	[tilespmem:s30+$0x40] =	vst v2  }
0x5e3: {  	v2 =	vld [tilespmem:s1+$0x150];
	_ =	sdelay $0x4  }
0x5e4: {  	[tilespmem:s30+$0x50] =	vst v2  }
0x5e5: {  	v2 =	vld [tilespmem:s1+$0x160];
	_ =	sdelay $0x4  }
0x5e6: {  	[tilespmem:s30+$0x60] =	vst v2  }
0x5e7: {  	v2 =	vld [tilespmem:s1+$0x170];
	_ =	sdelay $0x4  }
0x5e8: {  	[tilespmem:s30+$0x70] =	vst v2  }
0x5e9: {  	v2 =	vld [tilespmem:s1+$0x180];
	_ =	sdelay $0x4  }
0x5ea: {  	[tilespmem:s30+$0x400] =	vst v2  }
0x5eb: {  	v2 =	vld [tilespmem:s1+$0x190];
	_ =	sdelay $0x4  }
0x5ec: {  	[tilespmem:s30+$0x410] =	vst v2  }
0x5ed: {  	v2 =	vld [tilespmem:s1+$0x1A0];
	_ =	sdelay $0x4  }
0x5ee: {  	[tilespmem:s30+$0x420] =	vst v2  }
0x5ef: {  	v2 =	vld [tilespmem:s1+$0x1B0];
	_ =	sdelay $0x4  }
0x5f0: {  	[tilespmem:s30+$0x430] =	vst v2  }
0x5f1: {  	v2 =	vld [tilespmem:s1+$0x1C0];
	_ =	sdelay $0x4  }
0x5f2: {  	[tilespmem:s30+$0x440] =	vst v2  }
0x5f3: {  	v2 =	vld [tilespmem:s1+$0x1D0];
	_ =	sdelay $0x4  }
0x5f4: {  	[tilespmem:s30+$0x450] =	vst v2  }
0x5f5: {  	v2 =	vld [tilespmem:s1+$0x1E0];
	_ =	sdelay $0x4  }
0x5f6: {  	[tilespmem:s30+$0x460] =	vst v2  }
0x5f7: {  	v2 =	vld [tilespmem:s1+$0x1F0]  }
.Ltmp17:
0x5f8: {  	(pc) =	sbr.rel @p2 .LBB2_35-.Ltmp17, $2  }
0x5f9: {  	_ =	sdelay $0x2  }
0x5fa: {  	s1 =	sadd.s32 $0x200, s1;
	[tilespmem:s30+$0x470] =	vst v2  }
0x5fb: {  	s28 =	sadd.s32 $0x1, s28  }
0x5fc: {  	p2 =	sne.s32 s28, s14  }
.Ltmp18:
0x5fd: {  	s0 =	simm.s32 $0x15000;
	(pc) =	sbr.rel @p2 .LBB2_1-.Ltmp18, $4  }
0x5fe: {  	[hbm4b:s13+s3] =	stream.linear.scatter [tilespmem:s0], [sflag:$0x3], $0x8000, $0x38;
	[tilespmem:$0x1D800] =	vst v63  }
0x5ff: {  	_ =	swait.ge [sflag:s8], $0x8000  }
0x600: {  	[sflag:s8] =	ssyncset.done $0x0  }
0x601: {  	[sflag:s8] =	ssyncadd.s32 $0xFFFF8000  }
0x602: {  	_ =	sfence.sel $0x180000  }
0x603: {  	[bflag:$0x0] =	sbarrier.arrive $0xFFFF  }
0x604: {  	_ =	strace $0x90000047  }
0x605: {  	s0 =	stileid.u32;
	[bflag:$0x2] =	sbarrier.arrive $0xFFFF  }
0x606: {  	p0 =	sne.s32 s0, $0x0;
	s0 =	rddreg [dreg:$0x1]  }
0x607: {  	s0 =	sadd.s32 @!p0 $0x100000, s0  }
0x608: {  	[sflag:s0] =	ssyncadd.tile.s32 @!p0 $0x1;
	_ =	shalt  }
.Lfunc_end2:
_tile_overlayer_lowered:
.L_overlay_start_2:
0x609: {  	(tag) =	ssettag $0x2  }
0x60a: {  	s0 =	rddreg [dreg:$0x0];
	s2 =	stileid.u32  }
0x60b: {  	s1 =	rddreg [dreg:$0x1];
	p0 =	sne.s32 s2, $0x0  }
0x60c: {  	s3 =	rddreg [dreg:$0x2];
	[bflag:$0x3] =	sbarrier.arrive $0xFFFF;
	s2 =	simm.s32 @!p0 $0x1C03  }
0x60d: {  	[timem:s3], [sflag:s2] =	dma.local @!p0 [hbm:s0], s1  }
0x60e: {  	s0 =	simm.s32 @!p0 $0x3  }
0x60f: {  	_ =	swait.ge @!p0 [sflag:s0], s1  }
0x610: {  	s1 =	ssub.s32 @!p0 $0x0, s1;
	[sflag:s0] =	ssyncset.done @!p0 $0x0  }
0x611: {  	[sflag:s0] =	ssyncadd.s32 @!p0 s1  }
0x612: {  	[bflag:$0x3] =	sbarrier.arrive $0xFFFF  }
0x613: {  	_ =	shalt  }

</sc_bundles>
